<compile_context>
chip_gen: v7x
topology: tpu7x:2x2x1
jax: 0.10.2.dev20260603
libtpu: 0.0.44.dev20260713+nightly
codegen_flags: <defaults>
</compile_context>

<pallas_src>
import jax
import jax.numpy as jnp
from jax import lax
from jax.experimental import pallas as pl
from jax.experimental.pallas import tpu as pltpu
from jax.experimental.pallas import tpu_sc as plsc

IN_DIM = 10000
H = 128
NUM_RELS = 64
B = 4096
T = 10
K = 4
VPAD = 10240

NC = 2
NS = 16
NW = NC * NS
G = B * T
GPW = G // NW
GJ = 32
NB = GPW // GJ
GR = GJ * K
BPW = B // NW

BB = 512
NBLK = B // BB


def _sc_gather_body(nb, bpw, ent_hbm, eidx_hbm, s_hbm,
                    agg_out, se_out,
                    eidx_all, er_a, er_b, out_v, sidx_v, srows_v,
                    sem_ea, sem_eb, sem_s):
    wid = lax.axis_index("s") * NC + lax.axis_index("c")

    pltpu.sync_copy(eidx_hbm.at[wid], eidx_all)

    rbase = wid * bpw
    pltpu.sync_copy(s_hbm.at[pl.ds(rbase, bpw)], sidx_v)
    pltpu.async_copy(ent_hbm.at[sidx_v], srows_v, sem_s).wait()
    pltpu.sync_copy(srows_v, se_out.at[pl.ds(rbase, bpw)])

    gbase = wid * nb * GJ

    def issue(i, er, sem_e):
        pltpu.async_copy(ent_hbm.at[eidx_all.at[i]], er, sem_e)

    def wait_gather(er, sem_e):
        pltpu.make_async_copy(ent_hbm.at[eidx_all.at[0]], er, sem_e).wait()

    def compute_store(i, er):
        @plsc.parallel_loop(0, GJ, unroll=2)
        def _(j):
            for c in range(H // 16):
                sl = pl.ds(c * 16, 16)
                acc = (er[4 * j, sl] + er[4 * j + 1, sl]
                       + er[4 * j + 2, sl] + er[4 * j + 3, sl])
                out_v[j, sl] = acc * 0.25

        pltpu.sync_copy(out_v, agg_out.at[pl.ds(gbase + i * GJ, GJ)])

    issue(0, er_a, sem_ea)

    def pair(p, carry):
        i = 2 * p
        issue(i + 1, er_b, sem_eb)
        wait_gather(er_a, sem_ea)
        compute_store(i, er_a)
        issue(jnp.minimum(i + 2, nb - 1), er_a, sem_ea)
        wait_gather(er_b, sem_eb)
        compute_store(i + 1, er_b)
        return carry

    lax.fori_loop(0, nb // 2, pair, 0)
    wait_gather(er_a, sem_ea)


def _sc_gather(ent_embeds, eidx3, s_idx):
    import functools
    nb = eidx3.shape[1]
    bh = s_idx.shape[0]
    bpw = bh // NW
    mesh = plsc.VectorSubcoreMesh(core_axis_name="c", subcore_axis_name="s")
    f32 = jnp.float32
    call = pl.kernel(
        functools.partial(_sc_gather_body, nb, bpw),
        mesh=mesh,
        out_type=[
            jax.ShapeDtypeStruct((bh * T, H), f32),
            jax.ShapeDtypeStruct((bh, H), f32),
        ],
        scratch_types=[
            pltpu.VMEM((nb, GR), jnp.int32),
            pltpu.VMEM((GR, H), f32),
            pltpu.VMEM((GR, H), f32),
            pltpu.VMEM((GJ, H), f32),
            pltpu.VMEM((bpw,), jnp.int32),
            pltpu.VMEM((bpw, H), f32),
            pltpu.SemaphoreType.DMA,
            pltpu.SemaphoreType.DMA,
            pltpu.SemaphoreType.DMA,
        ],
    )
    return call(ent_embeds, eidx3, s_idx)


def _tc_body(nblk, agg_ref, se_ref, ridx_ref, o_ref, r_ref, relt_ref,
             Wih_ref, Whh_ref, bih_ref, bhh_ref,
             Wihr_ref, Whhr_ref, bihr_ref, bhhr_ref,
             Wl_ref, bl_ref, Wlr_ref, blr_ref, out_ref):
    bf16 = jnp.bfloat16
    se = se_ref[...]
    se_b = se.astype(bf16)
    relb = relt_ref[...]
    Wih = Wih_ref[...]
    Whh = Whh_ref[...]
    Wihr = Wihr_ref[...]
    Whhr = Whhr_ref[...]

    def dot(a, b):
        return jnp.dot(a, b, preferred_element_type=jnp.float32)

    fold_re = dot(relb, Wih[H:2 * H]).astype(bf16)
    foldc = dot(relb, jnp.concatenate(
        [Wih[3 * H:], Wihr[2 * H:]], axis=1)).astype(bf16)

    ids64 = lax.broadcasted_iota(jnp.int32, (BB, NUM_RELS), 1)
    onehot_r = (ids64 == r_ref[...]).astype(bf16)
    re = dot(onehot_r, relb)

    base1 = dot(se_b, Wih[:H]) + dot(onehot_r, fold_re) + bih_ref[...]
    base2 = dot(se_b, Wihr[:H]) + bihr_ref[...]
    bhh = bhh_ref[...]
    bhhr = bhhr_ref[...]

    WE = jnp.concatenate([Wih[2 * H:3 * H], Wihr[H:2 * H]], axis=1)
    G3 = 3 * H

    h1 = jnp.zeros((BB, H), jnp.float32)
    h2 = jnp.zeros((BB, H), jnp.float32)
    for t in range(T):
        cnt = jnp.zeros((BB, NUM_RELS), jnp.float32)
        for k in range(K):
            idx = ridx_ref[:, t * K + k:t * K + k + 1]
            cnt = cnt + jnp.where(ids64 == idx, 1.0, 0.0)
        ct = (cnt * 0.25).astype(bf16)
        aggt = agg_ref[:, t * H:(t + 1) * H].astype(bf16)
        gg = dot(aggt, WE) + dot(ct, foldc)
        gi1 = base1 + gg[:, :G3]
        gh1 = dot(h1.astype(bf16), Whh) + bhh
        r1 = jax.nn.sigmoid(gi1[:, :H] + gh1[:, :H])
        z1 = jax.nn.sigmoid(gi1[:, H:2 * H] + gh1[:, H:2 * H])
        n1 = jnp.tanh(gi1[:, 2 * H:] + r1 * gh1[:, 2 * H:])
        h1 = (1.0 - z1) * n1 + z1 * h1
        gi2 = base2 + gg[:, G3:]
        gh2 = dot(h2.astype(bf16), Whhr) + bhhr
        r2 = jax.nn.sigmoid(gi2[:, :H] + gh2[:, :H])
        z2 = jax.nn.sigmoid(gi2[:, H:2 * H] + gh2[:, H:2 * H])
        n2 = jnp.tanh(gi2[:, 2 * H:] + r2 * gh2[:, 2 * H:])
        h2 = (1.0 - z2) * n2 + z2 * h2

    x1 = jnp.concatenate([se, h1, re], axis=1).astype(bf16)
    logits = dot(x1, Wl_ref[...]) + bl_ref[...]
    lse = jnp.log(jnp.sum(jnp.exp(logits), axis=1, keepdims=True))
    corr = jnp.sum(jnp.where(ids64 == o_ref[...], logits[:, :NUM_RELS], 0.0),
                   axis=1, keepdims=True)
    part1 = jnp.sum(lse - corr)

    x2 = jnp.concatenate([se, h2], axis=1).astype(bf16)
    logits2 = dot(x2, Wlr_ref[...]) + blr_ref[...]
    lse2 = jnp.log(jnp.sum(jnp.exp(logits2), axis=1, keepdims=True))
    corr2 = jnp.sum(jnp.where(ids64 == r_ref[...], logits2, 0.0), axis=1,
                    keepdims=True)
    part2 = jnp.sum(lse2 - corr2)

    step = pl.program_id(0)
    prev = jnp.where(step == 0, 0.0, out_ref[0, 0])
    out_ref[0, 0] = prev + part1 + 0.1 * part2


def _tc_forward(agg2, se, ridx2, o_col, r_col, relt,
                W_ih, W_hh, b_ih, b_hh,
                W_ih_r, W_hh_r, b_ih_r, b_hh_r, Wl_pad, bl_pad, W_lr, b_lr):
    import functools
    nblk = se.shape[0] // BB
    full = lambda shape: pl.BlockSpec(shape, lambda i: (0, 0))
    out = pl.pallas_call(
        functools.partial(_tc_body, nblk),
        grid=(nblk,),
        in_specs=[
            pl.BlockSpec((BB, T * H), lambda i: (i, 0)),
            pl.BlockSpec((BB, H), lambda i: (i, 0)),
            pl.BlockSpec((BB, T * K), lambda i: (i, 0)),
            pl.BlockSpec((BB, 1), lambda i: (i, 0)),
            pl.BlockSpec((BB, 1), lambda i: (i, 0)),
            full((NUM_RELS, H)),
            full((4 * H, 3 * H)),
            full((H, 3 * H)),
            full((1, 3 * H)),
            full((1, 3 * H)),
            full((3 * H, 3 * H)),
            full((H, 3 * H)),
            full((1, 3 * H)),
            full((1, 3 * H)),
            full((3 * H, VPAD)),
            full((1, VPAD)),
            full((2 * H, NUM_RELS)),
            full((1, NUM_RELS)),
        ],
        out_specs=pl.BlockSpec((1, 1), lambda i: (0, 0),
                               memory_space=pltpu.SMEM),
        out_shape=jax.ShapeDtypeStruct((1, 1), jnp.float32),
    )(agg2, se, ridx2, o_col, r_col, relt,
      W_ih, W_hh, b_ih, b_hh,
      W_ih_r, W_hh_r, b_ih_r, b_hh_r, Wl_pad, bl_pad, W_lr, b_lr)
    return out[0, 0]


def kernel(triplets, s_hist_ent, s_hist_rel, o_hist_ent, o_hist_rel,
           ent_embeds, rel_table, W_ih, W_hh, b_ih, b_hh,
           W_ih_r, W_hh_r, b_ih_r, b_hh_r, W_l, b_l, W_lr, b_lr):
    i32 = jnp.int32
    bf16 = jnp.bfloat16
    ridx2 = s_hist_rel.reshape(B, T * K).astype(i32)
    s_idx = triplets[:, 0].astype(i32)
    r_idx = triplets[:, 1].astype(i32)
    o_idx = triplets[:, 2].astype(i32)

    Wl_pad = jnp.pad(W_l.astype(bf16), ((0, 0), (0, VPAD - IN_DIM)))
    bl_pad = jnp.concatenate(
        [b_l, jnp.full((VPAD - IN_DIM,), -30000.0, jnp.float32)]
    ).reshape(1, VPAD)
    weights = (rel_table[:NUM_RELS].astype(bf16),
               W_ih.astype(bf16), W_hh.astype(bf16),
               b_ih.reshape(1, -1), b_hh.reshape(1, -1),
               W_ih_r.astype(bf16), W_hh_r.astype(bf16),
               b_ih_r.reshape(1, -1), b_hh_r.reshape(1, -1),
               Wl_pad, bl_pad, W_lr.astype(bf16),
               b_lr.reshape(1, -1))

    BH = B // 2
    total = jnp.float32(0.0)
    for h in range(2):
        sl = slice(h * BH, (h + 1) * BH)
        eidx_h = s_hist_ent[sl].reshape(NW, -1, GR).astype(i32)
        agg_h, se_h = _sc_gather(ent_embeds, eidx_h, s_idx[sl])
        total = total + _tc_forward(
            agg_h.reshape(BH, T * H), se_h, ridx2[sl],
            o_idx[sl].reshape(BH, 1), r_idx[sl].reshape(BH, 1), *weights)
    return total * (1.0 / B)

# --- scband reference (transcript-rebuilt; emitter-appended) ---
"""Pipeline reference for scband-renet-75024488727041 (READ-ONLY COPY).

The authoritative reference and input builder live on the scoring server;
editing this copy changes nothing except your own understanding.
"""

import jax, jax.numpy as jnp
import numpy as np

IN_DIM = 10000
H_DIM = 128
NUM_RELS = 64
B = 4096
T = 10
K = 4


def _gru(x_seq, W_ih, W_hh, b_ih, b_hh):
    h0 = jnp.zeros((x_seq.shape[0], H_DIM), x_seq.dtype)
    def step(h, x):
        gi = x @ W_ih + b_ih
        gh = h @ W_hh + b_hh
        i_r, i_z, i_n = jnp.split(gi, 3, axis=-1)
        h_r, h_z, h_n = jnp.split(gh, 3, axis=-1)
        r = jax.nn.sigmoid(i_r + h_r)
        z = jax.nn.sigmoid(i_z + h_z)
        n = jnp.tanh(i_n + r * h_n)
        h_new = (1.0 - z) * n + z * h
        return h_new, None
    xs = jnp.swapaxes(x_seq, 0, 1)
    h_final, _ = jax.lax.scan(step, h0, xs)
    return h_final


def _ce(logits, targets):
    lse = jax.nn.logsumexp(logits, axis=-1)
    correct = jnp.take_along_axis(logits, targets[:, None], axis=1)[:, 0]
    return jnp.mean(lse - correct)


def setup_inputs(seed: int = 0) -> dict:
    key = jax.random.key(seed)
    ks = jax.random.split(key, 20)
    inp = {}
    inp['triplets'] = jax.random.randint(ks[0], (B, 3), 0, NUM_RELS, dtype=jnp.int64)
    inp['s_hist_ent'] = jax.random.randint(ks[1], (B, T, K), 0, IN_DIM, dtype=jnp.int64)
    inp['s_hist_rel'] = jax.random.randint(ks[2], (B, T, K), 0, NUM_RELS, dtype=jnp.int64)
    inp['o_hist_ent'] = jax.random.randint(ks[3], (B, T, K), 0, IN_DIM, dtype=jnp.int64)
    inp['o_hist_rel'] = jax.random.randint(ks[4], (B, T, K), 0, NUM_RELS, dtype=jnp.int64)
    s = 0.02
    inp['ent_embeds'] = jax.random.normal(ks[5], (IN_DIM, H_DIM), dtype=jnp.float32) * s
    inp['rel_table'] = jax.random.normal(ks[6], (2 * NUM_RELS, H_DIM), dtype=jnp.float32) * s
    inp['W_ih'] = jax.random.normal(ks[7], (4 * H_DIM, 3 * H_DIM), dtype=jnp.float32) * s
    inp['W_hh'] = jax.random.normal(ks[8], (H_DIM, 3 * H_DIM), dtype=jnp.float32) * s
    inp['b_ih'] = jnp.zeros((3 * H_DIM,), dtype=jnp.float32)
    inp['b_hh'] = jnp.zeros((3 * H_DIM,), dtype=jnp.float32)
    inp['W_ih_r'] = jax.random.normal(ks[9], (3 * H_DIM, 3 * H_DIM), dtype=jnp.float32) * s
    inp['W_hh_r'] = jax.random.normal(ks[10], (H_DIM, 3 * H_DIM), dtype=jnp.float32) * s
    inp['b_ih_r'] = jnp.zeros((3 * H_DIM,), dtype=jnp.float32)
    inp['b_hh_r'] = jnp.zeros((3 * H_DIM,), dtype=jnp.float32)
    inp['W_l'] = jax.random.normal(ks[11], (3 * H_DIM, IN_DIM), dtype=jnp.float32) * s
    inp['b_l'] = jnp.zeros((IN_DIM,), dtype=jnp.float32)
    inp['W_lr'] = jax.random.normal(ks[12], (2 * H_DIM, NUM_RELS), dtype=jnp.float32) * s
    inp['b_lr'] = jnp.zeros((NUM_RELS,), dtype=jnp.float32)
    return inp


def reference(triplets, s_hist_ent, s_hist_rel, o_hist_ent, o_hist_rel,
              ent_embeds, rel_table, W_ih, W_hh, b_ih, b_hh,
              W_ih_r, W_hh_r, b_ih_r, b_hh_r, W_l, b_l, W_lr, b_lr):
    # subject=True branch of RENet.forward
    rel_embeds = rel_table[:NUM_RELS]
    s = triplets[:, 0]
    r = triplets[:, 1]
    o = triplets[:, 2]
    # aggregator: gather neighbor entity + relation embeddings per history step,
    # mean-pool over neighbors (dense-history RGCN-mean surrogate)
    nb_e = ent_embeds[s_hist_ent]          # [B,T,K,h]
    nb_r = rel_embeds[s_hist_rel]          # [B,T,K,h]
    agg = jnp.mean(jnp.concatenate([nb_e, nb_r], axis=-1), axis=2)  # [B,T,2h]
    se = ent_embeds[s]                     # [B,h]
    re = rel_embeds[r]                     # [B,h]
    se_b = jnp.broadcast_to(se[:, None, :], (B, T, H_DIM))
    re_b = jnp.broadcast_to(re[:, None, :], (B, T, H_DIM))
    x_seq = jnp.concatenate([se_b, re_b, agg], axis=-1)   # [B,T,4h]
    s_h = _gru(x_seq, W_ih, W_hh, b_ih, b_hh)             # [B,h]
    ob_pred = jnp.concatenate([se, s_h, re], axis=1) @ W_l + b_l
    loss_sub = _ce(ob_pred, o)
    x_seq_r = jnp.concatenate([se_b, agg], axis=-1)       # [B,T,3h]
    s_q = _gru(x_seq_r, W_ih_r, W_hh_r, b_ih_r, b_hh_r)   # [B,h]
    ob_pred_r = jnp.concatenate([se, s_q], axis=1) @ W_lr + b_lr
    loss_sub_r = _ce(ob_pred_r, r)
    return loss_sub + 0.1 * loss_sub_r

if __name__ == "__main__":
    import jax
    _d = setup_inputs()
    print(jax.jit(kernel)(*tuple(_d.values())))

</pallas_src>

<mosaic_0001>
#map = affine_map<(d0, d1) -> (0, 0)>
#map1 = affine_map<(d0, d1) -> (0, 0, 0)>
#map2 = affine_map<(d0, d1) -> (0)>
module attributes {stable_mosaic.version = 14 : i64} {
  func.func @_sc_gather_body(%arg0: i32, %arg1: i32, %arg2: memref<10000x128xf32, #tpu.memory_space<hbm>>, %arg3: memref<32x20x128xi32, #tpu.memory_space<hbm>>, %arg4: memref<2048xi32, #tpu.memory_space<hbm>>, %arg5: memref<20480x128xf32, #tpu.memory_space<hbm>>, %arg6: memref<2048x128xf32, #tpu.memory_space<hbm>>, %arg7: memref<20x128xi32, #tpu.memory_space<vmem>>, %arg8: memref<128x128xf32, #tpu.memory_space<vmem>>, %arg9: memref<128x128xf32, #tpu.memory_space<vmem>>, %arg10: memref<32x128xf32, #tpu.memory_space<vmem>>, %arg11: memref<64xi32, #tpu.memory_space<vmem>>, %arg12: memref<64x128xf32, #tpu.memory_space<vmem>>, %arg13: memref<!tpu.dma_semaphore, #tpu.memory_space<semaphore_mem>>, %arg14: memref<!tpu.dma_semaphore, #tpu.memory_space<semaphore_mem>>, %arg15: memref<!tpu.dma_semaphore, #tpu.memory_space<semaphore_mem>>) attributes {dimension_semantics = [#tpu.dimension_semantics<core_parallel>, #tpu.dimension_semantics<subcore_parallel>], iteration_bounds = array<i64: 2, 16>, scalar_prefetch = 0 : i64, scratch_operands = 9 : i64, tpu.core_type = #tpu.core_type<sc_vector_subcore>, window_params = [{transform_indices = #map}, {transform_indices = #map1}, {transform_indices = #map2}, {transform_indices = #map}, {transform_indices = #map}]} {
    %mul3A = arith.constant 2 : i32
    %mul3A_0 = arith.muli %arg1, %mul3A : i32
    %add3A = arith.addi %mul3A_0, %arg0 : i32
    "tpu.region"() ({
      %run_scoped3A = tpu.sem_alloc : memref<!tpu.dma_semaphore, #tpu.memory_space<semaphore_mem>>
      %dma_start3A_30 = arith.constant 0 : i32
      %dma_start3A_31 = arith.constant 0 : i32
      %dma_start3A_32 = tpu.memref_slice %arg3[%add3A, %dma_start3A_30, %dma_start3A_31] : memref<32x20x128xi32, #tpu.memory_space<hbm>> -> memref<1x20x128xi32, #tpu.memory_space<hbm>>
      %dma_start3A_33 = tpu.memref_squeeze %dma_start3A_32 : memref<1x20x128xi32, #tpu.memory_space<hbm>> -> memref<20x128xi32, #tpu.memory_space<hbm>>
      %dma_start3A_34 = arith.constant 0 : i32
      %dma_start3A_35 = arith.constant 0 : i32
      %dma_start3A_36 = tpu.memref_slice %arg3[%add3A, %dma_start3A_34, %dma_start3A_35] : memref<32x20x128xi32, #tpu.memory_space<hbm>> -> memref<1x20x128xi32, #tpu.memory_space<hbm>>
      %dma_start3A_37 = tpu.memref_squeeze %dma_start3A_36 : memref<1x20x128xi32, #tpu.memory_space<hbm>> -> memref<20x128xi32, #tpu.memory_space<hbm>>
      tpu.enqueue_dma source(%dma_start3A_37 : memref<20x128xi32, #tpu.memory_space<hbm>>) target(%arg7 : memref<20x128xi32, #tpu.memory_space<vmem>>) target_semaphore(%run_scoped3A : memref<!tpu.dma_semaphore, #tpu.memory_space<semaphore_mem>>)
      %dma_wait3A_38 = arith.constant 0 : i32
      %dma_wait3A_39 = arith.constant 0 : i32
      %dma_wait3A_40 = tpu.memref_slice %arg3[%add3A, %dma_wait3A_38, %dma_wait3A_39] : memref<32x20x128xi32, #tpu.memory_space<hbm>> -> memref<1x20x128xi32, #tpu.memory_space<hbm>>
      %dma_wait3A_41 = tpu.memref_squeeze %dma_wait3A_40 : memref<1x20x128xi32, #tpu.memory_space<hbm>> -> memref<20x128xi32, #tpu.memory_space<hbm>>
      %dma_wait3A_42 = arith.constant 0 : i32
      %dma_wait3A_43 = arith.constant 0 : i32
      %dma_wait3A_44 = tpu.memref_slice %arg3[%add3A, %dma_wait3A_42, %dma_wait3A_43] : memref<32x20x128xi32, #tpu.memory_space<hbm>> -> memref<1x20x128xi32, #tpu.memory_space<hbm>>
      %dma_wait3A_45 = tpu.memref_squeeze %dma_wait3A_44 : memref<1x20x128xi32, #tpu.memory_space<hbm>> -> memref<20x128xi32, #tpu.memory_space<hbm>>
      tpu.wait_dma2 semaphore(%run_scoped3A : memref<!tpu.dma_semaphore, #tpu.memory_space<semaphore_mem>>) src(%dma_wait3A_45 : memref<20x128xi32, #tpu.memory_space<hbm>>) dst(%arg7 : memref<20x128xi32, #tpu.memory_space<vmem>>)
      tpu.yield
    }) : () -> ()
    %mul3A_1 = arith.constant 64 : i32
    %mul3A_2 = arith.muli %add3A, %mul3A_1 : i32
    "tpu.region"() ({
      %run_scoped3A = tpu.sem_alloc : memref<!tpu.dma_semaphore, #tpu.memory_space<semaphore_mem>>
      %dma_start3A_30 = tpu.memref_slice %arg4[%mul3A_2] : memref<2048xi32, #tpu.memory_space<hbm>> -> memref<64xi32, #tpu.memory_space<hbm>>
      %dma_start3A_31 = tpu.memref_slice %arg4[%mul3A_2] : memref<2048xi32, #tpu.memory_space<hbm>> -> memref<64xi32, #tpu.memory_space<hbm>>
      tpu.enqueue_dma source(%dma_start3A_31 : memref<64xi32, #tpu.memory_space<hbm>>) target(%arg11 : memref<64xi32, #tpu.memory_space<vmem>>) target_semaphore(%run_scoped3A : memref<!tpu.dma_semaphore, #tpu.memory_space<semaphore_mem>>)
      %dma_wait3A_32 = tpu.memref_slice %arg4[%mul3A_2] : memref<2048xi32, #tpu.memory_space<hbm>> -> memref<64xi32, #tpu.memory_space<hbm>>
      %dma_wait3A_33 = tpu.memref_slice %arg4[%mul3A_2] : memref<2048xi32, #tpu.memory_space<hbm>> -> memref<64xi32, #tpu.memory_space<hbm>>
      tpu.wait_dma2 semaphore(%run_scoped3A : memref<!tpu.dma_semaphore, #tpu.memory_space<semaphore_mem>>) src(%dma_wait3A_33 : memref<64xi32, #tpu.memory_space<hbm>>) dst(%arg11 : memref<64xi32, #tpu.memory_space<vmem>>)
      tpu.yield
    }) : () -> ()
    %dma_start3A = arith.constant 0 : i32
    %dma_start3A_3 = arith.constant 0 : i32
    %dma_start3A_4 = tpu.memref_slice %arg2[%dma_start3A, %dma_start3A_3] : memref<10000x128xf32, #tpu.memory_space<hbm>> -> memref<10000x128xf32, #tpu.memory_space<hbm>>
    tpu.enqueue_indirect_dma source(%dma_start3A_4 : memref<10000x128xf32, #tpu.memory_space<hbm>>) target(%arg12 : memref<64x128xf32, #tpu.memory_space<vmem>>) offsets(%arg11 : memref<64xi32, #tpu.memory_space<vmem>>) semaphore(%arg15 : memref<!tpu.dma_semaphore, #tpu.memory_space<semaphore_mem>>)
    %dma_wait3A = arith.constant 0 : i32
    %dma_wait3A_5 = arith.constant 0 : i32
    %dma_wait3A_6 = tpu.memref_slice %arg2[%dma_wait3A, %dma_wait3A_5] : memref<10000x128xf32, #tpu.memory_space<hbm>> -> memref<10000x128xf32, #tpu.memory_space<hbm>>
    tpu.wait_indirect_dma semaphore(%arg15 : memref<!tpu.dma_semaphore, #tpu.memory_space<semaphore_mem>>) src(%dma_wait3A_6 : memref<10000x128xf32, #tpu.memory_space<hbm>>) dst(%arg12 : memref<64x128xf32, #tpu.memory_space<vmem>>)
    "tpu.region"() ({
      %run_scoped3A = tpu.sem_alloc : memref<!tpu.dma_semaphore, #tpu.memory_space<semaphore_mem>>
      %dma_start3A_30 = arith.constant 0 : i32
      %dma_start3A_31 = tpu.memref_slice %arg6[%mul3A_2, %dma_start3A_30] : memref<2048x128xf32, #tpu.memory_space<hbm>> -> memref<64x128xf32, #tpu.memory_space<hbm>>
      %dma_start3A_32 = arith.constant 0 : i32
      %dma_start3A_33 = tpu.memref_slice %arg6[%mul3A_2, %dma_start3A_32] : memref<2048x128xf32, #tpu.memory_space<hbm>> -> memref<64x128xf32, #tpu.memory_space<hbm>>
      tpu.enqueue_dma source(%arg12 : memref<64x128xf32, #tpu.memory_space<vmem>>) target(%dma_start3A_33 : memref<64x128xf32, #tpu.memory_space<hbm>>) target_semaphore(%run_scoped3A : memref<!tpu.dma_semaphore, #tpu.memory_space<semaphore_mem>>)
      %dma_wait3A_34 = arith.constant 0 : i32
      %dma_wait3A_35 = tpu.memref_slice %arg6[%mul3A_2, %dma_wait3A_34] : memref<2048x128xf32, #tpu.memory_space<hbm>> -> memref<64x128xf32, #tpu.memory_space<hbm>>
      %dma_wait3A_36 = arith.constant 0 : i32
      %dma_wait3A_37 = tpu.memref_slice %arg6[%mul3A_2, %dma_wait3A_36] : memref<2048x128xf32, #tpu.memory_space<hbm>> -> memref<64x128xf32, #tpu.memory_space<hbm>>
      tpu.wait_dma2 semaphore(%run_scoped3A : memref<!tpu.dma_semaphore, #tpu.memory_space<semaphore_mem>>) src(%arg12 : memref<64x128xf32, #tpu.memory_space<vmem>>) dst(%dma_wait3A_37 : memref<64x128xf32, #tpu.memory_space<hbm>>)
      tpu.yield
    }) : () -> ()
    %mul3A_7 = arith.constant 20 : i32
    %mul3A_8 = arith.muli %add3A, %mul3A_7 : i32
    %mul3A_9 = arith.constant 32 : i32
    %mul3A_10 = arith.muli %mul3A_8, %mul3A_9 : i32
    %dma_start3A_11 = arith.constant 0 : i32
    %dma_start3A_12 = arith.constant 0 : i32
    %dma_start3A_13 = tpu.memref_slice %arg7[%dma_start3A_11, %dma_start3A_12] : memref<20x128xi32, #tpu.memory_space<vmem>> -> memref<1x128xi32, #tpu.memory_space<vmem>>
    %dma_start3A_14 = tpu.memref_squeeze %dma_start3A_13 : memref<1x128xi32, #tpu.memory_space<vmem>> -> memref<128xi32, #tpu.memory_space<vmem>>
    %dma_start3A_15 = arith.constant 0 : i32
    %dma_start3A_16 = arith.constant 0 : i32
    %dma_start3A_17 = tpu.memref_slice %arg2[%dma_start3A_15, %dma_start3A_16] : memref<10000x128xf32, #tpu.memory_space<hbm>> -> memref<10000x128xf32, #tpu.memory_space<hbm>>
    tpu.enqueue_indirect_dma source(%dma_start3A_17 : memref<10000x128xf32, #tpu.memory_space<hbm>>) target(%arg8 : memref<128x128xf32, #tpu.memory_space<vmem>>) offsets(%dma_start3A_14 : memref<128xi32, #tpu.memory_space<vmem>>) semaphore(%arg13 : memref<!tpu.dma_semaphore, #tpu.memory_space<semaphore_mem>>)
    %scan3A = arith.constant 0 : i32
    %scan3A_18 = arith.constant 0 : i32
    %scan3A_19 = arith.constant 10 : i32
    %scan3A_20 = arith.addi %scan3A_18, %scan3A_19 : i32
    %scan3A_21 = arith.constant 1 : i32
    scf.for %scan3A_30 = %scan3A_18 to %scan3A_20 step %scan3A_21  : i32 {
      %mul3A_31 = arith.constant 2 : i32
      %mul3A_32 = arith.muli %mul3A_31, %scan3A_30 : i32
      %add3A_33 = arith.constant 1 : i32
      %add3A_34 = arith.addi %mul3A_32, %add3A_33 : i32
      %dma_start3A_35 = arith.constant 0 : i32
      %dma_start3A_36 = tpu.memref_slice %arg7[%add3A_34, %dma_start3A_35] : memref<20x128xi32, #tpu.memory_space<vmem>> -> memref<1x128xi32, #tpu.memory_space<vmem>>
      %dma_start3A_37 = tpu.memref_squeeze %dma_start3A_36 : memref<1x128xi32, #tpu.memory_space<vmem>> -> memref<128xi32, #tpu.memory_space<vmem>>
      %dma_start3A_38 = arith.constant 0 : i32
      %dma_start3A_39 = arith.constant 0 : i32
      %dma_start3A_40 = tpu.memref_slice %arg2[%dma_start3A_38, %dma_start3A_39] : memref<10000x128xf32, #tpu.memory_space<hbm>> -> memref<10000x128xf32, #tpu.memory_space<hbm>>
      tpu.enqueue_indirect_dma source(%dma_start3A_40 : memref<10000x128xf32, #tpu.memory_space<hbm>>) target(%arg9 : memref<128x128xf32, #tpu.memory_space<vmem>>) offsets(%dma_start3A_37 : memref<128xi32, #tpu.memory_space<vmem>>) semaphore(%arg14 : memref<!tpu.dma_semaphore, #tpu.memory_space<semaphore_mem>>)
      %dma_wait3A_41 = arith.constant 0 : i32
      %dma_wait3A_42 = arith.constant 0 : i32
      %dma_wait3A_43 = tpu.memref_slice %arg7[%dma_wait3A_41, %dma_wait3A_42] : memref<20x128xi32, #tpu.memory_space<vmem>> -> memref<1x128xi32, #tpu.memory_space<vmem>>
      %dma_wait3A_44 = tpu.memref_squeeze %dma_wait3A_43 : memref<1x128xi32, #tpu.memory_space<vmem>> -> memref<128xi32, #tpu.memory_space<vmem>>
      %dma_wait3A_45 = arith.constant 0 : i32
      %dma_wait3A_46 = arith.constant 0 : i32
      %dma_wait3A_47 = tpu.memref_slice %arg2[%dma_wait3A_45, %dma_wait3A_46] : memref<10000x128xf32, #tpu.memory_space<hbm>> -> memref<10000x128xf32, #tpu.memory_space<hbm>>
      tpu.wait_indirect_dma semaphore(%arg13 : memref<!tpu.dma_semaphore, #tpu.memory_space<semaphore_mem>>) src(%dma_wait3A_47 : memref<10000x128xf32, #tpu.memory_space<hbm>>) dst(%arg8 : memref<128x128xf32, #tpu.memory_space<vmem>>)
      %parallel_loop3A = arith.constant 0 : i32
      %parallel_loop3A_48 = arith.constant 32 : i32
      %parallel_loop3A_49 = arith.constant 1 : i32
      scf.for %parallel_loop3A_77 = %parallel_loop3A to %parallel_loop3A_48 step %parallel_loop3A_49  : i32 {
        %parallel_loop3A_78 = arith.constant 4 : i32
        %parallel_loop3A_79 = arith.muli %parallel_loop3A_78, %parallel_loop3A_77 : i32
        %parallel_loop3A_80 = arith.index_cast %parallel_loop3A_79 : i32 to index
        %parallel_loop3A_81 = arith.constant 0 : index
        %parallel_loop3A_82 = tpu.vector_load %arg8[%parallel_loop3A_80, %parallel_loop3A_81] {strides = array<i32>} : memref<128x128xf32, #tpu.memory_space<vmem>>, vector<1x16xf32>,
        %parallel_loop3A_83 = vector.shape_cast %parallel_loop3A_82 : vector<1x16xf32> to vector<16xf32>
        %parallel_loop3A_84 = arith.constant 4 : i32
        %parallel_loop3A_85 = arith.muli %parallel_loop3A_84, %parallel_loop3A_77 : i32
        %parallel_loop3A_86 = arith.constant 1 : i32
        %parallel_loop3A_87 = arith.addi %parallel_loop3A_85, %parallel_loop3A_86 : i32
        %parallel_loop3A_88 = arith.index_cast %parallel_loop3A_87 : i32 to index
        %parallel_loop3A_89 = arith.constant 0 : index
        %parallel_loop3A_90 = tpu.vector_load %arg8[%parallel_loop3A_88, %parallel_loop3A_89] {strides = array<i32>} : memref<128x128xf32, #tpu.memory_space<vmem>>, vector<1x16xf32>,
        %parallel_loop3A_91 = vector.shape_cast %parallel_loop3A_90 : vector<1x16xf32> to vector<16xf32>
        %parallel_loop3A_92 = arith.addf %parallel_loop3A_83, %parallel_loop3A_91 : vector<16xf32>
        %parallel_loop3A_93 = arith.constant 4 : i32
        %parallel_loop3A_94 = arith.muli %parallel_loop3A_93, %parallel_loop3A_77 : i32
        %parallel_loop3A_95 = arith.constant 2 : i32
        %parallel_loop3A_96 = arith.addi %parallel_loop3A_94, %parallel_loop3A_95 : i32
        %parallel_loop3A_97 = arith.index_cast %parallel_loop3A_96 : i32 to index
        %parallel_loop3A_98 = arith.constant 0 : index
        %parallel_loop3A_99 = tpu.vector_load %arg8[%parallel_loop3A_97, %parallel_loop3A_98] {strides = array<i32>} : memref<128x128xf32, #tpu.memory_space<vmem>>, vector<1x16xf32>,
        %parallel_loop3A_100 = vector.shape_cast %parallel_loop3A_99 : vector<1x16xf32> to vector<16xf32>
        %parallel_loop3A_101 = arith.addf %parallel_loop3A_92, %parallel_loop3A_100 : vector<16xf32>
        %parallel_loop3A_102 = arith.constant 4 : i32
        %parallel_loop3A_103 = arith.muli %parallel_loop3A_102, %parallel_loop3A_77 : i32
        %parallel_loop3A_104 = arith.constant 3 : i32
        %parallel_loop3A_105 = arith.addi %parallel_loop3A_103, %parallel_loop3A_104 : i32
        %parallel_loop3A_106 = arith.index_cast %parallel_loop3A_105 : i32 to index
        %parallel_loop3A_107 = arith.constant 0 : index
        %parallel_loop3A_108 = tpu.vector_load %arg8[%parallel_loop3A_106, %parallel_loop3A_107] {strides = array<i32>} : memref<128x128xf32, #tpu.memory_space<vmem>>, vector<1x16xf32>,
        %parallel_loop3A_109 = vector.shape_cast %parallel_loop3A_108 : vector<1x16xf32> to vector<16xf32>
        %parallel_loop3A_110 = arith.addf %parallel_loop3A_101, %parallel_loop3A_109 : vector<16xf32>
        %parallel_loop3A_111 = arith.constant 2.500000e-01 : f32
        %parallel_loop3A_112 = vector.broadcast %parallel_loop3A_111 : f32 to vector<16xf32>
        %parallel_loop3A_113 = arith.mulf %parallel_loop3A_110, %parallel_loop3A_112 : vector<16xf32>
        %parallel_loop3A_114 = arith.index_cast %parallel_loop3A_77 : i32 to index
        %parallel_loop3A_115 = arith.constant 0 : index
        %parallel_loop3A_116 = tpu.vector_load %arg10[%parallel_loop3A_114, %parallel_loop3A_115] {strides = array<i32>} : memref<32x128xf32, #tpu.memory_space<vmem>>, vector<1x16xf32>,
        %parallel_loop3A_117 = vector.shape_cast %parallel_loop3A_116 : vector<1x16xf32> to vector<16xf32>
        %parallel_loop3A_118 = vector.shape_cast %parallel_loop3A_113 : vector<16xf32> to vector<1x16xf32>
        tpu.vector_store %arg10[%parallel_loop3A_114, %parallel_loop3A_115], %parallel_loop3A_118 {strides = array<i32>} : memref<32x128xf32, #tpu.memory_space<vmem>>, vector<1x16xf32>,
        %parallel_loop3A_119 = arith.constant 4 : i32
        %parallel_loop3A_120 = arith.muli %parallel_loop3A_119, %parallel_loop3A_77 : i32
        %parallel_loop3A_121 = arith.index_cast %parallel_loop3A_120 : i32 to index
        %parallel_loop3A_122 = arith.constant 16 : index
        %parallel_loop3A_123 = tpu.vector_load %arg8[%parallel_loop3A_121, %parallel_loop3A_122] {strides = array<i32>} : memref<128x128xf32, #tpu.memory_space<vmem>>, vector<1x16xf32>,
        %parallel_loop3A_124 = vector.shape_cast %parallel_loop3A_123 : vector<1x16xf32> to vector<16xf32>
        %parallel_loop3A_125 = arith.constant 4 : i32
        %parallel_loop3A_126 = arith.muli %parallel_loop3A_125, %parallel_loop3A_77 : i32
        %parallel_loop3A_127 = arith.constant 1 : i32
        %parallel_loop3A_128 = arith.addi %parallel_loop3A_126, %parallel_loop3A_127 : i32
        %parallel_loop3A_129 = arith.index_cast %parallel_loop3A_128 : i32 to index
        %parallel_loop3A_130 = arith.constant 16 : index
        %parallel_loop3A_131 = tpu.vector_load %arg8[%parallel_loop3A_129, %parallel_loop3A_130] {strides = array<i32>} : memref<128x128xf32, #tpu.memory_space<vmem>>, vector<1x16xf32>,
        %parallel_loop3A_132 = vector.shape_cast %parallel_loop3A_131 : vector<1x16xf32> to vector<16xf32>
        %parallel_loop3A_133 = arith.addf %parallel_loop3A_124, %parallel_loop3A_132 : vector<16xf32>
        %parallel_loop3A_134 = arith.constant 4 : i32
        %parallel_loop3A_135 = arith.muli %parallel_loop3A_134, %parallel_loop3A_77 : i32
        %parallel_loop3A_136 = arith.constant 2 : i32
        %parallel_loop3A_137 = arith.addi %parallel_loop3A_135, %parallel_loop3A_136 : i32
        %parallel_loop3A_138 = arith.index_cast %parallel_loop3A_137 : i32 to index
        %parallel_loop3A_139 = arith.constant 16 : index
        %parallel_loop3A_140 = tpu.vector_load %arg8[%parallel_loop3A_138, %parallel_loop3A_139] {strides = array<i32>} : memref<128x128xf32, #tpu.memory_space<vmem>>, vector<1x16xf32>,
        %parallel_loop3A_141 = vector.shape_cast %parallel_loop3A_140 : vector<1x16xf32> to vector<16xf32>
        %parallel_loop3A_142 = arith.addf %parallel_loop3A_133, %parallel_loop3A_141 : vector<16xf32>
        %parallel_loop3A_143 = arith.constant 4 : i32
        %parallel_loop3A_144 = arith.muli %parallel_loop3A_143, %parallel_loop3A_77 : i32
        %parallel_loop3A_145 = arith.constant 3 : i32
        %parallel_loop3A_146 = arith.addi %parallel_loop3A_144, %parallel_loop3A_145 : i32
        %parallel_loop3A_147 = arith.index_cast %parallel_loop3A_146 : i32 to index
        %parallel_loop3A_148 = arith.constant 16 : index
        %parallel_loop3A_149 = tpu.vector_load %arg8[%parallel_loop3A_147, %parallel_loop3A_148] {strides = array<i32>} : memref<128x128xf32, #tpu.memory_space<vmem>>, vector<1x16xf32>,
        %parallel_loop3A_150 = vector.shape_cast %parallel_loop3A_149 : vector<1x16xf32> to vector<16xf32>
        %parallel_loop3A_151 = arith.addf %parallel_loop3A_142, %parallel_loop3A_150 : vector<16xf32>
        %parallel_loop3A_152 = arith.constant 2.500000e-01 : f32
        %parallel_loop3A_153 = vector.broadcast %parallel_loop3A_152 : f32 to vector<16xf32>
        %parallel_loop3A_154 = arith.mulf %parallel_loop3A_151, %parallel_loop3A_153 : vector<16xf32>
        %parallel_loop3A_155 = arith.index_cast %parallel_loop3A_77 : i32 to index
        %parallel_loop3A_156 = arith.constant 16 : index
        %parallel_loop3A_157 = tpu.vector_load %arg10[%parallel_loop3A_155, %parallel_loop3A_156] {strides = array<i32>} : memref<32x128xf32, #tpu.memory_space<vmem>>, vector<1x16xf32>,
        %parallel_loop3A_158 = vector.shape_cast %parallel_loop3A_157 : vector<1x16xf32> to vector<16xf32>
        %parallel_loop3A_159 = vector.shape_cast %parallel_loop3A_154 : vector<16xf32> to vector<1x16xf32>
        tpu.vector_store %arg10[%parallel_loop3A_155, %parallel_loop3A_156], %parallel_loop3A_159 {strides = array<i32>} : memref<32x128xf32, #tpu.memory_space<vmem>>, vector<1x16xf32>,
        %parallel_loop3A_160 = arith.constant 4 : i32
        %parallel_loop3A_161 = arith.muli %parallel_loop3A_160, %parallel_loop3A_77 : i32
        %parallel_loop3A_162 = arith.index_cast %parallel_loop3A_161 : i32 to index
        %parallel_loop3A_163 = arith.constant 32 : index
        %parallel_loop3A_164 = tpu.vector_load %arg8[%parallel_loop3A_162, %parallel_loop3A_163] {strides = array<i32>} : memref<128x128xf32, #tpu.memory_space<vmem>>, vector<1x16xf32>,
        %parallel_loop3A_165 = vector.shape_cast %parallel_loop3A_164 : vector<1x16xf32> to vector<16xf32>
        %parallel_loop3A_166 = arith.constant 4 : i32
        %parallel_loop3A_167 = arith.muli %parallel_loop3A_166, %parallel_loop3A_77 : i32
        %parallel_loop3A_168 = arith.constant 1 : i32
        %parallel_loop3A_169 = arith.addi %parallel_loop3A_167, %parallel_loop3A_168 : i32
        %parallel_loop3A_170 = arith.index_cast %parallel_loop3A_169 : i32 to index
        %parallel_loop3A_171 = arith.constant 32 : index
        %parallel_loop3A_172 = tpu.vector_load %arg8[%parallel_loop3A_170, %parallel_loop3A_171] {strides = array<i32>} : memref<128x128xf32, #tpu.memory_space<vmem>>, vector<1x16xf32>,
        %parallel_loop3A_173 = vector.shape_cast %parallel_loop3A_172 : vector<1x16xf32> to vector<16xf32>
        %parallel_loop3A_174 = arith.addf %parallel_loop3A_165, %parallel_loop3A_173 : vector<16xf32>
        %parallel_loop3A_175 = arith.constant 4 : i32
        %parallel_loop3A_176 = arith.muli %parallel_loop3A_175, %parallel_loop3A_77 : i32
        %parallel_loop3A_177 = arith.constant 2 : i32
        %parallel_loop3A_178 = arith.addi %parallel_loop3A_176, %parallel_loop3A_177 : i32
        %parallel_loop3A_179 = arith.index_cast %parallel_loop3A_178 : i32 to index
        %parallel_loop3A_180 = arith.constant 32 : index
        %parallel_loop3A_181 = tpu.vector_load %arg8[%parallel_loop3A_179, %parallel_loop3A_180] {strides = array<i32>} : memref<128x128xf32, #tpu.memory_space<vmem>>, vector<1x16xf32>,
        %parallel_loop3A_182 = vector.shape_cast %parallel_loop3A_181 : vector<1x16xf32> to vector<16xf32>
        %parallel_loop3A_183 = arith.addf %parallel_loop3A_174, %parallel_loop3A_182 : vector<16xf32>
        %parallel_loop3A_184 = arith.constant 4 : i32
        %parallel_loop3A_185 = arith.muli %parallel_loop3A_184, %parallel_loop3A_77 : i32
        %parallel_loop3A_186 = arith.constant 3 : i32
        %parallel_loop3A_187 = arith.addi %parallel_loop3A_185, %parallel_loop3A_186 : i32
        %parallel_loop3A_188 = arith.index_cast %parallel_loop3A_187 : i32 to index
        %parallel_loop3A_189 = arith.constant 32 : index
        %parallel_loop3A_190 = tpu.vector_load %arg8[%parallel_loop3A_188, %parallel_loop3A_189] {strides = array<i32>} : memref<128x128xf32, #tpu.memory_space<vmem>>, vector<1x16xf32>,
        %parallel_loop3A_191 = vector.shape_cast %parallel_loop3A_190 : vector<1x16xf32> to vector<16xf32>
        %parallel_loop3A_192 = arith.addf %parallel_loop3A_183, %parallel_loop3A_191 : vector<16xf32>
        %parallel_loop3A_193 = arith.constant 2.500000e-01 : f32
        %parallel_loop3A_194 = vector.broadcast %parallel_loop3A_193 : f32 to vector<16xf32>
        %parallel_loop3A_195 = arith.mulf %parallel_loop3A_192, %parallel_loop3A_194 : vector<16xf32>
        %parallel_loop3A_196 = arith.index_cast %parallel_loop3A_77 : i32 to index
        %parallel_loop3A_197 = arith.constant 32 : index
        %parallel_loop3A_198 = tpu.vector_load %arg10[%parallel_loop3A_196, %parallel_loop3A_197] {strides = array<i32>} : memref<32x128xf32, #tpu.memory_space<vmem>>, vector<1x16xf32>,
        %parallel_loop3A_199 = vector.shape_cast %parallel_loop3A_198 : vector<1x16xf32> to vector<16xf32>
        %parallel_loop3A_200 = vector.shape_cast %parallel_loop3A_195 : vector<16xf32> to vector<1x16xf32>
        tpu.vector_store %arg10[%parallel_loop3A_196, %parallel_loop3A_197], %parallel_loop3A_200 {strides = array<i32>} : memref<32x128xf32, #tpu.memory_space<vmem>>, vector<1x16xf32>,
        %parallel_loop3A_201 = arith.constant 4 : i32
        %parallel_loop3A_202 = arith.muli %parallel_loop3A_201, %parallel_loop3A_77 : i32
        %parallel_loop3A_203 = arith.index_cast %parallel_loop3A_202 : i32 to index
        %parallel_loop3A_204 = arith.constant 48 : index
        %parallel_loop3A_205 = tpu.vector_load %arg8[%parallel_loop3A_203, %parallel_loop3A_204] {strides = array<i32>} : memref<128x128xf32, #tpu.memory_space<vmem>>, vector<1x16xf32>,
        %parallel_loop3A_206 = vector.shape_cast %parallel_loop3A_205 : vector<1x16xf32> to vector<16xf32>
        %parallel_loop3A_207 = arith.constant 4 : i32
        %parallel_loop3A_208 = arith.muli %parallel_loop3A_207, %parallel_loop3A_77 : i32
        %parallel_loop3A_209 = arith.constant 1 : i32
        %parallel_loop3A_210 = arith.addi %parallel_loop3A_208, %parallel_loop3A_209 : i32
        %parallel_loop3A_211 = arith.index_cast %parallel_loop3A_210 : i32 to index
        %parallel_loop3A_212 = arith.constant 48 : index
        %parallel_loop3A_213 = tpu.vector_load %arg8[%parallel_loop3A_211, %parallel_loop3A_212] {strides = array<i32>} : memref<128x128xf32, #tpu.memory_space<vmem>>, vector<1x16xf32>,
        %parallel_loop3A_214 = vector.shape_cast %parallel_loop3A_213 : vector<1x16xf32> to vector<16xf32>
        %parallel_loop3A_215 = arith.addf %parallel_loop3A_206, %parallel_loop3A_214 : vector<16xf32>
        %parallel_loop3A_216 = arith.constant 4 : i32
        %parallel_loop3A_217 = arith.muli %parallel_loop3A_216, %parallel_loop3A_77 : i32
        %parallel_loop3A_218 = arith.constant 2 : i32
        %parallel_loop3A_219 = arith.addi %parallel_loop3A_217, %parallel_loop3A_218 : i32
        %parallel_loop3A_220 = arith.index_cast %parallel_loop3A_219 : i32 to index
        %parallel_loop3A_221 = arith.constant 48 : index
        %parallel_loop3A_222 = tpu.vector_load %arg8[%parallel_loop3A_220, %parallel_loop3A_221] {strides = array<i32>} : memref<128x128xf32, #tpu.memory_space<vmem>>, vector<1x16xf32>,
        %parallel_loop3A_223 = vector.shape_cast %parallel_loop3A_222 : vector<1x16xf32> to vector<16xf32>
        %parallel_loop3A_224 = arith.addf %parallel_loop3A_215, %parallel_loop3A_223 : vector<16xf32>
        %parallel_loop3A_225 = arith.constant 4 : i32
        %parallel_loop3A_226 = arith.muli %parallel_loop3A_225, %parallel_loop3A_77 : i32
        %parallel_loop3A_227 = arith.constant 3 : i32
        %parallel_loop3A_228 = arith.addi %parallel_loop3A_226, %parallel_loop3A_227 : i32
        %parallel_loop3A_229 = arith.index_cast %parallel_loop3A_228 : i32 to index
        %parallel_loop3A_230 = arith.constant 48 : index
        %parallel_loop3A_231 = tpu.vector_load %arg8[%parallel_loop3A_229, %parallel_loop3A_230] {strides = array<i32>} : memref<128x128xf32, #tpu.memory_space<vmem>>, vector<1x16xf32>,
        %parallel_loop3A_232 = vector.shape_cast %parallel_loop3A_231 : vector<1x16xf32> to vector<16xf32>
        %parallel_loop3A_233 = arith.addf %parallel_loop3A_224, %parallel_loop3A_232 : vector<16xf32>
        %parallel_loop3A_234 = arith.constant 2.500000e-01 : f32
        %parallel_loop3A_235 = vector.broadcast %parallel_loop3A_234 : f32 to vector<16xf32>
        %parallel_loop3A_236 = arith.mulf %parallel_loop3A_233, %parallel_loop3A_235 : vector<16xf32>
        %parallel_loop3A_237 = arith.index_cast %parallel_loop3A_77 : i32 to index
        %parallel_loop3A_238 = arith.constant 48 : index
        %parallel_loop3A_239 = tpu.vector_load %arg10[%parallel_loop3A_237, %parallel_loop3A_238] {strides = array<i32>} : memref<32x128xf32, #tpu.memory_space<vmem>>, vector<1x16xf32>,
        %parallel_loop3A_240 = vector.shape_cast %parallel_loop3A_239 : vector<1x16xf32> to vector<16xf32>
        %parallel_loop3A_241 = vector.shape_cast %parallel_loop3A_236 : vector<16xf32> to vector<1x16xf32>
        tpu.vector_store %arg10[%parallel_loop3A_237, %parallel_loop3A_238], %parallel_loop3A_241 {strides = array<i32>} : memref<32x128xf32, #tpu.memory_space<vmem>>, vector<1x16xf32>,
        %parallel_loop3A_242 = arith.constant 4 : i32
        %parallel_loop3A_243 = arith.muli %parallel_loop3A_242, %parallel_loop3A_77 : i32
        %parallel_loop3A_244 = arith.index_cast %parallel_loop3A_243 : i32 to index
        %parallel_loop3A_245 = arith.constant 64 : index
        %parallel_loop3A_246 = tpu.vector_load %arg8[%parallel_loop3A_244, %parallel_loop3A_245] {strides = array<i32>} : memref<128x128xf32, #tpu.memory_space<vmem>>, vector<1x16xf32>,
        %parallel_loop3A_247 = vector.shape_cast %parallel_loop3A_246 : vector<1x16xf32> to vector<16xf32>
        %parallel_loop3A_248 = arith.constant 4 : i32
        %parallel_loop3A_249 = arith.muli %parallel_loop3A_248, %parallel_loop3A_77 : i32
        %parallel_loop3A_250 = arith.constant 1 : i32
        %parallel_loop3A_251 = arith.addi %parallel_loop3A_249, %parallel_loop3A_250 : i32
        %parallel_loop3A_252 = arith.index_cast %parallel_loop3A_251 : i32 to index
        %parallel_loop3A_253 = arith.constant 64 : index
        %parallel_loop3A_254 = tpu.vector_load %arg8[%parallel_loop3A_252, %parallel_loop3A_253] {strides = array<i32>} : memref<128x128xf32, #tpu.memory_space<vmem>>, vector<1x16xf32>,
        %parallel_loop3A_255 = vector.shape_cast %parallel_loop3A_254 : vector<1x16xf32> to vector<16xf32>
        %parallel_loop3A_256 = arith.addf %parallel_loop3A_247, %parallel_loop3A_255 : vector<16xf32>
        %parallel_loop3A_257 = arith.constant 4 : i32
        %parallel_loop3A_258 = arith.muli %parallel_loop3A_257, %parallel_loop3A_77 : i32
        %parallel_loop3A_259 = arith.constant 2 : i32
        %parallel_loop3A_260 = arith.addi %parallel_loop3A_258, %parallel_loop3A_259 : i32
        %parallel_loop3A_261 = arith.index_cast %parallel_loop3A_260 : i32 to index
        %parallel_loop3A_262 = arith.constant 64 : index
        %parallel_loop3A_263 = tpu.vector_load %arg8[%parallel_loop3A_261, %parallel_loop3A_262] {strides = array<i32>} : memref<128x128xf32, #tpu.memory_space<vmem>>, vector<1x16xf32>,
        %parallel_loop3A_264 = vector.shape_cast %parallel_loop3A_263 : vector<1x16xf32> to vector<16xf32>
        %parallel_loop3A_265 = arith.addf %parallel_loop3A_256, %parallel_loop3A_264 : vector<16xf32>
        %parallel_loop3A_266 = arith.constant 4 : i32
        %parallel_loop3A_267 = arith.muli %parallel_loop3A_266, %parallel_loop3A_77 : i32
        %parallel_loop3A_268 = arith.constant 3 : i32
        %parallel_loop3A_269 = arith.addi %parallel_loop3A_267, %parallel_loop3A_268 : i32
        %parallel_loop3A_270 = arith.index_cast %parallel_loop3A_269 : i32 to index
        %parallel_loop3A_271 = arith.constant 64 : index
        %parallel_loop3A_272 = tpu.vector_load %arg8[%parallel_loop3A_270, %parallel_loop3A_271] {strides = array<i32>} : memref<128x128xf32, #tpu.memory_space<vmem>>, vector<1x16xf32>,
        %parallel_loop3A_273 = vector.shape_cast %parallel_loop3A_272 : vector<1x16xf32> to vector<16xf32>
        %parallel_loop3A_274 = arith.addf %parallel_loop3A_265, %parallel_loop3A_273 : vector<16xf32>
        %parallel_loop3A_275 = arith.constant 2.500000e-01 : f32
        %parallel_loop3A_276 = vector.broadcast %parallel_loop3A_275 : f32 to vector<16xf32>
        %parallel_loop3A_277 = arith.mulf %parallel_loop3A_274, %parallel_loop3A_276 : vector<16xf32>
        %parallel_loop3A_278 = arith.index_cast %parallel_loop3A_77 : i32 to index
        %parallel_loop3A_279 = arith.constant 64 : index
        %parallel_loop3A_280 = tpu.vector_load %arg10[%parallel_loop3A_278, %parallel_loop3A_279] {strides = array<i32>} : memref<32x128xf32, #tpu.memory_space<vmem>>, vector<1x16xf32>,
        %parallel_loop3A_281 = vector.shape_cast %parallel_loop3A_280 : vector<1x16xf32> to vector<16xf32>
        %parallel_loop3A_282 = vector.shape_cast %parallel_loop3A_277 : vector<16xf32> to vector<1x16xf32>
        tpu.vector_store %arg10[%parallel_loop3A_278, %parallel_loop3A_279], %parallel_loop3A_282 {strides = array<i32>} : memref<32x128xf32, #tpu.memory_space<vmem>>, vector<1x16xf32>,
        %parallel_loop3A_283 = arith.constant 4 : i32
        %parallel_loop3A_284 = arith.muli %parallel_loop3A_283, %parallel_loop3A_77 : i32
        %parallel_loop3A_285 = arith.index_cast %parallel_loop3A_284 : i32 to index
        %parallel_loop3A_286 = arith.constant 80 : index
        %parallel_loop3A_287 = tpu.vector_load %arg8[%parallel_loop3A_285, %parallel_loop3A_286] {strides = array<i32>} : memref<128x128xf32, #tpu.memory_space<vmem>>, vector<1x16xf32>,
        %parallel_loop3A_288 = vector.shape_cast %parallel_loop3A_287 : vector<1x16xf32> to vector<16xf32>
        %parallel_loop3A_289 = arith.constant 4 : i32
        %parallel_loop3A_290 = arith.muli %parallel_loop3A_289, %parallel_loop3A_77 : i32
        %parallel_loop3A_291 = arith.constant 1 : i32
        %parallel_loop3A_292 = arith.addi %parallel_loop3A_290, %parallel_loop3A_291 : i32
        %parallel_loop3A_293 = arith.index_cast %parallel_loop3A_292 : i32 to index
        %parallel_loop3A_294 = arith.constant 80 : index
        %parallel_loop3A_295 = tpu.vector_load %arg8[%parallel_loop3A_293, %parallel_loop3A_294] {strides = array<i32>} : memref<128x128xf32, #tpu.memory_space<vmem>>, vector<1x16xf32>,
        %parallel_loop3A_296 = vector.shape_cast %parallel_loop3A_295 : vector<1x16xf32> to vector<16xf32>
        %parallel_loop3A_297 = arith.addf %parallel_loop3A_288, %parallel_loop3A_296 : vector<16xf32>
        %parallel_loop3A_298 = arith.constant 4 : i32
        %parallel_loop3A_299 = arith.muli %parallel_loop3A_298, %parallel_loop3A_77 : i32
        %parallel_loop3A_300 = arith.constant 2 : i32
        %parallel_loop3A_301 = arith.addi %parallel_loop3A_299, %parallel_loop3A_300 : i32
        %parallel_loop3A_302 = arith.index_cast %parallel_loop3A_301 : i32 to index
        %parallel_loop3A_303 = arith.constant 80 : index
        %parallel_loop3A_304 = tpu.vector_load %arg8[%parallel_loop3A_302, %parallel_loop3A_303] {strides = array<i32>} : memref<128x128xf32, #tpu.memory_space<vmem>>, vector<1x16xf32>,
        %parallel_loop3A_305 = vector.shape_cast %parallel_loop3A_304 : vector<1x16xf32> to vector<16xf32>
        %parallel_loop3A_306 = arith.addf %parallel_loop3A_297, %parallel_loop3A_305 : vector<16xf32>
        %parallel_loop3A_307 = arith.constant 4 : i32
        %parallel_loop3A_308 = arith.muli %parallel_loop3A_307, %parallel_loop3A_77 : i32
        %parallel_loop3A_309 = arith.constant 3 : i32
        %parallel_loop3A_310 = arith.addi %parallel_loop3A_308, %parallel_loop3A_309 : i32
        %parallel_loop3A_311 = arith.index_cast %parallel_loop3A_310 : i32 to index
        %parallel_loop3A_312 = arith.constant 80 : index
        %parallel_loop3A_313 = tpu.vector_load %arg8[%parallel_loop3A_311, %parallel_loop3A_312] {strides = array<i32>} : memref<128x128xf32, #tpu.memory_space<vmem>>, vector<1x16xf32>,
        %parallel_loop3A_314 = vector.shape_cast %parallel_loop3A_313 : vector<1x16xf32> to vector<16xf32>
        %parallel_loop3A_315 = arith.addf %parallel_loop3A_306, %parallel_loop3A_314 : vector<16xf32>
        %parallel_loop3A_316 = arith.constant 2.500000e-01 : f32
        %parallel_loop3A_317 = vector.broadcast %parallel_loop3A_316 : f32 to vector<16xf32>
        %parallel_loop3A_318 = arith.mulf %parallel_loop3A_315, %parallel_loop3A_317 : vector<16xf32>
        %parallel_loop3A_319 = arith.index_cast %parallel_loop3A_77 : i32 to index
        %parallel_loop3A_320 = arith.constant 80 : index
        %parallel_loop3A_321 = tpu.vector_load %arg10[%parallel_loop3A_319, %parallel_loop3A_320] {strides = array<i32>} : memref<32x128xf32, #tpu.memory_space<vmem>>, vector<1x16xf32>,
        %parallel_loop3A_322 = vector.shape_cast %parallel_loop3A_321 : vector<1x16xf32> to vector<16xf32>
        %parallel_loop3A_323 = vector.shape_cast %parallel_loop3A_318 : vector<16xf32> to vector<1x16xf32>
        tpu.vector_store %arg10[%parallel_loop3A_319, %parallel_loop3A_320], %parallel_loop3A_323 {strides = array<i32>} : memref<32x128xf32, #tpu.memory_space<vmem>>, vector<1x16xf32>,
        %parallel_loop3A_324 = arith.constant 4 : i32
        %parallel_loop3A_325 = arith.muli %parallel_loop3A_324, %parallel_loop3A_77 : i32
        %parallel_loop3A_326 = arith.index_cast %parallel_loop3A_325 : i32 to index
        %parallel_loop3A_327 = arith.constant 96 : index
        %parallel_loop3A_328 = tpu.vector_load %arg8[%parallel_loop3A_326, %parallel_loop3A_327] {strides = array<i32>} : memref<128x128xf32, #tpu.memory_space<vmem>>, vector<1x16xf32>,
        %parallel_loop3A_329 = vector.shape_cast %parallel_loop3A_328 : vector<1x16xf32> to vector<16xf32>
        %parallel_loop3A_330 = arith.constant 4 : i32
        %parallel_loop3A_331 = arith.muli %parallel_loop3A_330, %parallel_loop3A_77 : i32
        %parallel_loop3A_332 = arith.constant 1 : i32
        %parallel_loop3A_333 = arith.addi %parallel_loop3A_331, %parallel_loop3A_332 : i32
        %parallel_loop3A_334 = arith.index_cast %parallel_loop3A_333 : i32 to index
        %parallel_loop3A_335 = arith.constant 96 : index
        %parallel_loop3A_336 = tpu.vector_load %arg8[%parallel_loop3A_334, %parallel_loop3A_335] {strides = array<i32>} : memref<128x128xf32, #tpu.memory_space<vmem>>, vector<1x16xf32>,
        %parallel_loop3A_337 = vector.shape_cast %parallel_loop3A_336 : vector<1x16xf32> to vector<16xf32>
        %parallel_loop3A_338 = arith.addf %parallel_loop3A_329, %parallel_loop3A_337 : vector<16xf32>
        %parallel_loop3A_339 = arith.constant 4 : i32
        %parallel_loop3A_340 = arith.muli %parallel_loop3A_339, %parallel_loop3A_77 : i32
        %parallel_loop3A_341 = arith.constant 2 : i32
        %parallel_loop3A_342 = arith.addi %parallel_loop3A_340, %parallel_loop3A_341 : i32
        %parallel_loop3A_343 = arith.index_cast %parallel_loop3A_342 : i32 to index
        %parallel_loop3A_344 = arith.constant 96 : index
        %parallel_loop3A_345 = tpu.vector_load %arg8[%parallel_loop3A_343, %parallel_loop3A_344] {strides = array<i32>} : memref<128x128xf32, #tpu.memory_space<vmem>>, vector<1x16xf32>,
        %parallel_loop3A_346 = vector.shape_cast %parallel_loop3A_345 : vector<1x16xf32> to vector<16xf32>
        %parallel_loop3A_347 = arith.addf %parallel_loop3A_338, %parallel_loop3A_346 : vector<16xf32>
        %parallel_loop3A_348 = arith.constant 4 : i32
        %parallel_loop3A_349 = arith.muli %parallel_loop3A_348, %parallel_loop3A_77 : i32
        %parallel_loop3A_350 = arith.constant 3 : i32
        %parallel_loop3A_351 = arith.addi %parallel_loop3A_349, %parallel_loop3A_350 : i32
        %parallel_loop3A_352 = arith.index_cast %parallel_loop3A_351 : i32 to index
        %parallel_loop3A_353 = arith.constant 96 : index
        %parallel_loop3A_354 = tpu.vector_load %arg8[%parallel_loop3A_352, %parallel_loop3A_353] {strides = array<i32>} : memref<128x128xf32, #tpu.memory_space<vmem>>, vector<1x16xf32>,
        %parallel_loop3A_355 = vector.shape_cast %parallel_loop3A_354 : vector<1x16xf32> to vector<16xf32>
        %parallel_loop3A_356 = arith.addf %parallel_loop3A_347, %parallel_loop3A_355 : vector<16xf32>
        %parallel_loop3A_357 = arith.constant 2.500000e-01 : f32
        %parallel_loop3A_358 = vector.broadcast %parallel_loop3A_357 : f32 to vector<16xf32>
        %parallel_loop3A_359 = arith.mulf %parallel_loop3A_356, %parallel_loop3A_358 : vector<16xf32>
        %parallel_loop3A_360 = arith.index_cast %parallel_loop3A_77 : i32 to index
        %parallel_loop3A_361 = arith.constant 96 : index
        %parallel_loop3A_362 = tpu.vector_load %arg10[%parallel_loop3A_360, %parallel_loop3A_361] {strides = array<i32>} : memref<32x128xf32, #tpu.memory_space<vmem>>, vector<1x16xf32>,
        %parallel_loop3A_363 = vector.shape_cast %parallel_loop3A_362 : vector<1x16xf32> to vector<16xf32>
        %parallel_loop3A_364 = vector.shape_cast %parallel_loop3A_359 : vector<16xf32> to vector<1x16xf32>
        tpu.vector_store %arg10[%parallel_loop3A_360, %parallel_loop3A_361], %parallel_loop3A_364 {strides = array<i32>} : memref<32x128xf32, #tpu.memory_space<vmem>>, vector<1x16xf32>,
        %parallel_loop3A_365 = arith.constant 4 : i32
        %parallel_loop3A_366 = arith.muli %parallel_loop3A_365, %parallel_loop3A_77 : i32
        %parallel_loop3A_367 = arith.index_cast %parallel_loop3A_366 : i32 to index
        %parallel_loop3A_368 = arith.constant 112 : index
        %parallel_loop3A_369 = tpu.vector_load %arg8[%parallel_loop3A_367, %parallel_loop3A_368] {strides = array<i32>} : memref<128x128xf32, #tpu.memory_space<vmem>>, vector<1x16xf32>,
        %parallel_loop3A_370 = vector.shape_cast %parallel_loop3A_369 : vector<1x16xf32> to vector<16xf32>
        %parallel_loop3A_371 = arith.constant 4 : i32
        %parallel_loop3A_372 = arith.muli %parallel_loop3A_371, %parallel_loop3A_77 : i32
        %parallel_loop3A_373 = arith.constant 1 : i32
        %parallel_loop3A_374 = arith.addi %parallel_loop3A_372, %parallel_loop3A_373 : i32
        %parallel_loop3A_375 = arith.index_cast %parallel_loop3A_374 : i32 to index
        %parallel_loop3A_376 = arith.constant 112 : index
        %parallel_loop3A_377 = tpu.vector_load %arg8[%parallel_loop3A_375, %parallel_loop3A_376] {strides = array<i32>} : memref<128x128xf32, #tpu.memory_space<vmem>>, vector<1x16xf32>,
        %parallel_loop3A_378 = vector.shape_cast %parallel_loop3A_377 : vector<1x16xf32> to vector<16xf32>
        %parallel_loop3A_379 = arith.addf %parallel_loop3A_370, %parallel_loop3A_378 : vector<16xf32>
        %parallel_loop3A_380 = arith.constant 4 : i32
        %parallel_loop3A_381 = arith.muli %parallel_loop3A_380, %parallel_loop3A_77 : i32
        %parallel_loop3A_382 = arith.constant 2 : i32
        %parallel_loop3A_383 = arith.addi %parallel_loop3A_381, %parallel_loop3A_382 : i32
        %parallel_loop3A_384 = arith.index_cast %parallel_loop3A_383 : i32 to index
        %parallel_loop3A_385 = arith.constant 112 : index
        %parallel_loop3A_386 = tpu.vector_load %arg8[%parallel_loop3A_384, %parallel_loop3A_385] {strides = array<i32>} : memref<128x128xf32, #tpu.memory_space<vmem>>, vector<1x16xf32>,
        %parallel_loop3A_387 = vector.shape_cast %parallel_loop3A_386 : vector<1x16xf32> to vector<16xf32>
        %parallel_loop3A_388 = arith.addf %parallel_loop3A_379, %parallel_loop3A_387 : vector<16xf32>
        %parallel_loop3A_389 = arith.constant 4 : i32
        %parallel_loop3A_390 = arith.muli %parallel_loop3A_389, %parallel_loop3A_77 : i32
        %parallel_loop3A_391 = arith.constant 3 : i32
        %parallel_loop3A_392 = arith.addi %parallel_loop3A_390, %parallel_loop3A_391 : i32
        %parallel_loop3A_393 = arith.index_cast %parallel_loop3A_392 : i32 to index
        %parallel_loop3A_394 = arith.constant 112 : index
        %parallel_loop3A_395 = tpu.vector_load %arg8[%parallel_loop3A_393, %parallel_loop3A_394] {strides = array<i32>} : memref<128x128xf32, #tpu.memory_space<vmem>>, vector<1x16xf32>,
        %parallel_loop3A_396 = vector.shape_cast %parallel_loop3A_395 : vector<1x16xf32> to vector<16xf32>
        %parallel_loop3A_397 = arith.addf %parallel_loop3A_388, %parallel_loop3A_396 : vector<16xf32>
        %parallel_loop3A_398 = arith.constant 2.500000e-01 : f32
        %parallel_loop3A_399 = vector.broadcast %parallel_loop3A_398 : f32 to vector<16xf32>
        %parallel_loop3A_400 = arith.mulf %parallel_loop3A_397, %parallel_loop3A_399 : vector<16xf32>
        %parallel_loop3A_401 = arith.index_cast %parallel_loop3A_77 : i32 to index
        %parallel_loop3A_402 = arith.constant 112 : index
        %parallel_loop3A_403 = tpu.vector_load %arg10[%parallel_loop3A_401, %parallel_loop3A_402] {strides = array<i32>} : memref<32x128xf32, #tpu.memory_space<vmem>>, vector<1x16xf32>,
        %parallel_loop3A_404 = vector.shape_cast %parallel_loop3A_403 : vector<1x16xf32> to vector<16xf32>
        %parallel_loop3A_405 = vector.shape_cast %parallel_loop3A_400 : vector<16xf32> to vector<1x16xf32>
        tpu.vector_store %arg10[%parallel_loop3A_401, %parallel_loop3A_402], %parallel_loop3A_405 {strides = array<i32>} : memref<32x128xf32, #tpu.memory_space<vmem>>, vector<1x16xf32>,
      } {sc.loop_unroll_factor = 2 : i64, sc.parallel_access}
      %mul3A_50 = arith.constant 32 : i32
      %mul3A_51 = arith.muli %mul3A_32, %mul3A_50 : i32
      %add3A_52 = arith.addi %mul3A_10, %mul3A_51 : i32
      "tpu.region"() ({
        %run_scoped3A = tpu.sem_alloc : memref<!tpu.dma_semaphore, #tpu.memory_space<semaphore_mem>>
        %dma_start3A_77 = arith.constant 0 : i32
        %dma_start3A_78 = tpu.memref_slice %arg5[%add3A_52, %dma_start3A_77] : memref<20480x128xf32, #tpu.memory_space<hbm>> -> memref<32x128xf32, #tpu.memory_space<hbm>>
        %dma_start3A_79 = arith.constant 0 : i32
        %dma_start3A_80 = tpu.memref_slice %arg5[%add3A_52, %dma_start3A_79] : memref<20480x128xf32, #tpu.memory_space<hbm>> -> memref<32x128xf32, #tpu.memory_space<hbm>>
        tpu.enqueue_dma source(%arg10 : memref<32x128xf32, #tpu.memory_space<vmem>>) target(%dma_start3A_80 : memref<32x128xf32, #tpu.memory_space<hbm>>) target_semaphore(%run_scoped3A : memref<!tpu.dma_semaphore, #tpu.memory_space<semaphore_mem>>)
        %dma_wait3A_81 = arith.constant 0 : i32
        %dma_wait3A_82 = tpu.memref_slice %arg5[%add3A_52, %dma_wait3A_81] : memref<20480x128xf32, #tpu.memory_space<hbm>> -> memref<32x128xf32, #tpu.memory_space<hbm>>
        %dma_wait3A_83 = arith.constant 0 : i32
        %dma_wait3A_84 = tpu.memref_slice %arg5[%add3A_52, %dma_wait3A_83] : memref<20480x128xf32, #tpu.memory_space<hbm>> -> memref<32x128xf32, #tpu.memory_space<hbm>>
        tpu.wait_dma2 semaphore(%run_scoped3A : memref<!tpu.dma_semaphore, #tpu.memory_space<semaphore_mem>>) src(%arg10 : memref<32x128xf32, #tpu.memory_space<vmem>>) dst(%dma_wait3A_84 : memref<32x128xf32, #tpu.memory_space<hbm>>)
        tpu.yield
      }) : () -> ()
      %add3A_53 = arith.constant 2 : i32
      %add3A_54 = arith.addi %mul3A_32, %add3A_53 : i32
      %min3A = arith.constant 19 : i32
      %min3A_55 = arith.minsi %add3A_54, %min3A : i32
      %dma_start3A_56 = arith.constant 0 : i32
      %dma_start3A_57 = tpu.memref_slice %arg7[%min3A_55, %dma_start3A_56] : memref<20x128xi32, #tpu.memory_space<vmem>> -> memref<1x128xi32, #tpu.memory_space<vmem>>
      %dma_start3A_58 = tpu.memref_squeeze %dma_start3A_57 : memref<1x128xi32, #tpu.memory_space<vmem>> -> memref<128xi32, #tpu.memory_space<vmem>>
      %dma_start3A_59 = arith.constant 0 : i32
      %dma_start3A_60 = arith.constant 0 : i32
      %dma_start3A_61 = tpu.memref_slice %arg2[%dma_start3A_59, %dma_start3A_60] : memref<10000x128xf32, #tpu.memory_space<hbm>> -> memref<10000x128xf32, #tpu.memory_space<hbm>>
      tpu.enqueue_indirect_dma source(%dma_start3A_61 : memref<10000x128xf32, #tpu.memory_space<hbm>>) target(%arg8 : memref<128x128xf32, #tpu.memory_space<vmem>>) offsets(%dma_start3A_58 : memref<128xi32, #tpu.memory_space<vmem>>) semaphore(%arg13 : memref<!tpu.dma_semaphore, #tpu.memory_space<semaphore_mem>>)
      %dma_wait3A_62 = arith.constant 0 : i32
      %dma_wait3A_63 = arith.constant 0 : i32
      %dma_wait3A_64 = tpu.memref_slice %arg7[%dma_wait3A_62, %dma_wait3A_63] : memref<20x128xi32, #tpu.memory_space<vmem>> -> memref<1x128xi32, #tpu.memory_space<vmem>>
      %dma_wait3A_65 = tpu.memref_squeeze %dma_wait3A_64 : memref<1x128xi32, #tpu.memory_space<vmem>> -> memref<128xi32, #tpu.memory_space<vmem>>
      %dma_wait3A_66 = arith.constant 0 : i32
      %dma_wait3A_67 = arith.constant 0 : i32
      %dma_wait3A_68 = tpu.memref_slice %arg2[%dma_wait3A_66, %dma_wait3A_67] : memref<10000x128xf32, #tpu.memory_space<hbm>> -> memref<10000x128xf32, #tpu.memory_space<hbm>>
      tpu.wait_indirect_dma semaphore(%arg14 : memref<!tpu.dma_semaphore, #tpu.memory_space<semaphore_mem>>) src(%dma_wait3A_68 : memref<10000x128xf32, #tpu.memory_space<hbm>>) dst(%arg9 : memref<128x128xf32, #tpu.memory_space<vmem>>)
      %add3A_69 = arith.constant 1 : i32
      %add3A_70 = arith.addi %mul3A_32, %add3A_69 : i32
      %parallel_loop3A_71 = arith.constant 0 : i32
      %parallel_loop3A_72 = arith.constant 32 : i32
      %parallel_loop3A_73 = arith.constant 1 : i32
      scf.for %parallel_loop3A_77 = %parallel_loop3A_71 to %parallel_loop3A_72 step %parallel_loop3A_73  : i32 {
        %parallel_loop3A_78 = arith.constant 4 : i32
        %parallel_loop3A_79 = arith.muli %parallel_loop3A_78, %parallel_loop3A_77 : i32
        %parallel_loop3A_80 = arith.index_cast %parallel_loop3A_79 : i32 to index
        %parallel_loop3A_81 = arith.constant 0 : index
        %parallel_loop3A_82 = tpu.vector_load %arg9[%parallel_loop3A_80, %parallel_loop3A_81] {strides = array<i32>} : memref<128x128xf32, #tpu.memory_space<vmem>>, vector<1x16xf32>,
        %parallel_loop3A_83 = vector.shape_cast %parallel_loop3A_82 : vector<1x16xf32> to vector<16xf32>
        %parallel_loop3A_84 = arith.constant 4 : i32
        %parallel_loop3A_85 = arith.muli %parallel_loop3A_84, %parallel_loop3A_77 : i32
        %parallel_loop3A_86 = arith.constant 1 : i32
        %parallel_loop3A_87 = arith.addi %parallel_loop3A_85, %parallel_loop3A_86 : i32
        %parallel_loop3A_88 = arith.index_cast %parallel_loop3A_87 : i32 to index
        %parallel_loop3A_89 = arith.constant 0 : index
        %parallel_loop3A_90 = tpu.vector_load %arg9[%parallel_loop3A_88, %parallel_loop3A_89] {strides = array<i32>} : memref<128x128xf32, #tpu.memory_space<vmem>>, vector<1x16xf32>,
        %parallel_loop3A_91 = vector.shape_cast %parallel_loop3A_90 : vector<1x16xf32> to vector<16xf32>
        %parallel_loop3A_92 = arith.addf %parallel_loop3A_83, %parallel_loop3A_91 : vector<16xf32>
        %parallel_loop3A_93 = arith.constant 4 : i32
        %parallel_loop3A_94 = arith.muli %parallel_loop3A_93, %parallel_loop3A_77 : i32
        %parallel_loop3A_95 = arith.constant 2 : i32
        %parallel_loop3A_96 = arith.addi %parallel_loop3A_94, %parallel_loop3A_95 : i32
        %parallel_loop3A_97 = arith.index_cast %parallel_loop3A_96 : i32 to index
        %parallel_loop3A_98 = arith.constant 0 : index
        %parallel_loop3A_99 = tpu.vector_load %arg9[%parallel_loop3A_97, %parallel_loop3A_98] {strides = array<i32>} : memref<128x128xf32, #tpu.memory_space<vmem>>, vector<1x16xf32>,
        %parallel_loop3A_100 = vector.shape_cast %parallel_loop3A_99 : vector<1x16xf32> to vector<16xf32>
        %parallel_loop3A_101 = arith.addf %parallel_loop3A_92, %parallel_loop3A_100 : vector<16xf32>
        %parallel_loop3A_102 = arith.constant 4 : i32
        %parallel_loop3A_103 = arith.muli %parallel_loop3A_102, %parallel_loop3A_77 : i32
        %parallel_loop3A_104 = arith.constant 3 : i32
        %parallel_loop3A_105 = arith.addi %parallel_loop3A_103, %parallel_loop3A_104 : i32
        %parallel_loop3A_106 = arith.index_cast %parallel_loop3A_105 : i32 to index
        %parallel_loop3A_107 = arith.constant 0 : index
        %parallel_loop3A_108 = tpu.vector_load %arg9[%parallel_loop3A_106, %parallel_loop3A_107] {strides = array<i32>} : memref<128x128xf32, #tpu.memory_space<vmem>>, vector<1x16xf32>,
        %parallel_loop3A_109 = vector.shape_cast %parallel_loop3A_108 : vector<1x16xf32> to vector<16xf32>
        %parallel_loop3A_110 = arith.addf %parallel_loop3A_101, %parallel_loop3A_109 : vector<16xf32>
        %parallel_loop3A_111 = arith.constant 2.500000e-01 : f32
        %parallel_loop3A_112 = vector.broadcast %parallel_loop3A_111 : f32 to vector<16xf32>
        %parallel_loop3A_113 = arith.mulf %parallel_loop3A_110, %parallel_loop3A_112 : vector<16xf32>
        %parallel_loop3A_114 = arith.index_cast %parallel_loop3A_77 : i32 to index
        %parallel_loop3A_115 = arith.constant 0 : index
        %parallel_loop3A_116 = tpu.vector_load %arg10[%parallel_loop3A_114, %parallel_loop3A_115] {strides = array<i32>} : memref<32x128xf32, #tpu.memory_space<vmem>>, vector<1x16xf32>,
        %parallel_loop3A_117 = vector.shape_cast %parallel_loop3A_116 : vector<1x16xf32> to vector<16xf32>
        %parallel_loop3A_118 = vector.shape_cast %parallel_loop3A_113 : vector<16xf32> to vector<1x16xf32>
        tpu.vector_store %arg10[%parallel_loop3A_114, %parallel_loop3A_115], %parallel_loop3A_118 {strides = array<i32>} : memref<32x128xf32, #tpu.memory_space<vmem>>, vector<1x16xf32>,
        %parallel_loop3A_119 = arith.constant 4 : i32
        %parallel_loop3A_120 = arith.muli %parallel_loop3A_119, %parallel_loop3A_77 : i32
        %parallel_loop3A_121 = arith.index_cast %parallel_loop3A_120 : i32 to index
        %parallel_loop3A_122 = arith.constant 16 : index
        %parallel_loop3A_123 = tpu.vector_load %arg9[%parallel_loop3A_121, %parallel_loop3A_122] {strides = array<i32>} : memref<128x128xf32, #tpu.memory_space<vmem>>, vector<1x16xf32>,
        %parallel_loop3A_124 = vector.shape_cast %parallel_loop3A_123 : vector<1x16xf32> to vector<16xf32>
        %parallel_loop3A_125 = arith.constant 4 : i32
        %parallel_loop3A_126 = arith.muli %parallel_loop3A_125, %parallel_loop3A_77 : i32
        %parallel_loop3A_127 = arith.constant 1 : i32
        %parallel_loop3A_128 = arith.addi %parallel_loop3A_126, %parallel_loop3A_127 : i32
        %parallel_loop3A_129 = arith.index_cast %parallel_loop3A_128 : i32 to index
        %parallel_loop3A_130 = arith.constant 16 : index
        %parallel_loop3A_131 = tpu.vector_load %arg9[%parallel_loop3A_129, %parallel_loop3A_130] {strides = array<i32>} : memref<128x128xf32, #tpu.memory_space<vmem>>, vector<1x16xf32>,
        %parallel_loop3A_132 = vector.shape_cast %parallel_loop3A_131 : vector<1x16xf32> to vector<16xf32>
        %parallel_loop3A_133 = arith.addf %parallel_loop3A_124, %parallel_loop3A_132 : vector<16xf32>
        %parallel_loop3A_134 = arith.constant 4 : i32
        %parallel_loop3A_135 = arith.muli %parallel_loop3A_134, %parallel_loop3A_77 : i32
        %parallel_loop3A_136 = arith.constant 2 : i32
        %parallel_loop3A_137 = arith.addi %parallel_loop3A_135, %parallel_loop3A_136 : i32
        %parallel_loop3A_138 = arith.index_cast %parallel_loop3A_137 : i32 to index
        %parallel_loop3A_139 = arith.constant 16 : index
        %parallel_loop3A_140 = tpu.vector_load %arg9[%parallel_loop3A_138, %parallel_loop3A_139] {strides = array<i32>} : memref<128x128xf32, #tpu.memory_space<vmem>>, vector<1x16xf32>,
        %parallel_loop3A_141 = vector.shape_cast %parallel_loop3A_140 : vector<1x16xf32> to vector<16xf32>
        %parallel_loop3A_142 = arith.addf %parallel_loop3A_133, %parallel_loop3A_141 : vector<16xf32>
        %parallel_loop3A_143 = arith.constant 4 : i32
        %parallel_loop3A_144 = arith.muli %parallel_loop3A_143, %parallel_loop3A_77 : i32
        %parallel_loop3A_145 = arith.constant 3 : i32
        %parallel_loop3A_146 = arith.addi %parallel_loop3A_144, %parallel_loop3A_145 : i32
        %parallel_loop3A_147 = arith.index_cast %parallel_loop3A_146 : i32 to index
        %parallel_loop3A_148 = arith.constant 16 : index
        %parallel_loop3A_149 = tpu.vector_load %arg9[%parallel_loop3A_147, %parallel_loop3A_148] {strides = array<i32>} : memref<128x128xf32, #tpu.memory_space<vmem>>, vector<1x16xf32>,
        %parallel_loop3A_150 = vector.shape_cast %parallel_loop3A_149 : vector<1x16xf32> to vector<16xf32>
        %parallel_loop3A_151 = arith.addf %parallel_loop3A_142, %parallel_loop3A_150 : vector<16xf32>
        %parallel_loop3A_152 = arith.constant 2.500000e-01 : f32
        %parallel_loop3A_153 = vector.broadcast %parallel_loop3A_152 : f32 to vector<16xf32>
        %parallel_loop3A_154 = arith.mulf %parallel_loop3A_151, %parallel_loop3A_153 : vector<16xf32>
        %parallel_loop3A_155 = arith.index_cast %parallel_loop3A_77 : i32 to index
        %parallel_loop3A_156 = arith.constant 16 : index
        %parallel_loop3A_157 = tpu.vector_load %arg10[%parallel_loop3A_155, %parallel_loop3A_156] {strides = array<i32>} : memref<32x128xf32, #tpu.memory_space<vmem>>, vector<1x16xf32>,
        %parallel_loop3A_158 = vector.shape_cast %parallel_loop3A_157 : vector<1x16xf32> to vector<16xf32>
        %parallel_loop3A_159 = vector.shape_cast %parallel_loop3A_154 : vector<16xf32> to vector<1x16xf32>
        tpu.vector_store %arg10[%parallel_loop3A_155, %parallel_loop3A_156], %parallel_loop3A_159 {strides = array<i32>} : memref<32x128xf32, #tpu.memory_space<vmem>>, vector<1x16xf32>,
        %parallel_loop3A_160 = arith.constant 4 : i32
        %parallel_loop3A_161 = arith.muli %parallel_loop3A_160, %parallel_loop3A_77 : i32
        %parallel_loop3A_162 = arith.index_cast %parallel_loop3A_161 : i32 to index
        %parallel_loop3A_163 = arith.constant 32 : index
        %parallel_loop3A_164 = tpu.vector_load %arg9[%parallel_loop3A_162, %parallel_loop3A_163] {strides = array<i32>} : memref<128x128xf32, #tpu.memory_space<vmem>>, vector<1x16xf32>,
        %parallel_loop3A_165 = vector.shape_cast %parallel_loop3A_164 : vector<1x16xf32> to vector<16xf32>
        %parallel_loop3A_166 = arith.constant 4 : i32
        %parallel_loop3A_167 = arith.muli %parallel_loop3A_166, %parallel_loop3A_77 : i32
        %parallel_loop3A_168 = arith.constant 1 : i32
        %parallel_loop3A_169 = arith.addi %parallel_loop3A_167, %parallel_loop3A_168 : i32
        %parallel_loop3A_170 = arith.index_cast %parallel_loop3A_169 : i32 to index
        %parallel_loop3A_171 = arith.constant 32 : index
        %parallel_loop3A_172 = tpu.vector_load %arg9[%parallel_loop3A_170, %parallel_loop3A_171] {strides = array<i32>} : memref<128x128xf32, #tpu.memory_space<vmem>>, vector<1x16xf32>,
        %parallel_loop3A_173 = vector.shape_cast %parallel_loop3A_172 : vector<1x16xf32> to vector<16xf32>
        %parallel_loop3A_174 = arith.addf %parallel_loop3A_165, %parallel_loop3A_173 : vector<16xf32>
        %parallel_loop3A_175 = arith.constant 4 : i32
        %parallel_loop3A_176 = arith.muli %parallel_loop3A_175, %parallel_loop3A_77 : i32
        %parallel_loop3A_177 = arith.constant 2 : i32
        %parallel_loop3A_178 = arith.addi %parallel_loop3A_176, %parallel_loop3A_177 : i32
        %parallel_loop3A_179 = arith.index_cast %parallel_loop3A_178 : i32 to index
        %parallel_loop3A_180 = arith.constant 32 : index
        %parallel_loop3A_181 = tpu.vector_load %arg9[%parallel_loop3A_179, %parallel_loop3A_180] {strides = array<i32>} : memref<128x128xf32, #tpu.memory_space<vmem>>, vector<1x16xf32>,
        %parallel_loop3A_182 = vector.shape_cast %parallel_loop3A_181 : vector<1x16xf32> to vector<16xf32>
        %parallel_loop3A_183 = arith.addf %parallel_loop3A_174, %parallel_loop3A_182 : vector<16xf32>
        %parallel_loop3A_184 = arith.constant 4 : i32
        %parallel_loop3A_185 = arith.muli %parallel_loop3A_184, %parallel_loop3A_77 : i32
        %parallel_loop3A_186 = arith.constant 3 : i32
        %parallel_loop3A_187 = arith.addi %parallel_loop3A_185, %parallel_loop3A_186 : i32
        %parallel_loop3A_188 = arith.index_cast %parallel_loop3A_187 : i32 to index
        %parallel_loop3A_189 = arith.constant 32 : index
        %parallel_loop3A_190 = tpu.vector_load %arg9[%parallel_loop3A_188, %parallel_loop3A_189] {strides = array<i32>} : memref<128x128xf32, #tpu.memory_space<vmem>>, vector<1x16xf32>,
        %parallel_loop3A_191 = vector.shape_cast %parallel_loop3A_190 : vector<1x16xf32> to vector<16xf32>
        %parallel_loop3A_192 = arith.addf %parallel_loop3A_183, %parallel_loop3A_191 : vector<16xf32>
        %parallel_loop3A_193 = arith.constant 2.500000e-01 : f32
        %parallel_loop3A_194 = vector.broadcast %parallel_loop3A_193 : f32 to vector<16xf32>
        %parallel_loop3A_195 = arith.mulf %parallel_loop3A_192, %parallel_loop3A_194 : vector<16xf32>
        %parallel_loop3A_196 = arith.index_cast %parallel_loop3A_77 : i32 to index
        %parallel_loop3A_197 = arith.constant 32 : index
        %parallel_loop3A_198 = tpu.vector_load %arg10[%parallel_loop3A_196, %parallel_loop3A_197] {strides = array<i32>} : memref<32x128xf32, #tpu.memory_space<vmem>>, vector<1x16xf32>,
        %parallel_loop3A_199 = vector.shape_cast %parallel_loop3A_198 : vector<1x16xf32> to vector<16xf32>
        %parallel_loop3A_200 = vector.shape_cast %parallel_loop3A_195 : vector<16xf32> to vector<1x16xf32>
        tpu.vector_store %arg10[%parallel_loop3A_196, %parallel_loop3A_197], %parallel_loop3A_200 {strides = array<i32>} : memref<32x128xf32, #tpu.memory_space<vmem>>, vector<1x16xf32>,
        %parallel_loop3A_201 = arith.constant 4 : i32
        %parallel_loop3A_202 = arith.muli %parallel_loop3A_201, %parallel_loop3A_77 : i32
        %parallel_loop3A_203 = arith.index_cast %parallel_loop3A_202 : i32 to index
        %parallel_loop3A_204 = arith.constant 48 : index
        %parallel_loop3A_205 = tpu.vector_load %arg9[%parallel_loop3A_203, %parallel_loop3A_204] {strides = array<i32>} : memref<128x128xf32, #tpu.memory_space<vmem>>, vector<1x16xf32>,
        %parallel_loop3A_206 = vector.shape_cast %parallel_loop3A_205 : vector<1x16xf32> to vector<16xf32>
        %parallel_loop3A_207 = arith.constant 4 : i32
        %parallel_loop3A_208 = arith.muli %parallel_loop3A_207, %parallel_loop3A_77 : i32
        %parallel_loop3A_209 = arith.constant 1 : i32
        %parallel_loop3A_210 = arith.addi %parallel_loop3A_208, %parallel_loop3A_209 : i32
        %parallel_loop3A_211 = arith.index_cast %parallel_loop3A_210 : i32 to index
        %parallel_loop3A_212 = arith.constant 48 : index
        %parallel_loop3A_213 = tpu.vector_load %arg9[%parallel_loop3A_211, %parallel_loop3A_212] {strides = array<i32>} : memref<128x128xf32, #tpu.memory_space<vmem>>, vector<1x16xf32>,
        %parallel_loop3A_214 = vector.shape_cast %parallel_loop3A_213 : vector<1x16xf32> to vector<16xf32>
        %parallel_loop3A_215 = arith.addf %parallel_loop3A_206, %parallel_loop3A_214 : vector<16xf32>
        %parallel_loop3A_216 = arith.constant 4 : i32
        %parallel_loop3A_217 = arith.muli %parallel_loop3A_216, %parallel_loop3A_77 : i32
        %parallel_loop3A_218 = arith.constant 2 : i32
        %parallel_loop3A_219 = arith.addi %parallel_loop3A_217, %parallel_loop3A_218 : i32
        %parallel_loop3A_220 = arith.index_cast %parallel_loop3A_219 : i32 to index
        %parallel_loop3A_221 = arith.constant 48 : index
        %parallel_loop3A_222 = tpu.vector_load %arg9[%parallel_loop3A_220, %parallel_loop3A_221] {strides = array<i32>} : memref<128x128xf32, #tpu.memory_space<vmem>>, vector<1x16xf32>,
        %parallel_loop3A_223 = vector.shape_cast %parallel_loop3A_222 : vector<1x16xf32> to vector<16xf32>
        %parallel_loop3A_224 = arith.addf %parallel_loop3A_215, %parallel_loop3A_223 : vector<16xf32>
        %parallel_loop3A_225 = arith.constant 4 : i32
        %parallel_loop3A_226 = arith.muli %parallel_loop3A_225, %parallel_loop3A_77 : i32
        %parallel_loop3A_227 = arith.constant 3 : i32
        %parallel_loop3A_228 = arith.addi %parallel_loop3A_226, %parallel_loop3A_227 : i32
        %parallel_loop3A_229 = arith.index_cast %parallel_loop3A_228 : i32 to index
        %parallel_loop3A_230 = arith.constant 48 : index
        %parallel_loop3A_231 = tpu.vector_load %arg9[%parallel_loop3A_229, %parallel_loop3A_230] {strides = array<i32>} : memref<128x128xf32, #tpu.memory_space<vmem>>, vector<1x16xf32>,
        %parallel_loop3A_232 = vector.shape_cast %parallel_loop3A_231 : vector<1x16xf32> to vector<16xf32>
        %parallel_loop3A_233 = arith.addf %parallel_loop3A_224, %parallel_loop3A_232 : vector<16xf32>
        %parallel_loop3A_234 = arith.constant 2.500000e-01 : f32
        %parallel_loop3A_235 = vector.broadcast %parallel_loop3A_234 : f32 to vector<16xf32>
        %parallel_loop3A_236 = arith.mulf %parallel_loop3A_233, %parallel_loop3A_235 : vector<16xf32>
        %parallel_loop3A_237 = arith.index_cast %parallel_loop3A_77 : i32 to index
        %parallel_loop3A_238 = arith.constant 48 : index
        %parallel_loop3A_239 = tpu.vector_load %arg10[%parallel_loop3A_237, %parallel_loop3A_238] {strides = array<i32>} : memref<32x128xf32, #tpu.memory_space<vmem>>, vector<1x16xf32>,
        %parallel_loop3A_240 = vector.shape_cast %parallel_loop3A_239 : vector<1x16xf32> to vector<16xf32>
        %parallel_loop3A_241 = vector.shape_cast %parallel_loop3A_236 : vector<16xf32> to vector<1x16xf32>
        tpu.vector_store %arg10[%parallel_loop3A_237, %parallel_loop3A_238], %parallel_loop3A_241 {strides = array<i32>} : memref<32x128xf32, #tpu.memory_space<vmem>>, vector<1x16xf32>,
        %parallel_loop3A_242 = arith.constant 4 : i32
        %parallel_loop3A_243 = arith.muli %parallel_loop3A_242, %parallel_loop3A_77 : i32
        %parallel_loop3A_244 = arith.index_cast %parallel_loop3A_243 : i32 to index
        %parallel_loop3A_245 = arith.constant 64 : index
        %parallel_loop3A_246 = tpu.vector_load %arg9[%parallel_loop3A_244, %parallel_loop3A_245] {strides = array<i32>} : memref<128x128xf32, #tpu.memory_space<vmem>>, vector<1x16xf32>,
        %parallel_loop3A_247 = vector.shape_cast %parallel_loop3A_246 : vector<1x16xf32> to vector<16xf32>
        %parallel_loop3A_248 = arith.constant 4 : i32
        %parallel_loop3A_249 = arith.muli %parallel_loop3A_248, %parallel_loop3A_77 : i32
        %parallel_loop3A_250 = arith.constant 1 : i32
        %parallel_loop3A_251 = arith.addi %parallel_loop3A_249, %parallel_loop3A_250 : i32
        %parallel_loop3A_252 = arith.index_cast %parallel_loop3A_251 : i32 to index
        %parallel_loop3A_253 = arith.constant 64 : index
        %parallel_loop3A_254 = tpu.vector_load %arg9[%parallel_loop3A_252, %parallel_loop3A_253] {strides = array<i32>} : memref<128x128xf32, #tpu.memory_space<vmem>>, vector<1x16xf32>,
        %parallel_loop3A_255 = vector.shape_cast %parallel_loop3A_254 : vector<1x16xf32> to vector<16xf32>
        %parallel_loop3A_256 = arith.addf %parallel_loop3A_247, %parallel_loop3A_255 : vector<16xf32>
        %parallel_loop3A_257 = arith.constant 4 : i32
        %parallel_loop3A_258 = arith.muli %parallel_loop3A_257, %parallel_loop3A_77 : i32
        %parallel_loop3A_259 = arith.constant 2 : i32
        %parallel_loop3A_260 = arith.addi %parallel_loop3A_258, %parallel_loop3A_259 : i32
        %parallel_loop3A_261 = arith.index_cast %parallel_loop3A_260 : i32 to index
        %parallel_loop3A_262 = arith.constant 64 : index
        %parallel_loop3A_263 = tpu.vector_load %arg9[%parallel_loop3A_261, %parallel_loop3A_262] {strides = array<i32>} : memref<128x128xf32, #tpu.memory_space<vmem>>, vector<1x16xf32>,
        %parallel_loop3A_264 = vector.shape_cast %parallel_loop3A_263 : vector<1x16xf32> to vector<16xf32>
        %parallel_loop3A_265 = arith.addf %parallel_loop3A_256, %parallel_loop3A_264 : vector<16xf32>
        %parallel_loop3A_266 = arith.constant 4 : i32
        %parallel_loop3A_267 = arith.muli %parallel_loop3A_266, %parallel_loop3A_77 : i32
        %parallel_loop3A_268 = arith.constant 3 : i32
        %parallel_loop3A_269 = arith.addi %parallel_loop3A_267, %parallel_loop3A_268 : i32
        %parallel_loop3A_270 = arith.index_cast %parallel_loop3A_269 : i32 to index
        %parallel_loop3A_271 = arith.constant 64 : index
        %parallel_loop3A_272 = tpu.vector_load %arg9[%parallel_loop3A_270, %parallel_loop3A_271] {strides = array<i32>} : memref<128x128xf32, #tpu.memory_space<vmem>>, vector<1x16xf32>,
        %parallel_loop3A_273 = vector.shape_cast %parallel_loop3A_272 : vector<1x16xf32> to vector<16xf32>
        %parallel_loop3A_274 = arith.addf %parallel_loop3A_265, %parallel_loop3A_273 : vector<16xf32>
        %parallel_loop3A_275 = arith.constant 2.500000e-01 : f32
        %parallel_loop3A_276 = vector.broadcast %parallel_loop3A_275 : f32 to vector<16xf32>
        %parallel_loop3A_277 = arith.mulf %parallel_loop3A_274, %parallel_loop3A_276 : vector<16xf32>
        %parallel_loop3A_278 = arith.index_cast %parallel_loop3A_77 : i32 to index
        %parallel_loop3A_279 = arith.constant 64 : index
        %parallel_loop3A_280 = tpu.vector_load %arg10[%parallel_loop3A_278, %parallel_loop3A_279] {strides = array<i32>} : memref<32x128xf32, #tpu.memory_space<vmem>>, vector<1x16xf32>,
        %parallel_loop3A_281 = vector.shape_cast %parallel_loop3A_280 : vector<1x16xf32> to vector<16xf32>
        %parallel_loop3A_282 = vector.shape_cast %parallel_loop3A_277 : vector<16xf32> to vector<1x16xf32>
        tpu.vector_store %arg10[%parallel_loop3A_278, %parallel_loop3A_279], %parallel_loop3A_282 {strides = array<i32>} : memref<32x128xf32, #tpu.memory_space<vmem>>, vector<1x16xf32>,
        %parallel_loop3A_283 = arith.constant 4 : i32
        %parallel_loop3A_284 = arith.muli %parallel_loop3A_283, %parallel_loop3A_77 : i32
        %parallel_loop3A_285 = arith.index_cast %parallel_loop3A_284 : i32 to index
        %parallel_loop3A_286 = arith.constant 80 : index
        %parallel_loop3A_287 = tpu.vector_load %arg9[%parallel_loop3A_285, %parallel_loop3A_286] {strides = array<i32>} : memref<128x128xf32, #tpu.memory_space<vmem>>, vector<1x16xf32>,
        %parallel_loop3A_288 = vector.shape_cast %parallel_loop3A_287 : vector<1x16xf32> to vector<16xf32>
        %parallel_loop3A_289 = arith.constant 4 : i32
        %parallel_loop3A_290 = arith.muli %parallel_loop3A_289, %parallel_loop3A_77 : i32
        %parallel_loop3A_291 = arith.constant 1 : i32
        %parallel_loop3A_292 = arith.addi %parallel_loop3A_290, %parallel_loop3A_291 : i32
        %parallel_loop3A_293 = arith.index_cast %parallel_loop3A_292 : i32 to index
        %parallel_loop3A_294 = arith.constant 80 : index
        %parallel_loop3A_295 = tpu.vector_load %arg9[%parallel_loop3A_293, %parallel_loop3A_294] {strides = array<i32>} : memref<128x128xf32, #tpu.memory_space<vmem>>, vector<1x16xf32>,
        %parallel_loop3A_296 = vector.shape_cast %parallel_loop3A_295 : vector<1x16xf32> to vector<16xf32>
        %parallel_loop3A_297 = arith.addf %parallel_loop3A_288, %parallel_loop3A_296 : vector<16xf32>
        %parallel_loop3A_298 = arith.constant 4 : i32
        %parallel_loop3A_299 = arith.muli %parallel_loop3A_298, %parallel_loop3A_77 : i32
        %parallel_loop3A_300 = arith.constant 2 : i32
        %parallel_loop3A_301 = arith.addi %parallel_loop3A_299, %parallel_loop3A_300 : i32
        %parallel_loop3A_302 = arith.index_cast %parallel_loop3A_301 : i32 to index
        %parallel_loop3A_303 = arith.constant 80 : index
        %parallel_loop3A_304 = tpu.vector_load %arg9[%parallel_loop3A_302, %parallel_loop3A_303] {strides = array<i32>} : memref<128x128xf32, #tpu.memory_space<vmem>>, vector<1x16xf32>,
        %parallel_loop3A_305 = vector.shape_cast %parallel_loop3A_304 : vector<1x16xf32> to vector<16xf32>
        %parallel_loop3A_306 = arith.addf %parallel_loop3A_297, %parallel_loop3A_305 : vector<16xf32>
        %parallel_loop3A_307 = arith.constant 4 : i32
        %parallel_loop3A_308 = arith.muli %parallel_loop3A_307, %parallel_loop3A_77 : i32
        %parallel_loop3A_309 = arith.constant 3 : i32
        %parallel_loop3A_310 = arith.addi %parallel_loop3A_308, %parallel_loop3A_309 : i32
        %parallel_loop3A_311 = arith.index_cast %parallel_loop3A_310 : i32 to index
        %parallel_loop3A_312 = arith.constant 80 : index
        %parallel_loop3A_313 = tpu.vector_load %arg9[%parallel_loop3A_311, %parallel_loop3A_312] {strides = array<i32>} : memref<128x128xf32, #tpu.memory_space<vmem>>, vector<1x16xf32>,
        %parallel_loop3A_314 = vector.shape_cast %parallel_loop3A_313 : vector<1x16xf32> to vector<16xf32>
        %parallel_loop3A_315 = arith.addf %parallel_loop3A_306, %parallel_loop3A_314 : vector<16xf32>
        %parallel_loop3A_316 = arith.constant 2.500000e-01 : f32
        %parallel_loop3A_317 = vector.broadcast %parallel_loop3A_316 : f32 to vector<16xf32>
        %parallel_loop3A_318 = arith.mulf %parallel_loop3A_315, %parallel_loop3A_317 : vector<16xf32>
        %parallel_loop3A_319 = arith.index_cast %parallel_loop3A_77 : i32 to index
        %parallel_loop3A_320 = arith.constant 80 : index
        %parallel_loop3A_321 = tpu.vector_load %arg10[%parallel_loop3A_319, %parallel_loop3A_320] {strides = array<i32>} : memref<32x128xf32, #tpu.memory_space<vmem>>, vector<1x16xf32>,
        %parallel_loop3A_322 = vector.shape_cast %parallel_loop3A_321 : vector<1x16xf32> to vector<16xf32>
        %parallel_loop3A_323 = vector.shape_cast %parallel_loop3A_318 : vector<16xf32> to vector<1x16xf32>
        tpu.vector_store %arg10[%parallel_loop3A_319, %parallel_loop3A_320], %parallel_loop3A_323 {strides = array<i32>} : memref<32x128xf32, #tpu.memory_space<vmem>>, vector<1x16xf32>,
        %parallel_loop3A_324 = arith.constant 4 : i32
        %parallel_loop3A_325 = arith.muli %parallel_loop3A_324, %parallel_loop3A_77 : i32
        %parallel_loop3A_326 = arith.index_cast %parallel_loop3A_325 : i32 to index
        %parallel_loop3A_327 = arith.constant 96 : index
        %parallel_loop3A_328 = tpu.vector_load %arg9[%parallel_loop3A_326, %parallel_loop3A_327] {strides = array<i32>} : memref<128x128xf32, #tpu.memory_space<vmem>>, vector<1x16xf32>,
        %parallel_loop3A_329 = vector.shape_cast %parallel_loop3A_328 : vector<1x16xf32> to vector<16xf32>
        %parallel_loop3A_330 = arith.constant 4 : i32
        %parallel_loop3A_331 = arith.muli %parallel_loop3A_330, %parallel_loop3A_77 : i32
        %parallel_loop3A_332 = arith.constant 1 : i32
        %parallel_loop3A_333 = arith.addi %parallel_loop3A_331, %parallel_loop3A_332 : i32
        %parallel_loop3A_334 = arith.index_cast %parallel_loop3A_333 : i32 to index
        %parallel_loop3A_335 = arith.constant 96 : index
        %parallel_loop3A_336 = tpu.vector_load %arg9[%parallel_loop3A_334, %parallel_loop3A_335] {strides = array<i32>} : memref<128x128xf32, #tpu.memory_space<vmem>>, vector<1x16xf32>,
        %parallel_loop3A_337 = vector.shape_cast %parallel_loop3A_336 : vector<1x16xf32> to vector<16xf32>
        %parallel_loop3A_338 = arith.addf %parallel_loop3A_329, %parallel_loop3A_337 : vector<16xf32>
        %parallel_loop3A_339 = arith.constant 4 : i32
        %parallel_loop3A_340 = arith.muli %parallel_loop3A_339, %parallel_loop3A_77 : i32
        %parallel_loop3A_341 = arith.constant 2 : i32
        %parallel_loop3A_342 = arith.addi %parallel_loop3A_340, %parallel_loop3A_341 : i32
        %parallel_loop3A_343 = arith.index_cast %parallel_loop3A_342 : i32 to index
        %parallel_loop3A_344 = arith.constant 96 : index
        %parallel_loop3A_345 = tpu.vector_load %arg9[%parallel_loop3A_343, %parallel_loop3A_344] {strides = array<i32>} : memref<128x128xf32, #tpu.memory_space<vmem>>, vector<1x16xf32>,
        %parallel_loop3A_346 = vector.shape_cast %parallel_loop3A_345 : vector<1x16xf32> to vector<16xf32>
        %parallel_loop3A_347 = arith.addf %parallel_loop3A_338, %parallel_loop3A_346 : vector<16xf32>
        %parallel_loop3A_348 = arith.constant 4 : i32
        %parallel_loop3A_349 = arith.muli %parallel_loop3A_348, %parallel_loop3A_77 : i32
        %parallel_loop3A_350 = arith.constant 3 : i32
        %parallel_loop3A_351 = arith.addi %parallel_loop3A_349, %parallel_loop3A_350 : i32
        %parallel_loop3A_352 = arith.index_cast %parallel_loop3A_351 : i32 to index
        %parallel_loop3A_353 = arith.constant 96 : index
        %parallel_loop3A_354 = tpu.vector_load %arg9[%parallel_loop3A_352, %parallel_loop3A_353] {strides = array<i32>} : memref<128x128xf32, #tpu.memory_space<vmem>>, vector<1x16xf32>,
        %parallel_loop3A_355 = vector.shape_cast %parallel_loop3A_354 : vector<1x16xf32> to vector<16xf32>
        %parallel_loop3A_356 = arith.addf %parallel_loop3A_347, %parallel_loop3A_355 : vector<16xf32>
        %parallel_loop3A_357 = arith.constant 2.500000e-01 : f32
        %parallel_loop3A_358 = vector.broadcast %parallel_loop3A_357 : f32 to vector<16xf32>
        %parallel_loop3A_359 = arith.mulf %parallel_loop3A_356, %parallel_loop3A_358 : vector<16xf32>
        %parallel_loop3A_360 = arith.index_cast %parallel_loop3A_77 : i32 to index
        %parallel_loop3A_361 = arith.constant 96 : index
        %parallel_loop3A_362 = tpu.vector_load %arg10[%parallel_loop3A_360, %parallel_loop3A_361] {strides = array<i32>} : memref<32x128xf32, #tpu.memory_space<vmem>>, vector<1x16xf32>,
        %parallel_loop3A_363 = vector.shape_cast %parallel_loop3A_362 : vector<1x16xf32> to vector<16xf32>
        %parallel_loop3A_364 = vector.shape_cast %parallel_loop3A_359 : vector<16xf32> to vector<1x16xf32>
        tpu.vector_store %arg10[%parallel_loop3A_360, %parallel_loop3A_361], %parallel_loop3A_364 {strides = array<i32>} : memref<32x128xf32, #tpu.memory_space<vmem>>, vector<1x16xf32>,
        %parallel_loop3A_365 = arith.constant 4 : i32
        %parallel_loop3A_366 = arith.muli %parallel_loop3A_365, %parallel_loop3A_77 : i32
        %parallel_loop3A_367 = arith.index_cast %parallel_loop3A_366 : i32 to index
        %parallel_loop3A_368 = arith.constant 112 : index
        %parallel_loop3A_369 = tpu.vector_load %arg9[%parallel_loop3A_367, %parallel_loop3A_368] {strides = array<i32>} : memref<128x128xf32, #tpu.memory_space<vmem>>, vector<1x16xf32>,
        %parallel_loop3A_370 = vector.shape_cast %parallel_loop3A_369 : vector<1x16xf32> to vector<16xf32>
        %parallel_loop3A_371 = arith.constant 4 : i32
        %parallel_loop3A_372 = arith.muli %parallel_loop3A_371, %parallel_loop3A_77 : i32
        %parallel_loop3A_373 = arith.constant 1 : i32
        %parallel_loop3A_374 = arith.addi %parallel_loop3A_372, %parallel_loop3A_373 : i32
        %parallel_loop3A_375 = arith.index_cast %parallel_loop3A_374 : i32 to index
        %parallel_loop3A_376 = arith.constant 112 : index
        %parallel_loop3A_377 = tpu.vector_load %arg9[%parallel_loop3A_375, %parallel_loop3A_376] {strides = array<i32>} : memref<128x128xf32, #tpu.memory_space<vmem>>, vector<1x16xf32>,
        %parallel_loop3A_378 = vector.shape_cast %parallel_loop3A_377 : vector<1x16xf32> to vector<16xf32>
        %parallel_loop3A_379 = arith.addf %parallel_loop3A_370, %parallel_loop3A_378 : vector<16xf32>
        %parallel_loop3A_380 = arith.constant 4 : i32
        %parallel_loop3A_381 = arith.muli %parallel_loop3A_380, %parallel_loop3A_77 : i32
        %parallel_loop3A_382 = arith.constant 2 : i32
        %parallel_loop3A_383 = arith.addi %parallel_loop3A_381, %parallel_loop3A_382 : i32
        %parallel_loop3A_384 = arith.index_cast %parallel_loop3A_383 : i32 to index
        %parallel_loop3A_385 = arith.constant 112 : index
        %parallel_loop3A_386 = tpu.vector_load %arg9[%parallel_loop3A_384, %parallel_loop3A_385] {strides = array<i32>} : memref<128x128xf32, #tpu.memory_space<vmem>>, vector<1x16xf32>,
        %parallel_loop3A_387 = vector.shape_cast %parallel_loop3A_386 : vector<1x16xf32> to vector<16xf32>
        %parallel_loop3A_388 = arith.addf %parallel_loop3A_379, %parallel_loop3A_387 : vector<16xf32>
        %parallel_loop3A_389 = arith.constant 4 : i32
        %parallel_loop3A_390 = arith.muli %parallel_loop3A_389, %parallel_loop3A_77 : i32
        %parallel_loop3A_391 = arith.constant 3 : i32
        %parallel_loop3A_392 = arith.addi %parallel_loop3A_390, %parallel_loop3A_391 : i32
        %parallel_loop3A_393 = arith.index_cast %parallel_loop3A_392 : i32 to index
        %parallel_loop3A_394 = arith.constant 112 : index
        %parallel_loop3A_395 = tpu.vector_load %arg9[%parallel_loop3A_393, %parallel_loop3A_394] {strides = array<i32>} : memref<128x128xf32, #tpu.memory_space<vmem>>, vector<1x16xf32>,
        %parallel_loop3A_396 = vector.shape_cast %parallel_loop3A_395 : vector<1x16xf32> to vector<16xf32>
        %parallel_loop3A_397 = arith.addf %parallel_loop3A_388, %parallel_loop3A_396 : vector<16xf32>
        %parallel_loop3A_398 = arith.constant 2.500000e-01 : f32
        %parallel_loop3A_399 = vector.broadcast %parallel_loop3A_398 : f32 to vector<16xf32>
        %parallel_loop3A_400 = arith.mulf %parallel_loop3A_397, %parallel_loop3A_399 : vector<16xf32>
        %parallel_loop3A_401 = arith.index_cast %parallel_loop3A_77 : i32 to index
        %parallel_loop3A_402 = arith.constant 112 : index
        %parallel_loop3A_403 = tpu.vector_load %arg10[%parallel_loop3A_401, %parallel_loop3A_402] {strides = array<i32>} : memref<32x128xf32, #tpu.memory_space<vmem>>, vector<1x16xf32>,
        %parallel_loop3A_404 = vector.shape_cast %parallel_loop3A_403 : vector<1x16xf32> to vector<16xf32>
        %parallel_loop3A_405 = vector.shape_cast %parallel_loop3A_400 : vector<16xf32> to vector<1x16xf32>
        tpu.vector_store %arg10[%parallel_loop3A_401, %parallel_loop3A_402], %parallel_loop3A_405 {strides = array<i32>} : memref<32x128xf32, #tpu.memory_space<vmem>>, vector<1x16xf32>,
      } {sc.loop_unroll_factor = 2 : i64, sc.parallel_access}
      %mul3A_74 = arith.constant 32 : i32
      %mul3A_75 = arith.muli %add3A_70, %mul3A_74 : i32
      %add3A_76 = arith.addi %mul3A_10, %mul3A_75 : i32
      "tpu.region"() ({
        %run_scoped3A = tpu.sem_alloc : memref<!tpu.dma_semaphore, #tpu.memory_space<semaphore_mem>>
        %dma_start3A_77 = arith.constant 0 : i32
        %dma_start3A_78 = tpu.memref_slice %arg5[%add3A_76, %dma_start3A_77] : memref<20480x128xf32, #tpu.memory_space<hbm>> -> memref<32x128xf32, #tpu.memory_space<hbm>>
        %dma_start3A_79 = arith.constant 0 : i32
        %dma_start3A_80 = tpu.memref_slice %arg5[%add3A_76, %dma_start3A_79] : memref<20480x128xf32, #tpu.memory_space<hbm>> -> memref<32x128xf32, #tpu.memory_space<hbm>>
        tpu.enqueue_dma source(%arg10 : memref<32x128xf32, #tpu.memory_space<vmem>>) target(%dma_start3A_80 : memref<32x128xf32, #tpu.memory_space<hbm>>) target_semaphore(%run_scoped3A : memref<!tpu.dma_semaphore, #tpu.memory_space<semaphore_mem>>)
        %dma_wait3A_81 = arith.constant 0 : i32
        %dma_wait3A_82 = tpu.memref_slice %arg5[%add3A_76, %dma_wait3A_81] : memref<20480x128xf32, #tpu.memory_space<hbm>> -> memref<32x128xf32, #tpu.memory_space<hbm>>
        %dma_wait3A_83 = arith.constant 0 : i32
        %dma_wait3A_84 = tpu.memref_slice %arg5[%add3A_76, %dma_wait3A_83] : memref<20480x128xf32, #tpu.memory_space<hbm>> -> memref<32x128xf32, #tpu.memory_space<hbm>>
        tpu.wait_dma2 semaphore(%run_scoped3A : memref<!tpu.dma_semaphore, #tpu.memory_space<semaphore_mem>>) src(%arg10 : memref<32x128xf32, #tpu.memory_space<vmem>>) dst(%dma_wait3A_84 : memref<32x128xf32, #tpu.memory_space<hbm>>)
        tpu.yield
      }) : () -> ()
    }
    %scan3A_22 = arith.constant 10 : i32
    %dma_wait3A_23 = arith.constant 0 : i32
    %dma_wait3A_24 = arith.constant 0 : i32
    %dma_wait3A_25 = tpu.memref_slice %arg7[%dma_wait3A_23, %dma_wait3A_24] : memref<20x128xi32, #tpu.memory_space<vmem>> -> memref<1x128xi32, #tpu.memory_space<vmem>>
    %dma_wait3A_26 = tpu.memref_squeeze %dma_wait3A_25 : memref<1x128xi32, #tpu.memory_space<vmem>> -> memref<128xi32, #tpu.memory_space<vmem>>
    %dma_wait3A_27 = arith.constant 0 : i32
    %dma_wait3A_28 = arith.constant 0 : i32
    %dma_wait3A_29 = tpu.memref_slice %arg2[%dma_wait3A_27, %dma_wait3A_28] : memref<10000x128xf32, #tpu.memory_space<hbm>> -> memref<10000x128xf32, #tpu.memory_space<hbm>>
    tpu.wait_indirect_dma semaphore(%arg13 : memref<!tpu.dma_semaphore, #tpu.memory_space<semaphore_mem>>) src(%dma_wait3A_29 : memref<10000x128xf32, #tpu.memory_space<hbm>>) dst(%arg8 : memref<128x128xf32, #tpu.memory_space<vmem>>)
    return
  }
}

#map = affine_map<(d0, d1) -> (0, 0)>
#map1 = affine_map<(d0, d1) -> (0, 0, 0)>
#map2 = affine_map<(d0, d1) -> (0)>
module attributes {stable_mosaic.version = 14 : i64} {
  func.func @_sc_gather_body(%arg0: i32, %arg1: i32, %arg2: memref<10000x128xf32, #tpu.memory_space<hbm>>, %arg3: memref<32x20x128xi32, #tpu.memory_space<hbm>>, %arg4: memref<2048xi32, #tpu.memory_space<hbm>>, %arg5: memref<20480x128xf32, #tpu.memory_space<hbm>>, %arg6: memref<2048x128xf32, #tpu.memory_space<hbm>>, %arg7: memref<20x128xi32, #tpu.memory_space<vmem>>, %arg8: memref<128x128xf32, #tpu.memory_space<vmem>>, %arg9: memref<128x128xf32, #tpu.memory_space<vmem>>, %arg10: memref<32x128xf32, #tpu.memory_space<vmem>>, %arg11: memref<64xi32, #tpu.memory_space<vmem>>, %arg12: memref<64x128xf32, #tpu.memory_space<vmem>>, %arg13: memref<!tpu.dma_semaphore, #tpu.memory_space<semaphore_mem>>, %arg14: memref<!tpu.dma_semaphore, #tpu.memory_space<semaphore_mem>>, %arg15: memref<!tpu.dma_semaphore, #tpu.memory_space<semaphore_mem>>) attributes {dimension_semantics = [#tpu.dimension_semantics<core_parallel>, #tpu.dimension_semantics<subcore_parallel>], iteration_bounds = array<i64: 2, 16>, scalar_prefetch = 0 : i64, scratch_operands = 9 : i64, tpu.core_type = #tpu.core_type<sc_vector_subcore>, window_params = [{transform_indices = #map}, {transform_indices = #map1}, {transform_indices = #map2}, {transform_indices = #map}, {transform_indices = #map}]} {
    %mul3A = arith.constant 2 : i32
    %mul3A_0 = arith.muli %arg1, %mul3A : i32
    %add3A = arith.addi %mul3A_0, %arg0 : i32
    "tpu.region"() ({
      %run_scoped3A = tpu.sem_alloc : memref<!tpu.dma_semaphore, #tpu.memory_space<semaphore_mem>>
      %dma_start3A_30 = arith.constant 0 : i32
      %dma_start3A_31 = arith.constant 0 : i32
      %dma_start3A_32 = tpu.memref_slice %arg3[%add3A, %dma_start3A_30, %dma_start3A_31] : memref<32x20x128xi32, #tpu.memory_space<hbm>> -> memref<1x20x128xi32, #tpu.memory_space<hbm>>
      %dma_start3A_33 = tpu.memref_squeeze %dma_start3A_32 : memref<1x20x128xi32, #tpu.memory_space<hbm>> -> memref<20x128xi32, #tpu.memory_space<hbm>>
      %dma_start3A_34 = arith.constant 0 : i32
      %dma_start3A_35 = arith.constant 0 : i32
      %dma_start3A_36 = tpu.memref_slice %arg3[%add3A, %dma_start3A_34, %dma_start3A_35] : memref<32x20x128xi32, #tpu.memory_space<hbm>> -> memref<1x20x128xi32, #tpu.memory_space<hbm>>
      %dma_start3A_37 = tpu.memref_squeeze %dma_start3A_36 : memref<1x20x128xi32, #tpu.memory_space<hbm>> -> memref<20x128xi32, #tpu.memory_space<hbm>>
      tpu.enqueue_dma source(%dma_start3A_37 : memref<20x128xi32, #tpu.memory_space<hbm>>) target(%arg7 : memref<20x128xi32, #tpu.memory_space<vmem>>) target_semaphore(%run_scoped3A : memref<!tpu.dma_semaphore, #tpu.memory_space<semaphore_mem>>)
      %dma_wait3A_38 = arith.constant 0 : i32
      %dma_wait3A_39 = arith.constant 0 : i32
      %dma_wait3A_40 = tpu.memref_slice %arg3[%add3A, %dma_wait3A_38, %dma_wait3A_39] : memref<32x20x128xi32, #tpu.memory_space<hbm>> -> memref<1x20x128xi32, #tpu.memory_space<hbm>>
      %dma_wait3A_41 = tpu.memref_squeeze %dma_wait3A_40 : memref<1x20x128xi32, #tpu.memory_space<hbm>> -> memref<20x128xi32, #tpu.memory_space<hbm>>
      %dma_wait3A_42 = arith.constant 0 : i32
      %dma_wait3A_43 = arith.constant 0 : i32
      %dma_wait3A_44 = tpu.memref_slice %arg3[%add3A, %dma_wait3A_42, %dma_wait3A_43] : memref<32x20x128xi32, #tpu.memory_space<hbm>> -> memref<1x20x128xi32, #tpu.memory_space<hbm>>
      %dma_wait3A_45 = tpu.memref_squeeze %dma_wait3A_44 : memref<1x20x128xi32, #tpu.memory_space<hbm>> -> memref<20x128xi32, #tpu.memory_space<hbm>>
      tpu.wait_dma2 semaphore(%run_scoped3A : memref<!tpu.dma_semaphore, #tpu.memory_space<semaphore_mem>>) src(%dma_wait3A_45 : memref<20x128xi32, #tpu.memory_space<hbm>>) dst(%arg7 : memref<20x128xi32, #tpu.memory_space<vmem>>)
      tpu.yield
    }) : () -> ()
    %mul3A_1 = arith.constant 64 : i32
    %mul3A_2 = arith.muli %add3A, %mul3A_1 : i32
    "tpu.region"() ({
      %run_scoped3A = tpu.sem_alloc : memref<!tpu.dma_semaphore, #tpu.memory_space<semaphore_mem>>
      %dma_start3A_30 = tpu.memref_slice %arg4[%mul3A_2] : memref<2048xi32, #tpu.memory_space<hbm>> -> memref<64xi32, #tpu.memory_space<hbm>>
      %dma_start3A_31 = tpu.memref_slice %arg4[%mul3A_2] : memref<2048xi32, #tpu.memory_space<hbm>> -> memref<64xi32, #tpu.memory_space<hbm>>
      tpu.enqueue_dma source(%dma_start3A_31 : memref<64xi32, #tpu.memory_space<hbm>>) target(%arg11 : memref<64xi32, #tpu.memory_space<vmem>>) target_semaphore(%run_scoped3A : memref<!tpu.dma_semaphore, #tpu.memory_space<semaphore_mem>>)
      %dma_wait3A_32 = tpu.memref_slice %arg4[%mul3A_2] : memref<2048xi32, #tpu.memory_space<hbm>> -> memref<64xi32, #tpu.memory_space<hbm>>
      %dma_wait3A_33 = tpu.memref_slice %arg4[%mul3A_2] : memref<2048xi32, #tpu.memory_space<hbm>> -> memref<64xi32, #tpu.memory_space<hbm>>
      tpu.wait_dma2 semaphore(%run_scoped3A : memref<!tpu.dma_semaphore, #tpu.memory_space<semaphore_mem>>) src(%dma_wait3A_33 : memref<64xi32, #tpu.memory_space<hbm>>) dst(%arg11 : memref<64xi32, #tpu.memory_space<vmem>>)
      tpu.yield
    }) : () -> ()
    %dma_start3A = arith.constant 0 : i32
    %dma_start3A_3 = arith.constant 0 : i32
    %dma_start3A_4 = tpu.memref_slice %arg2[%dma_start3A, %dma_start3A_3] : memref<10000x128xf32, #tpu.memory_space<hbm>> -> memref<10000x128xf32, #tpu.memory_space<hbm>>
    tpu.enqueue_indirect_dma source(%dma_start3A_4 : memref<10000x128xf32, #tpu.memory_space<hbm>>) target(%arg12 : memref<64x128xf32, #tpu.memory_space<vmem>>) offsets(%arg11 : memref<64xi32, #tpu.memory_space<vmem>>) semaphore(%arg15 : memref<!tpu.dma_semaphore, #tpu.memory_space<semaphore_mem>>)
    %dma_wait3A = arith.constant 0 : i32
    %dma_wait3A_5 = arith.constant 0 : i32
    %dma_wait3A_6 = tpu.memref_slice %arg2[%dma_wait3A, %dma_wait3A_5] : memref<10000x128xf32, #tpu.memory_space<hbm>> -> memref<10000x128xf32, #tpu.memory_space<hbm>>
    tpu.wait_indirect_dma semaphore(%arg15 : memref<!tpu.dma_semaphore, #tpu.memory_space<semaphore_mem>>) src(%dma_wait3A_6 : memref<10000x128xf32, #tpu.memory_space<hbm>>) dst(%arg12 : memref<64x128xf32, #tpu.memory_space<vmem>>)
    "tpu.region"() ({
      %run_scoped3A = tpu.sem_alloc : memref<!tpu.dma_semaphore, #tpu.memory_space<semaphore_mem>>
      %dma_start3A_30 = arith.constant 0 : i32
      %dma_start3A_31 = tpu.memref_slice %arg6[%mul3A_2, %dma_start3A_30] : memref<2048x128xf32, #tpu.memory_space<hbm>> -> memref<64x128xf32, #tpu.memory_space<hbm>>
      %dma_start3A_32 = arith.constant 0 : i32
      %dma_start3A_33 = tpu.memref_slice %arg6[%mul3A_2, %dma_start3A_32] : memref<2048x128xf32, #tpu.memory_space<hbm>> -> memref<64x128xf32, #tpu.memory_space<hbm>>
      tpu.enqueue_dma source(%arg12 : memref<64x128xf32, #tpu.memory_space<vmem>>) target(%dma_start3A_33 : memref<64x128xf32, #tpu.memory_space<hbm>>) target_semaphore(%run_scoped3A : memref<!tpu.dma_semaphore, #tpu.memory_space<semaphore_mem>>)
      %dma_wait3A_34 = arith.constant 0 : i32
      %dma_wait3A_35 = tpu.memref_slice %arg6[%mul3A_2, %dma_wait3A_34] : memref<2048x128xf32, #tpu.memory_space<hbm>> -> memref<64x128xf32, #tpu.memory_space<hbm>>
      %dma_wait3A_36 = arith.constant 0 : i32
      %dma_wait3A_37 = tpu.memref_slice %arg6[%mul3A_2, %dma_wait3A_36] : memref<2048x128xf32, #tpu.memory_space<hbm>> -> memref<64x128xf32, #tpu.memory_space<hbm>>
      tpu.wait_dma2 semaphore(%run_scoped3A : memref<!tpu.dma_semaphore, #tpu.memory_space<semaphore_mem>>) src(%arg12 : memref<64x128xf32, #tpu.memory_space<vmem>>) dst(%dma_wait3A_37 : memref<64x128xf32, #tpu.memory_space<hbm>>)
      tpu.yield
    }) : () -> ()
    %mul3A_7 = arith.constant 20 : i32
    %mul3A_8 = arith.muli %add3A, %mul3A_7 : i32
    %mul3A_9 = arith.constant 32 : i32
    %mul3A_10 = arith.muli %mul3A_8, %mul3A_9 : i32
    %dma_start3A_11 = arith.constant 0 : i32
    %dma_start3A_12 = arith.constant 0 : i32
    %dma_start3A_13 = tpu.memref_slice %arg7[%dma_start3A_11, %dma_start3A_12] : memref<20x128xi32, #tpu.memory_space<vmem>> -> memref<1x128xi32, #tpu.memory_space<vmem>>
    %dma_start3A_14 = tpu.memref_squeeze %dma_start3A_13 : memref<1x128xi32, #tpu.memory_space<vmem>> -> memref<128xi32, #tpu.memory_space<vmem>>
    %dma_start3A_15 = arith.constant 0 : i32
    %dma_start3A_16 = arith.constant 0 : i32
    %dma_start3A_17 = tpu.memref_slice %arg2[%dma_start3A_15, %dma_start3A_16] : memref<10000x128xf32, #tpu.memory_space<hbm>> -> memref<10000x128xf32, #tpu.memory_space<hbm>>
    tpu.enqueue_indirect_dma source(%dma_start3A_17 : memref<10000x128xf32, #tpu.memory_space<hbm>>) target(%arg8 : memref<128x128xf32, #tpu.memory_space<vmem>>) offsets(%dma_start3A_14 : memref<128xi32, #tpu.memory_space<vmem>>) semaphore(%arg13 : memref<!tpu.dma_semaphore, #tpu.memory_space<semaphore_mem>>)
    %scan3A = arith.constant 0 : i32
    %scan3A_18 = arith.constant 0 : i32
    %scan3A_19 = arith.constant 10 : i32
    %scan3A_20 = arith.addi %scan3A_18, %scan3A_19 : i32
    %scan3A_21 = arith.constant 1 : i32
    scf.for %scan3A_30 = %scan3A_18 to %scan3A_20 step %scan3A_21  : i32 {
      %mul3A_31 = arith.constant 2 : i32
      %mul3A_32 = arith.muli %mul3A_31, %scan3A_30 : i32
      %add3A_33 = arith.constant 1 : i32
      %add3A_34 = arith.addi %mul3A_32, %add3A_33 : i32
      %dma_start3A_35 = arith.constant 0 : i32
      %dma_start3A_36 = tpu.memref_slice %arg7[%add3A_34, %dma_start3A_35] : memref<20x128xi32, #tpu.memory_space<vmem>> -> memref<1x128xi32, #tpu.memory_space<vmem>>
      %dma_start3A_37 = tpu.memref_squeeze %dma_start3A_36 : memref<1x128xi32, #tpu.memory_space<vmem>> -> memref<128xi32, #tpu.memory_space<vmem>>
      %dma_start3A_38 = arith.constant 0 : i32
      %dma_start3A_39 = arith.constant 0 : i32
      %dma_start3A_40 = tpu.memref_slice %arg2[%dma_start3A_38, %dma_start3A_39] : memref<10000x128xf32, #tpu.memory_space<hbm>> -> memref<10000x128xf32, #tpu.memory_space<hbm>>
      tpu.enqueue_indirect_dma source(%dma_start3A_40 : memref<10000x128xf32, #tpu.memory_space<hbm>>) target(%arg9 : memref<128x128xf32, #tpu.memory_space<vmem>>) offsets(%dma_start3A_37 : memref<128xi32, #tpu.memory_space<vmem>>) semaphore(%arg14 : memref<!tpu.dma_semaphore, #tpu.memory_space<semaphore_mem>>)
      %dma_wait3A_41 = arith.constant 0 : i32
      %dma_wait3A_42 = arith.constant 0 : i32
      %dma_wait3A_43 = tpu.memref_slice %arg7[%dma_wait3A_41, %dma_wait3A_42] : memref<20x128xi32, #tpu.memory_space<vmem>> -> memref<1x128xi32, #tpu.memory_space<vmem>>
      %dma_wait3A_44 = tpu.memref_squeeze %dma_wait3A_43 : memref<1x128xi32, #tpu.memory_space<vmem>> -> memref<128xi32, #tpu.memory_space<vmem>>
      %dma_wait3A_45 = arith.constant 0 : i32
      %dma_wait3A_46 = arith.constant 0 : i32
      %dma_wait3A_47 = tpu.memref_slice %arg2[%dma_wait3A_45, %dma_wait3A_46] : memref<10000x128xf32, #tpu.memory_space<hbm>> -> memref<10000x128xf32, #tpu.memory_space<hbm>>
      tpu.wait_indirect_dma semaphore(%arg13 : memref<!tpu.dma_semaphore, #tpu.memory_space<semaphore_mem>>) src(%dma_wait3A_47 : memref<10000x128xf32, #tpu.memory_space<hbm>>) dst(%arg8 : memref<128x128xf32, #tpu.memory_space<vmem>>)
      %parallel_loop3A = arith.constant 0 : i32
      %parallel_loop3A_48 = arith.constant 32 : i32
      %parallel_loop3A_49 = arith.constant 1 : i32
      scf.for %parallel_loop3A_77 = %parallel_loop3A to %parallel_loop3A_48 step %parallel_loop3A_49  : i32 {
        %parallel_loop3A_78 = arith.constant 4 : i32
        %parallel_loop3A_79 = arith.muli %parallel_loop3A_78, %parallel_loop3A_77 : i32
        %parallel_loop3A_80 = arith.index_cast %parallel_loop3A_79 : i32 to index
        %parallel_loop3A_81 = arith.constant 0 : index
        %parallel_loop3A_82 = tpu.vector_load %arg8[%parallel_loop3A_80, %parallel_loop3A_81] {strides = array<i32>} : memref<128x128xf32, #tpu.memory_space<vmem>>, vector<1x16xf32>,
        %parallel_loop3A_83 = vector.shape_cast %parallel_loop3A_82 : vector<1x16xf32> to vector<16xf32>
        %parallel_loop3A_84 = arith.constant 4 : i32
        %parallel_loop3A_85 = arith.muli %parallel_loop3A_84, %parallel_loop3A_77 : i32
        %parallel_loop3A_86 = arith.constant 1 : i32
        %parallel_loop3A_87 = arith.addi %parallel_loop3A_85, %parallel_loop3A_86 : i32
        %parallel_loop3A_88 = arith.index_cast %parallel_loop3A_87 : i32 to index
        %parallel_loop3A_89 = arith.constant 0 : index
        %parallel_loop3A_90 = tpu.vector_load %arg8[%parallel_loop3A_88, %parallel_loop3A_89] {strides = array<i32>} : memref<128x128xf32, #tpu.memory_space<vmem>>, vector<1x16xf32>,
        %parallel_loop3A_91 = vector.shape_cast %parallel_loop3A_90 : vector<1x16xf32> to vector<16xf32>
        %parallel_loop3A_92 = arith.addf %parallel_loop3A_83, %parallel_loop3A_91 : vector<16xf32>
        %parallel_loop3A_93 = arith.constant 4 : i32
        %parallel_loop3A_94 = arith.muli %parallel_loop3A_93, %parallel_loop3A_77 : i32
        %parallel_loop3A_95 = arith.constant 2 : i32
        %parallel_loop3A_96 = arith.addi %parallel_loop3A_94, %parallel_loop3A_95 : i32
        %parallel_loop3A_97 = arith.index_cast %parallel_loop3A_96 : i32 to index
        %parallel_loop3A_98 = arith.constant 0 : index
        %parallel_loop3A_99 = tpu.vector_load %arg8[%parallel_loop3A_97, %parallel_loop3A_98] {strides = array<i32>} : memref<128x128xf32, #tpu.memory_space<vmem>>, vector<1x16xf32>,
        %parallel_loop3A_100 = vector.shape_cast %parallel_loop3A_99 : vector<1x16xf32> to vector<16xf32>
        %parallel_loop3A_101 = arith.addf %parallel_loop3A_92, %parallel_loop3A_100 : vector<16xf32>
        %parallel_loop3A_102 = arith.constant 4 : i32
        %parallel_loop3A_103 = arith.muli %parallel_loop3A_102, %parallel_loop3A_77 : i32
        %parallel_loop3A_104 = arith.constant 3 : i32
        %parallel_loop3A_105 = arith.addi %parallel_loop3A_103, %parallel_loop3A_104 : i32
        %parallel_loop3A_106 = arith.index_cast %parallel_loop3A_105 : i32 to index
        %parallel_loop3A_107 = arith.constant 0 : index
        %parallel_loop3A_108 = tpu.vector_load %arg8[%parallel_loop3A_106, %parallel_loop3A_107] {strides = array<i32>} : memref<128x128xf32, #tpu.memory_space<vmem>>, vector<1x16xf32>,
        %parallel_loop3A_109 = vector.shape_cast %parallel_loop3A_108 : vector<1x16xf32> to vector<16xf32>
        %parallel_loop3A_110 = arith.addf %parallel_loop3A_101, %parallel_loop3A_109 : vector<16xf32>
        %parallel_loop3A_111 = arith.constant 2.500000e-01 : f32
        %parallel_loop3A_112 = vector.broadcast %parallel_loop3A_111 : f32 to vector<16xf32>
        %parallel_loop3A_113 = arith.mulf %parallel_loop3A_110, %parallel_loop3A_112 : vector<16xf32>
        %parallel_loop3A_114 = arith.index_cast %parallel_loop3A_77 : i32 to index
        %parallel_loop3A_115 = arith.constant 0 : index
        %parallel_loop3A_116 = tpu.vector_load %arg10[%parallel_loop3A_114, %parallel_loop3A_115] {strides = array<i32>} : memref<32x128xf32, #tpu.memory_space<vmem>>, vector<1x16xf32>,
        %parallel_loop3A_117 = vector.shape_cast %parallel_loop3A_116 : vector<1x16xf32> to vector<16xf32>
        %parallel_loop3A_118 = vector.shape_cast %parallel_loop3A_113 : vector<16xf32> to vector<1x16xf32>
        tpu.vector_store %arg10[%parallel_loop3A_114, %parallel_loop3A_115], %parallel_loop3A_118 {strides = array<i32>} : memref<32x128xf32, #tpu.memory_space<vmem>>, vector<1x16xf32>,
        %parallel_loop3A_119 = arith.constant 4 : i32
        %parallel_loop3A_120 = arith.muli %parallel_loop3A_119, %parallel_loop3A_77 : i32
        %parallel_loop3A_121 = arith.index_cast %parallel_loop3A_120 : i32 to index
        %parallel_loop3A_122 = arith.constant 16 : index
        %parallel_loop3A_123 = tpu.vector_load %arg8[%parallel_loop3A_121, %parallel_loop3A_122] {strides = array<i32>} : memref<128x128xf32, #tpu.memory_space<vmem>>, vector<1x16xf32>,
        %parallel_loop3A_124 = vector.shape_cast %parallel_loop3A_123 : vector<1x16xf32> to vector<16xf32>
        %parallel_loop3A_125 = arith.constant 4 : i32
        %parallel_loop3A_126 = arith.muli %parallel_loop3A_125, %parallel_loop3A_77 : i32
        %parallel_loop3A_127 = arith.constant 1 : i32
        %parallel_loop3A_128 = arith.addi %parallel_loop3A_126, %parallel_loop3A_127 : i32
        %parallel_loop3A_129 = arith.index_cast %parallel_loop3A_128 : i32 to index
        %parallel_loop3A_130 = arith.constant 16 : index
        %parallel_loop3A_131 = tpu.vector_load %arg8[%parallel_loop3A_129, %parallel_loop3A_130] {strides = array<i32>} : memref<128x128xf32, #tpu.memory_space<vmem>>, vector<1x16xf32>,
        %parallel_loop3A_132 = vector.shape_cast %parallel_loop3A_131 : vector<1x16xf32> to vector<16xf32>
        %parallel_loop3A_133 = arith.addf %parallel_loop3A_124, %parallel_loop3A_132 : vector<16xf32>
        %parallel_loop3A_134 = arith.constant 4 : i32
        %parallel_loop3A_135 = arith.muli %parallel_loop3A_134, %parallel_loop3A_77 : i32
        %parallel_loop3A_136 = arith.constant 2 : i32
        %parallel_loop3A_137 = arith.addi %parallel_loop3A_135, %parallel_loop3A_136 : i32
        %parallel_loop3A_138 = arith.index_cast %parallel_loop3A_137 : i32 to index
        %parallel_loop3A_139 = arith.constant 16 : index
        %parallel_loop3A_140 = tpu.vector_load %arg8[%parallel_loop3A_138, %parallel_loop3A_139] {strides = array<i32>} : memref<128x128xf32, #tpu.memory_space<vmem>>, vector<1x16xf32>,
        %parallel_loop3A_141 = vector.shape_cast %parallel_loop3A_140 : vector<1x16xf32> to vector<16xf32>
        %parallel_loop3A_142 = arith.addf %parallel_loop3A_133, %parallel_loop3A_141 : vector<16xf32>
        %parallel_loop3A_143 = arith.constant 4 : i32
        %parallel_loop3A_144 = arith.muli %parallel_loop3A_143, %parallel_loop3A_77 : i32
        %parallel_loop3A_145 = arith.constant 3 : i32
        %parallel_loop3A_146 = arith.addi %parallel_loop3A_144, %parallel_loop3A_145 : i32
        %parallel_loop3A_147 = arith.index_cast %parallel_loop3A_146 : i32 to index
        %parallel_loop3A_148 = arith.constant 16 : index
        %parallel_loop3A_149 = tpu.vector_load %arg8[%parallel_loop3A_147, %parallel_loop3A_148] {strides = array<i32>} : memref<128x128xf32, #tpu.memory_space<vmem>>, vector<1x16xf32>,
        %parallel_loop3A_150 = vector.shape_cast %parallel_loop3A_149 : vector<1x16xf32> to vector<16xf32>
        %parallel_loop3A_151 = arith.addf %parallel_loop3A_142, %parallel_loop3A_150 : vector<16xf32>
        %parallel_loop3A_152 = arith.constant 2.500000e-01 : f32
        %parallel_loop3A_153 = vector.broadcast %parallel_loop3A_152 : f32 to vector<16xf32>
        %parallel_loop3A_154 = arith.mulf %parallel_loop3A_151, %parallel_loop3A_153 : vector<16xf32>
        %parallel_loop3A_155 = arith.index_cast %parallel_loop3A_77 : i32 to index
        %parallel_loop3A_156 = arith.constant 16 : index
        %parallel_loop3A_157 = tpu.vector_load %arg10[%parallel_loop3A_155, %parallel_loop3A_156] {strides = array<i32>} : memref<32x128xf32, #tpu.memory_space<vmem>>, vector<1x16xf32>,
        %parallel_loop3A_158 = vector.shape_cast %parallel_loop3A_157 : vector<1x16xf32> to vector<16xf32>
        %parallel_loop3A_159 = vector.shape_cast %parallel_loop3A_154 : vector<16xf32> to vector<1x16xf32>
        tpu.vector_store %arg10[%parallel_loop3A_155, %parallel_loop3A_156], %parallel_loop3A_159 {strides = array<i32>} : memref<32x128xf32, #tpu.memory_space<vmem>>, vector<1x16xf32>,
        %parallel_loop3A_160 = arith.constant 4 : i32
        %parallel_loop3A_161 = arith.muli %parallel_loop3A_160, %parallel_loop3A_77 : i32
        %parallel_loop3A_162 = arith.index_cast %parallel_loop3A_161 : i32 to index
        %parallel_loop3A_163 = arith.constant 32 : index
        %parallel_loop3A_164 = tpu.vector_load %arg8[%parallel_loop3A_162, %parallel_loop3A_163] {strides = array<i32>} : memref<128x128xf32, #tpu.memory_space<vmem>>, vector<1x16xf32>,
        %parallel_loop3A_165 = vector.shape_cast %parallel_loop3A_164 : vector<1x16xf32> to vector<16xf32>
        %parallel_loop3A_166 = arith.constant 4 : i32
        %parallel_loop3A_167 = arith.muli %parallel_loop3A_166, %parallel_loop3A_77 : i32
        %parallel_loop3A_168 = arith.constant 1 : i32
        %parallel_loop3A_169 = arith.addi %parallel_loop3A_167, %parallel_loop3A_168 : i32
        %parallel_loop3A_170 = arith.index_cast %parallel_loop3A_169 : i32 to index
        %parallel_loop3A_171 = arith.constant 32 : index
        %parallel_loop3A_172 = tpu.vector_load %arg8[%parallel_loop3A_170, %parallel_loop3A_171] {strides = array<i32>} : memref<128x128xf32, #tpu.memory_space<vmem>>, vector<1x16xf32>,
        %parallel_loop3A_173 = vector.shape_cast %parallel_loop3A_172 : vector<1x16xf32> to vector<16xf32>
        %parallel_loop3A_174 = arith.addf %parallel_loop3A_165, %parallel_loop3A_173 : vector<16xf32>
        %parallel_loop3A_175 = arith.constant 4 : i32
        %parallel_loop3A_176 = arith.muli %parallel_loop3A_175, %parallel_loop3A_77 : i32
        %parallel_loop3A_177 = arith.constant 2 : i32
        %parallel_loop3A_178 = arith.addi %parallel_loop3A_176, %parallel_loop3A_177 : i32
        %parallel_loop3A_179 = arith.index_cast %parallel_loop3A_178 : i32 to index
        %parallel_loop3A_180 = arith.constant 32 : index
        %parallel_loop3A_181 = tpu.vector_load %arg8[%parallel_loop3A_179, %parallel_loop3A_180] {strides = array<i32>} : memref<128x128xf32, #tpu.memory_space<vmem>>, vector<1x16xf32>,
        %parallel_loop3A_182 = vector.shape_cast %parallel_loop3A_181 : vector<1x16xf32> to vector<16xf32>
        %parallel_loop3A_183 = arith.addf %parallel_loop3A_174, %parallel_loop3A_182 : vector<16xf32>
        %parallel_loop3A_184 = arith.constant 4 : i32
        %parallel_loop3A_185 = arith.muli %parallel_loop3A_184, %parallel_loop3A_77 : i32
        %parallel_loop3A_186 = arith.constant 3 : i32
        %parallel_loop3A_187 = arith.addi %parallel_loop3A_185, %parallel_loop3A_186 : i32
        %parallel_loop3A_188 = arith.index_cast %parallel_loop3A_187 : i32 to index
        %parallel_loop3A_189 = arith.constant 32 : index
        %parallel_loop3A_190 = tpu.vector_load %arg8[%parallel_loop3A_188, %parallel_loop3A_189] {strides = array<i32>} : memref<128x128xf32, #tpu.memory_space<vmem>>, vector<1x16xf32>,
        %parallel_loop3A_191 = vector.shape_cast %parallel_loop3A_190 : vector<1x16xf32> to vector<16xf32>
        %parallel_loop3A_192 = arith.addf %parallel_loop3A_183, %parallel_loop3A_191 : vector<16xf32>
        %parallel_loop3A_193 = arith.constant 2.500000e-01 : f32
        %parallel_loop3A_194 = vector.broadcast %parallel_loop3A_193 : f32 to vector<16xf32>
        %parallel_loop3A_195 = arith.mulf %parallel_loop3A_192, %parallel_loop3A_194 : vector<16xf32>
        %parallel_loop3A_196 = arith.index_cast %parallel_loop3A_77 : i32 to index
        %parallel_loop3A_197 = arith.constant 32 : index
        %parallel_loop3A_198 = tpu.vector_load %arg10[%parallel_loop3A_196, %parallel_loop3A_197] {strides = array<i32>} : memref<32x128xf32, #tpu.memory_space<vmem>>, vector<1x16xf32>,
        %parallel_loop3A_199 = vector.shape_cast %parallel_loop3A_198 : vector<1x16xf32> to vector<16xf32>
        %parallel_loop3A_200 = vector.shape_cast %parallel_loop3A_195 : vector<16xf32> to vector<1x16xf32>
        tpu.vector_store %arg10[%parallel_loop3A_196, %parallel_loop3A_197], %parallel_loop3A_200 {strides = array<i32>} : memref<32x128xf32, #tpu.memory_space<vmem>>, vector<1x16xf32>,
        %parallel_loop3A_201 = arith.constant 4 : i32
        %parallel_loop3A_202 = arith.muli %parallel_loop3A_201, %parallel_loop3A_77 : i32
        %parallel_loop3A_203 = arith.index_cast %parallel_loop3A_202 : i32 to index
        %parallel_loop3A_204 = arith.constant 48 : index
        %parallel_loop3A_205 = tpu.vector_load %arg8[%parallel_loop3A_203, %parallel_loop3A_204] {strides = array<i32>} : memref<128x128xf32, #tpu.memory_space<vmem>>, vector<1x16xf32>,
        %parallel_loop3A_206 = vector.shape_cast %parallel_loop3A_205 : vector<1x16xf32> to vector<16xf32>
        %parallel_loop3A_207 = arith.constant 4 : i32
        %parallel_loop3A_208 = arith.muli %parallel_loop3A_207, %parallel_loop3A_77 : i32
        %parallel_loop3A_209 = arith.constant 1 : i32
        %parallel_loop3A_210 = arith.addi %parallel_loop3A_208, %parallel_loop3A_209 : i32
        %parallel_loop3A_211 = arith.index_cast %parallel_loop3A_210 : i32 to index
        %parallel_loop3A_212 = arith.constant 48 : index
        %parallel_loop3A_213 = tpu.vector_load %arg8[%parallel_loop3A_211, %parallel_loop3A_212] {strides = array<i32>} : memref<128x128xf32, #tpu.memory_space<vmem>>, vector<1x16xf32>,
        %parallel_loop3A_214 = vector.shape_cast %parallel_loop3A_213 : vector<1x16xf32> to vector<16xf32>
        %parallel_loop3A_215 = arith.addf %parallel_loop3A_206, %parallel_loop3A_214 : vector<16xf32>
        %parallel_loop3A_216 = arith.constant 4 : i32
        %parallel_loop3A_217 = arith.muli %parallel_loop3A_216, %parallel_loop3A_77 : i32
        %parallel_loop3A_218 = arith.constant 2 : i32
        %parallel_loop3A_219 = arith.addi %parallel_loop3A_217, %parallel_loop3A_218 : i32
        %parallel_loop3A_220 = arith.index_cast %parallel_loop3A_219 : i32 to index
        %parallel_loop3A_221 = arith.constant 48 : index
        %parallel_loop3A_222 = tpu.vector_load %arg8[%parallel_loop3A_220, %parallel_loop3A_221] {strides = array<i32>} : memref<128x128xf32, #tpu.memory_space<vmem>>, vector<1x16xf32>,
        %parallel_loop3A_223 = vector.shape_cast %parallel_loop3A_222 : vector<1x16xf32> to vector<16xf32>
        %parallel_loop3A_224 = arith.addf %parallel_loop3A_215, %parallel_loop3A_223 : vector<16xf32>
        %parallel_loop3A_225 = arith.constant 4 : i32
        %parallel_loop3A_226 = arith.muli %parallel_loop3A_225, %parallel_loop3A_77 : i32
        %parallel_loop3A_227 = arith.constant 3 : i32
        %parallel_loop3A_228 = arith.addi %parallel_loop3A_226, %parallel_loop3A_227 : i32
        %parallel_loop3A_229 = arith.index_cast %parallel_loop3A_228 : i32 to index
        %parallel_loop3A_230 = arith.constant 48 : index
        %parallel_loop3A_231 = tpu.vector_load %arg8[%parallel_loop3A_229, %parallel_loop3A_230] {strides = array<i32>} : memref<128x128xf32, #tpu.memory_space<vmem>>, vector<1x16xf32>,
        %parallel_loop3A_232 = vector.shape_cast %parallel_loop3A_231 : vector<1x16xf32> to vector<16xf32>
        %parallel_loop3A_233 = arith.addf %parallel_loop3A_224, %parallel_loop3A_232 : vector<16xf32>
        %parallel_loop3A_234 = arith.constant 2.500000e-01 : f32
        %parallel_loop3A_235 = vector.broadcast %parallel_loop3A_234 : f32 to vector<16xf32>
        %parallel_loop3A_236 = arith.mulf %parallel_loop3A_233, %parallel_loop3A_235 : vector<16xf32>
        %parallel_loop3A_237 = arith.index_cast %parallel_loop3A_77 : i32 to index
        %parallel_loop3A_238 = arith.constant 48 : index
        %parallel_loop3A_239 = tpu.vector_load %arg10[%parallel_loop3A_237, %parallel_loop3A_238] {strides = array<i32>} : memref<32x128xf32, #tpu.memory_space<vmem>>, vector<1x16xf32>,
        %parallel_loop3A_240 = vector.shape_cast %parallel_loop3A_239 : vector<1x16xf32> to vector<16xf32>
        %parallel_loop3A_241 = vector.shape_cast %parallel_loop3A_236 : vector<16xf32> to vector<1x16xf32>
        tpu.vector_store %arg10[%parallel_loop3A_237, %parallel_loop3A_238], %parallel_loop3A_241 {strides = array<i32>} : memref<32x128xf32, #tpu.memory_space<vmem>>, vector<1x16xf32>,
        %parallel_loop3A_242 = arith.constant 4 : i32
        %parallel_loop3A_243 = arith.muli %parallel_loop3A_242, %parallel_loop3A_77 : i32
        %parallel_loop3A_244 = arith.index_cast %parallel_loop3A_243 : i32 to index
        %parallel_loop3A_245 = arith.constant 64 : index
        %parallel_loop3A_246 = tpu.vector_load %arg8[%parallel_loop3A_244, %parallel_loop3A_245] {strides = array<i32>} : memref<128x128xf32, #tpu.memory_space<vmem>>, vector<1x16xf32>,
        %parallel_loop3A_247 = vector.shape_cast %parallel_loop3A_246 : vector<1x16xf32> to vector<16xf32>
        %parallel_loop3A_248 = arith.constant 4 : i32
        %parallel_loop3A_249 = arith.muli %parallel_loop3A_248, %parallel_loop3A_77 : i32
        %parallel_loop3A_250 = arith.constant 1 : i32
        %parallel_loop3A_251 = arith.addi %parallel_loop3A_249, %parallel_loop3A_250 : i32
        %parallel_loop3A_252 = arith.index_cast %parallel_loop3A_251 : i32 to index
        %parallel_loop3A_253 = arith.constant 64 : index
        %parallel_loop3A_254 = tpu.vector_load %arg8[%parallel_loop3A_252, %parallel_loop3A_253] {strides = array<i32>} : memref<128x128xf32, #tpu.memory_space<vmem>>, vector<1x16xf32>,
        %parallel_loop3A_255 = vector.shape_cast %parallel_loop3A_254 : vector<1x16xf32> to vector<16xf32>
        %parallel_loop3A_256 = arith.addf %parallel_loop3A_247, %parallel_loop3A_255 : vector<16xf32>
        %parallel_loop3A_257 = arith.constant 4 : i32
        %parallel_loop3A_258 = arith.muli %parallel_loop3A_257, %parallel_loop3A_77 : i32
        %parallel_loop3A_259 = arith.constant 2 : i32
        %parallel_loop3A_260 = arith.addi %parallel_loop3A_258, %parallel_loop3A_259 : i32
        %parallel_loop3A_261 = arith.index_cast %parallel_loop3A_260 : i32 to index
        %parallel_loop3A_262 = arith.constant 64 : index
        %parallel_loop3A_263 = tpu.vector_load %arg8[%parallel_loop3A_261, %parallel_loop3A_262] {strides = array<i32>} : memref<128x128xf32, #tpu.memory_space<vmem>>, vector<1x16xf32>,
        %parallel_loop3A_264 = vector.shape_cast %parallel_loop3A_263 : vector<1x16xf32> to vector<16xf32>
        %parallel_loop3A_265 = arith.addf %parallel_loop3A_256, %parallel_loop3A_264 : vector<16xf32>
        %parallel_loop3A_266 = arith.constant 4 : i32
        %parallel_loop3A_267 = arith.muli %parallel_loop3A_266, %parallel_loop3A_77 : i32
        %parallel_loop3A_268 = arith.constant 3 : i32
        %parallel_loop3A_269 = arith.addi %parallel_loop3A_267, %parallel_loop3A_268 : i32
        %parallel_loop3A_270 = arith.index_cast %parallel_loop3A_269 : i32 to index
        %parallel_loop3A_271 = arith.constant 64 : index
        %parallel_loop3A_272 = tpu.vector_load %arg8[%parallel_loop3A_270, %parallel_loop3A_271] {strides = array<i32>} : memref<128x128xf32, #tpu.memory_space<vmem>>, vector<1x16xf32>,
        %parallel_loop3A_273 = vector.shape_cast %parallel_loop3A_272 : vector<1x16xf32> to vector<16xf32>
        %parallel_loop3A_274 = arith.addf %parallel_loop3A_265, %parallel_loop3A_273 : vector<16xf32>
        %parallel_loop3A_275 = arith.constant 2.500000e-01 : f32
        %parallel_loop3A_276 = vector.broadcast %parallel_loop3A_275 : f32 to vector<16xf32>
        %parallel_loop3A_277 = arith.mulf %parallel_loop3A_274, %parallel_loop3A_276 : vector<16xf32>
        %parallel_loop3A_278 = arith.index_cast %parallel_loop3A_77 : i32 to index
        %parallel_loop3A_279 = arith.constant 64 : index
        %parallel_loop3A_280 = tpu.vector_load %arg10[%parallel_loop3A_278, %parallel_loop3A_279] {strides = array<i32>} : memref<32x128xf32, #tpu.memory_space<vmem>>, vector<1x16xf32>,
        %parallel_loop3A_281 = vector.shape_cast %parallel_loop3A_280 : vector<1x16xf32> to vector<16xf32>
        %parallel_loop3A_282 = vector.shape_cast %parallel_loop3A_277 : vector<16xf32> to vector<1x16xf32>
        tpu.vector_store %arg10[%parallel_loop3A_278, %parallel_loop3A_279], %parallel_loop3A_282 {strides = array<i32>} : memref<32x128xf32, #tpu.memory_space<vmem>>, vector<1x16xf32>,
        %parallel_loop3A_283 = arith.constant 4 : i32
        %parallel_loop3A_284 = arith.muli %parallel_loop3A_283, %parallel_loop3A_77 : i32
        %parallel_loop3A_285 = arith.index_cast %parallel_loop3A_284 : i32 to index
        %parallel_loop3A_286 = arith.constant 80 : index
        %parallel_loop3A_287 = tpu.vector_load %arg8[%parallel_loop3A_285, %parallel_loop3A_286] {strides = array<i32>} : memref<128x128xf32, #tpu.memory_space<vmem>>, vector<1x16xf32>,
        %parallel_loop3A_288 = vector.shape_cast %parallel_loop3A_287 : vector<1x16xf32> to vector<16xf32>
        %parallel_loop3A_289 = arith.constant 4 : i32
        %parallel_loop3A_290 = arith.muli %parallel_loop3A_289, %parallel_loop3A_77 : i32
        %parallel_loop3A_291 = arith.constant 1 : i32
        %parallel_loop3A_292 = arith.addi %parallel_loop3A_290, %parallel_loop3A_291 : i32
        %parallel_loop3A_293 = arith.index_cast %parallel_loop3A_292 : i32 to index
        %parallel_loop3A_294 = arith.constant 80 : index
        %parallel_loop3A_295 = tpu.vector_load %arg8[%parallel_loop3A_293, %parallel_loop3A_294] {strides = array<i32>} : memref<128x128xf32, #tpu.memory_space<vmem>>, vector<1x16xf32>,
        %parallel_loop3A_296 = vector.shape_cast %parallel_loop3A_295 : vector<1x16xf32> to vector<16xf32>
        %parallel_loop3A_297 = arith.addf %parallel_loop3A_288, %parallel_loop3A_296 : vector<16xf32>
        %parallel_loop3A_298 = arith.constant 4 : i32
        %parallel_loop3A_299 = arith.muli %parallel_loop3A_298, %parallel_loop3A_77 : i32
        %parallel_loop3A_300 = arith.constant 2 : i32
        %parallel_loop3A_301 = arith.addi %parallel_loop3A_299, %parallel_loop3A_300 : i32
        %parallel_loop3A_302 = arith.index_cast %parallel_loop3A_301 : i32 to index
        %parallel_loop3A_303 = arith.constant 80 : index
        %parallel_loop3A_304 = tpu.vector_load %arg8[%parallel_loop3A_302, %parallel_loop3A_303] {strides = array<i32>} : memref<128x128xf32, #tpu.memory_space<vmem>>, vector<1x16xf32>,
        %parallel_loop3A_305 = vector.shape_cast %parallel_loop3A_304 : vector<1x16xf32> to vector<16xf32>
        %parallel_loop3A_306 = arith.addf %parallel_loop3A_297, %parallel_loop3A_305 : vector<16xf32>
        %parallel_loop3A_307 = arith.constant 4 : i32
        %parallel_loop3A_308 = arith.muli %parallel_loop3A_307, %parallel_loop3A_77 : i32
        %parallel_loop3A_309 = arith.constant 3 : i32
        %parallel_loop3A_310 = arith.addi %parallel_loop3A_308, %parallel_loop3A_309 : i32
        %parallel_loop3A_311 = arith.index_cast %parallel_loop3A_310 : i32 to index
        %parallel_loop3A_312 = arith.constant 80 : index
        %parallel_loop3A_313 = tpu.vector_load %arg8[%parallel_loop3A_311, %parallel_loop3A_312] {strides = array<i32>} : memref<128x128xf32, #tpu.memory_space<vmem>>, vector<1x16xf32>,
        %parallel_loop3A_314 = vector.shape_cast %parallel_loop3A_313 : vector<1x16xf32> to vector<16xf32>
        %parallel_loop3A_315 = arith.addf %parallel_loop3A_306, %parallel_loop3A_314 : vector<16xf32>
        %parallel_loop3A_316 = arith.constant 2.500000e-01 : f32
        %parallel_loop3A_317 = vector.broadcast %parallel_loop3A_316 : f32 to vector<16xf32>
        %parallel_loop3A_318 = arith.mulf %parallel_loop3A_315, %parallel_loop3A_317 : vector<16xf32>
        %parallel_loop3A_319 = arith.index_cast %parallel_loop3A_77 : i32 to index
        %parallel_loop3A_320 = arith.constant 80 : index
        %parallel_loop3A_321 = tpu.vector_load %arg10[%parallel_loop3A_319, %parallel_loop3A_320] {strides = array<i32>} : memref<32x128xf32, #tpu.memory_space<vmem>>, vector<1x16xf32>,
        %parallel_loop3A_322 = vector.shape_cast %parallel_loop3A_321 : vector<1x16xf32> to vector<16xf32>
        %parallel_loop3A_323 = vector.shape_cast %parallel_loop3A_318 : vector<16xf32> to vector<1x16xf32>
        tpu.vector_store %arg10[%parallel_loop3A_319, %parallel_loop3A_320], %parallel_loop3A_323 {strides = array<i32>} : memref<32x128xf32, #tpu.memory_space<vmem>>, vector<1x16xf32>,
        %parallel_loop3A_324 = arith.constant 4 : i32
        %parallel_loop3A_325 = arith.muli %parallel_loop3A_324, %parallel_loop3A_77 : i32
        %parallel_loop3A_326 = arith.index_cast %parallel_loop3A_325 : i32 to index
        %parallel_loop3A_327 = arith.constant 96 : index
        %parallel_loop3A_328 = tpu.vector_load %arg8[%parallel_loop3A_326, %parallel_loop3A_327] {strides = array<i32>} : memref<128x128xf32, #tpu.memory_space<vmem>>, vector<1x16xf32>,
        %parallel_loop3A_329 = vector.shape_cast %parallel_loop3A_328 : vector<1x16xf32> to vector<16xf32>
        %parallel_loop3A_330 = arith.constant 4 : i32
        %parallel_loop3A_331 = arith.muli %parallel_loop3A_330, %parallel_loop3A_77 : i32
        %parallel_loop3A_332 = arith.constant 1 : i32
        %parallel_loop3A_333 = arith.addi %parallel_loop3A_331, %parallel_loop3A_332 : i32
        %parallel_loop3A_334 = arith.index_cast %parallel_loop3A_333 : i32 to index
        %parallel_loop3A_335 = arith.constant 96 : index
        %parallel_loop3A_336 = tpu.vector_load %arg8[%parallel_loop3A_334, %parallel_loop3A_335] {strides = array<i32>} : memref<128x128xf32, #tpu.memory_space<vmem>>, vector<1x16xf32>,
        %parallel_loop3A_337 = vector.shape_cast %parallel_loop3A_336 : vector<1x16xf32> to vector<16xf32>
        %parallel_loop3A_338 = arith.addf %parallel_loop3A_329, %parallel_loop3A_337 : vector<16xf32>
        %parallel_loop3A_339 = arith.constant 4 : i32
        %parallel_loop3A_340 = arith.muli %parallel_loop3A_339, %parallel_loop3A_77 : i32
        %parallel_loop3A_341 = arith.constant 2 : i32
        %parallel_loop3A_342 = arith.addi %parallel_loop3A_340, %parallel_loop3A_341 : i32
        %parallel_loop3A_343 = arith.index_cast %parallel_loop3A_342 : i32 to index
        %parallel_loop3A_344 = arith.constant 96 : index
        %parallel_loop3A_345 = tpu.vector_load %arg8[%parallel_loop3A_343, %parallel_loop3A_344] {strides = array<i32>} : memref<128x128xf32, #tpu.memory_space<vmem>>, vector<1x16xf32>,
        %parallel_loop3A_346 = vector.shape_cast %parallel_loop3A_345 : vector<1x16xf32> to vector<16xf32>
        %parallel_loop3A_347 = arith.addf %parallel_loop3A_338, %parallel_loop3A_346 : vector<16xf32>
        %parallel_loop3A_348 = arith.constant 4 : i32
        %parallel_loop3A_349 = arith.muli %parallel_loop3A_348, %parallel_loop3A_77 : i32
        %parallel_loop3A_350 = arith.constant 3 : i32
        %parallel_loop3A_351 = arith.addi %parallel_loop3A_349, %parallel_loop3A_350 : i32
        %parallel_loop3A_352 = arith.index_cast %parallel_loop3A_351 : i32 to index
        %parallel_loop3A_353 = arith.constant 96 : index
        %parallel_loop3A_354 = tpu.vector_load %arg8[%parallel_loop3A_352, %parallel_loop3A_353] {strides = array<i32>} : memref<128x128xf32, #tpu.memory_space<vmem>>, vector<1x16xf32>,
        %parallel_loop3A_355 = vector.shape_cast %parallel_loop3A_354 : vector<1x16xf32> to vector<16xf32>
        %parallel_loop3A_356 = arith.addf %parallel_loop3A_347, %parallel_loop3A_355 : vector<16xf32>
        %parallel_loop3A_357 = arith.constant 2.500000e-01 : f32
        %parallel_loop3A_358 = vector.broadcast %parallel_loop3A_357 : f32 to vector<16xf32>
        %parallel_loop3A_359 = arith.mulf %parallel_loop3A_356, %parallel_loop3A_358 : vector<16xf32>
        %parallel_loop3A_360 = arith.index_cast %parallel_loop3A_77 : i32 to index
        %parallel_loop3A_361 = arith.constant 96 : index
        %parallel_loop3A_362 = tpu.vector_load %arg10[%parallel_loop3A_360, %parallel_loop3A_361] {strides = array<i32>} : memref<32x128xf32, #tpu.memory_space<vmem>>, vector<1x16xf32>,
        %parallel_loop3A_363 = vector.shape_cast %parallel_loop3A_362 : vector<1x16xf32> to vector<16xf32>
        %parallel_loop3A_364 = vector.shape_cast %parallel_loop3A_359 : vector<16xf32> to vector<1x16xf32>
        tpu.vector_store %arg10[%parallel_loop3A_360, %parallel_loop3A_361], %parallel_loop3A_364 {strides = array<i32>} : memref<32x128xf32, #tpu.memory_space<vmem>>, vector<1x16xf32>,
        %parallel_loop3A_365 = arith.constant 4 : i32
        %parallel_loop3A_366 = arith.muli %parallel_loop3A_365, %parallel_loop3A_77 : i32
        %parallel_loop3A_367 = arith.index_cast %parallel_loop3A_366 : i32 to index
        %parallel_loop3A_368 = arith.constant 112 : index
        %parallel_loop3A_369 = tpu.vector_load %arg8[%parallel_loop3A_367, %parallel_loop3A_368] {strides = array<i32>} : memref<128x128xf32, #tpu.memory_space<vmem>>, vector<1x16xf32>,
        %parallel_loop3A_370 = vector.shape_cast %parallel_loop3A_369 : vector<1x16xf32> to vector<16xf32>
        %parallel_loop3A_371 = arith.constant 4 : i32
        %parallel_loop3A_372 = arith.muli %parallel_loop3A_371, %parallel_loop3A_77 : i32
        %parallel_loop3A_373 = arith.constant 1 : i32
        %parallel_loop3A_374 = arith.addi %parallel_loop3A_372, %parallel_loop3A_373 : i32
        %parallel_loop3A_375 = arith.index_cast %parallel_loop3A_374 : i32 to index
        %parallel_loop3A_376 = arith.constant 112 : index
        %parallel_loop3A_377 = tpu.vector_load %arg8[%parallel_loop3A_375, %parallel_loop3A_376] {strides = array<i32>} : memref<128x128xf32, #tpu.memory_space<vmem>>, vector<1x16xf32>,
        %parallel_loop3A_378 = vector.shape_cast %parallel_loop3A_377 : vector<1x16xf32> to vector<16xf32>
        %parallel_loop3A_379 = arith.addf %parallel_loop3A_370, %parallel_loop3A_378 : vector<16xf32>
        %parallel_loop3A_380 = arith.constant 4 : i32
        %parallel_loop3A_381 = arith.muli %parallel_loop3A_380, %parallel_loop3A_77 : i32
        %parallel_loop3A_382 = arith.constant 2 : i32
        %parallel_loop3A_383 = arith.addi %parallel_loop3A_381, %parallel_loop3A_382 : i32
        %parallel_loop3A_384 = arith.index_cast %parallel_loop3A_383 : i32 to index
        %parallel_loop3A_385 = arith.constant 112 : index
        %parallel_loop3A_386 = tpu.vector_load %arg8[%parallel_loop3A_384, %parallel_loop3A_385] {strides = array<i32>} : memref<128x128xf32, #tpu.memory_space<vmem>>, vector<1x16xf32>,
        %parallel_loop3A_387 = vector.shape_cast %parallel_loop3A_386 : vector<1x16xf32> to vector<16xf32>
        %parallel_loop3A_388 = arith.addf %parallel_loop3A_379, %parallel_loop3A_387 : vector<16xf32>
        %parallel_loop3A_389 = arith.constant 4 : i32
        %parallel_loop3A_390 = arith.muli %parallel_loop3A_389, %parallel_loop3A_77 : i32
        %parallel_loop3A_391 = arith.constant 3 : i32
        %parallel_loop3A_392 = arith.addi %parallel_loop3A_390, %parallel_loop3A_391 : i32
        %parallel_loop3A_393 = arith.index_cast %parallel_loop3A_392 : i32 to index
        %parallel_loop3A_394 = arith.constant 112 : index
        %parallel_loop3A_395 = tpu.vector_load %arg8[%parallel_loop3A_393, %parallel_loop3A_394] {strides = array<i32>} : memref<128x128xf32, #tpu.memory_space<vmem>>, vector<1x16xf32>,
        %parallel_loop3A_396 = vector.shape_cast %parallel_loop3A_395 : vector<1x16xf32> to vector<16xf32>
        %parallel_loop3A_397 = arith.addf %parallel_loop3A_388, %parallel_loop3A_396 : vector<16xf32>
        %parallel_loop3A_398 = arith.constant 2.500000e-01 : f32
        %parallel_loop3A_399 = vector.broadcast %parallel_loop3A_398 : f32 to vector<16xf32>
        %parallel_loop3A_400 = arith.mulf %parallel_loop3A_397, %parallel_loop3A_399 : vector<16xf32>
        %parallel_loop3A_401 = arith.index_cast %parallel_loop3A_77 : i32 to index
        %parallel_loop3A_402 = arith.constant 112 : index
        %parallel_loop3A_403 = tpu.vector_load %arg10[%parallel_loop3A_401, %parallel_loop3A_402] {strides = array<i32>} : memref<32x128xf32, #tpu.memory_space<vmem>>, vector<1x16xf32>,
        %parallel_loop3A_404 = vector.shape_cast %parallel_loop3A_403 : vector<1x16xf32> to vector<16xf32>
        %parallel_loop3A_405 = vector.shape_cast %parallel_loop3A_400 : vector<16xf32> to vector<1x16xf32>
        tpu.vector_store %arg10[%parallel_loop3A_401, %parallel_loop3A_402], %parallel_loop3A_405 {strides = array<i32>} : memref<32x128xf32, #tpu.memory_space<vmem>>, vector<1x16xf32>,
      } {sc.loop_unroll_factor = 2 : i64, sc.parallel_access}
      %mul3A_50 = arith.constant 32 : i32
      %mul3A_51 = arith.muli %mul3A_32, %mul3A_50 : i32
      %add3A_52 = arith.addi %mul3A_10, %mul3A_51 : i32
      "tpu.region"() ({
        %run_scoped3A = tpu.sem_alloc : memref<!tpu.dma_semaphore, #tpu.memory_space<semaphore_mem>>
        %dma_start3A_77 = arith.constant 0 : i32
        %dma_start3A_78 = tpu.memref_slice %arg5[%add3A_52, %dma_start3A_77] : memref<20480x128xf32, #tpu.memory_space<hbm>> -> memref<32x128xf32, #tpu.memory_space<hbm>>
        %dma_start3A_79 = arith.constant 0 : i32
        %dma_start3A_80 = tpu.memref_slice %arg5[%add3A_52, %dma_start3A_79] : memref<20480x128xf32, #tpu.memory_space<hbm>> -> memref<32x128xf32, #tpu.memory_space<hbm>>
        tpu.enqueue_dma source(%arg10 : memref<32x128xf32, #tpu.memory_space<vmem>>) target(%dma_start3A_80 : memref<32x128xf32, #tpu.memory_space<hbm>>) target_semaphore(%run_scoped3A : memref<!tpu.dma_semaphore, #tpu.memory_space<semaphore_mem>>)
        %dma_wait3A_81 = arith.constant 0 : i32
        %dma_wait3A_82 = tpu.memref_slice %arg5[%add3A_52, %dma_wait3A_81] : memref<20480x128xf32, #tpu.memory_space<hbm>> -> memref<32x128xf32, #tpu.memory_space<hbm>>
        %dma_wait3A_83 = arith.constant 0 : i32
        %dma_wait3A_84 = tpu.memref_slice %arg5[%add3A_52, %dma_wait3A_83] : memref<20480x128xf32, #tpu.memory_space<hbm>> -> memref<32x128xf32, #tpu.memory_space<hbm>>
        tpu.wait_dma2 semaphore(%run_scoped3A : memref<!tpu.dma_semaphore, #tpu.memory_space<semaphore_mem>>) src(%arg10 : memref<32x128xf32, #tpu.memory_space<vmem>>) dst(%dma_wait3A_84 : memref<32x128xf32, #tpu.memory_space<hbm>>)
        tpu.yield
      }) : () -> ()
      %add3A_53 = arith.constant 2 : i32
      %add3A_54 = arith.addi %mul3A_32, %add3A_53 : i32
      %min3A = arith.constant 19 : i32
      %min3A_55 = arith.minsi %add3A_54, %min3A : i32
      %dma_start3A_56 = arith.constant 0 : i32
      %dma_start3A_57 = tpu.memref_slice %arg7[%min3A_55, %dma_start3A_56] : memref<20x128xi32, #tpu.memory_space<vmem>> -> memref<1x128xi32, #tpu.memory_space<vmem>>
      %dma_start3A_58 = tpu.memref_squeeze %dma_start3A_57 : memref<1x128xi32, #tpu.memory_space<vmem>> -> memref<128xi32, #tpu.memory_space<vmem>>
      %dma_start3A_59 = arith.constant 0 : i32
      %dma_start3A_60 = arith.constant 0 : i32
      %dma_start3A_61 = tpu.memref_slice %arg2[%dma_start3A_59, %dma_start3A_60] : memref<10000x128xf32, #tpu.memory_space<hbm>> -> memref<10000x128xf32, #tpu.memory_space<hbm>>
      tpu.enqueue_indirect_dma source(%dma_start3A_61 : memref<10000x128xf32, #tpu.memory_space<hbm>>) target(%arg8 : memref<128x128xf32, #tpu.memory_space<vmem>>) offsets(%dma_start3A_58 : memref<128xi32, #tpu.memory_space<vmem>>) semaphore(%arg13 : memref<!tpu.dma_semaphore, #tpu.memory_space<semaphore_mem>>)
      %dma_wait3A_62 = arith.constant 0 : i32
      %dma_wait3A_63 = arith.constant 0 : i32
      %dma_wait3A_64 = tpu.memref_slice %arg7[%dma_wait3A_62, %dma_wait3A_63] : memref<20x128xi32, #tpu.memory_space<vmem>> -> memref<1x128xi32, #tpu.memory_space<vmem>>
      %dma_wait3A_65 = tpu.memref_squeeze %dma_wait3A_64 : memref<1x128xi32, #tpu.memory_space<vmem>> -> memref<128xi32, #tpu.memory_space<vmem>>
      %dma_wait3A_66 = arith.constant 0 : i32
      %dma_wait3A_67 = arith.constant 0 : i32
      %dma_wait3A_68 = tpu.memref_slice %arg2[%dma_wait3A_66, %dma_wait3A_67] : memref<10000x128xf32, #tpu.memory_space<hbm>> -> memref<10000x128xf32, #tpu.memory_space<hbm>>
      tpu.wait_indirect_dma semaphore(%arg14 : memref<!tpu.dma_semaphore, #tpu.memory_space<semaphore_mem>>) src(%dma_wait3A_68 : memref<10000x128xf32, #tpu.memory_space<hbm>>) dst(%arg9 : memref<128x128xf32, #tpu.memory_space<vmem>>)
      %add3A_69 = arith.constant 1 : i32
      %add3A_70 = arith.addi %mul3A_32, %add3A_69 : i32
      %parallel_loop3A_71 = arith.constant 0 : i32
      %parallel_loop3A_72 = arith.constant 32 : i32
      %parallel_loop3A_73 = arith.constant 1 : i32
      scf.for %parallel_loop3A_77 = %parallel_loop3A_71 to %parallel_loop3A_72 step %parallel_loop3A_73  : i32 {
        %parallel_loop3A_78 = arith.constant 4 : i32
        %parallel_loop3A_79 = arith.muli %parallel_loop3A_78, %parallel_loop3A_77 : i32
        %parallel_loop3A_80 = arith.index_cast %parallel_loop3A_79 : i32 to index
        %parallel_loop3A_81 = arith.constant 0 : index
        %parallel_loop3A_82 = tpu.vector_load %arg9[%parallel_loop3A_80, %parallel_loop3A_81] {strides = array<i32>} : memref<128x128xf32, #tpu.memory_space<vmem>>, vector<1x16xf32>,
        %parallel_loop3A_83 = vector.shape_cast %parallel_loop3A_82 : vector<1x16xf32> to vector<16xf32>
        %parallel_loop3A_84 = arith.constant 4 : i32
        %parallel_loop3A_85 = arith.muli %parallel_loop3A_84, %parallel_loop3A_77 : i32
        %parallel_loop3A_86 = arith.constant 1 : i32
        %parallel_loop3A_87 = arith.addi %parallel_loop3A_85, %parallel_loop3A_86 : i32
        %parallel_loop3A_88 = arith.index_cast %parallel_loop3A_87 : i32 to index
        %parallel_loop3A_89 = arith.constant 0 : index
        %parallel_loop3A_90 = tpu.vector_load %arg9[%parallel_loop3A_88, %parallel_loop3A_89] {strides = array<i32>} : memref<128x128xf32, #tpu.memory_space<vmem>>, vector<1x16xf32>,
        %parallel_loop3A_91 = vector.shape_cast %parallel_loop3A_90 : vector<1x16xf32> to vector<16xf32>
        %parallel_loop3A_92 = arith.addf %parallel_loop3A_83, %parallel_loop3A_91 : vector<16xf32>
        %parallel_loop3A_93 = arith.constant 4 : i32
        %parallel_loop3A_94 = arith.muli %parallel_loop3A_93, %parallel_loop3A_77 : i32
        %parallel_loop3A_95 = arith.constant 2 : i32
        %parallel_loop3A_96 = arith.addi %parallel_loop3A_94, %parallel_loop3A_95 : i32
        %parallel_loop3A_97 = arith.index_cast %parallel_loop3A_96 : i32 to index
        %parallel_loop3A_98 = arith.constant 0 : index
        %parallel_loop3A_99 = tpu.vector_load %arg9[%parallel_loop3A_97, %parallel_loop3A_98] {strides = array<i32>} : memref<128x128xf32, #tpu.memory_space<vmem>>, vector<1x16xf32>,
        %parallel_loop3A_100 = vector.shape_cast %parallel_loop3A_99 : vector<1x16xf32> to vector<16xf32>
        %parallel_loop3A_101 = arith.addf %parallel_loop3A_92, %parallel_loop3A_100 : vector<16xf32>
        %parallel_loop3A_102 = arith.constant 4 : i32
        %parallel_loop3A_103 = arith.muli %parallel_loop3A_102, %parallel_loop3A_77 : i32
        %parallel_loop3A_104 = arith.constant 3 : i32
        %parallel_loop3A_105 = arith.addi %parallel_loop3A_103, %parallel_loop3A_104 : i32
        %parallel_loop3A_106 = arith.index_cast %parallel_loop3A_105 : i32 to index
        %parallel_loop3A_107 = arith.constant 0 : index
        %parallel_loop3A_108 = tpu.vector_load %arg9[%parallel_loop3A_106, %parallel_loop3A_107] {strides = array<i32>} : memref<128x128xf32, #tpu.memory_space<vmem>>, vector<1x16xf32>,
        %parallel_loop3A_109 = vector.shape_cast %parallel_loop3A_108 : vector<1x16xf32> to vector<16xf32>
        %parallel_loop3A_110 = arith.addf %parallel_loop3A_101, %parallel_loop3A_109 : vector<16xf32>
        %parallel_loop3A_111 = arith.constant 2.500000e-01 : f32
        %parallel_loop3A_112 = vector.broadcast %parallel_loop3A_111 : f32 to vector<16xf32>
        %parallel_loop3A_113 = arith.mulf %parallel_loop3A_110, %parallel_loop3A_112 : vector<16xf32>
        %parallel_loop3A_114 = arith.index_cast %parallel_loop3A_77 : i32 to index
        %parallel_loop3A_115 = arith.constant 0 : index
        %parallel_loop3A_116 = tpu.vector_load %arg10[%parallel_loop3A_114, %parallel_loop3A_115] {strides = array<i32>} : memref<32x128xf32, #tpu.memory_space<vmem>>, vector<1x16xf32>,
        %parallel_loop3A_117 = vector.shape_cast %parallel_loop3A_116 : vector<1x16xf32> to vector<16xf32>
        %parallel_loop3A_118 = vector.shape_cast %parallel_loop3A_113 : vector<16xf32> to vector<1x16xf32>
        tpu.vector_store %arg10[%parallel_loop3A_114, %parallel_loop3A_115], %parallel_loop3A_118 {strides = array<i32>} : memref<32x128xf32, #tpu.memory_space<vmem>>, vector<1x16xf32>,
        %parallel_loop3A_119 = arith.constant 4 : i32
        %parallel_loop3A_120 = arith.muli %parallel_loop3A_119, %parallel_loop3A_77 : i32
        %parallel_loop3A_121 = arith.index_cast %parallel_loop3A_120 : i32 to index
        %parallel_loop3A_122 = arith.constant 16 : index
        %parallel_loop3A_123 = tpu.vector_load %arg9[%parallel_loop3A_121, %parallel_loop3A_122] {strides = array<i32>} : memref<128x128xf32, #tpu.memory_space<vmem>>, vector<1x16xf32>,
        %parallel_loop3A_124 = vector.shape_cast %parallel_loop3A_123 : vector<1x16xf32> to vector<16xf32>
        %parallel_loop3A_125 = arith.constant 4 : i32
        %parallel_loop3A_126 = arith.muli %parallel_loop3A_125, %parallel_loop3A_77 : i32
        %parallel_loop3A_127 = arith.constant 1 : i32
        %parallel_loop3A_128 = arith.addi %parallel_loop3A_126, %parallel_loop3A_127 : i32
        %parallel_loop3A_129 = arith.index_cast %parallel_loop3A_128 : i32 to index
        %parallel_loop3A_130 = arith.constant 16 : index
        %parallel_loop3A_131 = tpu.vector_load %arg9[%parallel_loop3A_129, %parallel_loop3A_130] {strides = array<i32>} : memref<128x128xf32, #tpu.memory_space<vmem>>, vector<1x16xf32>,
        %parallel_loop3A_132 = vector.shape_cast %parallel_loop3A_131 : vector<1x16xf32> to vector<16xf32>
        %parallel_loop3A_133 = arith.addf %parallel_loop3A_124, %parallel_loop3A_132 : vector<16xf32>
        %parallel_loop3A_134 = arith.constant 4 : i32
        %parallel_loop3A_135 = arith.muli %parallel_loop3A_134, %parallel_loop3A_77 : i32
        %parallel_loop3A_136 = arith.constant 2 : i32
        %parallel_loop3A_137 = arith.addi %parallel_loop3A_135, %parallel_loop3A_136 : i32
        %parallel_loop3A_138 = arith.index_cast %parallel_loop3A_137 : i32 to index
        %parallel_loop3A_139 = arith.constant 16 : index
        %parallel_loop3A_140 = tpu.vector_load %arg9[%parallel_loop3A_138, %parallel_loop3A_139] {strides = array<i32>} : memref<128x128xf32, #tpu.memory_space<vmem>>, vector<1x16xf32>,
        %parallel_loop3A_141 = vector.shape_cast %parallel_loop3A_140 : vector<1x16xf32> to vector<16xf32>
        %parallel_loop3A_142 = arith.addf %parallel_loop3A_133, %parallel_loop3A_141 : vector<16xf32>
        %parallel_loop3A_143 = arith.constant 4 : i32
        %parallel_loop3A_144 = arith.muli %parallel_loop3A_143, %parallel_loop3A_77 : i32
        %parallel_loop3A_145 = arith.constant 3 : i32
        %parallel_loop3A_146 = arith.addi %parallel_loop3A_144, %parallel_loop3A_145 : i32
        %parallel_loop3A_147 = arith.index_cast %parallel_loop3A_146 : i32 to index
        %parallel_loop3A_148 = arith.constant 16 : index
        %parallel_loop3A_149 = tpu.vector_load %arg9[%parallel_loop3A_147, %parallel_loop3A_148] {strides = array<i32>} : memref<128x128xf32, #tpu.memory_space<vmem>>, vector<1x16xf32>,
        %parallel_loop3A_150 = vector.shape_cast %parallel_loop3A_149 : vector<1x16xf32> to vector<16xf32>
        %parallel_loop3A_151 = arith.addf %parallel_loop3A_142, %parallel_loop3A_150 : vector<16xf32>
        %parallel_loop3A_152 = arith.constant 2.500000e-01 : f32
        %parallel_loop3A_153 = vector.broadcast %parallel_loop3A_152 : f32 to vector<16xf32>
        %parallel_loop3A_154 = arith.mulf %parallel_loop3A_151, %parallel_loop3A_153 : vector<16xf32>
        %parallel_loop3A_155 = arith.index_cast %parallel_loop3A_77 : i32 to index
        %parallel_loop3A_156 = arith.constant 16 : index
        %parallel_loop3A_157 = tpu.vector_load %arg10[%parallel_loop3A_155, %parallel_loop3A_156] {strides = array<i32>} : memref<32x128xf32, #tpu.memory_space<vmem>>, vector<1x16xf32>,
        %parallel_loop3A_158 = vector.shape_cast %parallel_loop3A_157 : vector<1x16xf32> to vector<16xf32>
        %parallel_loop3A_159 = vector.shape_cast %parallel_loop3A_154 : vector<16xf32> to vector<1x16xf32>
        tpu.vector_store %arg10[%parallel_loop3A_155, %parallel_loop3A_156], %parallel_loop3A_159 {strides = array<i32>} : memref<32x128xf32, #tpu.memory_space<vmem>>, vector<1x16xf32>,
        %parallel_loop3A_160 = arith.constant 4 : i32
        %parallel_loop3A_161 = arith.muli %parallel_loop3A_160, %parallel_loop3A_77 : i32
        %parallel_loop3A_162 = arith.index_cast %parallel_loop3A_161 : i32 to index
        %parallel_loop3A_163 = arith.constant 32 : index
        %parallel_loop3A_164 = tpu.vector_load %arg9[%parallel_loop3A_162, %parallel_loop3A_163] {strides = array<i32>} : memref<128x128xf32, #tpu.memory_space<vmem>>, vector<1x16xf32>,
        %parallel_loop3A_165 = vector.shape_cast %parallel_loop3A_164 : vector<1x16xf32> to vector<16xf32>
        %parallel_loop3A_166 = arith.constant 4 : i32
        %parallel_loop3A_167 = arith.muli %parallel_loop3A_166, %parallel_loop3A_77 : i32
        %parallel_loop3A_168 = arith.constant 1 : i32
        %parallel_loop3A_169 = arith.addi %parallel_loop3A_167, %parallel_loop3A_168 : i32
        %parallel_loop3A_170 = arith.index_cast %parallel_loop3A_169 : i32 to index
        %parallel_loop3A_171 = arith.constant 32 : index
        %parallel_loop3A_172 = tpu.vector_load %arg9[%parallel_loop3A_170, %parallel_loop3A_171] {strides = array<i32>} : memref<128x128xf32, #tpu.memory_space<vmem>>, vector<1x16xf32>,
        %parallel_loop3A_173 = vector.shape_cast %parallel_loop3A_172 : vector<1x16xf32> to vector<16xf32>
        %parallel_loop3A_174 = arith.addf %parallel_loop3A_165, %parallel_loop3A_173 : vector<16xf32>
        %parallel_loop3A_175 = arith.constant 4 : i32
        %parallel_loop3A_176 = arith.muli %parallel_loop3A_175, %parallel_loop3A_77 : i32
        %parallel_loop3A_177 = arith.constant 2 : i32
        %parallel_loop3A_178 = arith.addi %parallel_loop3A_176, %parallel_loop3A_177 : i32
        %parallel_loop3A_179 = arith.index_cast %parallel_loop3A_178 : i32 to index
        %parallel_loop3A_180 = arith.constant 32 : index
        %parallel_loop3A_181 = tpu.vector_load %arg9[%parallel_loop3A_179, %parallel_loop3A_180] {strides = array<i32>} : memref<128x128xf32, #tpu.memory_space<vmem>>, vector<1x16xf32>,
        %parallel_loop3A_182 = vector.shape_cast %parallel_loop3A_181 : vector<1x16xf32> to vector<16xf32>
        %parallel_loop3A_183 = arith.addf %parallel_loop3A_174, %parallel_loop3A_182 : vector<16xf32>
        %parallel_loop3A_184 = arith.constant 4 : i32
        %parallel_loop3A_185 = arith.muli %parallel_loop3A_184, %parallel_loop3A_77 : i32
        %parallel_loop3A_186 = arith.constant 3 : i32
        %parallel_loop3A_187 = arith.addi %parallel_loop3A_185, %parallel_loop3A_186 : i32
        %parallel_loop3A_188 = arith.index_cast %parallel_loop3A_187 : i32 to index
        %parallel_loop3A_189 = arith.constant 32 : index
        %parallel_loop3A_190 = tpu.vector_load %arg9[%parallel_loop3A_188, %parallel_loop3A_189] {strides = array<i32>} : memref<128x128xf32, #tpu.memory_space<vmem>>, vector<1x16xf32>,
        %parallel_loop3A_191 = vector.shape_cast %parallel_loop3A_190 : vector<1x16xf32> to vector<16xf32>
        %parallel_loop3A_192 = arith.addf %parallel_loop3A_183, %parallel_loop3A_191 : vector<16xf32>
        %parallel_loop3A_193 = arith.constant 2.500000e-01 : f32
        %parallel_loop3A_194 = vector.broadcast %parallel_loop3A_193 : f32 to vector<16xf32>
        %parallel_loop3A_195 = arith.mulf %parallel_loop3A_192, %parallel_loop3A_194 : vector<16xf32>
        %parallel_loop3A_196 = arith.index_cast %parallel_loop3A_77 : i32 to index
        %parallel_loop3A_197 = arith.constant 32 : index
        %parallel_loop3A_198 = tpu.vector_load %arg10[%parallel_loop3A_196, %parallel_loop3A_197] {strides = array<i32>} : memref<32x128xf32, #tpu.memory_space<vmem>>, vector<1x16xf32>,
        %parallel_loop3A_199 = vector.shape_cast %parallel_loop3A_198 : vector<1x16xf32> to vector<16xf32>
        %parallel_loop3A_200 = vector.shape_cast %parallel_loop3A_195 : vector<16xf32> to vector<1x16xf32>
        tpu.vector_store %arg10[%parallel_loop3A_196, %parallel_loop3A_197], %parallel_loop3A_200 {strides = array<i32>} : memref<32x128xf32, #tpu.memory_space<vmem>>, vector<1x16xf32>,
        %parallel_loop3A_201 = arith.constant 4 : i32
        %parallel_loop3A_202 = arith.muli %parallel_loop3A_201, %parallel_loop3A_77 : i32
        %parallel_loop3A_203 = arith.index_cast %parallel_loop3A_202 : i32 to index
        %parallel_loop3A_204 = arith.constant 48 : index
        %parallel_loop3A_205 = tpu.vector_load %arg9[%parallel_loop3A_203, %parallel_loop3A_204] {strides = array<i32>} : memref<128x128xf32, #tpu.memory_space<vmem>>, vector<1x16xf32>,
        %parallel_loop3A_206 = vector.shape_cast %parallel_loop3A_205 : vector<1x16xf32> to vector<16xf32>
        %parallel_loop3A_207 = arith.constant 4 : i32
        %parallel_loop3A_208 = arith.muli %parallel_loop3A_207, %parallel_loop3A_77 : i32
        %parallel_loop3A_209 = arith.constant 1 : i32
        %parallel_loop3A_210 = arith.addi %parallel_loop3A_208, %parallel_loop3A_209 : i32
        %parallel_loop3A_211 = arith.index_cast %parallel_loop3A_210 : i32 to index
        %parallel_loop3A_212 = arith.constant 48 : index
        %parallel_loop3A_213 = tpu.vector_load %arg9[%parallel_loop3A_211, %parallel_loop3A_212] {strides = array<i32>} : memref<128x128xf32, #tpu.memory_space<vmem>>, vector<1x16xf32>,
        %parallel_loop3A_214 = vector.shape_cast %parallel_loop3A_213 : vector<1x16xf32> to vector<16xf32>
        %parallel_loop3A_215 = arith.addf %parallel_loop3A_206, %parallel_loop3A_214 : vector<16xf32>
        %parallel_loop3A_216 = arith.constant 4 : i32
        %parallel_loop3A_217 = arith.muli %parallel_loop3A_216, %parallel_loop3A_77 : i32
        %parallel_loop3A_218 = arith.constant 2 : i32
        %parallel_loop3A_219 = arith.addi %parallel_loop3A_217, %parallel_loop3A_218 : i32
        %parallel_loop3A_220 = arith.index_cast %parallel_loop3A_219 : i32 to index
        %parallel_loop3A_221 = arith.constant 48 : index
        %parallel_loop3A_222 = tpu.vector_load %arg9[%parallel_loop3A_220, %parallel_loop3A_221] {strides = array<i32>} : memref<128x128xf32, #tpu.memory_space<vmem>>, vector<1x16xf32>,
        %parallel_loop3A_223 = vector.shape_cast %parallel_loop3A_222 : vector<1x16xf32> to vector<16xf32>
        %parallel_loop3A_224 = arith.addf %parallel_loop3A_215, %parallel_loop3A_223 : vector<16xf32>
        %parallel_loop3A_225 = arith.constant 4 : i32
        %parallel_loop3A_226 = arith.muli %parallel_loop3A_225, %parallel_loop3A_77 : i32
        %parallel_loop3A_227 = arith.constant 3 : i32
        %parallel_loop3A_228 = arith.addi %parallel_loop3A_226, %parallel_loop3A_227 : i32
        %parallel_loop3A_229 = arith.index_cast %parallel_loop3A_228 : i32 to index
        %parallel_loop3A_230 = arith.constant 48 : index
        %parallel_loop3A_231 = tpu.vector_load %arg9[%parallel_loop3A_229, %parallel_loop3A_230] {strides = array<i32>} : memref<128x128xf32, #tpu.memory_space<vmem>>, vector<1x16xf32>,
        %parallel_loop3A_232 = vector.shape_cast %parallel_loop3A_231 : vector<1x16xf32> to vector<16xf32>
        %parallel_loop3A_233 = arith.addf %parallel_loop3A_224, %parallel_loop3A_232 : vector<16xf32>
        %parallel_loop3A_234 = arith.constant 2.500000e-01 : f32
        %parallel_loop3A_235 = vector.broadcast %parallel_loop3A_234 : f32 to vector<16xf32>
        %parallel_loop3A_236 = arith.mulf %parallel_loop3A_233, %parallel_loop3A_235 : vector<16xf32>
        %parallel_loop3A_237 = arith.index_cast %parallel_loop3A_77 : i32 to index
        %parallel_loop3A_238 = arith.constant 48 : index
        %parallel_loop3A_239 = tpu.vector_load %arg10[%parallel_loop3A_237, %parallel_loop3A_238] {strides = array<i32>} : memref<32x128xf32, #tpu.memory_space<vmem>>, vector<1x16xf32>,
        %parallel_loop3A_240 = vector.shape_cast %parallel_loop3A_239 : vector<1x16xf32> to vector<16xf32>
        %parallel_loop3A_241 = vector.shape_cast %parallel_loop3A_236 : vector<16xf32> to vector<1x16xf32>
        tpu.vector_store %arg10[%parallel_loop3A_237, %parallel_loop3A_238], %parallel_loop3A_241 {strides = array<i32>} : memref<32x128xf32, #tpu.memory_space<vmem>>, vector<1x16xf32>,
        %parallel_loop3A_242 = arith.constant 4 : i32
        %parallel_loop3A_243 = arith.muli %parallel_loop3A_242, %parallel_loop3A_77 : i32
        %parallel_loop3A_244 = arith.index_cast %parallel_loop3A_243 : i32 to index
        %parallel_loop3A_245 = arith.constant 64 : index
        %parallel_loop3A_246 = tpu.vector_load %arg9[%parallel_loop3A_244, %parallel_loop3A_245] {strides = array<i32>} : memref<128x128xf32, #tpu.memory_space<vmem>>, vector<1x16xf32>,
        %parallel_loop3A_247 = vector.shape_cast %parallel_loop3A_246 : vector<1x16xf32> to vector<16xf32>
        %parallel_loop3A_248 = arith.constant 4 : i32
        %parallel_loop3A_249 = arith.muli %parallel_loop3A_248, %parallel_loop3A_77 : i32
        %parallel_loop3A_250 = arith.constant 1 : i32
        %parallel_loop3A_251 = arith.addi %parallel_loop3A_249, %parallel_loop3A_250 : i32
        %parallel_loop3A_252 = arith.index_cast %parallel_loop3A_251 : i32 to index
        %parallel_loop3A_253 = arith.constant 64 : index
        %parallel_loop3A_254 = tpu.vector_load %arg9[%parallel_loop3A_252, %parallel_loop3A_253] {strides = array<i32>} : memref<128x128xf32, #tpu.memory_space<vmem>>, vector<1x16xf32>,
        %parallel_loop3A_255 = vector.shape_cast %parallel_loop3A_254 : vector<1x16xf32> to vector<16xf32>
        %parallel_loop3A_256 = arith.addf %parallel_loop3A_247, %parallel_loop3A_255 : vector<16xf32>
        %parallel_loop3A_257 = arith.constant 4 : i32
        %parallel_loop3A_258 = arith.muli %parallel_loop3A_257, %parallel_loop3A_77 : i32
        %parallel_loop3A_259 = arith.constant 2 : i32
        %parallel_loop3A_260 = arith.addi %parallel_loop3A_258, %parallel_loop3A_259 : i32
        %parallel_loop3A_261 = arith.index_cast %parallel_loop3A_260 : i32 to index
        %parallel_loop3A_262 = arith.constant 64 : index
        %parallel_loop3A_263 = tpu.vector_load %arg9[%parallel_loop3A_261, %parallel_loop3A_262] {strides = array<i32>} : memref<128x128xf32, #tpu.memory_space<vmem>>, vector<1x16xf32>,
        %parallel_loop3A_264 = vector.shape_cast %parallel_loop3A_263 : vector<1x16xf32> to vector<16xf32>
        %parallel_loop3A_265 = arith.addf %parallel_loop3A_256, %parallel_loop3A_264 : vector<16xf32>
        %parallel_loop3A_266 = arith.constant 4 : i32
        %parallel_loop3A_267 = arith.muli %parallel_loop3A_266, %parallel_loop3A_77 : i32
        %parallel_loop3A_268 = arith.constant 3 : i32
        %parallel_loop3A_269 = arith.addi %parallel_loop3A_267, %parallel_loop3A_268 : i32
        %parallel_loop3A_270 = arith.index_cast %parallel_loop3A_269 : i32 to index
        %parallel_loop3A_271 = arith.constant 64 : index
        %parallel_loop3A_272 = tpu.vector_load %arg9[%parallel_loop3A_270, %parallel_loop3A_271] {strides = array<i32>} : memref<128x128xf32, #tpu.memory_space<vmem>>, vector<1x16xf32>,
        %parallel_loop3A_273 = vector.shape_cast %parallel_loop3A_272 : vector<1x16xf32> to vector<16xf32>
        %parallel_loop3A_274 = arith.addf %parallel_loop3A_265, %parallel_loop3A_273 : vector<16xf32>
        %parallel_loop3A_275 = arith.constant 2.500000e-01 : f32
        %parallel_loop3A_276 = vector.broadcast %parallel_loop3A_275 : f32 to vector<16xf32>
        %parallel_loop3A_277 = arith.mulf %parallel_loop3A_274, %parallel_loop3A_276 : vector<16xf32>
        %parallel_loop3A_278 = arith.index_cast %parallel_loop3A_77 : i32 to index
        %parallel_loop3A_279 = arith.constant 64 : index
        %parallel_loop3A_280 = tpu.vector_load %arg10[%parallel_loop3A_278, %parallel_loop3A_279] {strides = array<i32>} : memref<32x128xf32, #tpu.memory_space<vmem>>, vector<1x16xf32>,
        %parallel_loop3A_281 = vector.shape_cast %parallel_loop3A_280 : vector<1x16xf32> to vector<16xf32>
        %parallel_loop3A_282 = vector.shape_cast %parallel_loop3A_277 : vector<16xf32> to vector<1x16xf32>
        tpu.vector_store %arg10[%parallel_loop3A_278, %parallel_loop3A_279], %parallel_loop3A_282 {strides = array<i32>} : memref<32x128xf32, #tpu.memory_space<vmem>>, vector<1x16xf32>,
        %parallel_loop3A_283 = arith.constant 4 : i32
        %parallel_loop3A_284 = arith.muli %parallel_loop3A_283, %parallel_loop3A_77 : i32
        %parallel_loop3A_285 = arith.index_cast %parallel_loop3A_284 : i32 to index
        %parallel_loop3A_286 = arith.constant 80 : index
        %parallel_loop3A_287 = tpu.vector_load %arg9[%parallel_loop3A_285, %parallel_loop3A_286] {strides = array<i32>} : memref<128x128xf32, #tpu.memory_space<vmem>>, vector<1x16xf32>,
        %parallel_loop3A_288 = vector.shape_cast %parallel_loop3A_287 : vector<1x16xf32> to vector<16xf32>
        %parallel_loop3A_289 = arith.constant 4 : i32
        %parallel_loop3A_290 = arith.muli %parallel_loop3A_289, %parallel_loop3A_77 : i32
        %parallel_loop3A_291 = arith.constant 1 : i32
        %parallel_loop3A_292 = arith.addi %parallel_loop3A_290, %parallel_loop3A_291 : i32
        %parallel_loop3A_293 = arith.index_cast %parallel_loop3A_292 : i32 to index
        %parallel_loop3A_294 = arith.constant 80 : index
        %parallel_loop3A_295 = tpu.vector_load %arg9[%parallel_loop3A_293, %parallel_loop3A_294] {strides = array<i32>} : memref<128x128xf32, #tpu.memory_space<vmem>>, vector<1x16xf32>,
        %parallel_loop3A_296 = vector.shape_cast %parallel_loop3A_295 : vector<1x16xf32> to vector<16xf32>
        %parallel_loop3A_297 = arith.addf %parallel_loop3A_288, %parallel_loop3A_296 : vector<16xf32>
        %parallel_loop3A_298 = arith.constant 4 : i32
        %parallel_loop3A_299 = arith.muli %parallel_loop3A_298, %parallel_loop3A_77 : i32
        %parallel_loop3A_300 = arith.constant 2 : i32
        %parallel_loop3A_301 = arith.addi %parallel_loop3A_299, %parallel_loop3A_300 : i32
        %parallel_loop3A_302 = arith.index_cast %parallel_loop3A_301 : i32 to index
        %parallel_loop3A_303 = arith.constant 80 : index
        %parallel_loop3A_304 = tpu.vector_load %arg9[%parallel_loop3A_302, %parallel_loop3A_303] {strides = array<i32>} : memref<128x128xf32, #tpu.memory_space<vmem>>, vector<1x16xf32>,
        %parallel_loop3A_305 = vector.shape_cast %parallel_loop3A_304 : vector<1x16xf32> to vector<16xf32>
        %parallel_loop3A_306 = arith.addf %parallel_loop3A_297, %parallel_loop3A_305 : vector<16xf32>
        %parallel_loop3A_307 = arith.constant 4 : i32
        %parallel_loop3A_308 = arith.muli %parallel_loop3A_307, %parallel_loop3A_77 : i32
        %parallel_loop3A_309 = arith.constant 3 : i32
        %parallel_loop3A_310 = arith.addi %parallel_loop3A_308, %parallel_loop3A_309 : i32
        %parallel_loop3A_311 = arith.index_cast %parallel_loop3A_310 : i32 to index
        %parallel_loop3A_312 = arith.constant 80 : index
        %parallel_loop3A_313 = tpu.vector_load %arg9[%parallel_loop3A_311, %parallel_loop3A_312] {strides = array<i32>} : memref<128x128xf32, #tpu.memory_space<vmem>>, vector<1x16xf32>,
        %parallel_loop3A_314 = vector.shape_cast %parallel_loop3A_313 : vector<1x16xf32> to vector<16xf32>
        %parallel_loop3A_315 = arith.addf %parallel_loop3A_306, %parallel_loop3A_314 : vector<16xf32>
        %parallel_loop3A_316 = arith.constant 2.500000e-01 : f32
        %parallel_loop3A_317 = vector.broadcast %parallel_loop3A_316 : f32 to vector<16xf32>
        %parallel_loop3A_318 = arith.mulf %parallel_loop3A_315, %parallel_loop3A_317 : vector<16xf32>
        %parallel_loop3A_319 = arith.index_cast %parallel_loop3A_77 : i32 to index
        %parallel_loop3A_320 = arith.constant 80 : index
        %parallel_loop3A_321 = tpu.vector_load %arg10[%parallel_loop3A_319, %parallel_loop3A_320] {strides = array<i32>} : memref<32x128xf32, #tpu.memory_space<vmem>>, vector<1x16xf32>,
        %parallel_loop3A_322 = vector.shape_cast %parallel_loop3A_321 : vector<1x16xf32> to vector<16xf32>
        %parallel_loop3A_323 = vector.shape_cast %parallel_loop3A_318 : vector<16xf32> to vector<1x16xf32>
        tpu.vector_store %arg10[%parallel_loop3A_319, %parallel_loop3A_320], %parallel_loop3A_323 {strides = array<i32>} : memref<32x128xf32, #tpu.memory_space<vmem>>, vector<1x16xf32>,
        %parallel_loop3A_324 = arith.constant 4 : i32
        %parallel_loop3A_325 = arith.muli %parallel_loop3A_324, %parallel_loop3A_77 : i32
        %parallel_loop3A_326 = arith.index_cast %parallel_loop3A_325 : i32 to index
        %parallel_loop3A_327 = arith.constant 96 : index
        %parallel_loop3A_328 = tpu.vector_load %arg9[%parallel_loop3A_326, %parallel_loop3A_327] {strides = array<i32>} : memref<128x128xf32, #tpu.memory_space<vmem>>, vector<1x16xf32>,
        %parallel_loop3A_329 = vector.shape_cast %parallel_loop3A_328 : vector<1x16xf32> to vector<16xf32>
        %parallel_loop3A_330 = arith.constant 4 : i32
        %parallel_loop3A_331 = arith.muli %parallel_loop3A_330, %parallel_loop3A_77 : i32
        %parallel_loop3A_332 = arith.constant 1 : i32
        %parallel_loop3A_333 = arith.addi %parallel_loop3A_331, %parallel_loop3A_332 : i32
        %parallel_loop3A_334 = arith.index_cast %parallel_loop3A_333 : i32 to index
        %parallel_loop3A_335 = arith.constant 96 : index
        %parallel_loop3A_336 = tpu.vector_load %arg9[%parallel_loop3A_334, %parallel_loop3A_335] {strides = array<i32>} : memref<128x128xf32, #tpu.memory_space<vmem>>, vector<1x16xf32>,
        %parallel_loop3A_337 = vector.shape_cast %parallel_loop3A_336 : vector<1x16xf32> to vector<16xf32>
        %parallel_loop3A_338 = arith.addf %parallel_loop3A_329, %parallel_loop3A_337 : vector<16xf32>
        %parallel_loop3A_339 = arith.constant 4 : i32
        %parallel_loop3A_340 = arith.muli %parallel_loop3A_339, %parallel_loop3A_77 : i32
        %parallel_loop3A_341 = arith.constant 2 : i32
        %parallel_loop3A_342 = arith.addi %parallel_loop3A_340, %parallel_loop3A_341 : i32
        %parallel_loop3A_343 = arith.index_cast %parallel_loop3A_342 : i32 to index
        %parallel_loop3A_344 = arith.constant 96 : index
        %parallel_loop3A_345 = tpu.vector_load %arg9[%parallel_loop3A_343, %parallel_loop3A_344] {strides = array<i32>} : memref<128x128xf32, #tpu.memory_space<vmem>>, vector<1x16xf32>,
        %parallel_loop3A_346 = vector.shape_cast %parallel_loop3A_345 : vector<1x16xf32> to vector<16xf32>
        %parallel_loop3A_347 = arith.addf %parallel_loop3A_338, %parallel_loop3A_346 : vector<16xf32>
        %parallel_loop3A_348 = arith.constant 4 : i32
        %parallel_loop3A_349 = arith.muli %parallel_loop3A_348, %parallel_loop3A_77 : i32
        %parallel_loop3A_350 = arith.constant 3 : i32
        %parallel_loop3A_351 = arith.addi %parallel_loop3A_349, %parallel_loop3A_350 : i32
        %parallel_loop3A_352 = arith.index_cast %parallel_loop3A_351 : i32 to index
        %parallel_loop3A_353 = arith.constant 96 : index
        %parallel_loop3A_354 = tpu.vector_load %arg9[%parallel_loop3A_352, %parallel_loop3A_353] {strides = array<i32>} : memref<128x128xf32, #tpu.memory_space<vmem>>, vector<1x16xf32>,
        %parallel_loop3A_355 = vector.shape_cast %parallel_loop3A_354 : vector<1x16xf32> to vector<16xf32>
        %parallel_loop3A_356 = arith.addf %parallel_loop3A_347, %parallel_loop3A_355 : vector<16xf32>
        %parallel_loop3A_357 = arith.constant 2.500000e-01 : f32
        %parallel_loop3A_358 = vector.broadcast %parallel_loop3A_357 : f32 to vector<16xf32>
        %parallel_loop3A_359 = arith.mulf %parallel_loop3A_356, %parallel_loop3A_358 : vector<16xf32>
        %parallel_loop3A_360 = arith.index_cast %parallel_loop3A_77 : i32 to index
        %parallel_loop3A_361 = arith.constant 96 : index
        %parallel_loop3A_362 = tpu.vector_load %arg10[%parallel_loop3A_360, %parallel_loop3A_361] {strides = array<i32>} : memref<32x128xf32, #tpu.memory_space<vmem>>, vector<1x16xf32>,
        %parallel_loop3A_363 = vector.shape_cast %parallel_loop3A_362 : vector<1x16xf32> to vector<16xf32>
        %parallel_loop3A_364 = vector.shape_cast %parallel_loop3A_359 : vector<16xf32> to vector<1x16xf32>
        tpu.vector_store %arg10[%parallel_loop3A_360, %parallel_loop3A_361], %parallel_loop3A_364 {strides = array<i32>} : memref<32x128xf32, #tpu.memory_space<vmem>>, vector<1x16xf32>,
        %parallel_loop3A_365 = arith.constant 4 : i32
        %parallel_loop3A_366 = arith.muli %parallel_loop3A_365, %parallel_loop3A_77 : i32
        %parallel_loop3A_367 = arith.index_cast %parallel_loop3A_366 : i32 to index
        %parallel_loop3A_368 = arith.constant 112 : index
        %parallel_loop3A_369 = tpu.vector_load %arg9[%parallel_loop3A_367, %parallel_loop3A_368] {strides = array<i32>} : memref<128x128xf32, #tpu.memory_space<vmem>>, vector<1x16xf32>,
        %parallel_loop3A_370 = vector.shape_cast %parallel_loop3A_369 : vector<1x16xf32> to vector<16xf32>
        %parallel_loop3A_371 = arith.constant 4 : i32
        %parallel_loop3A_372 = arith.muli %parallel_loop3A_371, %parallel_loop3A_77 : i32
        %parallel_loop3A_373 = arith.constant 1 : i32
        %parallel_loop3A_374 = arith.addi %parallel_loop3A_372, %parallel_loop3A_373 : i32
        %parallel_loop3A_375 = arith.index_cast %parallel_loop3A_374 : i32 to index
        %parallel_loop3A_376 = arith.constant 112 : index
        %parallel_loop3A_377 = tpu.vector_load %arg9[%parallel_loop3A_375, %parallel_loop3A_376] {strides = array<i32>} : memref<128x128xf32, #tpu.memory_space<vmem>>, vector<1x16xf32>,
        %parallel_loop3A_378 = vector.shape_cast %parallel_loop3A_377 : vector<1x16xf32> to vector<16xf32>
        %parallel_loop3A_379 = arith.addf %parallel_loop3A_370, %parallel_loop3A_378 : vector<16xf32>
        %parallel_loop3A_380 = arith.constant 4 : i32
        %parallel_loop3A_381 = arith.muli %parallel_loop3A_380, %parallel_loop3A_77 : i32
        %parallel_loop3A_382 = arith.constant 2 : i32
        %parallel_loop3A_383 = arith.addi %parallel_loop3A_381, %parallel_loop3A_382 : i32
        %parallel_loop3A_384 = arith.index_cast %parallel_loop3A_383 : i32 to index
        %parallel_loop3A_385 = arith.constant 112 : index
        %parallel_loop3A_386 = tpu.vector_load %arg9[%parallel_loop3A_384, %parallel_loop3A_385] {strides = array<i32>} : memref<128x128xf32, #tpu.memory_space<vmem>>, vector<1x16xf32>,
        %parallel_loop3A_387 = vector.shape_cast %parallel_loop3A_386 : vector<1x16xf32> to vector<16xf32>
        %parallel_loop3A_388 = arith.addf %parallel_loop3A_379, %parallel_loop3A_387 : vector<16xf32>
        %parallel_loop3A_389 = arith.constant 4 : i32
        %parallel_loop3A_390 = arith.muli %parallel_loop3A_389, %parallel_loop3A_77 : i32
        %parallel_loop3A_391 = arith.constant 3 : i32
        %parallel_loop3A_392 = arith.addi %parallel_loop3A_390, %parallel_loop3A_391 : i32
        %parallel_loop3A_393 = arith.index_cast %parallel_loop3A_392 : i32 to index
        %parallel_loop3A_394 = arith.constant 112 : index
        %parallel_loop3A_395 = tpu.vector_load %arg9[%parallel_loop3A_393, %parallel_loop3A_394] {strides = array<i32>} : memref<128x128xf32, #tpu.memory_space<vmem>>, vector<1x16xf32>,
        %parallel_loop3A_396 = vector.shape_cast %parallel_loop3A_395 : vector<1x16xf32> to vector<16xf32>
        %parallel_loop3A_397 = arith.addf %parallel_loop3A_388, %parallel_loop3A_396 : vector<16xf32>
        %parallel_loop3A_398 = arith.constant 2.500000e-01 : f32
        %parallel_loop3A_399 = vector.broadcast %parallel_loop3A_398 : f32 to vector<16xf32>
        %parallel_loop3A_400 = arith.mulf %parallel_loop3A_397, %parallel_loop3A_399 : vector<16xf32>
        %parallel_loop3A_401 = arith.index_cast %parallel_loop3A_77 : i32 to index
        %parallel_loop3A_402 = arith.constant 112 : index
        %parallel_loop3A_403 = tpu.vector_load %arg10[%parallel_loop3A_401, %parallel_loop3A_402] {strides = array<i32>} : memref<32x128xf32, #tpu.memory_space<vmem>>, vector<1x16xf32>,
        %parallel_loop3A_404 = vector.shape_cast %parallel_loop3A_403 : vector<1x16xf32> to vector<16xf32>
        %parallel_loop3A_405 = vector.shape_cast %parallel_loop3A_400 : vector<16xf32> to vector<1x16xf32>
        tpu.vector_store %arg10[%parallel_loop3A_401, %parallel_loop3A_402], %parallel_loop3A_405 {strides = array<i32>} : memref<32x128xf32, #tpu.memory_space<vmem>>, vector<1x16xf32>,
      } {sc.loop_unroll_factor = 2 : i64, sc.parallel_access}
      %mul3A_74 = arith.constant 32 : i32
      %mul3A_75 = arith.muli %add3A_70, %mul3A_74 : i32
      %add3A_76 = arith.addi %mul3A_10, %mul3A_75 : i32
      "tpu.region"() ({
        %run_scoped3A = tpu.sem_alloc : memref<!tpu.dma_semaphore, #tpu.memory_space<semaphore_mem>>
        %dma_start3A_77 = arith.constant 0 : i32
        %dma_start3A_78 = tpu.memref_slice %arg5[%add3A_76, %dma_start3A_77] : memref<20480x128xf32, #tpu.memory_space<hbm>> -> memref<32x128xf32, #tpu.memory_space<hbm>>
        %dma_start3A_79 = arith.constant 0 : i32
        %dma_start3A_80 = tpu.memref_slice %arg5[%add3A_76, %dma_start3A_79] : memref<20480x128xf32, #tpu.memory_space<hbm>> -> memref<32x128xf32, #tpu.memory_space<hbm>>
        tpu.enqueue_dma source(%arg10 : memref<32x128xf32, #tpu.memory_space<vmem>>) target(%dma_start3A_80 : memref<32x128xf32, #tpu.memory_space<hbm>>) target_semaphore(%run_scoped3A : memref<!tpu.dma_semaphore, #tpu.memory_space<semaphore_mem>>)
        %dma_wait3A_81 = arith.constant 0 : i32
        %dma_wait3A_82 = tpu.memref_slice %arg5[%add3A_76, %dma_wait3A_81] : memref<20480x128xf32, #tpu.memory_space<hbm>> -> memref<32x128xf32, #tpu.memory_space<hbm>>
        %dma_wait3A_83 = arith.constant 0 : i32
        %dma_wait3A_84 = tpu.memref_slice %arg5[%add3A_76, %dma_wait3A_83] : memref<20480x128xf32, #tpu.memory_space<hbm>> -> memref<32x128xf32, #tpu.memory_space<hbm>>
        tpu.wait_dma2 semaphore(%run_scoped3A : memref<!tpu.dma_semaphore, #tpu.memory_space<semaphore_mem>>) src(%arg10 : memref<32x128xf32, #tpu.memory_space<vmem>>) dst(%dma_wait3A_84 : memref<32x128xf32, #tpu.memory_space<hbm>>)
        tpu.yield
      }) : () -> ()
    }
    %scan3A_22 = arith.constant 10 : i32
    %dma_wait3A_23 = arith.constant 0 : i32
    %dma_wait3A_24 = arith.constant 0 : i32
    %dma_wait3A_25 = tpu.memref_slice %arg7[%dma_wait3A_23, %dma_wait3A_24] : memref<20x128xi32, #tpu.memory_space<vmem>> -> memref<1x128xi32, #tpu.memory_space<vmem>>
    %dma_wait3A_26 = tpu.memref_squeeze %dma_wait3A_25 : memref<1x128xi32, #tpu.memory_space<vmem>> -> memref<128xi32, #tpu.memory_space<vmem>>
    %dma_wait3A_27 = arith.constant 0 : i32
    %dma_wait3A_28 = arith.constant 0 : i32
    %dma_wait3A_29 = tpu.memref_slice %arg2[%dma_wait3A_27, %dma_wait3A_28] : memref<10000x128xf32, #tpu.memory_space<hbm>> -> memref<10000x128xf32, #tpu.memory_space<hbm>>
    tpu.wait_indirect_dma semaphore(%arg13 : memref<!tpu.dma_semaphore, #tpu.memory_space<semaphore_mem>>) src(%dma_wait3A_29 : memref<10000x128xf32, #tpu.memory_space<hbm>>) dst(%arg8 : memref<128x128xf32, #tpu.memory_space<vmem>>)
    return
  }
}

module attributes {stable_mosaic.version = 14 : i64} {
  func.func @_tc_body(%arg0: i32, %arg1: memref<512x1280xf32, #tpu.memory_space<vmem>>, %arg2: memref<512x128xf32, #tpu.memory_space<vmem>>, %arg3: memref<512x40xi32, #tpu.memory_space<vmem>>, %arg4: memref<512x1xi32, #tpu.memory_space<vmem>>, %arg5: memref<512x1xi32, #tpu.memory_space<vmem>>, %arg6: memref<64x128xbf16, #tpu.memory_space<vmem>>, %arg7: memref<512x384xbf16, #tpu.memory_space<vmem>>, %arg8: memref<128x384xbf16, #tpu.memory_space<vmem>>, %arg9: memref<1x384xf32, #tpu.memory_space<vmem>>, %arg10: memref<1x384xf32, #tpu.memory_space<vmem>>, %arg11: memref<384x384xbf16, #tpu.memory_space<vmem>>, %arg12: memref<128x384xbf16, #tpu.memory_space<vmem>>, %arg13: memref<1x384xf32, #tpu.memory_space<vmem>>, %arg14: memref<1x384xf32, #tpu.memory_space<vmem>>, %arg15: memref<384x10240xbf16, #tpu.memory_space<vmem>>, %arg16: memref<1x10240xf32, #tpu.memory_space<vmem>>, %arg17: memref<256x64xbf16, #tpu.memory_space<vmem>>, %arg18: memref<1x64xf32, #tpu.memory_space<vmem>>, %arg19: memref<1x1xf32, #tpu.memory_space<smem>>) attributes {dimension_semantics = [#tpu.dimension_semantics<arbitrary>], iteration_bounds = array<i64: 4>, scalar_prefetch = 0 : i64, scratch_operands = 0 : i64, tpu.core_type = #tpu.core_type<tc>, window_params = [{transform_indices = @transform_0, window_bounds = array<i64: 512, 1280>}, {transform_indices = @transform_1, window_bounds = array<i64: 512, 128>}, {transform_indices = @transform_2, window_bounds = array<i64: 512, 40>}, {transform_indices = @transform_3, window_bounds = array<i64: 512, 1>}, {transform_indices = @transform_4, window_bounds = array<i64: 512, 1>}, {pipeline_mode = #tpu.pipeline_mode<synchronous>, transform_indices = @transform_5, window_bounds = array<i64: 64, 128>}, {pipeline_mode = #tpu.pipeline_mode<synchronous>, transform_indices = @transform_6, window_bounds = array<i64: 512, 384>}, {pipeline_mode = #tpu.pipeline_mode<synchronous>, transform_indices = @transform_7, window_bounds = array<i64: 128, 384>}, {pipeline_mode = #tpu.pipeline_mode<synchronous>, transform_indices = @transform_8, window_bounds = array<i64: 1, 384>}, {pipeline_mode = #tpu.pipeline_mode<synchronous>, transform_indices = @transform_9, window_bounds = array<i64: 1, 384>}, {pipeline_mode = #tpu.pipeline_mode<synchronous>, transform_indices = @transform_10, window_bounds = array<i64: 384, 384>}, {pipeline_mode = #tpu.pipeline_mode<synchronous>, transform_indices = @transform_11, window_bounds = array<i64: 128, 384>}, {pipeline_mode = #tpu.pipeline_mode<synchronous>, transform_indices = @transform_12, window_bounds = array<i64: 1, 384>}, {pipeline_mode = #tpu.pipeline_mode<synchronous>, transform_indices = @transform_13, window_bounds = array<i64: 1, 384>}, {pipeline_mode = #tpu.pipeline_mode<synchronous>, transform_indices = @transform_14, window_bounds = array<i64: 384, 10240>}, {pipeline_mode = #tpu.pipeline_mode<synchronous>, transform_indices = @transform_15, window_bounds = array<i64: 1, 10240>}, {pipeline_mode = #tpu.pipeline_mode<synchronous>, transform_indices = @transform_16, window_bounds = array<i64: 256, 64>}, {pipeline_mode = #tpu.pipeline_mode<synchronous>, transform_indices = @transform_17, window_bounds = array<i64: 1, 64>}, {transform_indices = @transform_18, window_bounds = array<i64: 1, 1>}]} {
    %get3A = arith.constant 0 : index
    %get3A_0 = arith.constant 0 : index
    %get3A_1 = vector.load %arg2[%get3A, %get3A_0] : memref<512x128xf32, #tpu.memory_space<vmem>>, vector<512x128xf32>
    %convert_element_type3A = arith.truncf %get3A_1 : vector<512x128xf32> to vector<512x128xbf16>
    %get3A_2 = arith.constant 0 : index
    %get3A_3 = arith.constant 0 : index
    %get3A_4 = vector.load %arg6[%get3A_2, %get3A_3] : memref<64x128xbf16, #tpu.memory_space<vmem>>, vector<64x128xbf16>
    %get3A_5 = arith.constant 0 : index
    %get3A_6 = arith.constant 0 : index
    %get3A_7 = vector.load %arg7[%get3A_5, %get3A_6] : memref<512x384xbf16, #tpu.memory_space<vmem>>, vector<512x384xbf16>
    %get3A_8 = arith.constant 0 : index
    %get3A_9 = arith.constant 0 : index
    %get3A_10 = vector.load %arg8[%get3A_8, %get3A_9] : memref<128x384xbf16, #tpu.memory_space<vmem>>, vector<128x384xbf16>
    %get3A_11 = arith.constant 0 : index
    %get3A_12 = arith.constant 0 : index
    %get3A_13 = vector.load %arg11[%get3A_11, %get3A_12] : memref<384x384xbf16, #tpu.memory_space<vmem>>, vector<384x384xbf16>
    %get3A_14 = arith.constant 0 : index
    %get3A_15 = arith.constant 0 : index
    %get3A_16 = vector.load %arg12[%get3A_14, %get3A_15] : memref<128x384xbf16, #tpu.memory_space<vmem>>, vector<128x384xbf16>
    %slice3A = vector.extract_strided_slice %get3A_7 {offsets = [128, 0], sizes = [128, 384], strides = [1, 1]} : vector<512x384xbf16> to vector<128x384xbf16>
    %dot_general3A = arith.constant dense<0.000000e+00> : vector<64x384xf32>
    %dot_general3A_17 = tpu.matmul %get3A_4, %slice3A, %dot_general3A {dimension_numbers = #tpu.dot_dimension_numbers<[1], [0], [0], [1], [0, 0, 1, 1], [], []>, transpose_lhs_hint = false} : vector<64x128xbf16>, vector<128x384xbf16>, vector<64x384xf32> -> vector<64x384xf32>
    %convert_element_type3A_18 = arith.truncf %dot_general3A_17 : vector<64x384xf32> to vector<64x384xbf16>
    %slice3A_19 = vector.extract_strided_slice %get3A_7 {offsets = [384, 0], sizes = [128, 384], strides = [1, 1]} : vector<512x384xbf16> to vector<128x384xbf16>
    %slice3A_20 = vector.extract_strided_slice %get3A_13 {offsets = [256, 0], sizes = [128, 384], strides = [1, 1]} : vector<384x384xbf16> to vector<128x384xbf16>
    %concatenate3A = tpu.concatenate %slice3A_19, %slice3A_20 in 1 : vector<128x384xbf16>, vector<128x384xbf16> -> vector<128x768xbf16>
    %dot_general3A_21 = arith.constant dense<0.000000e+00> : vector<64x768xf32>
    %dot_general3A_22 = tpu.matmul %get3A_4, %concatenate3A, %dot_general3A_21 {dimension_numbers = #tpu.dot_dimension_numbers<[1], [0], [0], [1], [0, 0, 1, 1], [], []>, transpose_lhs_hint = false} : vector<64x128xbf16>, vector<128x768xbf16>, vector<64x768xf32> -> vector<64x768xf32>
    %convert_element_type3A_23 = arith.truncf %dot_general3A_22 : vector<64x768xf32> to vector<64x768xbf16>
    %iota3A = tpu.iota {dimensions = array<i32: 1>} : vector<512x64xi32>
    %get3A_24 = arith.constant 0 : index
    %get3A_25 = arith.constant 0 : index
    %get3A_26 = vector.load %arg5[%get3A_24, %get3A_25] : memref<512x1xi32, #tpu.memory_space<vmem>>, vector<512x1xi32>
    %eq3A = vector.broadcast %get3A_26 : vector<512x1xi32> to vector<512x64xi32>
    %eq3A_27 = arith.cmpi eq, %iota3A, %eq3A : vector<512x64xi32>
    %convert_element_type3A_28 = arith.extui %eq3A_27 : vector<512x64xi1> to vector<512x64xi32>
    %convert_element_type3A_29 = arith.sitofp %convert_element_type3A_28 : vector<512x64xi32> to vector<512x64xf32>
    %convert_element_type3A_30 = arith.truncf %convert_element_type3A_29 : vector<512x64xf32> to vector<512x64xbf16>
    %dot_general3A_31 = arith.constant dense<0.000000e+00> : vector<512x128xf32>
    %dot_general3A_32 = tpu.matmul %convert_element_type3A_30, %get3A_4, %dot_general3A_31 {dimension_numbers = #tpu.dot_dimension_numbers<[1], [0], [0], [1], [0, 0, 1, 1], [], []>, transpose_lhs_hint = false} : vector<512x64xbf16>, vector<64x128xbf16>, vector<512x128xf32> -> vector<512x128xf32>
    %slice3A_33 = vector.extract_strided_slice %get3A_7 {offsets = [0, 0], sizes = [128, 384], strides = [1, 1]} : vector<512x384xbf16> to vector<128x384xbf16>
    %dot_general3A_34 = arith.constant dense<0.000000e+00> : vector<512x384xf32>
    %dot_general3A_35 = tpu.matmul %convert_element_type3A, %slice3A_33, %dot_general3A_34 {dimension_numbers = #tpu.dot_dimension_numbers<[1], [0], [0], [1], [0, 0, 1, 1], [], []>, transpose_lhs_hint = false} : vector<512x128xbf16>, vector<128x384xbf16>, vector<512x384xf32> -> vector<512x384xf32>
    %dot_general3A_36 = arith.constant dense<0.000000e+00> : vector<512x384xf32>
    %dot_general3A_37 = tpu.matmul %convert_element_type3A_30, %convert_element_type3A_18, %dot_general3A_36 {dimension_numbers = #tpu.dot_dimension_numbers<[1], [0], [0], [1], [0, 0, 1, 1], [], []>, transpose_lhs_hint = false} : vector<512x64xbf16>, vector<64x384xbf16>, vector<512x384xf32> -> vector<512x384xf32>
    %add3A = arith.addf %dot_general3A_35, %dot_general3A_37 : vector<512x384xf32>
    %get3A_38 = arith.constant 0 : index
    %get3A_39 = arith.constant 0 : index
    %get3A_40 = vector.load %arg9[%get3A_38, %get3A_39] : memref<1x384xf32, #tpu.memory_space<vmem>>, vector<1x384xf32>
    %add3A_41 = vector.broadcast %get3A_40 : vector<1x384xf32> to vector<512x384xf32>
    %add3A_42 = arith.addf %add3A, %add3A_41 : vector<512x384xf32>
    %slice3A_43 = vector.extract_strided_slice %get3A_13 {offsets = [0, 0], sizes = [128, 384], strides = [1, 1]} : vector<384x384xbf16> to vector<128x384xbf16>
    %dot_general3A_44 = arith.constant dense<0.000000e+00> : vector<512x384xf32>
    %dot_general3A_45 = tpu.matmul %convert_element_type3A, %slice3A_43, %dot_general3A_44 {dimension_numbers = #tpu.dot_dimension_numbers<[1], [0], [0], [1], [0, 0, 1, 1], [], []>, transpose_lhs_hint = false} : vector<512x128xbf16>, vector<128x384xbf16>, vector<512x384xf32> -> vector<512x384xf32>
    %get3A_46 = arith.constant 0 : index
    %get3A_47 = arith.constant 0 : index
    %get3A_48 = vector.load %arg13[%get3A_46, %get3A_47] : memref<1x384xf32, #tpu.memory_space<vmem>>, vector<1x384xf32>
    %add3A_49 = vector.broadcast %get3A_48 : vector<1x384xf32> to vector<512x384xf32>
    %add3A_50 = arith.addf %dot_general3A_45, %add3A_49 : vector<512x384xf32>
    %get3A_51 = arith.constant 0 : index
    %get3A_52 = arith.constant 0 : index
    %get3A_53 = vector.load %arg10[%get3A_51, %get3A_52] : memref<1x384xf32, #tpu.memory_space<vmem>>, vector<1x384xf32>
    %get3A_54 = arith.constant 0 : index
    %get3A_55 = arith.constant 0 : index
    %get3A_56 = vector.load %arg14[%get3A_54, %get3A_55] : memref<1x384xf32, #tpu.memory_space<vmem>>, vector<1x384xf32>
    %slice3A_57 = vector.extract_strided_slice %get3A_7 {offsets = [256, 0], sizes = [128, 384], strides = [1, 1]} : vector<512x384xbf16> to vector<128x384xbf16>
    %slice3A_58 = vector.extract_strided_slice %get3A_13 {offsets = [128, 0], sizes = [128, 384], strides = [1, 1]} : vector<384x384xbf16> to vector<128x384xbf16>
    %concatenate3A_59 = tpu.concatenate %slice3A_57, %slice3A_58 in 1 : vector<128x384xbf16>, vector<128x384xbf16> -> vector<128x768xbf16>
    %broadcast_in_dim3A = arith.constant 0.000000e+00 : f32
    %broadcast_in_dim3A_60 = vector.broadcast %broadcast_in_dim3A : f32 to vector<512x128xf32>
    %broadcast_in_dim3A_61 = arith.constant 0.000000e+00 : f32
    %broadcast_in_dim3A_62 = vector.broadcast %broadcast_in_dim3A_61 : f32 to vector<512x128xf32>
    %broadcast_in_dim3A_63 = arith.constant 0.000000e+00 : f32
    %broadcast_in_dim3A_64 = vector.broadcast %broadcast_in_dim3A_63 : f32 to vector<512x64xf32>
    %get3A_65 = arith.constant 0 : index
    %get3A_66 = arith.constant 0 : index
    %get3A_67 = vector.load %arg3[%get3A_65, %get3A_66] : memref<512x40xi32, #tpu.memory_space<vmem>>, vector<512x1xi32>
    %eq3A_68 = vector.broadcast %get3A_67 : vector<512x1xi32> to vector<512x64xi32>
    %eq3A_69 = arith.cmpi eq, %iota3A, %eq3A_68 : vector<512x64xi32>
    %jit3A = arith.constant 1.000000e+00 : f32
    %jit3A_70 = arith.constant 0.000000e+00 : f32
    %broadcast_in_dim3A_71 = vector.broadcast %jit3A : f32 to vector<512x64xf32>
    %broadcast_in_dim3A_72 = vector.broadcast %jit3A_70 : f32 to vector<512x64xf32>
    %select_n3A = arith.select %eq3A_69, %broadcast_in_dim3A_71, %broadcast_in_dim3A_72 : vector<512x64xi1>, vector<512x64xf32>
    %add3A_73 = arith.addf %broadcast_in_dim3A_64, %select_n3A : vector<512x64xf32>
    %get3A_74 = arith.constant 0 : index
    %get3A_75 = arith.constant 1 : index
    %get3A_76 = vector.load %arg3[%get3A_74, %get3A_75] : memref<512x40xi32, #tpu.memory_space<vmem>>, vector<512x1xi32>
    %eq3A_77 = vector.broadcast %get3A_76 : vector<512x1xi32> to vector<512x64xi32>
    %eq3A_78 = arith.cmpi eq, %iota3A, %eq3A_77 : vector<512x64xi32>
    %jit3A_79 = arith.constant 1.000000e+00 : f32
    %jit3A_80 = arith.constant 0.000000e+00 : f32
    %broadcast_in_dim3A_81 = vector.broadcast %jit3A_79 : f32 to vector<512x64xf32>
    %broadcast_in_dim3A_82 = vector.broadcast %jit3A_80 : f32 to vector<512x64xf32>
    %select_n3A_83 = arith.select %eq3A_78, %broadcast_in_dim3A_81, %broadcast_in_dim3A_82 : vector<512x64xi1>, vector<512x64xf32>
    %add3A_84 = arith.addf %add3A_73, %select_n3A_83 : vector<512x64xf32>
    %get3A_85 = arith.constant 0 : index
    %get3A_86 = arith.constant 2 : index
    %get3A_87 = vector.load %arg3[%get3A_85, %get3A_86] : memref<512x40xi32, #tpu.memory_space<vmem>>, vector<512x1xi32>
    %eq3A_88 = vector.broadcast %get3A_87 : vector<512x1xi32> to vector<512x64xi32>
    %eq3A_89 = arith.cmpi eq, %iota3A, %eq3A_88 : vector<512x64xi32>
    %jit3A_90 = arith.constant 1.000000e+00 : f32
    %jit3A_91 = arith.constant 0.000000e+00 : f32
    %broadcast_in_dim3A_92 = vector.broadcast %jit3A_90 : f32 to vector<512x64xf32>
    %broadcast_in_dim3A_93 = vector.broadcast %jit3A_91 : f32 to vector<512x64xf32>
    %select_n3A_94 = arith.select %eq3A_89, %broadcast_in_dim3A_92, %broadcast_in_dim3A_93 : vector<512x64xi1>, vector<512x64xf32>
    %add3A_95 = arith.addf %add3A_84, %select_n3A_94 : vector<512x64xf32>
    %get3A_96 = arith.constant 0 : index
    %get3A_97 = arith.constant 3 : index
    %get3A_98 = vector.load %arg3[%get3A_96, %get3A_97] : memref<512x40xi32, #tpu.memory_space<vmem>>, vector<512x1xi32>
    %eq3A_99 = vector.broadcast %get3A_98 : vector<512x1xi32> to vector<512x64xi32>
    %eq3A_100 = arith.cmpi eq, %iota3A, %eq3A_99 : vector<512x64xi32>
    %jit3A_101 = arith.constant 1.000000e+00 : f32
    %jit3A_102 = arith.constant 0.000000e+00 : f32
    %broadcast_in_dim3A_103 = vector.broadcast %jit3A_101 : f32 to vector<512x64xf32>
    %broadcast_in_dim3A_104 = vector.broadcast %jit3A_102 : f32 to vector<512x64xf32>
    %select_n3A_105 = arith.select %eq3A_100, %broadcast_in_dim3A_103, %broadcast_in_dim3A_104 : vector<512x64xi1>, vector<512x64xf32>
    %add3A_106 = arith.addf %add3A_95, %select_n3A_105 : vector<512x64xf32>
    %mul3A = arith.constant 2.500000e-01 : f32
    %mul3A_107 = vector.broadcast %mul3A : f32 to vector<512x64xf32>
    %mul3A_108 = arith.mulf %add3A_106, %mul3A_107 : vector<512x64xf32>
    %convert_element_type3A_109 = arith.truncf %mul3A_108 : vector<512x64xf32> to vector<512x64xbf16>
    %get3A_110 = arith.constant 0 : index
    %get3A_111 = arith.constant 0 : index
    %get3A_112 = vector.load %arg1[%get3A_110, %get3A_111] : memref<512x1280xf32, #tpu.memory_space<vmem>>, vector<512x128xf32>
    %convert_element_type3A_113 = arith.truncf %get3A_112 : vector<512x128xf32> to vector<512x128xbf16>
    %dot_general3A_114 = arith.constant dense<0.000000e+00> : vector<512x768xf32>
    %dot_general3A_115 = tpu.matmul %convert_element_type3A_113, %concatenate3A_59, %dot_general3A_114 {dimension_numbers = #tpu.dot_dimension_numbers<[1], [0], [0], [1], [0, 0, 1, 1], [], []>, transpose_lhs_hint = false} : vector<512x128xbf16>, vector<128x768xbf16>, vector<512x768xf32> -> vector<512x768xf32>
    %dot_general3A_116 = arith.constant dense<0.000000e+00> : vector<512x768xf32>
    %dot_general3A_117 = tpu.matmul %convert_element_type3A_109, %convert_element_type3A_23, %dot_general3A_116 {dimension_numbers = #tpu.dot_dimension_numbers<[1], [0], [0], [1], [0, 0, 1, 1], [], []>, transpose_lhs_hint = false} : vector<512x64xbf16>, vector<64x768xbf16>, vector<512x768xf32> -> vector<512x768xf32>
    %add3A_118 = arith.addf %dot_general3A_115, %dot_general3A_117 : vector<512x768xf32>
    %slice3A_119 = vector.extract_strided_slice %add3A_118 {offsets = [0, 0], sizes = [512, 384], strides = [1, 1]} : vector<512x768xf32> to vector<512x384xf32>
    %add3A_120 = arith.addf %add3A_42, %slice3A_119 : vector<512x384xf32>
    %convert_element_type3A_121 = arith.truncf %broadcast_in_dim3A_60 : vector<512x128xf32> to vector<512x128xbf16>
    %dot_general3A_122 = arith.constant dense<0.000000e+00> : vector<512x384xf32>
    %dot_general3A_123 = tpu.matmul %convert_element_type3A_121, %get3A_10, %dot_general3A_122 {dimension_numbers = #tpu.dot_dimension_numbers<[1], [0], [0], [1], [0, 0, 1, 1], [], []>, transpose_lhs_hint = false} : vector<512x128xbf16>, vector<128x384xbf16>, vector<512x384xf32> -> vector<512x384xf32>
    %add3A_124 = vector.broadcast %get3A_53 : vector<1x384xf32> to vector<512x384xf32>
    %add3A_125 = arith.addf %dot_general3A_123, %add3A_124 : vector<512x384xf32>
    %slice3A_126 = vector.extract_strided_slice %add3A_120 {offsets = [0, 0], sizes = [512, 128], strides = [1, 1]} : vector<512x384xf32> to vector<512x128xf32>
    %slice3A_127 = vector.extract_strided_slice %add3A_125 {offsets = [0, 0], sizes = [512, 128], strides = [1, 1]} : vector<512x384xf32> to vector<512x128xf32>
    %add3A_128 = arith.addf %slice3A_126, %slice3A_127 : vector<512x128xf32>
    %logistic3A = arith.negf %add3A_128 : vector<512x128xf32>
    %logistic3A_129 = math.exp %logistic3A : vector<512x128xf32>
    %logistic3A_130 = arith.constant 1.000000e+00 : f32
    %logistic3A_131 = vector.broadcast %logistic3A_130 : f32 to vector<512x128xf32>
    %logistic3A_132 = arith.addf %logistic3A_131, %logistic3A_129 : vector<512x128xf32>
    %logistic3A_133 = arith.divf %logistic3A_131, %logistic3A_132 : vector<512x128xf32>
    %slice3A_134 = vector.extract_strided_slice %add3A_120 {offsets = [0, 128], sizes = [512, 128], strides = [1, 1]} : vector<512x384xf32> to vector<512x128xf32>
    %slice3A_135 = vector.extract_strided_slice %add3A_125 {offsets = [0, 128], sizes = [512, 128], strides = [1, 1]} : vector<512x384xf32> to vector<512x128xf32>
    %add3A_136 = arith.addf %slice3A_134, %slice3A_135 : vector<512x128xf32>
    %logistic3A_137 = arith.negf %add3A_136 : vector<512x128xf32>
    %logistic3A_138 = math.exp %logistic3A_137 : vector<512x128xf32>
    %logistic3A_139 = arith.constant 1.000000e+00 : f32
    %logistic3A_140 = vector.broadcast %logistic3A_139 : f32 to vector<512x128xf32>
    %logistic3A_141 = arith.addf %logistic3A_140, %logistic3A_138 : vector<512x128xf32>
    %logistic3A_142 = arith.divf %logistic3A_140, %logistic3A_141 : vector<512x128xf32>
    %slice3A_143 = vector.extract_strided_slice %add3A_120 {offsets = [0, 256], sizes = [512, 128], strides = [1, 1]} : vector<512x384xf32> to vector<512x128xf32>
    %slice3A_144 = vector.extract_strided_slice %add3A_125 {offsets = [0, 256], sizes = [512, 128], strides = [1, 1]} : vector<512x384xf32> to vector<512x128xf32>
    %mul3A_145 = arith.mulf %logistic3A_133, %slice3A_144 : vector<512x128xf32>
    %add3A_146 = arith.addf %slice3A_143, %mul3A_145 : vector<512x128xf32>
    %tanh3A = math.tanh %add3A_146 : vector<512x128xf32>
    %sub3A = arith.constant 1.000000e+00 : f32
    %sub3A_147 = vector.broadcast %sub3A : f32 to vector<512x128xf32>
    %sub3A_148 = arith.subf %sub3A_147, %logistic3A_142 : vector<512x128xf32>
    %mul3A_149 = arith.mulf %sub3A_148, %tanh3A : vector<512x128xf32>
    %mul3A_150 = arith.mulf %logistic3A_142, %broadcast_in_dim3A_60 : vector<512x128xf32>
    %add3A_151 = arith.addf %mul3A_149, %mul3A_150 : vector<512x128xf32>
    %slice3A_152 = vector.extract_strided_slice %add3A_118 {offsets = [0, 384], sizes = [512, 384], strides = [1, 1]} : vector<512x768xf32> to vector<512x384xf32>
    %add3A_153 = arith.addf %add3A_50, %slice3A_152 : vector<512x384xf32>
    %convert_element_type3A_154 = arith.truncf %broadcast_in_dim3A_62 : vector<512x128xf32> to vector<512x128xbf16>
    %dot_general3A_155 = arith.constant dense<0.000000e+00> : vector<512x384xf32>
    %dot_general3A_156 = tpu.matmul %convert_element_type3A_154, %get3A_16, %dot_general3A_155 {dimension_numbers = #tpu.dot_dimension_numbers<[1], [0], [0], [1], [0, 0, 1, 1], [], []>, transpose_lhs_hint = false} : vector<512x128xbf16>, vector<128x384xbf16>, vector<512x384xf32> -> vector<512x384xf32>
    %add3A_157 = vector.broadcast %get3A_56 : vector<1x384xf32> to vector<512x384xf32>
    %add3A_158 = arith.addf %dot_general3A_156, %add3A_157 : vector<512x384xf32>
    %slice3A_159 = vector.extract_strided_slice %add3A_153 {offsets = [0, 0], sizes = [512, 128], strides = [1, 1]} : vector<512x384xf32> to vector<512x128xf32>
    %slice3A_160 = vector.extract_strided_slice %add3A_158 {offsets = [0, 0], sizes = [512, 128], strides = [1, 1]} : vector<512x384xf32> to vector<512x128xf32>
    %add3A_161 = arith.addf %slice3A_159, %slice3A_160 : vector<512x128xf32>
    %logistic3A_162 = arith.negf %add3A_161 : vector<512x128xf32>
    %logistic3A_163 = math.exp %logistic3A_162 : vector<512x128xf32>
    %logistic3A_164 = arith.constant 1.000000e+00 : f32
    %logistic3A_165 = vector.broadcast %logistic3A_164 : f32 to vector<512x128xf32>
    %logistic3A_166 = arith.addf %logistic3A_165, %logistic3A_163 : vector<512x128xf32>
    %logistic3A_167 = arith.divf %logistic3A_165, %logistic3A_166 : vector<512x128xf32>
    %slice3A_168 = vector.extract_strided_slice %add3A_153 {offsets = [0, 128], sizes = [512, 128], strides = [1, 1]} : vector<512x384xf32> to vector<512x128xf32>
    %slice3A_169 = vector.extract_strided_slice %add3A_158 {offsets = [0, 128], sizes = [512, 128], strides = [1, 1]} : vector<512x384xf32> to vector<512x128xf32>
    %add3A_170 = arith.addf %slice3A_168, %slice3A_169 : vector<512x128xf32>
    %logistic3A_171 = arith.negf %add3A_170 : vector<512x128xf32>
    %logistic3A_172 = math.exp %logistic3A_171 : vector<512x128xf32>
    %logistic3A_173 = arith.constant 1.000000e+00 : f32
    %logistic3A_174 = vector.broadcast %logistic3A_173 : f32 to vector<512x128xf32>
    %logistic3A_175 = arith.addf %logistic3A_174, %logistic3A_172 : vector<512x128xf32>
    %logistic3A_176 = arith.divf %logistic3A_174, %logistic3A_175 : vector<512x128xf32>
    %slice3A_177 = vector.extract_strided_slice %add3A_153 {offsets = [0, 256], sizes = [512, 128], strides = [1, 1]} : vector<512x384xf32> to vector<512x128xf32>
    %slice3A_178 = vector.extract_strided_slice %add3A_158 {offsets = [0, 256], sizes = [512, 128], strides = [1, 1]} : vector<512x384xf32> to vector<512x128xf32>
    %mul3A_179 = arith.mulf %logistic3A_167, %slice3A_178 : vector<512x128xf32>
    %add3A_180 = arith.addf %slice3A_177, %mul3A_179 : vector<512x128xf32>
    %tanh3A_181 = math.tanh %add3A_180 : vector<512x128xf32>
    %sub3A_182 = arith.constant 1.000000e+00 : f32
    %sub3A_183 = vector.broadcast %sub3A_182 : f32 to vector<512x128xf32>
    %sub3A_184 = arith.subf %sub3A_183, %logistic3A_176 : vector<512x128xf32>
    %mul3A_185 = arith.mulf %sub3A_184, %tanh3A_181 : vector<512x128xf32>
    %mul3A_186 = arith.mulf %logistic3A_176, %broadcast_in_dim3A_62 : vector<512x128xf32>
    %add3A_187 = arith.addf %mul3A_185, %mul3A_186 : vector<512x128xf32>
    %broadcast_in_dim3A_188 = arith.constant 0.000000e+00 : f32
    %broadcast_in_dim3A_189 = vector.broadcast %broadcast_in_dim3A_188 : f32 to vector<512x64xf32>
    %get3A_190 = arith.constant 0 : index
    %get3A_191 = arith.constant 4 : index
    %get3A_192 = vector.load %arg3[%get3A_190, %get3A_191] : memref<512x40xi32, #tpu.memory_space<vmem>>, vector<512x1xi32>
    %eq3A_193 = vector.broadcast %get3A_192 : vector<512x1xi32> to vector<512x64xi32>
    %eq3A_194 = arith.cmpi eq, %iota3A, %eq3A_193 : vector<512x64xi32>
    %jit3A_195 = arith.constant 1.000000e+00 : f32
    %jit3A_196 = arith.constant 0.000000e+00 : f32
    %broadcast_in_dim3A_197 = vector.broadcast %jit3A_195 : f32 to vector<512x64xf32>
    %broadcast_in_dim3A_198 = vector.broadcast %jit3A_196 : f32 to vector<512x64xf32>
    %select_n3A_199 = arith.select %eq3A_194, %broadcast_in_dim3A_197, %broadcast_in_dim3A_198 : vector<512x64xi1>, vector<512x64xf32>
    %add3A_200 = arith.addf %broadcast_in_dim3A_189, %select_n3A_199 : vector<512x64xf32>
    %get3A_201 = arith.constant 0 : index
    %get3A_202 = arith.constant 5 : index
    %get3A_203 = vector.load %arg3[%get3A_201, %get3A_202] : memref<512x40xi32, #tpu.memory_space<vmem>>, vector<512x1xi32>
    %eq3A_204 = vector.broadcast %get3A_203 : vector<512x1xi32> to vector<512x64xi32>
    %eq3A_205 = arith.cmpi eq, %iota3A, %eq3A_204 : vector<512x64xi32>
    %jit3A_206 = arith.constant 1.000000e+00 : f32
    %jit3A_207 = arith.constant 0.000000e+00 : f32
    %broadcast_in_dim3A_208 = vector.broadcast %jit3A_206 : f32 to vector<512x64xf32>
    %broadcast_in_dim3A_209 = vector.broadcast %jit3A_207 : f32 to vector<512x64xf32>
    %select_n3A_210 = arith.select %eq3A_205, %broadcast_in_dim3A_208, %broadcast_in_dim3A_209 : vector<512x64xi1>, vector<512x64xf32>
    %add3A_211 = arith.addf %add3A_200, %select_n3A_210 : vector<512x64xf32>
    %get3A_212 = arith.constant 0 : index
    %get3A_213 = arith.constant 6 : index
    %get3A_214 = vector.load %arg3[%get3A_212, %get3A_213] : memref<512x40xi32, #tpu.memory_space<vmem>>, vector<512x1xi32>
    %eq3A_215 = vector.broadcast %get3A_214 : vector<512x1xi32> to vector<512x64xi32>
    %eq3A_216 = arith.cmpi eq, %iota3A, %eq3A_215 : vector<512x64xi32>
    %jit3A_217 = arith.constant 1.000000e+00 : f32
    %jit3A_218 = arith.constant 0.000000e+00 : f32
    %broadcast_in_dim3A_219 = vector.broadcast %jit3A_217 : f32 to vector<512x64xf32>
    %broadcast_in_dim3A_220 = vector.broadcast %jit3A_218 : f32 to vector<512x64xf32>
    %select_n3A_221 = arith.select %eq3A_216, %broadcast_in_dim3A_219, %broadcast_in_dim3A_220 : vector<512x64xi1>, vector<512x64xf32>
    %add3A_222 = arith.addf %add3A_211, %select_n3A_221 : vector<512x64xf32>
    %get3A_223 = arith.constant 0 : index
    %get3A_224 = arith.constant 7 : index
    %get3A_225 = vector.load %arg3[%get3A_223, %get3A_224] : memref<512x40xi32, #tpu.memory_space<vmem>>, vector<512x1xi32>
    %eq3A_226 = vector.broadcast %get3A_225 : vector<512x1xi32> to vector<512x64xi32>
    %eq3A_227 = arith.cmpi eq, %iota3A, %eq3A_226 : vector<512x64xi32>
    %jit3A_228 = arith.constant 1.000000e+00 : f32
    %jit3A_229 = arith.constant 0.000000e+00 : f32
    %broadcast_in_dim3A_230 = vector.broadcast %jit3A_228 : f32 to vector<512x64xf32>
    %broadcast_in_dim3A_231 = vector.broadcast %jit3A_229 : f32 to vector<512x64xf32>
    %select_n3A_232 = arith.select %eq3A_227, %broadcast_in_dim3A_230, %broadcast_in_dim3A_231 : vector<512x64xi1>, vector<512x64xf32>
    %add3A_233 = arith.addf %add3A_222, %select_n3A_232 : vector<512x64xf32>
    %mul3A_234 = arith.constant 2.500000e-01 : f32
    %mul3A_235 = vector.broadcast %mul3A_234 : f32 to vector<512x64xf32>
    %mul3A_236 = arith.mulf %add3A_233, %mul3A_235 : vector<512x64xf32>
    %convert_element_type3A_237 = arith.truncf %mul3A_236 : vector<512x64xf32> to vector<512x64xbf16>
    %get3A_238 = arith.constant 0 : index
    %get3A_239 = arith.constant 128 : index
    %get3A_240 = vector.load %arg1[%get3A_238, %get3A_239] : memref<512x1280xf32, #tpu.memory_space<vmem>>, vector<512x128xf32>
    %convert_element_type3A_241 = arith.truncf %get3A_240 : vector<512x128xf32> to vector<512x128xbf16>
    %dot_general3A_242 = arith.constant dense<0.000000e+00> : vector<512x768xf32>
    %dot_general3A_243 = tpu.matmul %convert_element_type3A_241, %concatenate3A_59, %dot_general3A_242 {dimension_numbers = #tpu.dot_dimension_numbers<[1], [0], [0], [1], [0, 0, 1, 1], [], []>, transpose_lhs_hint = false} : vector<512x128xbf16>, vector<128x768xbf16>, vector<512x768xf32> -> vector<512x768xf32>
    %dot_general3A_244 = arith.constant dense<0.000000e+00> : vector<512x768xf32>
    %dot_general3A_245 = tpu.matmul %convert_element_type3A_237, %convert_element_type3A_23, %dot_general3A_244 {dimension_numbers = #tpu.dot_dimension_numbers<[1], [0], [0], [1], [0, 0, 1, 1], [], []>, transpose_lhs_hint = false} : vector<512x64xbf16>, vector<64x768xbf16>, vector<512x768xf32> -> vector<512x768xf32>
    %add3A_246 = arith.addf %dot_general3A_243, %dot_general3A_245 : vector<512x768xf32>
    %slice3A_247 = vector.extract_strided_slice %add3A_246 {offsets = [0, 0], sizes = [512, 384], strides = [1, 1]} : vector<512x768xf32> to vector<512x384xf32>
    %add3A_248 = arith.addf %add3A_42, %slice3A_247 : vector<512x384xf32>
    %convert_element_type3A_249 = arith.truncf %add3A_151 : vector<512x128xf32> to vector<512x128xbf16>
    %dot_general3A_250 = arith.constant dense<0.000000e+00> : vector<512x384xf32>
    %dot_general3A_251 = tpu.matmul %convert_element_type3A_249, %get3A_10, %dot_general3A_250 {dimension_numbers = #tpu.dot_dimension_numbers<[1], [0], [0], [1], [0, 0, 1, 1], [], []>, transpose_lhs_hint = false} : vector<512x128xbf16>, vector<128x384xbf16>, vector<512x384xf32> -> vector<512x384xf32>
    %add3A_252 = vector.broadcast %get3A_53 : vector<1x384xf32> to vector<512x384xf32>
    %add3A_253 = arith.addf %dot_general3A_251, %add3A_252 : vector<512x384xf32>
    %slice3A_254 = vector.extract_strided_slice %add3A_248 {offsets = [0, 0], sizes = [512, 128], strides = [1, 1]} : vector<512x384xf32> to vector<512x128xf32>
    %slice3A_255 = vector.extract_strided_slice %add3A_253 {offsets = [0, 0], sizes = [512, 128], strides = [1, 1]} : vector<512x384xf32> to vector<512x128xf32>
    %add3A_256 = arith.addf %slice3A_254, %slice3A_255 : vector<512x128xf32>
    %logistic3A_257 = arith.negf %add3A_256 : vector<512x128xf32>
    %logistic3A_258 = math.exp %logistic3A_257 : vector<512x128xf32>
    %logistic3A_259 = arith.constant 1.000000e+00 : f32
    %logistic3A_260 = vector.broadcast %logistic3A_259 : f32 to vector<512x128xf32>
    %logistic3A_261 = arith.addf %logistic3A_260, %logistic3A_258 : vector<512x128xf32>
    %logistic3A_262 = arith.divf %logistic3A_260, %logistic3A_261 : vector<512x128xf32>
    %slice3A_263 = vector.extract_strided_slice %add3A_248 {offsets = [0, 128], sizes = [512, 128], strides = [1, 1]} : vector<512x384xf32> to vector<512x128xf32>
    %slice3A_264 = vector.extract_strided_slice %add3A_253 {offsets = [0, 128], sizes = [512, 128], strides = [1, 1]} : vector<512x384xf32> to vector<512x128xf32>
    %add3A_265 = arith.addf %slice3A_263, %slice3A_264 : vector<512x128xf32>
    %logistic3A_266 = arith.negf %add3A_265 : vector<512x128xf32>
    %logistic3A_267 = math.exp %logistic3A_266 : vector<512x128xf32>
    %logistic3A_268 = arith.constant 1.000000e+00 : f32
    %logistic3A_269 = vector.broadcast %logistic3A_268 : f32 to vector<512x128xf32>
    %logistic3A_270 = arith.addf %logistic3A_269, %logistic3A_267 : vector<512x128xf32>
    %logistic3A_271 = arith.divf %logistic3A_269, %logistic3A_270 : vector<512x128xf32>
    %slice3A_272 = vector.extract_strided_slice %add3A_248 {offsets = [0, 256], sizes = [512, 128], strides = [1, 1]} : vector<512x384xf32> to vector<512x128xf32>
    %slice3A_273 = vector.extract_strided_slice %add3A_253 {offsets = [0, 256], sizes = [512, 128], strides = [1, 1]} : vector<512x384xf32> to vector<512x128xf32>
    %mul3A_274 = arith.mulf %logistic3A_262, %slice3A_273 : vector<512x128xf32>
    %add3A_275 = arith.addf %slice3A_272, %mul3A_274 : vector<512x128xf32>
    %tanh3A_276 = math.tanh %add3A_275 : vector<512x128xf32>
    %sub3A_277 = arith.constant 1.000000e+00 : f32
    %sub3A_278 = vector.broadcast %sub3A_277 : f32 to vector<512x128xf32>
    %sub3A_279 = arith.subf %sub3A_278, %logistic3A_271 : vector<512x128xf32>
    %mul3A_280 = arith.mulf %sub3A_279, %tanh3A_276 : vector<512x128xf32>
    %mul3A_281 = arith.mulf %logistic3A_271, %add3A_151 : vector<512x128xf32>
    %add3A_282 = arith.addf %mul3A_280, %mul3A_281 : vector<512x128xf32>
    %slice3A_283 = vector.extract_strided_slice %add3A_246 {offsets = [0, 384], sizes = [512, 384], strides = [1, 1]} : vector<512x768xf32> to vector<512x384xf32>
    %add3A_284 = arith.addf %add3A_50, %slice3A_283 : vector<512x384xf32>
    %convert_element_type3A_285 = arith.truncf %add3A_187 : vector<512x128xf32> to vector<512x128xbf16>
    %dot_general3A_286 = arith.constant dense<0.000000e+00> : vector<512x384xf32>
    %dot_general3A_287 = tpu.matmul %convert_element_type3A_285, %get3A_16, %dot_general3A_286 {dimension_numbers = #tpu.dot_dimension_numbers<[1], [0], [0], [1], [0, 0, 1, 1], [], []>, transpose_lhs_hint = false} : vector<512x128xbf16>, vector<128x384xbf16>, vector<512x384xf32> -> vector<512x384xf32>
    %add3A_288 = vector.broadcast %get3A_56 : vector<1x384xf32> to vector<512x384xf32>
    %add3A_289 = arith.addf %dot_general3A_287, %add3A_288 : vector<512x384xf32>
    %slice3A_290 = vector.extract_strided_slice %add3A_284 {offsets = [0, 0], sizes = [512, 128], strides = [1, 1]} : vector<512x384xf32> to vector<512x128xf32>
    %slice3A_291 = vector.extract_strided_slice %add3A_289 {offsets = [0, 0], sizes = [512, 128], strides = [1, 1]} : vector<512x384xf32> to vector<512x128xf32>
    %add3A_292 = arith.addf %slice3A_290, %slice3A_291 : vector<512x128xf32>
    %logistic3A_293 = arith.negf %add3A_292 : vector<512x128xf32>
    %logistic3A_294 = math.exp %logistic3A_293 : vector<512x128xf32>
    %logistic3A_295 = arith.constant 1.000000e+00 : f32
    %logistic3A_296 = vector.broadcast %logistic3A_295 : f32 to vector<512x128xf32>
    %logistic3A_297 = arith.addf %logistic3A_296, %logistic3A_294 : vector<512x128xf32>
    %logistic3A_298 = arith.divf %logistic3A_296, %logistic3A_297 : vector<512x128xf32>
    %slice3A_299 = vector.extract_strided_slice %add3A_284 {offsets = [0, 128], sizes = [512, 128], strides = [1, 1]} : vector<512x384xf32> to vector<512x128xf32>
    %slice3A_300 = vector.extract_strided_slice %add3A_289 {offsets = [0, 128], sizes = [512, 128], strides = [1, 1]} : vector<512x384xf32> to vector<512x128xf32>
    %add3A_301 = arith.addf %slice3A_299, %slice3A_300 : vector<512x128xf32>
    %logistic3A_302 = arith.negf %add3A_301 : vector<512x128xf32>
    %logistic3A_303 = math.exp %logistic3A_302 : vector<512x128xf32>
    %logistic3A_304 = arith.constant 1.000000e+00 : f32
    %logistic3A_305 = vector.broadcast %logistic3A_304 : f32 to vector<512x128xf32>
    %logistic3A_306 = arith.addf %logistic3A_305, %logistic3A_303 : vector<512x128xf32>
    %logistic3A_307 = arith.divf %logistic3A_305, %logistic3A_306 : vector<512x128xf32>
    %slice3A_308 = vector.extract_strided_slice %add3A_284 {offsets = [0, 256], sizes = [512, 128], strides = [1, 1]} : vector<512x384xf32> to vector<512x128xf32>
    %slice3A_309 = vector.extract_strided_slice %add3A_289 {offsets = [0, 256], sizes = [512, 128], strides = [1, 1]} : vector<512x384xf32> to vector<512x128xf32>
    %mul3A_310 = arith.mulf %logistic3A_298, %slice3A_309 : vector<512x128xf32>
    %add3A_311 = arith.addf %slice3A_308, %mul3A_310 : vector<512x128xf32>
    %tanh3A_312 = math.tanh %add3A_311 : vector<512x128xf32>
    %sub3A_313 = arith.constant 1.000000e+00 : f32
    %sub3A_314 = vector.broadcast %sub3A_313 : f32 to vector<512x128xf32>
    %sub3A_315 = arith.subf %sub3A_314, %logistic3A_307 : vector<512x128xf32>
    %mul3A_316 = arith.mulf %sub3A_315, %tanh3A_312 : vector<512x128xf32>
    %mul3A_317 = arith.mulf %logistic3A_307, %add3A_187 : vector<512x128xf32>
    %add3A_318 = arith.addf %mul3A_316, %mul3A_317 : vector<512x128xf32>
    %broadcast_in_dim3A_319 = arith.constant 0.000000e+00 : f32
    %broadcast_in_dim3A_320 = vector.broadcast %broadcast_in_dim3A_319 : f32 to vector<512x64xf32>
    %get3A_321 = arith.constant 0 : index
    %get3A_322 = arith.constant 8 : index
    %get3A_323 = vector.load %arg3[%get3A_321, %get3A_322] : memref<512x40xi32, #tpu.memory_space<vmem>>, vector<512x1xi32>
    %eq3A_324 = vector.broadcast %get3A_323 : vector<512x1xi32> to vector<512x64xi32>
    %eq3A_325 = arith.cmpi eq, %iota3A, %eq3A_324 : vector<512x64xi32>
    %jit3A_326 = arith.constant 1.000000e+00 : f32
    %jit3A_327 = arith.constant 0.000000e+00 : f32
    %broadcast_in_dim3A_328 = vector.broadcast %jit3A_326 : f32 to vector<512x64xf32>
    %broadcast_in_dim3A_329 = vector.broadcast %jit3A_327 : f32 to vector<512x64xf32>
    %select_n3A_330 = arith.select %eq3A_325, %broadcast_in_dim3A_328, %broadcast_in_dim3A_329 : vector<512x64xi1>, vector<512x64xf32>
    %add3A_331 = arith.addf %broadcast_in_dim3A_320, %select_n3A_330 : vector<512x64xf32>
    %get3A_332 = arith.constant 0 : index
    %get3A_333 = arith.constant 9 : index
    %get3A_334 = vector.load %arg3[%get3A_332, %get3A_333] : memref<512x40xi32, #tpu.memory_space<vmem>>, vector<512x1xi32>
    %eq3A_335 = vector.broadcast %get3A_334 : vector<512x1xi32> to vector<512x64xi32>
    %eq3A_336 = arith.cmpi eq, %iota3A, %eq3A_335 : vector<512x64xi32>
    %jit3A_337 = arith.constant 1.000000e+00 : f32
    %jit3A_338 = arith.constant 0.000000e+00 : f32
    %broadcast_in_dim3A_339 = vector.broadcast %jit3A_337 : f32 to vector<512x64xf32>
    %broadcast_in_dim3A_340 = vector.broadcast %jit3A_338 : f32 to vector<512x64xf32>
    %select_n3A_341 = arith.select %eq3A_336, %broadcast_in_dim3A_339, %broadcast_in_dim3A_340 : vector<512x64xi1>, vector<512x64xf32>
    %add3A_342 = arith.addf %add3A_331, %select_n3A_341 : vector<512x64xf32>
    %get3A_343 = arith.constant 0 : index
    %get3A_344 = arith.constant 10 : index
    %get3A_345 = vector.load %arg3[%get3A_343, %get3A_344] : memref<512x40xi32, #tpu.memory_space<vmem>>, vector<512x1xi32>
    %eq3A_346 = vector.broadcast %get3A_345 : vector<512x1xi32> to vector<512x64xi32>
    %eq3A_347 = arith.cmpi eq, %iota3A, %eq3A_346 : vector<512x64xi32>
    %jit3A_348 = arith.constant 1.000000e+00 : f32
    %jit3A_349 = arith.constant 0.000000e+00 : f32
    %broadcast_in_dim3A_350 = vector.broadcast %jit3A_348 : f32 to vector<512x64xf32>
    %broadcast_in_dim3A_351 = vector.broadcast %jit3A_349 : f32 to vector<512x64xf32>
    %select_n3A_352 = arith.select %eq3A_347, %broadcast_in_dim3A_350, %broadcast_in_dim3A_351 : vector<512x64xi1>, vector<512x64xf32>
    %add3A_353 = arith.addf %add3A_342, %select_n3A_352 : vector<512x64xf32>
    %get3A_354 = arith.constant 0 : index
    %get3A_355 = arith.constant 11 : index
    %get3A_356 = vector.load %arg3[%get3A_354, %get3A_355] : memref<512x40xi32, #tpu.memory_space<vmem>>, vector<512x1xi32>
    %eq3A_357 = vector.broadcast %get3A_356 : vector<512x1xi32> to vector<512x64xi32>
    %eq3A_358 = arith.cmpi eq, %iota3A, %eq3A_357 : vector<512x64xi32>
    %jit3A_359 = arith.constant 1.000000e+00 : f32
    %jit3A_360 = arith.constant 0.000000e+00 : f32
    %broadcast_in_dim3A_361 = vector.broadcast %jit3A_359 : f32 to vector<512x64xf32>
    %broadcast_in_dim3A_362 = vector.broadcast %jit3A_360 : f32 to vector<512x64xf32>
    %select_n3A_363 = arith.select %eq3A_358, %broadcast_in_dim3A_361, %broadcast_in_dim3A_362 : vector<512x64xi1>, vector<512x64xf32>
    %add3A_364 = arith.addf %add3A_353, %select_n3A_363 : vector<512x64xf32>
    %mul3A_365 = arith.constant 2.500000e-01 : f32
    %mul3A_366 = vector.broadcast %mul3A_365 : f32 to vector<512x64xf32>
    %mul3A_367 = arith.mulf %add3A_364, %mul3A_366 : vector<512x64xf32>
    %convert_element_type3A_368 = arith.truncf %mul3A_367 : vector<512x64xf32> to vector<512x64xbf16>
    %get3A_369 = arith.constant 0 : index
    %get3A_370 = arith.constant 256 : index
    %get3A_371 = vector.load %arg1[%get3A_369, %get3A_370] : memref<512x1280xf32, #tpu.memory_space<vmem>>, vector<512x128xf32>
    %convert_element_type3A_372 = arith.truncf %get3A_371 : vector<512x128xf32> to vector<512x128xbf16>
    %dot_general3A_373 = arith.constant dense<0.000000e+00> : vector<512x768xf32>
    %dot_general3A_374 = tpu.matmul %convert_element_type3A_372, %concatenate3A_59, %dot_general3A_373 {dimension_numbers = #tpu.dot_dimension_numbers<[1], [0], [0], [1], [0, 0, 1, 1], [], []>, transpose_lhs_hint = false} : vector<512x128xbf16>, vector<128x768xbf16>, vector<512x768xf32> -> vector<512x768xf32>
    %dot_general3A_375 = arith.constant dense<0.000000e+00> : vector<512x768xf32>
    %dot_general3A_376 = tpu.matmul %convert_element_type3A_368, %convert_element_type3A_23, %dot_general3A_375 {dimension_numbers = #tpu.dot_dimension_numbers<[1], [0], [0], [1], [0, 0, 1, 1], [], []>, transpose_lhs_hint = false} : vector<512x64xbf16>, vector<64x768xbf16>, vector<512x768xf32> -> vector<512x768xf32>
    %add3A_377 = arith.addf %dot_general3A_374, %dot_general3A_376 : vector<512x768xf32>
    %slice3A_378 = vector.extract_strided_slice %add3A_377 {offsets = [0, 0], sizes = [512, 384], strides = [1, 1]} : vector<512x768xf32> to vector<512x384xf32>
    %add3A_379 = arith.addf %add3A_42, %slice3A_378 : vector<512x384xf32>
    %convert_element_type3A_380 = arith.truncf %add3A_282 : vector<512x128xf32> to vector<512x128xbf16>
    %dot_general3A_381 = arith.constant dense<0.000000e+00> : vector<512x384xf32>
    %dot_general3A_382 = tpu.matmul %convert_element_type3A_380, %get3A_10, %dot_general3A_381 {dimension_numbers = #tpu.dot_dimension_numbers<[1], [0], [0], [1], [0, 0, 1, 1], [], []>, transpose_lhs_hint = false} : vector<512x128xbf16>, vector<128x384xbf16>, vector<512x384xf32> -> vector<512x384xf32>
    %add3A_383 = vector.broadcast %get3A_53 : vector<1x384xf32> to vector<512x384xf32>
    %add3A_384 = arith.addf %dot_general3A_382, %add3A_383 : vector<512x384xf32>
    %slice3A_385 = vector.extract_strided_slice %add3A_379 {offsets = [0, 0], sizes = [512, 128], strides = [1, 1]} : vector<512x384xf32> to vector<512x128xf32>
    %slice3A_386 = vector.extract_strided_slice %add3A_384 {offsets = [0, 0], sizes = [512, 128], strides = [1, 1]} : vector<512x384xf32> to vector<512x128xf32>
    %add3A_387 = arith.addf %slice3A_385, %slice3A_386 : vector<512x128xf32>
    %logistic3A_388 = arith.negf %add3A_387 : vector<512x128xf32>
    %logistic3A_389 = math.exp %logistic3A_388 : vector<512x128xf32>
    %logistic3A_390 = arith.constant 1.000000e+00 : f32
    %logistic3A_391 = vector.broadcast %logistic3A_390 : f32 to vector<512x128xf32>
    %logistic3A_392 = arith.addf %logistic3A_391, %logistic3A_389 : vector<512x128xf32>
    %logistic3A_393 = arith.divf %logistic3A_391, %logistic3A_392 : vector<512x128xf32>
    %slice3A_394 = vector.extract_strided_slice %add3A_379 {offsets = [0, 128], sizes = [512, 128], strides = [1, 1]} : vector<512x384xf32> to vector<512x128xf32>
    %slice3A_395 = vector.extract_strided_slice %add3A_384 {offsets = [0, 128], sizes = [512, 128], strides = [1, 1]} : vector<512x384xf32> to vector<512x128xf32>
    %add3A_396 = arith.addf %slice3A_394, %slice3A_395 : vector<512x128xf32>
    %logistic3A_397 = arith.negf %add3A_396 : vector<512x128xf32>
    %logistic3A_398 = math.exp %logistic3A_397 : vector<512x128xf32>
    %logistic3A_399 = arith.constant 1.000000e+00 : f32
    %logistic3A_400 = vector.broadcast %logistic3A_399 : f32 to vector<512x128xf32>
    %logistic3A_401 = arith.addf %logistic3A_400, %logistic3A_398 : vector<512x128xf32>
    %logistic3A_402 = arith.divf %logistic3A_400, %logistic3A_401 : vector<512x128xf32>
    %slice3A_403 = vector.extract_strided_slice %add3A_379 {offsets = [0, 256], sizes = [512, 128], strides = [1, 1]} : vector<512x384xf32> to vector<512x128xf32>
    %slice3A_404 = vector.extract_strided_slice %add3A_384 {offsets = [0, 256], sizes = [512, 128], strides = [1, 1]} : vector<512x384xf32> to vector<512x128xf32>
    %mul3A_405 = arith.mulf %logistic3A_393, %slice3A_404 : vector<512x128xf32>
    %add3A_406 = arith.addf %slice3A_403, %mul3A_405 : vector<512x128xf32>
    %tanh3A_407 = math.tanh %add3A_406 : vector<512x128xf32>
    %sub3A_408 = arith.constant 1.000000e+00 : f32
    %sub3A_409 = vector.broadcast %sub3A_408 : f32 to vector<512x128xf32>
    %sub3A_410 = arith.subf %sub3A_409, %logistic3A_402 : vector<512x128xf32>
    %mul3A_411 = arith.mulf %sub3A_410, %tanh3A_407 : vector<512x128xf32>
    %mul3A_412 = arith.mulf %logistic3A_402, %add3A_282 : vector<512x128xf32>
    %add3A_413 = arith.addf %mul3A_411, %mul3A_412 : vector<512x128xf32>
    %slice3A_414 = vector.extract_strided_slice %add3A_377 {offsets = [0, 384], sizes = [512, 384], strides = [1, 1]} : vector<512x768xf32> to vector<512x384xf32>
    %add3A_415 = arith.addf %add3A_50, %slice3A_414 : vector<512x384xf32>
    %convert_element_type3A_416 = arith.truncf %add3A_318 : vector<512x128xf32> to vector<512x128xbf16>
    %dot_general3A_417 = arith.constant dense<0.000000e+00> : vector<512x384xf32>
    %dot_general3A_418 = tpu.matmul %convert_element_type3A_416, %get3A_16, %dot_general3A_417 {dimension_numbers = #tpu.dot_dimension_numbers<[1], [0], [0], [1], [0, 0, 1, 1], [], []>, transpose_lhs_hint = false} : vector<512x128xbf16>, vector<128x384xbf16>, vector<512x384xf32> -> vector<512x384xf32>
    %add3A_419 = vector.broadcast %get3A_56 : vector<1x384xf32> to vector<512x384xf32>
    %add3A_420 = arith.addf %dot_general3A_418, %add3A_419 : vector<512x384xf32>
    %slice3A_421 = vector.extract_strided_slice %add3A_415 {offsets = [0, 0], sizes = [512, 128], strides = [1, 1]} : vector<512x384xf32> to vector<512x128xf32>
    %slice3A_422 = vector.extract_strided_slice %add3A_420 {offsets = [0, 0], sizes = [512, 128], strides = [1, 1]} : vector<512x384xf32> to vector<512x128xf32>
    %add3A_423 = arith.addf %slice3A_421, %slice3A_422 : vector<512x128xf32>
    %logistic3A_424 = arith.negf %add3A_423 : vector<512x128xf32>
    %logistic3A_425 = math.exp %logistic3A_424 : vector<512x128xf32>
    %logistic3A_426 = arith.constant 1.000000e+00 : f32
    %logistic3A_427 = vector.broadcast %logistic3A_426 : f32 to vector<512x128xf32>
    %logistic3A_428 = arith.addf %logistic3A_427, %logistic3A_425 : vector<512x128xf32>
    %logistic3A_429 = arith.divf %logistic3A_427, %logistic3A_428 : vector<512x128xf32>
    %slice3A_430 = vector.extract_strided_slice %add3A_415 {offsets = [0, 128], sizes = [512, 128], strides = [1, 1]} : vector<512x384xf32> to vector<512x128xf32>
    %slice3A_431 = vector.extract_strided_slice %add3A_420 {offsets = [0, 128], sizes = [512, 128], strides = [1, 1]} : vector<512x384xf32> to vector<512x128xf32>
    %add3A_432 = arith.addf %slice3A_430, %slice3A_431 : vector<512x128xf32>
    %logistic3A_433 = arith.negf %add3A_432 : vector<512x128xf32>
    %logistic3A_434 = math.exp %logistic3A_433 : vector<512x128xf32>
    %logistic3A_435 = arith.constant 1.000000e+00 : f32
    %logistic3A_436 = vector.broadcast %logistic3A_435 : f32 to vector<512x128xf32>
    %logistic3A_437 = arith.addf %logistic3A_436, %logistic3A_434 : vector<512x128xf32>
    %logistic3A_438 = arith.divf %logistic3A_436, %logistic3A_437 : vector<512x128xf32>
    %slice3A_439 = vector.extract_strided_slice %add3A_415 {offsets = [0, 256], sizes = [512, 128], strides = [1, 1]} : vector<512x384xf32> to vector<512x128xf32>
    %slice3A_440 = vector.extract_strided_slice %add3A_420 {offsets = [0, 256], sizes = [512, 128], strides = [1, 1]} : vector<512x384xf32> to vector<512x128xf32>
    %mul3A_441 = arith.mulf %logistic3A_429, %slice3A_440 : vector<512x128xf32>
    %add3A_442 = arith.addf %slice3A_439, %mul3A_441 : vector<512x128xf32>
    %tanh3A_443 = math.tanh %add3A_442 : vector<512x128xf32>
    %sub3A_444 = arith.constant 1.000000e+00 : f32
    %sub3A_445 = vector.broadcast %sub3A_444 : f32 to vector<512x128xf32>
    %sub3A_446 = arith.subf %sub3A_445, %logistic3A_438 : vector<512x128xf32>
    %mul3A_447 = arith.mulf %sub3A_446, %tanh3A_443 : vector<512x128xf32>
    %mul3A_448 = arith.mulf %logistic3A_438, %add3A_318 : vector<512x128xf32>
    %add3A_449 = arith.addf %mul3A_447, %mul3A_448 : vector<512x128xf32>
    %broadcast_in_dim3A_450 = arith.constant 0.000000e+00 : f32
    %broadcast_in_dim3A_451 = vector.broadcast %broadcast_in_dim3A_450 : f32 to vector<512x64xf32>
    %get3A_452 = arith.constant 0 : index
    %get3A_453 = arith.constant 12 : index
    %get3A_454 = vector.load %arg3[%get3A_452, %get3A_453] : memref<512x40xi32, #tpu.memory_space<vmem>>, vector<512x1xi32>
    %eq3A_455 = vector.broadcast %get3A_454 : vector<512x1xi32> to vector<512x64xi32>
    %eq3A_456 = arith.cmpi eq, %iota3A, %eq3A_455 : vector<512x64xi32>
    %jit3A_457 = arith.constant 1.000000e+00 : f32
    %jit3A_458 = arith.constant 0.000000e+00 : f32
    %broadcast_in_dim3A_459 = vector.broadcast %jit3A_457 : f32 to vector<512x64xf32>
    %broadcast_in_dim3A_460 = vector.broadcast %jit3A_458 : f32 to vector<512x64xf32>
    %select_n3A_461 = arith.select %eq3A_456, %broadcast_in_dim3A_459, %broadcast_in_dim3A_460 : vector<512x64xi1>, vector<512x64xf32>
    %add3A_462 = arith.addf %broadcast_in_dim3A_451, %select_n3A_461 : vector<512x64xf32>
    %get3A_463 = arith.constant 0 : index
    %get3A_464 = arith.constant 13 : index
    %get3A_465 = vector.load %arg3[%get3A_463, %get3A_464] : memref<512x40xi32, #tpu.memory_space<vmem>>, vector<512x1xi32>
    %eq3A_466 = vector.broadcast %get3A_465 : vector<512x1xi32> to vector<512x64xi32>
    %eq3A_467 = arith.cmpi eq, %iota3A, %eq3A_466 : vector<512x64xi32>
    %jit3A_468 = arith.constant 1.000000e+00 : f32
    %jit3A_469 = arith.constant 0.000000e+00 : f32
    %broadcast_in_dim3A_470 = vector.broadcast %jit3A_468 : f32 to vector<512x64xf32>
    %broadcast_in_dim3A_471 = vector.broadcast %jit3A_469 : f32 to vector<512x64xf32>
    %select_n3A_472 = arith.select %eq3A_467, %broadcast_in_dim3A_470, %broadcast_in_dim3A_471 : vector<512x64xi1>, vector<512x64xf32>
    %add3A_473 = arith.addf %add3A_462, %select_n3A_472 : vector<512x64xf32>
    %get3A_474 = arith.constant 0 : index
    %get3A_475 = arith.constant 14 : index
    %get3A_476 = vector.load %arg3[%get3A_474, %get3A_475] : memref<512x40xi32, #tpu.memory_space<vmem>>, vector<512x1xi32>
    %eq3A_477 = vector.broadcast %get3A_476 : vector<512x1xi32> to vector<512x64xi32>
    %eq3A_478 = arith.cmpi eq, %iota3A, %eq3A_477 : vector<512x64xi32>
    %jit3A_479 = arith.constant 1.000000e+00 : f32
    %jit3A_480 = arith.constant 0.000000e+00 : f32
    %broadcast_in_dim3A_481 = vector.broadcast %jit3A_479 : f32 to vector<512x64xf32>
    %broadcast_in_dim3A_482 = vector.broadcast %jit3A_480 : f32 to vector<512x64xf32>
    %select_n3A_483 = arith.select %eq3A_478, %broadcast_in_dim3A_481, %broadcast_in_dim3A_482 : vector<512x64xi1>, vector<512x64xf32>
    %add3A_484 = arith.addf %add3A_473, %select_n3A_483 : vector<512x64xf32>
    %get3A_485 = arith.constant 0 : index
    %get3A_486 = arith.constant 15 : index
    %get3A_487 = vector.load %arg3[%get3A_485, %get3A_486] : memref<512x40xi32, #tpu.memory_space<vmem>>, vector<512x1xi32>
    %eq3A_488 = vector.broadcast %get3A_487 : vector<512x1xi32> to vector<512x64xi32>
    %eq3A_489 = arith.cmpi eq, %iota3A, %eq3A_488 : vector<512x64xi32>
    %jit3A_490 = arith.constant 1.000000e+00 : f32
    %jit3A_491 = arith.constant 0.000000e+00 : f32
    %broadcast_in_dim3A_492 = vector.broadcast %jit3A_490 : f32 to vector<512x64xf32>
    %broadcast_in_dim3A_493 = vector.broadcast %jit3A_491 : f32 to vector<512x64xf32>
    %select_n3A_494 = arith.select %eq3A_489, %broadcast_in_dim3A_492, %broadcast_in_dim3A_493 : vector<512x64xi1>, vector<512x64xf32>
    %add3A_495 = arith.addf %add3A_484, %select_n3A_494 : vector<512x64xf32>
    %mul3A_496 = arith.constant 2.500000e-01 : f32
    %mul3A_497 = vector.broadcast %mul3A_496 : f32 to vector<512x64xf32>
    %mul3A_498 = arith.mulf %add3A_495, %mul3A_497 : vector<512x64xf32>
    %convert_element_type3A_499 = arith.truncf %mul3A_498 : vector<512x64xf32> to vector<512x64xbf16>
    %get3A_500 = arith.constant 0 : index
    %get3A_501 = arith.constant 384 : index
    %get3A_502 = vector.load %arg1[%get3A_500, %get3A_501] : memref<512x1280xf32, #tpu.memory_space<vmem>>, vector<512x128xf32>
    %convert_element_type3A_503 = arith.truncf %get3A_502 : vector<512x128xf32> to vector<512x128xbf16>
    %dot_general3A_504 = arith.constant dense<0.000000e+00> : vector<512x768xf32>
    %dot_general3A_505 = tpu.matmul %convert_element_type3A_503, %concatenate3A_59, %dot_general3A_504 {dimension_numbers = #tpu.dot_dimension_numbers<[1], [0], [0], [1], [0, 0, 1, 1], [], []>, transpose_lhs_hint = false} : vector<512x128xbf16>, vector<128x768xbf16>, vector<512x768xf32> -> vector<512x768xf32>
    %dot_general3A_506 = arith.constant dense<0.000000e+00> : vector<512x768xf32>
    %dot_general3A_507 = tpu.matmul %convert_element_type3A_499, %convert_element_type3A_23, %dot_general3A_506 {dimension_numbers = #tpu.dot_dimension_numbers<[1], [0], [0], [1], [0, 0, 1, 1], [], []>, transpose_lhs_hint = false} : vector<512x64xbf16>, vector<64x768xbf16>, vector<512x768xf32> -> vector<512x768xf32>
    %add3A_508 = arith.addf %dot_general3A_505, %dot_general3A_507 : vector<512x768xf32>
    %slice3A_509 = vector.extract_strided_slice %add3A_508 {offsets = [0, 0], sizes = [512, 384], strides = [1, 1]} : vector<512x768xf32> to vector<512x384xf32>
    %add3A_510 = arith.addf %add3A_42, %slice3A_509 : vector<512x384xf32>
    %convert_element_type3A_511 = arith.truncf %add3A_413 : vector<512x128xf32> to vector<512x128xbf16>
    %dot_general3A_512 = arith.constant dense<0.000000e+00> : vector<512x384xf32>
    %dot_general3A_513 = tpu.matmul %convert_element_type3A_511, %get3A_10, %dot_general3A_512 {dimension_numbers = #tpu.dot_dimension_numbers<[1], [0], [0], [1], [0, 0, 1, 1], [], []>, transpose_lhs_hint = false} : vector<512x128xbf16>, vector<128x384xbf16>, vector<512x384xf32> -> vector<512x384xf32>
    %add3A_514 = vector.broadcast %get3A_53 : vector<1x384xf32> to vector<512x384xf32>
    %add3A_515 = arith.addf %dot_general3A_513, %add3A_514 : vector<512x384xf32>
    %slice3A_516 = vector.extract_strided_slice %add3A_510 {offsets = [0, 0], sizes = [512, 128], strides = [1, 1]} : vector<512x384xf32> to vector<512x128xf32>
    %slice3A_517 = vector.extract_strided_slice %add3A_515 {offsets = [0, 0], sizes = [512, 128], strides = [1, 1]} : vector<512x384xf32> to vector<512x128xf32>
    %add3A_518 = arith.addf %slice3A_516, %slice3A_517 : vector<512x128xf32>
    %logistic3A_519 = arith.negf %add3A_518 : vector<512x128xf32>
    %logistic3A_520 = math.exp %logistic3A_519 : vector<512x128xf32>
    %logistic3A_521 = arith.constant 1.000000e+00 : f32
    %logistic3A_522 = vector.broadcast %logistic3A_521 : f32 to vector<512x128xf32>
    %logistic3A_523 = arith.addf %logistic3A_522, %logistic3A_520 : vector<512x128xf32>
    %logistic3A_524 = arith.divf %logistic3A_522, %logistic3A_523 : vector<512x128xf32>
    %slice3A_525 = vector.extract_strided_slice %add3A_510 {offsets = [0, 128], sizes = [512, 128], strides = [1, 1]} : vector<512x384xf32> to vector<512x128xf32>
    %slice3A_526 = vector.extract_strided_slice %add3A_515 {offsets = [0, 128], sizes = [512, 128], strides = [1, 1]} : vector<512x384xf32> to vector<512x128xf32>
    %add3A_527 = arith.addf %slice3A_525, %slice3A_526 : vector<512x128xf32>
    %logistic3A_528 = arith.negf %add3A_527 : vector<512x128xf32>
    %logistic3A_529 = math.exp %logistic3A_528 : vector<512x128xf32>
    %logistic3A_530 = arith.constant 1.000000e+00 : f32
    %logistic3A_531 = vector.broadcast %logistic3A_530 : f32 to vector<512x128xf32>
    %logistic3A_532 = arith.addf %logistic3A_531, %logistic3A_529 : vector<512x128xf32>
    %logistic3A_533 = arith.divf %logistic3A_531, %logistic3A_532 : vector<512x128xf32>
    %slice3A_534 = vector.extract_strided_slice %add3A_510 {offsets = [0, 256], sizes = [512, 128], strides = [1, 1]} : vector<512x384xf32> to vector<512x128xf32>
    %slice3A_535 = vector.extract_strided_slice %add3A_515 {offsets = [0, 256], sizes = [512, 128], strides = [1, 1]} : vector<512x384xf32> to vector<512x128xf32>
    %mul3A_536 = arith.mulf %logistic3A_524, %slice3A_535 : vector<512x128xf32>
    %add3A_537 = arith.addf %slice3A_534, %mul3A_536 : vector<512x128xf32>
    %tanh3A_538 = math.tanh %add3A_537 : vector<512x128xf32>
    %sub3A_539 = arith.constant 1.000000e+00 : f32
    %sub3A_540 = vector.broadcast %sub3A_539 : f32 to vector<512x128xf32>
    %sub3A_541 = arith.subf %sub3A_540, %logistic3A_533 : vector<512x128xf32>
    %mul3A_542 = arith.mulf %sub3A_541, %tanh3A_538 : vector<512x128xf32>
    %mul3A_543 = arith.mulf %logistic3A_533, %add3A_413 : vector<512x128xf32>
    %add3A_544 = arith.addf %mul3A_542, %mul3A_543 : vector<512x128xf32>
    %slice3A_545 = vector.extract_strided_slice %add3A_508 {offsets = [0, 384], sizes = [512, 384], strides = [1, 1]} : vector<512x768xf32> to vector<512x384xf32>
    %add3A_546 = arith.addf %add3A_50, %slice3A_545 : vector<512x384xf32>
    %convert_element_type3A_547 = arith.truncf %add3A_449 : vector<512x128xf32> to vector<512x128xbf16>
    %dot_general3A_548 = arith.constant dense<0.000000e+00> : vector<512x384xf32>
    %dot_general3A_549 = tpu.matmul %convert_element_type3A_547, %get3A_16, %dot_general3A_548 {dimension_numbers = #tpu.dot_dimension_numbers<[1], [0], [0], [1], [0, 0, 1, 1], [], []>, transpose_lhs_hint = false} : vector<512x128xbf16>, vector<128x384xbf16>, vector<512x384xf32> -> vector<512x384xf32>
    %add3A_550 = vector.broadcast %get3A_56 : vector<1x384xf32> to vector<512x384xf32>
    %add3A_551 = arith.addf %dot_general3A_549, %add3A_550 : vector<512x384xf32>
    %slice3A_552 = vector.extract_strided_slice %add3A_546 {offsets = [0, 0], sizes = [512, 128], strides = [1, 1]} : vector<512x384xf32> to vector<512x128xf32>
    %slice3A_553 = vector.extract_strided_slice %add3A_551 {offsets = [0, 0], sizes = [512, 128], strides = [1, 1]} : vector<512x384xf32> to vector<512x128xf32>
    %add3A_554 = arith.addf %slice3A_552, %slice3A_553 : vector<512x128xf32>
    %logistic3A_555 = arith.negf %add3A_554 : vector<512x128xf32>
    %logistic3A_556 = math.exp %logistic3A_555 : vector<512x128xf32>
    %logistic3A_557 = arith.constant 1.000000e+00 : f32
    %logistic3A_558 = vector.broadcast %logistic3A_557 : f32 to vector<512x128xf32>
    %logistic3A_559 = arith.addf %logistic3A_558, %logistic3A_556 : vector<512x128xf32>
    %logistic3A_560 = arith.divf %logistic3A_558, %logistic3A_559 : vector<512x128xf32>
    %slice3A_561 = vector.extract_strided_slice %add3A_546 {offsets = [0, 128], sizes = [512, 128], strides = [1, 1]} : vector<512x384xf32> to vector<512x128xf32>
    %slice3A_562 = vector.extract_strided_slice %add3A_551 {offsets = [0, 128], sizes = [512, 128], strides = [1, 1]} : vector<512x384xf32> to vector<512x128xf32>
    %add3A_563 = arith.addf %slice3A_561, %slice3A_562 : vector<512x128xf32>
    %logistic3A_564 = arith.negf %add3A_563 : vector<512x128xf32>
    %logistic3A_565 = math.exp %logistic3A_564 : vector<512x128xf32>
    %logistic3A_566 = arith.constant 1.000000e+00 : f32
    %logistic3A_567 = vector.broadcast %logistic3A_566 : f32 to vector<512x128xf32>
    %logistic3A_568 = arith.addf %logistic3A_567, %logistic3A_565 : vector<512x128xf32>
    %logistic3A_569 = arith.divf %logistic3A_567, %logistic3A_568 : vector<512x128xf32>
    %slice3A_570 = vector.extract_strided_slice %add3A_546 {offsets = [0, 256], sizes = [512, 128], strides = [1, 1]} : vector<512x384xf32> to vector<512x128xf32>
    %slice3A_571 = vector.extract_strided_slice %add3A_551 {offsets = [0, 256], sizes = [512, 128], strides = [1, 1]} : vector<512x384xf32> to vector<512x128xf32>
    %mul3A_572 = arith.mulf %logistic3A_560, %slice3A_571 : vector<512x128xf32>
    %add3A_573 = arith.addf %slice3A_570, %mul3A_572 : vector<512x128xf32>
    %tanh3A_574 = math.tanh %add3A_573 : vector<512x128xf32>
    %sub3A_575 = arith.constant 1.000000e+00 : f32
    %sub3A_576 = vector.broadcast %sub3A_575 : f32 to vector<512x128xf32>
    %sub3A_577 = arith.subf %sub3A_576, %logistic3A_569 : vector<512x128xf32>
    %mul3A_578 = arith.mulf %sub3A_577, %tanh3A_574 : vector<512x128xf32>
    %mul3A_579 = arith.mulf %logistic3A_569, %add3A_449 : vector<512x128xf32>
    %add3A_580 = arith.addf %mul3A_578, %mul3A_579 : vector<512x128xf32>
    %broadcast_in_dim3A_581 = arith.constant 0.000000e+00 : f32
    %broadcast_in_dim3A_582 = vector.broadcast %broadcast_in_dim3A_581 : f32 to vector<512x64xf32>
    %get3A_583 = arith.constant 0 : index
    %get3A_584 = arith.constant 16 : index
    %get3A_585 = vector.load %arg3[%get3A_583, %get3A_584] : memref<512x40xi32, #tpu.memory_space<vmem>>, vector<512x1xi32>
    %eq3A_586 = vector.broadcast %get3A_585 : vector<512x1xi32> to vector<512x64xi32>
    %eq3A_587 = arith.cmpi eq, %iota3A, %eq3A_586 : vector<512x64xi32>
    %jit3A_588 = arith.constant 1.000000e+00 : f32
    %jit3A_589 = arith.constant 0.000000e+00 : f32
    %broadcast_in_dim3A_590 = vector.broadcast %jit3A_588 : f32 to vector<512x64xf32>
    %broadcast_in_dim3A_591 = vector.broadcast %jit3A_589 : f32 to vector<512x64xf32>
    %select_n3A_592 = arith.select %eq3A_587, %broadcast_in_dim3A_590, %broadcast_in_dim3A_591 : vector<512x64xi1>, vector<512x64xf32>
    %add3A_593 = arith.addf %broadcast_in_dim3A_582, %select_n3A_592 : vector<512x64xf32>
    %get3A_594 = arith.constant 0 : index
    %get3A_595 = arith.constant 17 : index
    %get3A_596 = vector.load %arg3[%get3A_594, %get3A_595] : memref<512x40xi32, #tpu.memory_space<vmem>>, vector<512x1xi32>
    %eq3A_597 = vector.broadcast %get3A_596 : vector<512x1xi32> to vector<512x64xi32>
    %eq3A_598 = arith.cmpi eq, %iota3A, %eq3A_597 : vector<512x64xi32>
    %jit3A_599 = arith.constant 1.000000e+00 : f32
    %jit3A_600 = arith.constant 0.000000e+00 : f32
    %broadcast_in_dim3A_601 = vector.broadcast %jit3A_599 : f32 to vector<512x64xf32>
    %broadcast_in_dim3A_602 = vector.broadcast %jit3A_600 : f32 to vector<512x64xf32>
    %select_n3A_603 = arith.select %eq3A_598, %broadcast_in_dim3A_601, %broadcast_in_dim3A_602 : vector<512x64xi1>, vector<512x64xf32>
    %add3A_604 = arith.addf %add3A_593, %select_n3A_603 : vector<512x64xf32>
    %get3A_605 = arith.constant 0 : index
    %get3A_606 = arith.constant 18 : index
    %get3A_607 = vector.load %arg3[%get3A_605, %get3A_606] : memref<512x40xi32, #tpu.memory_space<vmem>>, vector<512x1xi32>
    %eq3A_608 = vector.broadcast %get3A_607 : vector<512x1xi32> to vector<512x64xi32>
    %eq3A_609 = arith.cmpi eq, %iota3A, %eq3A_608 : vector<512x64xi32>
    %jit3A_610 = arith.constant 1.000000e+00 : f32
    %jit3A_611 = arith.constant 0.000000e+00 : f32
    %broadcast_in_dim3A_612 = vector.broadcast %jit3A_610 : f32 to vector<512x64xf32>
    %broadcast_in_dim3A_613 = vector.broadcast %jit3A_611 : f32 to vector<512x64xf32>
    %select_n3A_614 = arith.select %eq3A_609, %broadcast_in_dim3A_612, %broadcast_in_dim3A_613 : vector<512x64xi1>, vector<512x64xf32>
    %add3A_615 = arith.addf %add3A_604, %select_n3A_614 : vector<512x64xf32>
    %get3A_616 = arith.constant 0 : index
    %get3A_617 = arith.constant 19 : index
    %get3A_618 = vector.load %arg3[%get3A_616, %get3A_617] : memref<512x40xi32, #tpu.memory_space<vmem>>, vector<512x1xi32>
    %eq3A_619 = vector.broadcast %get3A_618 : vector<512x1xi32> to vector<512x64xi32>
    %eq3A_620 = arith.cmpi eq, %iota3A, %eq3A_619 : vector<512x64xi32>
    %jit3A_621 = arith.constant 1.000000e+00 : f32
    %jit3A_622 = arith.constant 0.000000e+00 : f32
    %broadcast_in_dim3A_623 = vector.broadcast %jit3A_621 : f32 to vector<512x64xf32>
    %broadcast_in_dim3A_624 = vector.broadcast %jit3A_622 : f32 to vector<512x64xf32>
    %select_n3A_625 = arith.select %eq3A_620, %broadcast_in_dim3A_623, %broadcast_in_dim3A_624 : vector<512x64xi1>, vector<512x64xf32>
    %add3A_626 = arith.addf %add3A_615, %select_n3A_625 : vector<512x64xf32>
    %mul3A_627 = arith.constant 2.500000e-01 : f32
    %mul3A_628 = vector.broadcast %mul3A_627 : f32 to vector<512x64xf32>
    %mul3A_629 = arith.mulf %add3A_626, %mul3A_628 : vector<512x64xf32>
    %convert_element_type3A_630 = arith.truncf %mul3A_629 : vector<512x64xf32> to vector<512x64xbf16>
    %get3A_631 = arith.constant 0 : index
    %get3A_632 = arith.constant 512 : index
    %get3A_633 = vector.load %arg1[%get3A_631, %get3A_632] : memref<512x1280xf32, #tpu.memory_space<vmem>>, vector<512x128xf32>
    %convert_element_type3A_634 = arith.truncf %get3A_633 : vector<512x128xf32> to vector<512x128xbf16>
    %dot_general3A_635 = arith.constant dense<0.000000e+00> : vector<512x768xf32>
    %dot_general3A_636 = tpu.matmul %convert_element_type3A_634, %concatenate3A_59, %dot_general3A_635 {dimension_numbers = #tpu.dot_dimension_numbers<[1], [0], [0], [1], [0, 0, 1, 1], [], []>, transpose_lhs_hint = false} : vector<512x128xbf16>, vector<128x768xbf16>, vector<512x768xf32> -> vector<512x768xf32>
    %dot_general3A_637 = arith.constant dense<0.000000e+00> : vector<512x768xf32>
    %dot_general3A_638 = tpu.matmul %convert_element_type3A_630, %convert_element_type3A_23, %dot_general3A_637 {dimension_numbers = #tpu.dot_dimension_numbers<[1], [0], [0], [1], [0, 0, 1, 1], [], []>, transpose_lhs_hint = false} : vector<512x64xbf16>, vector<64x768xbf16>, vector<512x768xf32> -> vector<512x768xf32>
    %add3A_639 = arith.addf %dot_general3A_636, %dot_general3A_638 : vector<512x768xf32>
    %slice3A_640 = vector.extract_strided_slice %add3A_639 {offsets = [0, 0], sizes = [512, 384], strides = [1, 1]} : vector<512x768xf32> to vector<512x384xf32>
    %add3A_641 = arith.addf %add3A_42, %slice3A_640 : vector<512x384xf32>
    %convert_element_type3A_642 = arith.truncf %add3A_544 : vector<512x128xf32> to vector<512x128xbf16>
    %dot_general3A_643 = arith.constant dense<0.000000e+00> : vector<512x384xf32>
    %dot_general3A_644 = tpu.matmul %convert_element_type3A_642, %get3A_10, %dot_general3A_643 {dimension_numbers = #tpu.dot_dimension_numbers<[1], [0], [0], [1], [0, 0, 1, 1], [], []>, transpose_lhs_hint = false} : vector<512x128xbf16>, vector<128x384xbf16>, vector<512x384xf32> -> vector<512x384xf32>
    %add3A_645 = vector.broadcast %get3A_53 : vector<1x384xf32> to vector<512x384xf32>
    %add3A_646 = arith.addf %dot_general3A_644, %add3A_645 : vector<512x384xf32>
    %slice3A_647 = vector.extract_strided_slice %add3A_641 {offsets = [0, 0], sizes = [512, 128], strides = [1, 1]} : vector<512x384xf32> to vector<512x128xf32>
    %slice3A_648 = vector.extract_strided_slice %add3A_646 {offsets = [0, 0], sizes = [512, 128], strides = [1, 1]} : vector<512x384xf32> to vector<512x128xf32>
    %add3A_649 = arith.addf %slice3A_647, %slice3A_648 : vector<512x128xf32>
    %logistic3A_650 = arith.negf %add3A_649 : vector<512x128xf32>
    %logistic3A_651 = math.exp %logistic3A_650 : vector<512x128xf32>
    %logistic3A_652 = arith.constant 1.000000e+00 : f32
    %logistic3A_653 = vector.broadcast %logistic3A_652 : f32 to vector<512x128xf32>
    %logistic3A_654 = arith.addf %logistic3A_653, %logistic3A_651 : vector<512x128xf32>
    %logistic3A_655 = arith.divf %logistic3A_653, %logistic3A_654 : vector<512x128xf32>
    %slice3A_656 = vector.extract_strided_slice %add3A_641 {offsets = [0, 128], sizes = [512, 128], strides = [1, 1]} : vector<512x384xf32> to vector<512x128xf32>
    %slice3A_657 = vector.extract_strided_slice %add3A_646 {offsets = [0, 128], sizes = [512, 128], strides = [1, 1]} : vector<512x384xf32> to vector<512x128xf32>
    %add3A_658 = arith.addf %slice3A_656, %slice3A_657 : vector<512x128xf32>
    %logistic3A_659 = arith.negf %add3A_658 : vector<512x128xf32>
    %logistic3A_660 = math.exp %logistic3A_659 : vector<512x128xf32>
    %logistic3A_661 = arith.constant 1.000000e+00 : f32
    %logistic3A_662 = vector.broadcast %logistic3A_661 : f32 to vector<512x128xf32>
    %logistic3A_663 = arith.addf %logistic3A_662, %logistic3A_660 : vector<512x128xf32>
    %logistic3A_664 = arith.divf %logistic3A_662, %logistic3A_663 : vector<512x128xf32>
    %slice3A_665 = vector.extract_strided_slice %add3A_641 {offsets = [0, 256], sizes = [512, 128], strides = [1, 1]} : vector<512x384xf32> to vector<512x128xf32>
    %slice3A_666 = vector.extract_strided_slice %add3A_646 {offsets = [0, 256], sizes = [512, 128], strides = [1, 1]} : vector<512x384xf32> to vector<512x128xf32>
    %mul3A_667 = arith.mulf %logistic3A_655, %slice3A_666 : vector<512x128xf32>
    %add3A_668 = arith.addf %slice3A_665, %mul3A_667 : vector<512x128xf32>
    %tanh3A_669 = math.tanh %add3A_668 : vector<512x128xf32>
    %sub3A_670 = arith.constant 1.000000e+00 : f32
    %sub3A_671 = vector.broadcast %sub3A_670 : f32 to vector<512x128xf32>
    %sub3A_672 = arith.subf %sub3A_671, %logistic3A_664 : vector<512x128xf32>
    %mul3A_673 = arith.mulf %sub3A_672, %tanh3A_669 : vector<512x128xf32>
    %mul3A_674 = arith.mulf %logistic3A_664, %add3A_544 : vector<512x128xf32>
    %add3A_675 = arith.addf %mul3A_673, %mul3A_674 : vector<512x128xf32>
    %slice3A_676 = vector.extract_strided_slice %add3A_639 {offsets = [0, 384], sizes = [512, 384], strides = [1, 1]} : vector<512x768xf32> to vector<512x384xf32>
    %add3A_677 = arith.addf %add3A_50, %slice3A_676 : vector<512x384xf32>
    %convert_element_type3A_678 = arith.truncf %add3A_580 : vector<512x128xf32> to vector<512x128xbf16>
    %dot_general3A_679 = arith.constant dense<0.000000e+00> : vector<512x384xf32>
    %dot_general3A_680 = tpu.matmul %convert_element_type3A_678, %get3A_16, %dot_general3A_679 {dimension_numbers = #tpu.dot_dimension_numbers<[1], [0], [0], [1], [0, 0, 1, 1], [], []>, transpose_lhs_hint = false} : vector<512x128xbf16>, vector<128x384xbf16>, vector<512x384xf32> -> vector<512x384xf32>
    %add3A_681 = vector.broadcast %get3A_56 : vector<1x384xf32> to vector<512x384xf32>
    %add3A_682 = arith.addf %dot_general3A_680, %add3A_681 : vector<512x384xf32>
    %slice3A_683 = vector.extract_strided_slice %add3A_677 {offsets = [0, 0], sizes = [512, 128], strides = [1, 1]} : vector<512x384xf32> to vector<512x128xf32>
    %slice3A_684 = vector.extract_strided_slice %add3A_682 {offsets = [0, 0], sizes = [512, 128], strides = [1, 1]} : vector<512x384xf32> to vector<512x128xf32>
    %add3A_685 = arith.addf %slice3A_683, %slice3A_684 : vector<512x128xf32>
    %logistic3A_686 = arith.negf %add3A_685 : vector<512x128xf32>
    %logistic3A_687 = math.exp %logistic3A_686 : vector<512x128xf32>
    %logistic3A_688 = arith.constant 1.000000e+00 : f32
    %logistic3A_689 = vector.broadcast %logistic3A_688 : f32 to vector<512x128xf32>
    %logistic3A_690 = arith.addf %logistic3A_689, %logistic3A_687 : vector<512x128xf32>
    %logistic3A_691 = arith.divf %logistic3A_689, %logistic3A_690 : vector<512x128xf32>
    %slice3A_692 = vector.extract_strided_slice %add3A_677 {offsets = [0, 128], sizes = [512, 128], strides = [1, 1]} : vector<512x384xf32> to vector<512x128xf32>
    %slice3A_693 = vector.extract_strided_slice %add3A_682 {offsets = [0, 128], sizes = [512, 128], strides = [1, 1]} : vector<512x384xf32> to vector<512x128xf32>
    %add3A_694 = arith.addf %slice3A_692, %slice3A_693 : vector<512x128xf32>
    %logistic3A_695 = arith.negf %add3A_694 : vector<512x128xf32>
    %logistic3A_696 = math.exp %logistic3A_695 : vector<512x128xf32>
    %logistic3A_697 = arith.constant 1.000000e+00 : f32
    %logistic3A_698 = vector.broadcast %logistic3A_697 : f32 to vector<512x128xf32>
    %logistic3A_699 = arith.addf %logistic3A_698, %logistic3A_696 : vector<512x128xf32>
    %logistic3A_700 = arith.divf %logistic3A_698, %logistic3A_699 : vector<512x128xf32>
    %slice3A_701 = vector.extract_strided_slice %add3A_677 {offsets = [0, 256], sizes = [512, 128], strides = [1, 1]} : vector<512x384xf32> to vector<512x128xf32>
    %slice3A_702 = vector.extract_strided_slice %add3A_682 {offsets = [0, 256], sizes = [512, 128], strides = [1, 1]} : vector<512x384xf32> to vector<512x128xf32>
    %mul3A_703 = arith.mulf %logistic3A_691, %slice3A_702 : vector<512x128xf32>
    %add3A_704 = arith.addf %slice3A_701, %mul3A_703 : vector<512x128xf32>
    %tanh3A_705 = math.tanh %add3A_704 : vector<512x128xf32>
    %sub3A_706 = arith.constant 1.000000e+00 : f32
    %sub3A_707 = vector.broadcast %sub3A_706 : f32 to vector<512x128xf32>
    %sub3A_708 = arith.subf %sub3A_707, %logistic3A_700 : vector<512x128xf32>
    %mul3A_709 = arith.mulf %sub3A_708, %tanh3A_705 : vector<512x128xf32>
    %mul3A_710 = arith.mulf %logistic3A_700, %add3A_580 : vector<512x128xf32>
    %add3A_711 = arith.addf %mul3A_709, %mul3A_710 : vector<512x128xf32>
    %broadcast_in_dim3A_712 = arith.constant 0.000000e+00 : f32
    %broadcast_in_dim3A_713 = vector.broadcast %broadcast_in_dim3A_712 : f32 to vector<512x64xf32>
    %get3A_714 = arith.constant 0 : index
    %get3A_715 = arith.constant 20 : index
    %get3A_716 = vector.load %arg3[%get3A_714, %get3A_715] : memref<512x40xi32, #tpu.memory_space<vmem>>, vector<512x1xi32>
    %eq3A_717 = vector.broadcast %get3A_716 : vector<512x1xi32> to vector<512x64xi32>
    %eq3A_718 = arith.cmpi eq, %iota3A, %eq3A_717 : vector<512x64xi32>
    %jit3A_719 = arith.constant 1.000000e+00 : f32
    %jit3A_720 = arith.constant 0.000000e+00 : f32
    %broadcast_in_dim3A_721 = vector.broadcast %jit3A_719 : f32 to vector<512x64xf32>
    %broadcast_in_dim3A_722 = vector.broadcast %jit3A_720 : f32 to vector<512x64xf32>
    %select_n3A_723 = arith.select %eq3A_718, %broadcast_in_dim3A_721, %broadcast_in_dim3A_722 : vector<512x64xi1>, vector<512x64xf32>
    %add3A_724 = arith.addf %broadcast_in_dim3A_713, %select_n3A_723 : vector<512x64xf32>
    %get3A_725 = arith.constant 0 : index
    %get3A_726 = arith.constant 21 : index
    %get3A_727 = vector.load %arg3[%get3A_725, %get3A_726] : memref<512x40xi32, #tpu.memory_space<vmem>>, vector<512x1xi32>
    %eq3A_728 = vector.broadcast %get3A_727 : vector<512x1xi32> to vector<512x64xi32>
    %eq3A_729 = arith.cmpi eq, %iota3A, %eq3A_728 : vector<512x64xi32>
    %jit3A_730 = arith.constant 1.000000e+00 : f32
    %jit3A_731 = arith.constant 0.000000e+00 : f32
    %broadcast_in_dim3A_732 = vector.broadcast %jit3A_730 : f32 to vector<512x64xf32>
    %broadcast_in_dim3A_733 = vector.broadcast %jit3A_731 : f32 to vector<512x64xf32>
    %select_n3A_734 = arith.select %eq3A_729, %broadcast_in_dim3A_732, %broadcast_in_dim3A_733 : vector<512x64xi1>, vector<512x64xf32>
    %add3A_735 = arith.addf %add3A_724, %select_n3A_734 : vector<512x64xf32>
    %get3A_736 = arith.constant 0 : index
    %get3A_737 = arith.constant 22 : index
    %get3A_738 = vector.load %arg3[%get3A_736, %get3A_737] : memref<512x40xi32, #tpu.memory_space<vmem>>, vector<512x1xi32>
    %eq3A_739 = vector.broadcast %get3A_738 : vector<512x1xi32> to vector<512x64xi32>
    %eq3A_740 = arith.cmpi eq, %iota3A, %eq3A_739 : vector<512x64xi32>
    %jit3A_741 = arith.constant 1.000000e+00 : f32
    %jit3A_742 = arith.constant 0.000000e+00 : f32
    %broadcast_in_dim3A_743 = vector.broadcast %jit3A_741 : f32 to vector<512x64xf32>
    %broadcast_in_dim3A_744 = vector.broadcast %jit3A_742 : f32 to vector<512x64xf32>
    %select_n3A_745 = arith.select %eq3A_740, %broadcast_in_dim3A_743, %broadcast_in_dim3A_744 : vector<512x64xi1>, vector<512x64xf32>
    %add3A_746 = arith.addf %add3A_735, %select_n3A_745 : vector<512x64xf32>
    %get3A_747 = arith.constant 0 : index
    %get3A_748 = arith.constant 23 : index
    %get3A_749 = vector.load %arg3[%get3A_747, %get3A_748] : memref<512x40xi32, #tpu.memory_space<vmem>>, vector<512x1xi32>
    %eq3A_750 = vector.broadcast %get3A_749 : vector<512x1xi32> to vector<512x64xi32>
    %eq3A_751 = arith.cmpi eq, %iota3A, %eq3A_750 : vector<512x64xi32>
    %jit3A_752 = arith.constant 1.000000e+00 : f32
    %jit3A_753 = arith.constant 0.000000e+00 : f32
    %broadcast_in_dim3A_754 = vector.broadcast %jit3A_752 : f32 to vector<512x64xf32>
    %broadcast_in_dim3A_755 = vector.broadcast %jit3A_753 : f32 to vector<512x64xf32>
    %select_n3A_756 = arith.select %eq3A_751, %broadcast_in_dim3A_754, %broadcast_in_dim3A_755 : vector<512x64xi1>, vector<512x64xf32>
    %add3A_757 = arith.addf %add3A_746, %select_n3A_756 : vector<512x64xf32>
    %mul3A_758 = arith.constant 2.500000e-01 : f32
    %mul3A_759 = vector.broadcast %mul3A_758 : f32 to vector<512x64xf32>
    %mul3A_760 = arith.mulf %add3A_757, %mul3A_759 : vector<512x64xf32>
    %convert_element_type3A_761 = arith.truncf %mul3A_760 : vector<512x64xf32> to vector<512x64xbf16>
    %get3A_762 = arith.constant 0 : index
    %get3A_763 = arith.constant 640 : index
    %get3A_764 = vector.load %arg1[%get3A_762, %get3A_763] : memref<512x1280xf32, #tpu.memory_space<vmem>>, vector<512x128xf32>
    %convert_element_type3A_765 = arith.truncf %get3A_764 : vector<512x128xf32> to vector<512x128xbf16>
    %dot_general3A_766 = arith.constant dense<0.000000e+00> : vector<512x768xf32>
    %dot_general3A_767 = tpu.matmul %convert_element_type3A_765, %concatenate3A_59, %dot_general3A_766 {dimension_numbers = #tpu.dot_dimension_numbers<[1], [0], [0], [1], [0, 0, 1, 1], [], []>, transpose_lhs_hint = false} : vector<512x128xbf16>, vector<128x768xbf16>, vector<512x768xf32> -> vector<512x768xf32>
    %dot_general3A_768 = arith.constant dense<0.000000e+00> : vector<512x768xf32>
    %dot_general3A_769 = tpu.matmul %convert_element_type3A_761, %convert_element_type3A_23, %dot_general3A_768 {dimension_numbers = #tpu.dot_dimension_numbers<[1], [0], [0], [1], [0, 0, 1, 1], [], []>, transpose_lhs_hint = false} : vector<512x64xbf16>, vector<64x768xbf16>, vector<512x768xf32> -> vector<512x768xf32>
    %add3A_770 = arith.addf %dot_general3A_767, %dot_general3A_769 : vector<512x768xf32>
    %slice3A_771 = vector.extract_strided_slice %add3A_770 {offsets = [0, 0], sizes = [512, 384], strides = [1, 1]} : vector<512x768xf32> to vector<512x384xf32>
    %add3A_772 = arith.addf %add3A_42, %slice3A_771 : vector<512x384xf32>
    %convert_element_type3A_773 = arith.truncf %add3A_675 : vector<512x128xf32> to vector<512x128xbf16>
    %dot_general3A_774 = arith.constant dense<0.000000e+00> : vector<512x384xf32>
    %dot_general3A_775 = tpu.matmul %convert_element_type3A_773, %get3A_10, %dot_general3A_774 {dimension_numbers = #tpu.dot_dimension_numbers<[1], [0], [0], [1], [0, 0, 1, 1], [], []>, transpose_lhs_hint = false} : vector<512x128xbf16>, vector<128x384xbf16>, vector<512x384xf32> -> vector<512x384xf32>
    %add3A_776 = vector.broadcast %get3A_53 : vector<1x384xf32> to vector<512x384xf32>
    %add3A_777 = arith.addf %dot_general3A_775, %add3A_776 : vector<512x384xf32>
    %slice3A_778 = vector.extract_strided_slice %add3A_772 {offsets = [0, 0], sizes = [512, 128], strides = [1, 1]} : vector<512x384xf32> to vector<512x128xf32>
    %slice3A_779 = vector.extract_strided_slice %add3A_777 {offsets = [0, 0], sizes = [512, 128], strides = [1, 1]} : vector<512x384xf32> to vector<512x128xf32>
    %add3A_780 = arith.addf %slice3A_778, %slice3A_779 : vector<512x128xf32>
    %logistic3A_781 = arith.negf %add3A_780 : vector<512x128xf32>
    %logistic3A_782 = math.exp %logistic3A_781 : vector<512x128xf32>
    %logistic3A_783 = arith.constant 1.000000e+00 : f32
    %logistic3A_784 = vector.broadcast %logistic3A_783 : f32 to vector<512x128xf32>
    %logistic3A_785 = arith.addf %logistic3A_784, %logistic3A_782 : vector<512x128xf32>
    %logistic3A_786 = arith.divf %logistic3A_784, %logistic3A_785 : vector<512x128xf32>
    %slice3A_787 = vector.extract_strided_slice %add3A_772 {offsets = [0, 128], sizes = [512, 128], strides = [1, 1]} : vector<512x384xf32> to vector<512x128xf32>
    %slice3A_788 = vector.extract_strided_slice %add3A_777 {offsets = [0, 128], sizes = [512, 128], strides = [1, 1]} : vector<512x384xf32> to vector<512x128xf32>
    %add3A_789 = arith.addf %slice3A_787, %slice3A_788 : vector<512x128xf32>
    %logistic3A_790 = arith.negf %add3A_789 : vector<512x128xf32>
    %logistic3A_791 = math.exp %logistic3A_790 : vector<512x128xf32>
    %logistic3A_792 = arith.constant 1.000000e+00 : f32
    %logistic3A_793 = vector.broadcast %logistic3A_792 : f32 to vector<512x128xf32>
    %logistic3A_794 = arith.addf %logistic3A_793, %logistic3A_791 : vector<512x128xf32>
    %logistic3A_795 = arith.divf %logistic3A_793, %logistic3A_794 : vector<512x128xf32>
    %slice3A_796 = vector.extract_strided_slice %add3A_772 {offsets = [0, 256], sizes = [512, 128], strides = [1, 1]} : vector<512x384xf32> to vector<512x128xf32>
    %slice3A_797 = vector.extract_strided_slice %add3A_777 {offsets = [0, 256], sizes = [512, 128], strides = [1, 1]} : vector<512x384xf32> to vector<512x128xf32>
    %mul3A_798 = arith.mulf %logistic3A_786, %slice3A_797 : vector<512x128xf32>
    %add3A_799 = arith.addf %slice3A_796, %mul3A_798 : vector<512x128xf32>
    %tanh3A_800 = math.tanh %add3A_799 : vector<512x128xf32>
    %sub3A_801 = arith.constant 1.000000e+00 : f32
    %sub3A_802 = vector.broadcast %sub3A_801 : f32 to vector<512x128xf32>
    %sub3A_803 = arith.subf %sub3A_802, %logistic3A_795 : vector<512x128xf32>
    %mul3A_804 = arith.mulf %sub3A_803, %tanh3A_800 : vector<512x128xf32>
    %mul3A_805 = arith.mulf %logistic3A_795, %add3A_675 : vector<512x128xf32>
    %add3A_806 = arith.addf %mul3A_804, %mul3A_805 : vector<512x128xf32>
    %slice3A_807 = vector.extract_strided_slice %add3A_770 {offsets = [0, 384], sizes = [512, 384], strides = [1, 1]} : vector<512x768xf32> to vector<512x384xf32>
    %add3A_808 = arith.addf %add3A_50, %slice3A_807 : vector<512x384xf32>
    %convert_element_type3A_809 = arith.truncf %add3A_711 : vector<512x128xf32> to vector<512x128xbf16>
    %dot_general3A_810 = arith.constant dense<0.000000e+00> : vector<512x384xf32>
    %dot_general3A_811 = tpu.matmul %convert_element_type3A_809, %get3A_16, %dot_general3A_810 {dimension_numbers = #tpu.dot_dimension_numbers<[1], [0], [0], [1], [0, 0, 1, 1], [], []>, transpose_lhs_hint = false} : vector<512x128xbf16>, vector<128x384xbf16>, vector<512x384xf32> -> vector<512x384xf32>
    %add3A_812 = vector.broadcast %get3A_56 : vector<1x384xf32> to vector<512x384xf32>
    %add3A_813 = arith.addf %dot_general3A_811, %add3A_812 : vector<512x384xf32>
    %slice3A_814 = vector.extract_strided_slice %add3A_808 {offsets = [0, 0], sizes = [512, 128], strides = [1, 1]} : vector<512x384xf32> to vector<512x128xf32>
    %slice3A_815 = vector.extract_strided_slice %add3A_813 {offsets = [0, 0], sizes = [512, 128], strides = [1, 1]} : vector<512x384xf32> to vector<512x128xf32>
    %add3A_816 = arith.addf %slice3A_814, %slice3A_815 : vector<512x128xf32>
    %logistic3A_817 = arith.negf %add3A_816 : vector<512x128xf32>
    %logistic3A_818 = math.exp %logistic3A_817 : vector<512x128xf32>
    %logistic3A_819 = arith.constant 1.000000e+00 : f32
    %logistic3A_820 = vector.broadcast %logistic3A_819 : f32 to vector<512x128xf32>
    %logistic3A_821 = arith.addf %logistic3A_820, %logistic3A_818 : vector<512x128xf32>
    %logistic3A_822 = arith.divf %logistic3A_820, %logistic3A_821 : vector<512x128xf32>
    %slice3A_823 = vector.extract_strided_slice %add3A_808 {offsets = [0, 128], sizes = [512, 128], strides = [1, 1]} : vector<512x384xf32> to vector<512x128xf32>
    %slice3A_824 = vector.extract_strided_slice %add3A_813 {offsets = [0, 128], sizes = [512, 128], strides = [1, 1]} : vector<512x384xf32> to vector<512x128xf32>
    %add3A_825 = arith.addf %slice3A_823, %slice3A_824 : vector<512x128xf32>
    %logistic3A_826 = arith.negf %add3A_825 : vector<512x128xf32>
    %logistic3A_827 = math.exp %logistic3A_826 : vector<512x128xf32>
    %logistic3A_828 = arith.constant 1.000000e+00 : f32
    %logistic3A_829 = vector.broadcast %logistic3A_828 : f32 to vector<512x128xf32>
    %logistic3A_830 = arith.addf %logistic3A_829, %logistic3A_827 : vector<512x128xf32>
    %logistic3A_831 = arith.divf %logistic3A_829, %logistic3A_830 : vector<512x128xf32>
    %slice3A_832 = vector.extract_strided_slice %add3A_808 {offsets = [0, 256], sizes = [512, 128], strides = [1, 1]} : vector<512x384xf32> to vector<512x128xf32>
    %slice3A_833 = vector.extract_strided_slice %add3A_813 {offsets = [0, 256], sizes = [512, 128], strides = [1, 1]} : vector<512x384xf32> to vector<512x128xf32>
    %mul3A_834 = arith.mulf %logistic3A_822, %slice3A_833 : vector<512x128xf32>
    %add3A_835 = arith.addf %slice3A_832, %mul3A_834 : vector<512x128xf32>
    %tanh3A_836 = math.tanh %add3A_835 : vector<512x128xf32>
    %sub3A_837 = arith.constant 1.000000e+00 : f32
    %sub3A_838 = vector.broadcast %sub3A_837 : f32 to vector<512x128xf32>
    %sub3A_839 = arith.subf %sub3A_838, %logistic3A_831 : vector<512x128xf32>
    %mul3A_840 = arith.mulf %sub3A_839, %tanh3A_836 : vector<512x128xf32>
    %mul3A_841 = arith.mulf %logistic3A_831, %add3A_711 : vector<512x128xf32>
    %add3A_842 = arith.addf %mul3A_840, %mul3A_841 : vector<512x128xf32>
    %broadcast_in_dim3A_843 = arith.constant 0.000000e+00 : f32
    %broadcast_in_dim3A_844 = vector.broadcast %broadcast_in_dim3A_843 : f32 to vector<512x64xf32>
    %get3A_845 = arith.constant 0 : index
    %get3A_846 = arith.constant 24 : index
    %get3A_847 = vector.load %arg3[%get3A_845, %get3A_846] : memref<512x40xi32, #tpu.memory_space<vmem>>, vector<512x1xi32>
    %eq3A_848 = vector.broadcast %get3A_847 : vector<512x1xi32> to vector<512x64xi32>
    %eq3A_849 = arith.cmpi eq, %iota3A, %eq3A_848 : vector<512x64xi32>
    %jit3A_850 = arith.constant 1.000000e+00 : f32
    %jit3A_851 = arith.constant 0.000000e+00 : f32
    %broadcast_in_dim3A_852 = vector.broadcast %jit3A_850 : f32 to vector<512x64xf32>
    %broadcast_in_dim3A_853 = vector.broadcast %jit3A_851 : f32 to vector<512x64xf32>
    %select_n3A_854 = arith.select %eq3A_849, %broadcast_in_dim3A_852, %broadcast_in_dim3A_853 : vector<512x64xi1>, vector<512x64xf32>
    %add3A_855 = arith.addf %broadcast_in_dim3A_844, %select_n3A_854 : vector<512x64xf32>
    %get3A_856 = arith.constant 0 : index
    %get3A_857 = arith.constant 25 : index
    %get3A_858 = vector.load %arg3[%get3A_856, %get3A_857] : memref<512x40xi32, #tpu.memory_space<vmem>>, vector<512x1xi32>
    %eq3A_859 = vector.broadcast %get3A_858 : vector<512x1xi32> to vector<512x64xi32>
    %eq3A_860 = arith.cmpi eq, %iota3A, %eq3A_859 : vector<512x64xi32>
    %jit3A_861 = arith.constant 1.000000e+00 : f32
    %jit3A_862 = arith.constant 0.000000e+00 : f32
    %broadcast_in_dim3A_863 = vector.broadcast %jit3A_861 : f32 to vector<512x64xf32>
    %broadcast_in_dim3A_864 = vector.broadcast %jit3A_862 : f32 to vector<512x64xf32>
    %select_n3A_865 = arith.select %eq3A_860, %broadcast_in_dim3A_863, %broadcast_in_dim3A_864 : vector<512x64xi1>, vector<512x64xf32>
    %add3A_866 = arith.addf %add3A_855, %select_n3A_865 : vector<512x64xf32>
    %get3A_867 = arith.constant 0 : index
    %get3A_868 = arith.constant 26 : index
    %get3A_869 = vector.load %arg3[%get3A_867, %get3A_868] : memref<512x40xi32, #tpu.memory_space<vmem>>, vector<512x1xi32>
    %eq3A_870 = vector.broadcast %get3A_869 : vector<512x1xi32> to vector<512x64xi32>
    %eq3A_871 = arith.cmpi eq, %iota3A, %eq3A_870 : vector<512x64xi32>
    %jit3A_872 = arith.constant 1.000000e+00 : f32
    %jit3A_873 = arith.constant 0.000000e+00 : f32
    %broadcast_in_dim3A_874 = vector.broadcast %jit3A_872 : f32 to vector<512x64xf32>
    %broadcast_in_dim3A_875 = vector.broadcast %jit3A_873 : f32 to vector<512x64xf32>
    %select_n3A_876 = arith.select %eq3A_871, %broadcast_in_dim3A_874, %broadcast_in_dim3A_875 : vector<512x64xi1>, vector<512x64xf32>
    %add3A_877 = arith.addf %add3A_866, %select_n3A_876 : vector<512x64xf32>
    %get3A_878 = arith.constant 0 : index
    %get3A_879 = arith.constant 27 : index
    %get3A_880 = vector.load %arg3[%get3A_878, %get3A_879] : memref<512x40xi32, #tpu.memory_space<vmem>>, vector<512x1xi32>
    %eq3A_881 = vector.broadcast %get3A_880 : vector<512x1xi32> to vector<512x64xi32>
    %eq3A_882 = arith.cmpi eq, %iota3A, %eq3A_881 : vector<512x64xi32>
    %jit3A_883 = arith.constant 1.000000e+00 : f32
    %jit3A_884 = arith.constant 0.000000e+00 : f32
    %broadcast_in_dim3A_885 = vector.broadcast %jit3A_883 : f32 to vector<512x64xf32>
    %broadcast_in_dim3A_886 = vector.broadcast %jit3A_884 : f32 to vector<512x64xf32>
    %select_n3A_887 = arith.select %eq3A_882, %broadcast_in_dim3A_885, %broadcast_in_dim3A_886 : vector<512x64xi1>, vector<512x64xf32>
    %add3A_888 = arith.addf %add3A_877, %select_n3A_887 : vector<512x64xf32>
    %mul3A_889 = arith.constant 2.500000e-01 : f32
    %mul3A_890 = vector.broadcast %mul3A_889 : f32 to vector<512x64xf32>
    %mul3A_891 = arith.mulf %add3A_888, %mul3A_890 : vector<512x64xf32>
    %convert_element_type3A_892 = arith.truncf %mul3A_891 : vector<512x64xf32> to vector<512x64xbf16>
    %get3A_893 = arith.constant 0 : index
    %get3A_894 = arith.constant 768 : index
    %get3A_895 = vector.load %arg1[%get3A_893, %get3A_894] : memref<512x1280xf32, #tpu.memory_space<vmem>>, vector<512x128xf32>
    %convert_element_type3A_896 = arith.truncf %get3A_895 : vector<512x128xf32> to vector<512x128xbf16>
    %dot_general3A_897 = arith.constant dense<0.000000e+00> : vector<512x768xf32>
    %dot_general3A_898 = tpu.matmul %convert_element_type3A_896, %concatenate3A_59, %dot_general3A_897 {dimension_numbers = #tpu.dot_dimension_numbers<[1], [0], [0], [1], [0, 0, 1, 1], [], []>, transpose_lhs_hint = false} : vector<512x128xbf16>, vector<128x768xbf16>, vector<512x768xf32> -> vector<512x768xf32>
    %dot_general3A_899 = arith.constant dense<0.000000e+00> : vector<512x768xf32>
    %dot_general3A_900 = tpu.matmul %convert_element_type3A_892, %convert_element_type3A_23, %dot_general3A_899 {dimension_numbers = #tpu.dot_dimension_numbers<[1], [0], [0], [1], [0, 0, 1, 1], [], []>, transpose_lhs_hint = false} : vector<512x64xbf16>, vector<64x768xbf16>, vector<512x768xf32> -> vector<512x768xf32>
    %add3A_901 = arith.addf %dot_general3A_898, %dot_general3A_900 : vector<512x768xf32>
    %slice3A_902 = vector.extract_strided_slice %add3A_901 {offsets = [0, 0], sizes = [512, 384], strides = [1, 1]} : vector<512x768xf32> to vector<512x384xf32>
    %add3A_903 = arith.addf %add3A_42, %slice3A_902 : vector<512x384xf32>
    %convert_element_type3A_904 = arith.truncf %add3A_806 : vector<512x128xf32> to vector<512x128xbf16>
    %dot_general3A_905 = arith.constant dense<0.000000e+00> : vector<512x384xf32>
    %dot_general3A_906 = tpu.matmul %convert_element_type3A_904, %get3A_10, %dot_general3A_905 {dimension_numbers = #tpu.dot_dimension_numbers<[1], [0], [0], [1], [0, 0, 1, 1], [], []>, transpose_lhs_hint = false} : vector<512x128xbf16>, vector<128x384xbf16>, vector<512x384xf32> -> vector<512x384xf32>
    %add3A_907 = vector.broadcast %get3A_53 : vector<1x384xf32> to vector<512x384xf32>
    %add3A_908 = arith.addf %dot_general3A_906, %add3A_907 : vector<512x384xf32>
    %slice3A_909 = vector.extract_strided_slice %add3A_903 {offsets = [0, 0], sizes = [512, 128], strides = [1, 1]} : vector<512x384xf32> to vector<512x128xf32>
    %slice3A_910 = vector.extract_strided_slice %add3A_908 {offsets = [0, 0], sizes = [512, 128], strides = [1, 1]} : vector<512x384xf32> to vector<512x128xf32>
    %add3A_911 = arith.addf %slice3A_909, %slice3A_910 : vector<512x128xf32>
    %logistic3A_912 = arith.negf %add3A_911 : vector<512x128xf32>
    %logistic3A_913 = math.exp %logistic3A_912 : vector<512x128xf32>
    %logistic3A_914 = arith.constant 1.000000e+00 : f32
    %logistic3A_915 = vector.broadcast %logistic3A_914 : f32 to vector<512x128xf32>
    %logistic3A_916 = arith.addf %logistic3A_915, %logistic3A_913 : vector<512x128xf32>
    %logistic3A_917 = arith.divf %logistic3A_915, %logistic3A_916 : vector<512x128xf32>
    %slice3A_918 = vector.extract_strided_slice %add3A_903 {offsets = [0, 128], sizes = [512, 128], strides = [1, 1]} : vector<512x384xf32> to vector<512x128xf32>
    %slice3A_919 = vector.extract_strided_slice %add3A_908 {offsets = [0, 128], sizes = [512, 128], strides = [1, 1]} : vector<512x384xf32> to vector<512x128xf32>
    %add3A_920 = arith.addf %slice3A_918, %slice3A_919 : vector<512x128xf32>
    %logistic3A_921 = arith.negf %add3A_920 : vector<512x128xf32>
    %logistic3A_922 = math.exp %logistic3A_921 : vector<512x128xf32>
    %logistic3A_923 = arith.constant 1.000000e+00 : f32
    %logistic3A_924 = vector.broadcast %logistic3A_923 : f32 to vector<512x128xf32>
    %logistic3A_925 = arith.addf %logistic3A_924, %logistic3A_922 : vector<512x128xf32>
    %logistic3A_926 = arith.divf %logistic3A_924, %logistic3A_925 : vector<512x128xf32>
    %slice3A_927 = vector.extract_strided_slice %add3A_903 {offsets = [0, 256], sizes = [512, 128], strides = [1, 1]} : vector<512x384xf32> to vector<512x128xf32>
    %slice3A_928 = vector.extract_strided_slice %add3A_908 {offsets = [0, 256], sizes = [512, 128], strides = [1, 1]} : vector<512x384xf32> to vector<512x128xf32>
    %mul3A_929 = arith.mulf %logistic3A_917, %slice3A_928 : vector<512x128xf32>
    %add3A_930 = arith.addf %slice3A_927, %mul3A_929 : vector<512x128xf32>
    %tanh3A_931 = math.tanh %add3A_930 : vector<512x128xf32>
    %sub3A_932 = arith.constant 1.000000e+00 : f32
    %sub3A_933 = vector.broadcast %sub3A_932 : f32 to vector<512x128xf32>
    %sub3A_934 = arith.subf %sub3A_933, %logistic3A_926 : vector<512x128xf32>
    %mul3A_935 = arith.mulf %sub3A_934, %tanh3A_931 : vector<512x128xf32>
    %mul3A_936 = arith.mulf %logistic3A_926, %add3A_806 : vector<512x128xf32>
    %add3A_937 = arith.addf %mul3A_935, %mul3A_936 : vector<512x128xf32>
    %slice3A_938 = vector.extract_strided_slice %add3A_901 {offsets = [0, 384], sizes = [512, 384], strides = [1, 1]} : vector<512x768xf32> to vector<512x384xf32>
    %add3A_939 = arith.addf %add3A_50, %slice3A_938 : vector<512x384xf32>
    %convert_element_type3A_940 = arith.truncf %add3A_842 : vector<512x128xf32> to vector<512x128xbf16>
    %dot_general3A_941 = arith.constant dense<0.000000e+00> : vector<512x384xf32>
    %dot_general3A_942 = tpu.matmul %convert_element_type3A_940, %get3A_16, %dot_general3A_941 {dimension_numbers = #tpu.dot_dimension_numbers<[1], [0], [0], [1], [0, 0, 1, 1], [], []>, transpose_lhs_hint = false} : vector<512x128xbf16>, vector<128x384xbf16>, vector<512x384xf32> -> vector<512x384xf32>
    %add3A_943 = vector.broadcast %get3A_56 : vector<1x384xf32> to vector<512x384xf32>
    %add3A_944 = arith.addf %dot_general3A_942, %add3A_943 : vector<512x384xf32>
    %slice3A_945 = vector.extract_strided_slice %add3A_939 {offsets = [0, 0], sizes = [512, 128], strides = [1, 1]} : vector<512x384xf32> to vector<512x128xf32>
    %slice3A_946 = vector.extract_strided_slice %add3A_944 {offsets = [0, 0], sizes = [512, 128], strides = [1, 1]} : vector<512x384xf32> to vector<512x128xf32>
    %add3A_947 = arith.addf %slice3A_945, %slice3A_946 : vector<512x128xf32>
    %logistic3A_948 = arith.negf %add3A_947 : vector<512x128xf32>
    %logistic3A_949 = math.exp %logistic3A_948 : vector<512x128xf32>
    %logistic3A_950 = arith.constant 1.000000e+00 : f32
    %logistic3A_951 = vector.broadcast %logistic3A_950 : f32 to vector<512x128xf32>
    %logistic3A_952 = arith.addf %logistic3A_951, %logistic3A_949 : vector<512x128xf32>
    %logistic3A_953 = arith.divf %logistic3A_951, %logistic3A_952 : vector<512x128xf32>
    %slice3A_954 = vector.extract_strided_slice %add3A_939 {offsets = [0, 128], sizes = [512, 128], strides = [1, 1]} : vector<512x384xf32> to vector<512x128xf32>
    %slice3A_955 = vector.extract_strided_slice %add3A_944 {offsets = [0, 128], sizes = [512, 128], strides = [1, 1]} : vector<512x384xf32> to vector<512x128xf32>
    %add3A_956 = arith.addf %slice3A_954, %slice3A_955 : vector<512x128xf32>
    %logistic3A_957 = arith.negf %add3A_956 : vector<512x128xf32>
    %logistic3A_958 = math.exp %logistic3A_957 : vector<512x128xf32>
    %logistic3A_959 = arith.constant 1.000000e+00 : f32
    %logistic3A_960 = vector.broadcast %logistic3A_959 : f32 to vector<512x128xf32>
    %logistic3A_961 = arith.addf %logistic3A_960, %logistic3A_958 : vector<512x128xf32>
    %logistic3A_962 = arith.divf %logistic3A_960, %logistic3A_961 : vector<512x128xf32>
    %slice3A_963 = vector.extract_strided_slice %add3A_939 {offsets = [0, 256], sizes = [512, 128], strides = [1, 1]} : vector<512x384xf32> to vector<512x128xf32>
    %slice3A_964 = vector.extract_strided_slice %add3A_944 {offsets = [0, 256], sizes = [512, 128], strides = [1, 1]} : vector<512x384xf32> to vector<512x128xf32>
    %mul3A_965 = arith.mulf %logistic3A_953, %slice3A_964 : vector<512x128xf32>
    %add3A_966 = arith.addf %slice3A_963, %mul3A_965 : vector<512x128xf32>
    %tanh3A_967 = math.tanh %add3A_966 : vector<512x128xf32>
    %sub3A_968 = arith.constant 1.000000e+00 : f32
    %sub3A_969 = vector.broadcast %sub3A_968 : f32 to vector<512x128xf32>
    %sub3A_970 = arith.subf %sub3A_969, %logistic3A_962 : vector<512x128xf32>
    %mul3A_971 = arith.mulf %sub3A_970, %tanh3A_967 : vector<512x128xf32>
    %mul3A_972 = arith.mulf %logistic3A_962, %add3A_842 : vector<512x128xf32>
    %add3A_973 = arith.addf %mul3A_971, %mul3A_972 : vector<512x128xf32>
    %broadcast_in_dim3A_974 = arith.constant 0.000000e+00 : f32
    %broadcast_in_dim3A_975 = vector.broadcast %broadcast_in_dim3A_974 : f32 to vector<512x64xf32>
    %get3A_976 = arith.constant 0 : index
    %get3A_977 = arith.constant 28 : index
    %get3A_978 = vector.load %arg3[%get3A_976, %get3A_977] : memref<512x40xi32, #tpu.memory_space<vmem>>, vector<512x1xi32>
    %eq3A_979 = vector.broadcast %get3A_978 : vector<512x1xi32> to vector<512x64xi32>
    %eq3A_980 = arith.cmpi eq, %iota3A, %eq3A_979 : vector<512x64xi32>
    %jit3A_981 = arith.constant 1.000000e+00 : f32
    %jit3A_982 = arith.constant 0.000000e+00 : f32
    %broadcast_in_dim3A_983 = vector.broadcast %jit3A_981 : f32 to vector<512x64xf32>
    %broadcast_in_dim3A_984 = vector.broadcast %jit3A_982 : f32 to vector<512x64xf32>
    %select_n3A_985 = arith.select %eq3A_980, %broadcast_in_dim3A_983, %broadcast_in_dim3A_984 : vector<512x64xi1>, vector<512x64xf32>
    %add3A_986 = arith.addf %broadcast_in_dim3A_975, %select_n3A_985 : vector<512x64xf32>
    %get3A_987 = arith.constant 0 : index
    %get3A_988 = arith.constant 29 : index
    %get3A_989 = vector.load %arg3[%get3A_987, %get3A_988] : memref<512x40xi32, #tpu.memory_space<vmem>>, vector<512x1xi32>
    %eq3A_990 = vector.broadcast %get3A_989 : vector<512x1xi32> to vector<512x64xi32>
    %eq3A_991 = arith.cmpi eq, %iota3A, %eq3A_990 : vector<512x64xi32>
    %jit3A_992 = arith.constant 1.000000e+00 : f32
    %jit3A_993 = arith.constant 0.000000e+00 : f32
    %broadcast_in_dim3A_994 = vector.broadcast %jit3A_992 : f32 to vector<512x64xf32>
    %broadcast_in_dim3A_995 = vector.broadcast %jit3A_993 : f32 to vector<512x64xf32>
    %select_n3A_996 = arith.select %eq3A_991, %broadcast_in_dim3A_994, %broadcast_in_dim3A_995 : vector<512x64xi1>, vector<512x64xf32>
    %add3A_997 = arith.addf %add3A_986, %select_n3A_996 : vector<512x64xf32>
    %get3A_998 = arith.constant 0 : index
    %get3A_999 = arith.constant 30 : index
    %get3A_1000 = vector.load %arg3[%get3A_998, %get3A_999] : memref<512x40xi32, #tpu.memory_space<vmem>>, vector<512x1xi32>
    %eq3A_1001 = vector.broadcast %get3A_1000 : vector<512x1xi32> to vector<512x64xi32>
    %eq3A_1002 = arith.cmpi eq, %iota3A, %eq3A_1001 : vector<512x64xi32>
    %jit3A_1003 = arith.constant 1.000000e+00 : f32
    %jit3A_1004 = arith.constant 0.000000e+00 : f32
    %broadcast_in_dim3A_1005 = vector.broadcast %jit3A_1003 : f32 to vector<512x64xf32>
    %broadcast_in_dim3A_1006 = vector.broadcast %jit3A_1004 : f32 to vector<512x64xf32>
    %select_n3A_1007 = arith.select %eq3A_1002, %broadcast_in_dim3A_1005, %broadcast_in_dim3A_1006 : vector<512x64xi1>, vector<512x64xf32>
    %add3A_1008 = arith.addf %add3A_997, %select_n3A_1007 : vector<512x64xf32>
    %get3A_1009 = arith.constant 0 : index
    %get3A_1010 = arith.constant 31 : index
    %get3A_1011 = vector.load %arg3[%get3A_1009, %get3A_1010] : memref<512x40xi32, #tpu.memory_space<vmem>>, vector<512x1xi32>
    %eq3A_1012 = vector.broadcast %get3A_1011 : vector<512x1xi32> to vector<512x64xi32>
    %eq3A_1013 = arith.cmpi eq, %iota3A, %eq3A_1012 : vector<512x64xi32>
    %jit3A_1014 = arith.constant 1.000000e+00 : f32
    %jit3A_1015 = arith.constant 0.000000e+00 : f32
    %broadcast_in_dim3A_1016 = vector.broadcast %jit3A_1014 : f32 to vector<512x64xf32>
    %broadcast_in_dim3A_1017 = vector.broadcast %jit3A_1015 : f32 to vector<512x64xf32>
    %select_n3A_1018 = arith.select %eq3A_1013, %broadcast_in_dim3A_1016, %broadcast_in_dim3A_1017 : vector<512x64xi1>, vector<512x64xf32>
    %add3A_1019 = arith.addf %add3A_1008, %select_n3A_1018 : vector<512x64xf32>
    %mul3A_1020 = arith.constant 2.500000e-01 : f32
    %mul3A_1021 = vector.broadcast %mul3A_1020 : f32 to vector<512x64xf32>
    %mul3A_1022 = arith.mulf %add3A_1019, %mul3A_1021 : vector<512x64xf32>
    %convert_element_type3A_1023 = arith.truncf %mul3A_1022 : vector<512x64xf32> to vector<512x64xbf16>
    %get3A_1024 = arith.constant 0 : index
    %get3A_1025 = arith.constant 896 : index
    %get3A_1026 = vector.load %arg1[%get3A_1024, %get3A_1025] : memref<512x1280xf32, #tpu.memory_space<vmem>>, vector<512x128xf32>
    %convert_element_type3A_1027 = arith.truncf %get3A_1026 : vector<512x128xf32> to vector<512x128xbf16>
    %dot_general3A_1028 = arith.constant dense<0.000000e+00> : vector<512x768xf32>
    %dot_general3A_1029 = tpu.matmul %convert_element_type3A_1027, %concatenate3A_59, %dot_general3A_1028 {dimension_numbers = #tpu.dot_dimension_numbers<[1], [0], [0], [1], [0, 0, 1, 1], [], []>, transpose_lhs_hint = false} : vector<512x128xbf16>, vector<128x768xbf16>, vector<512x768xf32> -> vector<512x768xf32>
    %dot_general3A_1030 = arith.constant dense<0.000000e+00> : vector<512x768xf32>
    %dot_general3A_1031 = tpu.matmul %convert_element_type3A_1023, %convert_element_type3A_23, %dot_general3A_1030 {dimension_numbers = #tpu.dot_dimension_numbers<[1], [0], [0], [1], [0, 0, 1, 1], [], []>, transpose_lhs_hint = false} : vector<512x64xbf16>, vector<64x768xbf16>, vector<512x768xf32> -> vector<512x768xf32>
    %add3A_1032 = arith.addf %dot_general3A_1029, %dot_general3A_1031 : vector<512x768xf32>
    %slice3A_1033 = vector.extract_strided_slice %add3A_1032 {offsets = [0, 0], sizes = [512, 384], strides = [1, 1]} : vector<512x768xf32> to vector<512x384xf32>
    %add3A_1034 = arith.addf %add3A_42, %slice3A_1033 : vector<512x384xf32>
    %convert_element_type3A_1035 = arith.truncf %add3A_937 : vector<512x128xf32> to vector<512x128xbf16>
    %dot_general3A_1036 = arith.constant dense<0.000000e+00> : vector<512x384xf32>
    %dot_general3A_1037 = tpu.matmul %convert_element_type3A_1035, %get3A_10, %dot_general3A_1036 {dimension_numbers = #tpu.dot_dimension_numbers<[1], [0], [0], [1], [0, 0, 1, 1], [], []>, transpose_lhs_hint = false} : vector<512x128xbf16>, vector<128x384xbf16>, vector<512x384xf32> -> vector<512x384xf32>
    %add3A_1038 = vector.broadcast %get3A_53 : vector<1x384xf32> to vector<512x384xf32>
    %add3A_1039 = arith.addf %dot_general3A_1037, %add3A_1038 : vector<512x384xf32>
    %slice3A_1040 = vector.extract_strided_slice %add3A_1034 {offsets = [0, 0], sizes = [512, 128], strides = [1, 1]} : vector<512x384xf32> to vector<512x128xf32>
    %slice3A_1041 = vector.extract_strided_slice %add3A_1039 {offsets = [0, 0], sizes = [512, 128], strides = [1, 1]} : vector<512x384xf32> to vector<512x128xf32>
    %add3A_1042 = arith.addf %slice3A_1040, %slice3A_1041 : vector<512x128xf32>
    %logistic3A_1043 = arith.negf %add3A_1042 : vector<512x128xf32>
    %logistic3A_1044 = math.exp %logistic3A_1043 : vector<512x128xf32>
    %logistic3A_1045 = arith.constant 1.000000e+00 : f32
    %logistic3A_1046 = vector.broadcast %logistic3A_1045 : f32 to vector<512x128xf32>
    %logistic3A_1047 = arith.addf %logistic3A_1046, %logistic3A_1044 : vector<512x128xf32>
    %logistic3A_1048 = arith.divf %logistic3A_1046, %logistic3A_1047 : vector<512x128xf32>
    %slice3A_1049 = vector.extract_strided_slice %add3A_1034 {offsets = [0, 128], sizes = [512, 128], strides = [1, 1]} : vector<512x384xf32> to vector<512x128xf32>
    %slice3A_1050 = vector.extract_strided_slice %add3A_1039 {offsets = [0, 128], sizes = [512, 128], strides = [1, 1]} : vector<512x384xf32> to vector<512x128xf32>
    %add3A_1051 = arith.addf %slice3A_1049, %slice3A_1050 : vector<512x128xf32>
    %logistic3A_1052 = arith.negf %add3A_1051 : vector<512x128xf32>
    %logistic3A_1053 = math.exp %logistic3A_1052 : vector<512x128xf32>
    %logistic3A_1054 = arith.constant 1.000000e+00 : f32
    %logistic3A_1055 = vector.broadcast %logistic3A_1054 : f32 to vector<512x128xf32>
    %logistic3A_1056 = arith.addf %logistic3A_1055, %logistic3A_1053 : vector<512x128xf32>
    %logistic3A_1057 = arith.divf %logistic3A_1055, %logistic3A_1056 : vector<512x128xf32>
    %slice3A_1058 = vector.extract_strided_slice %add3A_1034 {offsets = [0, 256], sizes = [512, 128], strides = [1, 1]} : vector<512x384xf32> to vector<512x128xf32>
    %slice3A_1059 = vector.extract_strided_slice %add3A_1039 {offsets = [0, 256], sizes = [512, 128], strides = [1, 1]} : vector<512x384xf32> to vector<512x128xf32>
    %mul3A_1060 = arith.mulf %logistic3A_1048, %slice3A_1059 : vector<512x128xf32>
    %add3A_1061 = arith.addf %slice3A_1058, %mul3A_1060 : vector<512x128xf32>
    %tanh3A_1062 = math.tanh %add3A_1061 : vector<512x128xf32>
    %sub3A_1063 = arith.constant 1.000000e+00 : f32
    %sub3A_1064 = vector.broadcast %sub3A_1063 : f32 to vector<512x128xf32>
    %sub3A_1065 = arith.subf %sub3A_1064, %logistic3A_1057 : vector<512x128xf32>
    %mul3A_1066 = arith.mulf %sub3A_1065, %tanh3A_1062 : vector<512x128xf32>
    %mul3A_1067 = arith.mulf %logistic3A_1057, %add3A_937 : vector<512x128xf32>
    %add3A_1068 = arith.addf %mul3A_1066, %mul3A_1067 : vector<512x128xf32>
    %slice3A_1069 = vector.extract_strided_slice %add3A_1032 {offsets = [0, 384], sizes = [512, 384], strides = [1, 1]} : vector<512x768xf32> to vector<512x384xf32>
    %add3A_1070 = arith.addf %add3A_50, %slice3A_1069 : vector<512x384xf32>
    %convert_element_type3A_1071 = arith.truncf %add3A_973 : vector<512x128xf32> to vector<512x128xbf16>
    %dot_general3A_1072 = arith.constant dense<0.000000e+00> : vector<512x384xf32>
    %dot_general3A_1073 = tpu.matmul %convert_element_type3A_1071, %get3A_16, %dot_general3A_1072 {dimension_numbers = #tpu.dot_dimension_numbers<[1], [0], [0], [1], [0, 0, 1, 1], [], []>, transpose_lhs_hint = false} : vector<512x128xbf16>, vector<128x384xbf16>, vector<512x384xf32> -> vector<512x384xf32>
    %add3A_1074 = vector.broadcast %get3A_56 : vector<1x384xf32> to vector<512x384xf32>
    %add3A_1075 = arith.addf %dot_general3A_1073, %add3A_1074 : vector<512x384xf32>
    %slice3A_1076 = vector.extract_strided_slice %add3A_1070 {offsets = [0, 0], sizes = [512, 128], strides = [1, 1]} : vector<512x384xf32> to vector<512x128xf32>
    %slice3A_1077 = vector.extract_strided_slice %add3A_1075 {offsets = [0, 0], sizes = [512, 128], strides = [1, 1]} : vector<512x384xf32> to vector<512x128xf32>
    %add3A_1078 = arith.addf %slice3A_1076, %slice3A_1077 : vector<512x128xf32>
    %logistic3A_1079 = arith.negf %add3A_1078 : vector<512x128xf32>
    %logistic3A_1080 = math.exp %logistic3A_1079 : vector<512x128xf32>
    %logistic3A_1081 = arith.constant 1.000000e+00 : f32
    %logistic3A_1082 = vector.broadcast %logistic3A_1081 : f32 to vector<512x128xf32>
    %logistic3A_1083 = arith.addf %logistic3A_1082, %logistic3A_1080 : vector<512x128xf32>
    %logistic3A_1084 = arith.divf %logistic3A_1082, %logistic3A_1083 : vector<512x128xf32>
    %slice3A_1085 = vector.extract_strided_slice %add3A_1070 {offsets = [0, 128], sizes = [512, 128], strides = [1, 1]} : vector<512x384xf32> to vector<512x128xf32>
    %slice3A_1086 = vector.extract_strided_slice %add3A_1075 {offsets = [0, 128], sizes = [512, 128], strides = [1, 1]} : vector<512x384xf32> to vector<512x128xf32>
    %add3A_1087 = arith.addf %slice3A_1085, %slice3A_1086 : vector<512x128xf32>
    %logistic3A_1088 = arith.negf %add3A_1087 : vector<512x128xf32>
    %logistic3A_1089 = math.exp %logistic3A_1088 : vector<512x128xf32>
    %logistic3A_1090 = arith.constant 1.000000e+00 : f32
    %logistic3A_1091 = vector.broadcast %logistic3A_1090 : f32 to vector<512x128xf32>
    %logistic3A_1092 = arith.addf %logistic3A_1091, %logistic3A_1089 : vector<512x128xf32>
    %logistic3A_1093 = arith.divf %logistic3A_1091, %logistic3A_1092 : vector<512x128xf32>
    %slice3A_1094 = vector.extract_strided_slice %add3A_1070 {offsets = [0, 256], sizes = [512, 128], strides = [1, 1]} : vector<512x384xf32> to vector<512x128xf32>
    %slice3A_1095 = vector.extract_strided_slice %add3A_1075 {offsets = [0, 256], sizes = [512, 128], strides = [1, 1]} : vector<512x384xf32> to vector<512x128xf32>
    %mul3A_1096 = arith.mulf %logistic3A_1084, %slice3A_1095 : vector<512x128xf32>
    %add3A_1097 = arith.addf %slice3A_1094, %mul3A_1096 : vector<512x128xf32>
    %tanh3A_1098 = math.tanh %add3A_1097 : vector<512x128xf32>
    %sub3A_1099 = arith.constant 1.000000e+00 : f32
    %sub3A_1100 = vector.broadcast %sub3A_1099 : f32 to vector<512x128xf32>
    %sub3A_1101 = arith.subf %sub3A_1100, %logistic3A_1093 : vector<512x128xf32>
    %mul3A_1102 = arith.mulf %sub3A_1101, %tanh3A_1098 : vector<512x128xf32>
    %mul3A_1103 = arith.mulf %logistic3A_1093, %add3A_973 : vector<512x128xf32>
    %add3A_1104 = arith.addf %mul3A_1102, %mul3A_1103 : vector<512x128xf32>
    %broadcast_in_dim3A_1105 = arith.constant 0.000000e+00 : f32
    %broadcast_in_dim3A_1106 = vector.broadcast %broadcast_in_dim3A_1105 : f32 to vector<512x64xf32>
    %get3A_1107 = arith.constant 0 : index
    %get3A_1108 = arith.constant 32 : index
    %get3A_1109 = vector.load %arg3[%get3A_1107, %get3A_1108] : memref<512x40xi32, #tpu.memory_space<vmem>>, vector<512x1xi32>
    %eq3A_1110 = vector.broadcast %get3A_1109 : vector<512x1xi32> to vector<512x64xi32>
    %eq3A_1111 = arith.cmpi eq, %iota3A, %eq3A_1110 : vector<512x64xi32>
    %jit3A_1112 = arith.constant 1.000000e+00 : f32
    %jit3A_1113 = arith.constant 0.000000e+00 : f32
    %broadcast_in_dim3A_1114 = vector.broadcast %jit3A_1112 : f32 to vector<512x64xf32>
    %broadcast_in_dim3A_1115 = vector.broadcast %jit3A_1113 : f32 to vector<512x64xf32>
    %select_n3A_1116 = arith.select %eq3A_1111, %broadcast_in_dim3A_1114, %broadcast_in_dim3A_1115 : vector<512x64xi1>, vector<512x64xf32>
    %add3A_1117 = arith.addf %broadcast_in_dim3A_1106, %select_n3A_1116 : vector<512x64xf32>
    %get3A_1118 = arith.constant 0 : index
    %get3A_1119 = arith.constant 33 : index
    %get3A_1120 = vector.load %arg3[%get3A_1118, %get3A_1119] : memref<512x40xi32, #tpu.memory_space<vmem>>, vector<512x1xi32>
    %eq3A_1121 = vector.broadcast %get3A_1120 : vector<512x1xi32> to vector<512x64xi32>
    %eq3A_1122 = arith.cmpi eq, %iota3A, %eq3A_1121 : vector<512x64xi32>
    %jit3A_1123 = arith.constant 1.000000e+00 : f32
    %jit3A_1124 = arith.constant 0.000000e+00 : f32
    %broadcast_in_dim3A_1125 = vector.broadcast %jit3A_1123 : f32 to vector<512x64xf32>
    %broadcast_in_dim3A_1126 = vector.broadcast %jit3A_1124 : f32 to vector<512x64xf32>
    %select_n3A_1127 = arith.select %eq3A_1122, %broadcast_in_dim3A_1125, %broadcast_in_dim3A_1126 : vector<512x64xi1>, vector<512x64xf32>
    %add3A_1128 = arith.addf %add3A_1117, %select_n3A_1127 : vector<512x64xf32>
    %get3A_1129 = arith.constant 0 : index
    %get3A_1130 = arith.constant 34 : index
    %get3A_1131 = vector.load %arg3[%get3A_1129, %get3A_1130] : memref<512x40xi32, #tpu.memory_space<vmem>>, vector<512x1xi32>
    %eq3A_1132 = vector.broadcast %get3A_1131 : vector<512x1xi32> to vector<512x64xi32>
    %eq3A_1133 = arith.cmpi eq, %iota3A, %eq3A_1132 : vector<512x64xi32>
    %jit3A_1134 = arith.constant 1.000000e+00 : f32
    %jit3A_1135 = arith.constant 0.000000e+00 : f32
    %broadcast_in_dim3A_1136 = vector.broadcast %jit3A_1134 : f32 to vector<512x64xf32>
    %broadcast_in_dim3A_1137 = vector.broadcast %jit3A_1135 : f32 to vector<512x64xf32>
    %select_n3A_1138 = arith.select %eq3A_1133, %broadcast_in_dim3A_1136, %broadcast_in_dim3A_1137 : vector<512x64xi1>, vector<512x64xf32>
    %add3A_1139 = arith.addf %add3A_1128, %select_n3A_1138 : vector<512x64xf32>
    %get3A_1140 = arith.constant 0 : index
    %get3A_1141 = arith.constant 35 : index
    %get3A_1142 = vector.load %arg3[%get3A_1140, %get3A_1141] : memref<512x40xi32, #tpu.memory_space<vmem>>, vector<512x1xi32>
    %eq3A_1143 = vector.broadcast %get3A_1142 : vector<512x1xi32> to vector<512x64xi32>
    %eq3A_1144 = arith.cmpi eq, %iota3A, %eq3A_1143 : vector<512x64xi32>
    %jit3A_1145 = arith.constant 1.000000e+00 : f32
    %jit3A_1146 = arith.constant 0.000000e+00 : f32
    %broadcast_in_dim3A_1147 = vector.broadcast %jit3A_1145 : f32 to vector<512x64xf32>
    %broadcast_in_dim3A_1148 = vector.broadcast %jit3A_1146 : f32 to vector<512x64xf32>
    %select_n3A_1149 = arith.select %eq3A_1144, %broadcast_in_dim3A_1147, %broadcast_in_dim3A_1148 : vector<512x64xi1>, vector<512x64xf32>
    %add3A_1150 = arith.addf %add3A_1139, %select_n3A_1149 : vector<512x64xf32>
    %mul3A_1151 = arith.constant 2.500000e-01 : f32
    %mul3A_1152 = vector.broadcast %mul3A_1151 : f32 to vector<512x64xf32>
    %mul3A_1153 = arith.mulf %add3A_1150, %mul3A_1152 : vector<512x64xf32>
    %convert_element_type3A_1154 = arith.truncf %mul3A_1153 : vector<512x64xf32> to vector<512x64xbf16>
    %get3A_1155 = arith.constant 0 : index
    %get3A_1156 = arith.constant 1024 : index
    %get3A_1157 = vector.load %arg1[%get3A_1155, %get3A_1156] : memref<512x1280xf32, #tpu.memory_space<vmem>>, vector<512x128xf32>
    %convert_element_type3A_1158 = arith.truncf %get3A_1157 : vector<512x128xf32> to vector<512x128xbf16>
    %dot_general3A_1159 = arith.constant dense<0.000000e+00> : vector<512x768xf32>
    %dot_general3A_1160 = tpu.matmul %convert_element_type3A_1158, %concatenate3A_59, %dot_general3A_1159 {dimension_numbers = #tpu.dot_dimension_numbers<[1], [0], [0], [1], [0, 0, 1, 1], [], []>, transpose_lhs_hint = false} : vector<512x128xbf16>, vector<128x768xbf16>, vector<512x768xf32> -> vector<512x768xf32>
    %dot_general3A_1161 = arith.constant dense<0.000000e+00> : vector<512x768xf32>
    %dot_general3A_1162 = tpu.matmul %convert_element_type3A_1154, %convert_element_type3A_23, %dot_general3A_1161 {dimension_numbers = #tpu.dot_dimension_numbers<[1], [0], [0], [1], [0, 0, 1, 1], [], []>, transpose_lhs_hint = false} : vector<512x64xbf16>, vector<64x768xbf16>, vector<512x768xf32> -> vector<512x768xf32>
    %add3A_1163 = arith.addf %dot_general3A_1160, %dot_general3A_1162 : vector<512x768xf32>
    %slice3A_1164 = vector.extract_strided_slice %add3A_1163 {offsets = [0, 0], sizes = [512, 384], strides = [1, 1]} : vector<512x768xf32> to vector<512x384xf32>
    %add3A_1165 = arith.addf %add3A_42, %slice3A_1164 : vector<512x384xf32>
    %convert_element_type3A_1166 = arith.truncf %add3A_1068 : vector<512x128xf32> to vector<512x128xbf16>
    %dot_general3A_1167 = arith.constant dense<0.000000e+00> : vector<512x384xf32>
    %dot_general3A_1168 = tpu.matmul %convert_element_type3A_1166, %get3A_10, %dot_general3A_1167 {dimension_numbers = #tpu.dot_dimension_numbers<[1], [0], [0], [1], [0, 0, 1, 1], [], []>, transpose_lhs_hint = false} : vector<512x128xbf16>, vector<128x384xbf16>, vector<512x384xf32> -> vector<512x384xf32>
    %add3A_1169 = vector.broadcast %get3A_53 : vector<1x384xf32> to vector<512x384xf32>
    %add3A_1170 = arith.addf %dot_general3A_1168, %add3A_1169 : vector<512x384xf32>
    %slice3A_1171 = vector.extract_strided_slice %add3A_1165 {offsets = [0, 0], sizes = [512, 128], strides = [1, 1]} : vector<512x384xf32> to vector<512x128xf32>
    %slice3A_1172 = vector.extract_strided_slice %add3A_1170 {offsets = [0, 0], sizes = [512, 128], strides = [1, 1]} : vector<512x384xf32> to vector<512x128xf32>
    %add3A_1173 = arith.addf %slice3A_1171, %slice3A_1172 : vector<512x128xf32>
    %logistic3A_1174 = arith.negf %add3A_1173 : vector<512x128xf32>
    %logistic3A_1175 = math.exp %logistic3A_1174 : vector<512x128xf32>
    %logistic3A_1176 = arith.constant 1.000000e+00 : f32
    %logistic3A_1177 = vector.broadcast %logistic3A_1176 : f32 to vector<512x128xf32>
    %logistic3A_1178 = arith.addf %logistic3A_1177, %logistic3A_1175 : vector<512x128xf32>
    %logistic3A_1179 = arith.divf %logistic3A_1177, %logistic3A_1178 : vector<512x128xf32>
    %slice3A_1180 = vector.extract_strided_slice %add3A_1165 {offsets = [0, 128], sizes = [512, 128], strides = [1, 1]} : vector<512x384xf32> to vector<512x128xf32>
    %slice3A_1181 = vector.extract_strided_slice %add3A_1170 {offsets = [0, 128], sizes = [512, 128], strides = [1, 1]} : vector<512x384xf32> to vector<512x128xf32>
    %add3A_1182 = arith.addf %slice3A_1180, %slice3A_1181 : vector<512x128xf32>
    %logistic3A_1183 = arith.negf %add3A_1182 : vector<512x128xf32>
    %logistic3A_1184 = math.exp %logistic3A_1183 : vector<512x128xf32>
    %logistic3A_1185 = arith.constant 1.000000e+00 : f32
    %logistic3A_1186 = vector.broadcast %logistic3A_1185 : f32 to vector<512x128xf32>
    %logistic3A_1187 = arith.addf %logistic3A_1186, %logistic3A_1184 : vector<512x128xf32>
    %logistic3A_1188 = arith.divf %logistic3A_1186, %logistic3A_1187 : vector<512x128xf32>
    %slice3A_1189 = vector.extract_strided_slice %add3A_1165 {offsets = [0, 256], sizes = [512, 128], strides = [1, 1]} : vector<512x384xf32> to vector<512x128xf32>
    %slice3A_1190 = vector.extract_strided_slice %add3A_1170 {offsets = [0, 256], sizes = [512, 128], strides = [1, 1]} : vector<512x384xf32> to vector<512x128xf32>
    %mul3A_1191 = arith.mulf %logistic3A_1179, %slice3A_1190 : vector<512x128xf32>
    %add3A_1192 = arith.addf %slice3A_1189, %mul3A_1191 : vector<512x128xf32>
    %tanh3A_1193 = math.tanh %add3A_1192 : vector<512x128xf32>
    %sub3A_1194 = arith.constant 1.000000e+00 : f32
    %sub3A_1195 = vector.broadcast %sub3A_1194 : f32 to vector<512x128xf32>
    %sub3A_1196 = arith.subf %sub3A_1195, %logistic3A_1188 : vector<512x128xf32>
    %mul3A_1197 = arith.mulf %sub3A_1196, %tanh3A_1193 : vector<512x128xf32>
    %mul3A_1198 = arith.mulf %logistic3A_1188, %add3A_1068 : vector<512x128xf32>
    %add3A_1199 = arith.addf %mul3A_1197, %mul3A_1198 : vector<512x128xf32>
    %slice3A_1200 = vector.extract_strided_slice %add3A_1163 {offsets = [0, 384], sizes = [512, 384], strides = [1, 1]} : vector<512x768xf32> to vector<512x384xf32>
    %add3A_1201 = arith.addf %add3A_50, %slice3A_1200 : vector<512x384xf32>
    %convert_element_type3A_1202 = arith.truncf %add3A_1104 : vector<512x128xf32> to vector<512x128xbf16>
    %dot_general3A_1203 = arith.constant dense<0.000000e+00> : vector<512x384xf32>
    %dot_general3A_1204 = tpu.matmul %convert_element_type3A_1202, %get3A_16, %dot_general3A_1203 {dimension_numbers = #tpu.dot_dimension_numbers<[1], [0], [0], [1], [0, 0, 1, 1], [], []>, transpose_lhs_hint = false} : vector<512x128xbf16>, vector<128x384xbf16>, vector<512x384xf32> -> vector<512x384xf32>
    %add3A_1205 = vector.broadcast %get3A_56 : vector<1x384xf32> to vector<512x384xf32>
    %add3A_1206 = arith.addf %dot_general3A_1204, %add3A_1205 : vector<512x384xf32>
    %slice3A_1207 = vector.extract_strided_slice %add3A_1201 {offsets = [0, 0], sizes = [512, 128], strides = [1, 1]} : vector<512x384xf32> to vector<512x128xf32>
    %slice3A_1208 = vector.extract_strided_slice %add3A_1206 {offsets = [0, 0], sizes = [512, 128], strides = [1, 1]} : vector<512x384xf32> to vector<512x128xf32>
    %add3A_1209 = arith.addf %slice3A_1207, %slice3A_1208 : vector<512x128xf32>
    %logistic3A_1210 = arith.negf %add3A_1209 : vector<512x128xf32>
    %logistic3A_1211 = math.exp %logistic3A_1210 : vector<512x128xf32>
    %logistic3A_1212 = arith.constant 1.000000e+00 : f32
    %logistic3A_1213 = vector.broadcast %logistic3A_1212 : f32 to vector<512x128xf32>
    %logistic3A_1214 = arith.addf %logistic3A_1213, %logistic3A_1211 : vector<512x128xf32>
    %logistic3A_1215 = arith.divf %logistic3A_1213, %logistic3A_1214 : vector<512x128xf32>
    %slice3A_1216 = vector.extract_strided_slice %add3A_1201 {offsets = [0, 128], sizes = [512, 128], strides = [1, 1]} : vector<512x384xf32> to vector<512x128xf32>
    %slice3A_1217 = vector.extract_strided_slice %add3A_1206 {offsets = [0, 128], sizes = [512, 128], strides = [1, 1]} : vector<512x384xf32> to vector<512x128xf32>
    %add3A_1218 = arith.addf %slice3A_1216, %slice3A_1217 : vector<512x128xf32>
    %logistic3A_1219 = arith.negf %add3A_1218 : vector<512x128xf32>
    %logistic3A_1220 = math.exp %logistic3A_1219 : vector<512x128xf32>
    %logistic3A_1221 = arith.constant 1.000000e+00 : f32
    %logistic3A_1222 = vector.broadcast %logistic3A_1221 : f32 to vector<512x128xf32>
    %logistic3A_1223 = arith.addf %logistic3A_1222, %logistic3A_1220 : vector<512x128xf32>
    %logistic3A_1224 = arith.divf %logistic3A_1222, %logistic3A_1223 : vector<512x128xf32>
    %slice3A_1225 = vector.extract_strided_slice %add3A_1201 {offsets = [0, 256], sizes = [512, 128], strides = [1, 1]} : vector<512x384xf32> to vector<512x128xf32>
    %slice3A_1226 = vector.extract_strided_slice %add3A_1206 {offsets = [0, 256], sizes = [512, 128], strides = [1, 1]} : vector<512x384xf32> to vector<512x128xf32>
    %mul3A_1227 = arith.mulf %logistic3A_1215, %slice3A_1226 : vector<512x128xf32>
    %add3A_1228 = arith.addf %slice3A_1225, %mul3A_1227 : vector<512x128xf32>
    %tanh3A_1229 = math.tanh %add3A_1228 : vector<512x128xf32>
    %sub3A_1230 = arith.constant 1.000000e+00 : f32
    %sub3A_1231 = vector.broadcast %sub3A_1230 : f32 to vector<512x128xf32>
    %sub3A_1232 = arith.subf %sub3A_1231, %logistic3A_1224 : vector<512x128xf32>
    %mul3A_1233 = arith.mulf %sub3A_1232, %tanh3A_1229 : vector<512x128xf32>
    %mul3A_1234 = arith.mulf %logistic3A_1224, %add3A_1104 : vector<512x128xf32>
    %add3A_1235 = arith.addf %mul3A_1233, %mul3A_1234 : vector<512x128xf32>
    %broadcast_in_dim3A_1236 = arith.constant 0.000000e+00 : f32
    %broadcast_in_dim3A_1237 = vector.broadcast %broadcast_in_dim3A_1236 : f32 to vector<512x64xf32>
    %get3A_1238 = arith.constant 0 : index
    %get3A_1239 = arith.constant 36 : index
    %get3A_1240 = vector.load %arg3[%get3A_1238, %get3A_1239] : memref<512x40xi32, #tpu.memory_space<vmem>>, vector<512x1xi32>
    %eq3A_1241 = vector.broadcast %get3A_1240 : vector<512x1xi32> to vector<512x64xi32>
    %eq3A_1242 = arith.cmpi eq, %iota3A, %eq3A_1241 : vector<512x64xi32>
    %jit3A_1243 = arith.constant 1.000000e+00 : f32
    %jit3A_1244 = arith.constant 0.000000e+00 : f32
    %broadcast_in_dim3A_1245 = vector.broadcast %jit3A_1243 : f32 to vector<512x64xf32>
    %broadcast_in_dim3A_1246 = vector.broadcast %jit3A_1244 : f32 to vector<512x64xf32>
    %select_n3A_1247 = arith.select %eq3A_1242, %broadcast_in_dim3A_1245, %broadcast_in_dim3A_1246 : vector<512x64xi1>, vector<512x64xf32>
    %add3A_1248 = arith.addf %broadcast_in_dim3A_1237, %select_n3A_1247 : vector<512x64xf32>
    %get3A_1249 = arith.constant 0 : index
    %get3A_1250 = arith.constant 37 : index
    %get3A_1251 = vector.load %arg3[%get3A_1249, %get3A_1250] : memref<512x40xi32, #tpu.memory_space<vmem>>, vector<512x1xi32>
    %eq3A_1252 = vector.broadcast %get3A_1251 : vector<512x1xi32> to vector<512x64xi32>
    %eq3A_1253 = arith.cmpi eq, %iota3A, %eq3A_1252 : vector<512x64xi32>
    %jit3A_1254 = arith.constant 1.000000e+00 : f32
    %jit3A_1255 = arith.constant 0.000000e+00 : f32
    %broadcast_in_dim3A_1256 = vector.broadcast %jit3A_1254 : f32 to vector<512x64xf32>
    %broadcast_in_dim3A_1257 = vector.broadcast %jit3A_1255 : f32 to vector<512x64xf32>
    %select_n3A_1258 = arith.select %eq3A_1253, %broadcast_in_dim3A_1256, %broadcast_in_dim3A_1257 : vector<512x64xi1>, vector<512x64xf32>
    %add3A_1259 = arith.addf %add3A_1248, %select_n3A_1258 : vector<512x64xf32>
    %get3A_1260 = arith.constant 0 : index
    %get3A_1261 = arith.constant 38 : index
    %get3A_1262 = vector.load %arg3[%get3A_1260, %get3A_1261] : memref<512x40xi32, #tpu.memory_space<vmem>>, vector<512x1xi32>
    %eq3A_1263 = vector.broadcast %get3A_1262 : vector<512x1xi32> to vector<512x64xi32>
    %eq3A_1264 = arith.cmpi eq, %iota3A, %eq3A_1263 : vector<512x64xi32>
    %jit3A_1265 = arith.constant 1.000000e+00 : f32
    %jit3A_1266 = arith.constant 0.000000e+00 : f32
    %broadcast_in_dim3A_1267 = vector.broadcast %jit3A_1265 : f32 to vector<512x64xf32>
    %broadcast_in_dim3A_1268 = vector.broadcast %jit3A_1266 : f32 to vector<512x64xf32>
    %select_n3A_1269 = arith.select %eq3A_1264, %broadcast_in_dim3A_1267, %broadcast_in_dim3A_1268 : vector<512x64xi1>, vector<512x64xf32>
    %add3A_1270 = arith.addf %add3A_1259, %select_n3A_1269 : vector<512x64xf32>
    %get3A_1271 = arith.constant 0 : index
    %get3A_1272 = arith.constant 39 : index
    %get3A_1273 = vector.load %arg3[%get3A_1271, %get3A_1272] : memref<512x40xi32, #tpu.memory_space<vmem>>, vector<512x1xi32>
    %eq3A_1274 = vector.broadcast %get3A_1273 : vector<512x1xi32> to vector<512x64xi32>
    %eq3A_1275 = arith.cmpi eq, %iota3A, %eq3A_1274 : vector<512x64xi32>
    %jit3A_1276 = arith.constant 1.000000e+00 : f32
    %jit3A_1277 = arith.constant 0.000000e+00 : f32
    %broadcast_in_dim3A_1278 = vector.broadcast %jit3A_1276 : f32 to vector<512x64xf32>
    %broadcast_in_dim3A_1279 = vector.broadcast %jit3A_1277 : f32 to vector<512x64xf32>
    %select_n3A_1280 = arith.select %eq3A_1275, %broadcast_in_dim3A_1278, %broadcast_in_dim3A_1279 : vector<512x64xi1>, vector<512x64xf32>
    %add3A_1281 = arith.addf %add3A_1270, %select_n3A_1280 : vector<512x64xf32>
    %mul3A_1282 = arith.constant 2.500000e-01 : f32
    %mul3A_1283 = vector.broadcast %mul3A_1282 : f32 to vector<512x64xf32>
    %mul3A_1284 = arith.mulf %add3A_1281, %mul3A_1283 : vector<512x64xf32>
    %convert_element_type3A_1285 = arith.truncf %mul3A_1284 : vector<512x64xf32> to vector<512x64xbf16>
    %get3A_1286 = arith.constant 0 : index
    %get3A_1287 = arith.constant 1152 : index
    %get3A_1288 = vector.load %arg1[%get3A_1286, %get3A_1287] : memref<512x1280xf32, #tpu.memory_space<vmem>>, vector<512x128xf32>
    %convert_element_type3A_1289 = arith.truncf %get3A_1288 : vector<512x128xf32> to vector<512x128xbf16>
    %dot_general3A_1290 = arith.constant dense<0.000000e+00> : vector<512x768xf32>
    %dot_general3A_1291 = tpu.matmul %convert_element_type3A_1289, %concatenate3A_59, %dot_general3A_1290 {dimension_numbers = #tpu.dot_dimension_numbers<[1], [0], [0], [1], [0, 0, 1, 1], [], []>, transpose_lhs_hint = false} : vector<512x128xbf16>, vector<128x768xbf16>, vector<512x768xf32> -> vector<512x768xf32>
    %dot_general3A_1292 = arith.constant dense<0.000000e+00> : vector<512x768xf32>
    %dot_general3A_1293 = tpu.matmul %convert_element_type3A_1285, %convert_element_type3A_23, %dot_general3A_1292 {dimension_numbers = #tpu.dot_dimension_numbers<[1], [0], [0], [1], [0, 0, 1, 1], [], []>, transpose_lhs_hint = false} : vector<512x64xbf16>, vector<64x768xbf16>, vector<512x768xf32> -> vector<512x768xf32>
    %add3A_1294 = arith.addf %dot_general3A_1291, %dot_general3A_1293 : vector<512x768xf32>
    %slice3A_1295 = vector.extract_strided_slice %add3A_1294 {offsets = [0, 0], sizes = [512, 384], strides = [1, 1]} : vector<512x768xf32> to vector<512x384xf32>
    %add3A_1296 = arith.addf %add3A_42, %slice3A_1295 : vector<512x384xf32>
    %convert_element_type3A_1297 = arith.truncf %add3A_1199 : vector<512x128xf32> to vector<512x128xbf16>
    %dot_general3A_1298 = arith.constant dense<0.000000e+00> : vector<512x384xf32>
    %dot_general3A_1299 = tpu.matmul %convert_element_type3A_1297, %get3A_10, %dot_general3A_1298 {dimension_numbers = #tpu.dot_dimension_numbers<[1], [0], [0], [1], [0, 0, 1, 1], [], []>, transpose_lhs_hint = false} : vector<512x128xbf16>, vector<128x384xbf16>, vector<512x384xf32> -> vector<512x384xf32>
    %add3A_1300 = vector.broadcast %get3A_53 : vector<1x384xf32> to vector<512x384xf32>
    %add3A_1301 = arith.addf %dot_general3A_1299, %add3A_1300 : vector<512x384xf32>
    %slice3A_1302 = vector.extract_strided_slice %add3A_1296 {offsets = [0, 0], sizes = [512, 128], strides = [1, 1]} : vector<512x384xf32> to vector<512x128xf32>
    %slice3A_1303 = vector.extract_strided_slice %add3A_1301 {offsets = [0, 0], sizes = [512, 128], strides = [1, 1]} : vector<512x384xf32> to vector<512x128xf32>
    %add3A_1304 = arith.addf %slice3A_1302, %slice3A_1303 : vector<512x128xf32>
    %logistic3A_1305 = arith.negf %add3A_1304 : vector<512x128xf32>
    %logistic3A_1306 = math.exp %logistic3A_1305 : vector<512x128xf32>
    %logistic3A_1307 = arith.constant 1.000000e+00 : f32
    %logistic3A_1308 = vector.broadcast %logistic3A_1307 : f32 to vector<512x128xf32>
    %logistic3A_1309 = arith.addf %logistic3A_1308, %logistic3A_1306 : vector<512x128xf32>
    %logistic3A_1310 = arith.divf %logistic3A_1308, %logistic3A_1309 : vector<512x128xf32>
    %slice3A_1311 = vector.extract_strided_slice %add3A_1296 {offsets = [0, 128], sizes = [512, 128], strides = [1, 1]} : vector<512x384xf32> to vector<512x128xf32>
    %slice3A_1312 = vector.extract_strided_slice %add3A_1301 {offsets = [0, 128], sizes = [512, 128], strides = [1, 1]} : vector<512x384xf32> to vector<512x128xf32>
    %add3A_1313 = arith.addf %slice3A_1311, %slice3A_1312 : vector<512x128xf32>
    %logistic3A_1314 = arith.negf %add3A_1313 : vector<512x128xf32>
    %logistic3A_1315 = math.exp %logistic3A_1314 : vector<512x128xf32>
    %logistic3A_1316 = arith.constant 1.000000e+00 : f32
    %logistic3A_1317 = vector.broadcast %logistic3A_1316 : f32 to vector<512x128xf32>
    %logistic3A_1318 = arith.addf %logistic3A_1317, %logistic3A_1315 : vector<512x128xf32>
    %logistic3A_1319 = arith.divf %logistic3A_1317, %logistic3A_1318 : vector<512x128xf32>
    %slice3A_1320 = vector.extract_strided_slice %add3A_1296 {offsets = [0, 256], sizes = [512, 128], strides = [1, 1]} : vector<512x384xf32> to vector<512x128xf32>
    %slice3A_1321 = vector.extract_strided_slice %add3A_1301 {offsets = [0, 256], sizes = [512, 128], strides = [1, 1]} : vector<512x384xf32> to vector<512x128xf32>
    %mul3A_1322 = arith.mulf %logistic3A_1310, %slice3A_1321 : vector<512x128xf32>
    %add3A_1323 = arith.addf %slice3A_1320, %mul3A_1322 : vector<512x128xf32>
    %tanh3A_1324 = math.tanh %add3A_1323 : vector<512x128xf32>
    %sub3A_1325 = arith.constant 1.000000e+00 : f32
    %sub3A_1326 = vector.broadcast %sub3A_1325 : f32 to vector<512x128xf32>
    %sub3A_1327 = arith.subf %sub3A_1326, %logistic3A_1319 : vector<512x128xf32>
    %mul3A_1328 = arith.mulf %sub3A_1327, %tanh3A_1324 : vector<512x128xf32>
    %mul3A_1329 = arith.mulf %logistic3A_1319, %add3A_1199 : vector<512x128xf32>
    %add3A_1330 = arith.addf %mul3A_1328, %mul3A_1329 : vector<512x128xf32>
    %slice3A_1331 = vector.extract_strided_slice %add3A_1294 {offsets = [0, 384], sizes = [512, 384], strides = [1, 1]} : vector<512x768xf32> to vector<512x384xf32>
    %add3A_1332 = arith.addf %add3A_50, %slice3A_1331 : vector<512x384xf32>
    %convert_element_type3A_1333 = arith.truncf %add3A_1235 : vector<512x128xf32> to vector<512x128xbf16>
    %dot_general3A_1334 = arith.constant dense<0.000000e+00> : vector<512x384xf32>
    %dot_general3A_1335 = tpu.matmul %convert_element_type3A_1333, %get3A_16, %dot_general3A_1334 {dimension_numbers = #tpu.dot_dimension_numbers<[1], [0], [0], [1], [0, 0, 1, 1], [], []>, transpose_lhs_hint = false} : vector<512x128xbf16>, vector<128x384xbf16>, vector<512x384xf32> -> vector<512x384xf32>
    %add3A_1336 = vector.broadcast %get3A_56 : vector<1x384xf32> to vector<512x384xf32>
    %add3A_1337 = arith.addf %dot_general3A_1335, %add3A_1336 : vector<512x384xf32>
    %slice3A_1338 = vector.extract_strided_slice %add3A_1332 {offsets = [0, 0], sizes = [512, 128], strides = [1, 1]} : vector<512x384xf32> to vector<512x128xf32>
    %slice3A_1339 = vector.extract_strided_slice %add3A_1337 {offsets = [0, 0], sizes = [512, 128], strides = [1, 1]} : vector<512x384xf32> to vector<512x128xf32>
    %add3A_1340 = arith.addf %slice3A_1338, %slice3A_1339 : vector<512x128xf32>
    %logistic3A_1341 = arith.negf %add3A_1340 : vector<512x128xf32>
    %logistic3A_1342 = math.exp %logistic3A_1341 : vector<512x128xf32>
    %logistic3A_1343 = arith.constant 1.000000e+00 : f32
    %logistic3A_1344 = vector.broadcast %logistic3A_1343 : f32 to vector<512x128xf32>
    %logistic3A_1345 = arith.addf %logistic3A_1344, %logistic3A_1342 : vector<512x128xf32>
    %logistic3A_1346 = arith.divf %logistic3A_1344, %logistic3A_1345 : vector<512x128xf32>
    %slice3A_1347 = vector.extract_strided_slice %add3A_1332 {offsets = [0, 128], sizes = [512, 128], strides = [1, 1]} : vector<512x384xf32> to vector<512x128xf32>
    %slice3A_1348 = vector.extract_strided_slice %add3A_1337 {offsets = [0, 128], sizes = [512, 128], strides = [1, 1]} : vector<512x384xf32> to vector<512x128xf32>
    %add3A_1349 = arith.addf %slice3A_1347, %slice3A_1348 : vector<512x128xf32>
    %logistic3A_1350 = arith.negf %add3A_1349 : vector<512x128xf32>
    %logistic3A_1351 = math.exp %logistic3A_1350 : vector<512x128xf32>
    %logistic3A_1352 = arith.constant 1.000000e+00 : f32
    %logistic3A_1353 = vector.broadcast %logistic3A_1352 : f32 to vector<512x128xf32>
    %logistic3A_1354 = arith.addf %logistic3A_1353, %logistic3A_1351 : vector<512x128xf32>
    %logistic3A_1355 = arith.divf %logistic3A_1353, %logistic3A_1354 : vector<512x128xf32>
    %slice3A_1356 = vector.extract_strided_slice %add3A_1332 {offsets = [0, 256], sizes = [512, 128], strides = [1, 1]} : vector<512x384xf32> to vector<512x128xf32>
    %slice3A_1357 = vector.extract_strided_slice %add3A_1337 {offsets = [0, 256], sizes = [512, 128], strides = [1, 1]} : vector<512x384xf32> to vector<512x128xf32>
    %mul3A_1358 = arith.mulf %logistic3A_1346, %slice3A_1357 : vector<512x128xf32>
    %add3A_1359 = arith.addf %slice3A_1356, %mul3A_1358 : vector<512x128xf32>
    %tanh3A_1360 = math.tanh %add3A_1359 : vector<512x128xf32>
    %sub3A_1361 = arith.constant 1.000000e+00 : f32
    %sub3A_1362 = vector.broadcast %sub3A_1361 : f32 to vector<512x128xf32>
    %sub3A_1363 = arith.subf %sub3A_1362, %logistic3A_1355 : vector<512x128xf32>
    %mul3A_1364 = arith.mulf %sub3A_1363, %tanh3A_1360 : vector<512x128xf32>
    %mul3A_1365 = arith.mulf %logistic3A_1355, %add3A_1235 : vector<512x128xf32>
    %add3A_1366 = arith.addf %mul3A_1364, %mul3A_1365 : vector<512x128xf32>
    %concatenate3A_1367 = tpu.concatenate %get3A_1, %add3A_1330, %dot_general3A_32 in 1 : vector<512x128xf32>, vector<512x128xf32>, vector<512x128xf32> -> vector<512x384xf32>
    %convert_element_type3A_1368 = arith.truncf %concatenate3A_1367 : vector<512x384xf32> to vector<512x384xbf16>
    %get3A_1369 = arith.constant 0 : index
    %get3A_1370 = arith.constant 0 : index
    %get3A_1371 = vector.load %arg15[%get3A_1369, %get3A_1370] : memref<384x10240xbf16, #tpu.memory_space<vmem>>, vector<384x10240xbf16>
    %dot_general3A_1372 = arith.constant dense<0.000000e+00> : vector<512x10240xf32>
    %dot_general3A_1373 = tpu.matmul %convert_element_type3A_1368, %get3A_1371, %dot_general3A_1372 {dimension_numbers = #tpu.dot_dimension_numbers<[1], [0], [0], [1], [0, 0, 1, 1], [], []>, transpose_lhs_hint = false} : vector<512x384xbf16>, vector<384x10240xbf16>, vector<512x10240xf32> -> vector<512x10240xf32>
    %get3A_1374 = arith.constant 0 : index
    %get3A_1375 = arith.constant 0 : index
    %get3A_1376 = vector.load %arg16[%get3A_1374, %get3A_1375] : memref<1x10240xf32, #tpu.memory_space<vmem>>, vector<1x10240xf32>
    %add3A_1377 = vector.broadcast %get3A_1376 : vector<1x10240xf32> to vector<512x10240xf32>
    %add3A_1378 = arith.addf %dot_general3A_1373, %add3A_1377 : vector<512x10240xf32>
    %exp3A = math.exp %add3A_1378 : vector<512x10240xf32>
    %reduce_sum3A = arith.constant dense<0.000000e+00> : vector<512xf32>
    %reduce_sum3A_1379 = vector.multi_reduction <add>, %exp3A, %reduce_sum3A [1] : vector<512x10240xf32> to vector<512xf32>
    %broadcast_in_dim3A_1380 = vector.shape_cast %reduce_sum3A_1379 : vector<512xf32> to vector<512x1xf32>
    %log3A = math.log %broadcast_in_dim3A_1380 : vector<512x1xf32>
    %get3A_1381 = arith.constant 0 : index
    %get3A_1382 = arith.constant 0 : index
    %get3A_1383 = vector.load %arg4[%get3A_1381, %get3A_1382] : memref<512x1xi32, #tpu.memory_space<vmem>>, vector<512x1xi32>
    %eq3A_1384 = vector.broadcast %get3A_1383 : vector<512x1xi32> to vector<512x64xi32>
    %eq3A_1385 = arith.cmpi eq, %iota3A, %eq3A_1384 : vector<512x64xi32>
    %slice3A_1386 = vector.extract_strided_slice %add3A_1378 {offsets = [0, 0], sizes = [512, 64], strides = [1, 1]} : vector<512x10240xf32> to vector<512x64xf32>
    %jit3A_1387 = arith.constant 0.000000e+00 : f32
    %broadcast_in_dim3A_1388 = vector.broadcast %jit3A_1387 : f32 to vector<512x64xf32>
    %select_n3A_1389 = arith.select %eq3A_1385, %slice3A_1386, %broadcast_in_dim3A_1388 : vector<512x64xi1>, vector<512x64xf32>
    %reduce_sum3A_1390 = arith.constant dense<0.000000e+00> : vector<512xf32>
    %reduce_sum3A_1391 = vector.multi_reduction <add>, %select_n3A_1389, %reduce_sum3A_1390 [1] : vector<512x64xf32> to vector<512xf32>
    %broadcast_in_dim3A_1392 = vector.shape_cast %reduce_sum3A_1391 : vector<512xf32> to vector<512x1xf32>
    %sub3A_1393 = arith.subf %log3A, %broadcast_in_dim3A_1392 : vector<512x1xf32>
    %reduce_sum3A_1394 = vector.shape_cast %sub3A_1393 : vector<512x1xf32> to vector<1x512x1xf32>
    %reduce_sum3A_1395 = arith.constant dense<0.000000e+00> : vector<1xf32>
    %reduce_sum3A_1396 = vector.multi_reduction <add>, %reduce_sum3A_1394, %reduce_sum3A_1395 [1, 2] : vector<1x512x1xf32> to vector<1xf32>
    %reduce_sum3A_1397 = vector.shape_cast %reduce_sum3A_1396 : vector<1xf32> to vector<1x1x1xf32>
    %reduce_sum3A_1398 = vector.extract %reduce_sum3A_1397[0, 0, 0] : f32 from vector<1x1x1xf32>
    %concatenate3A_1399 = tpu.concatenate %get3A_1, %add3A_1366 in 1 : vector<512x128xf32>, vector<512x128xf32> -> vector<512x256xf32>
    %convert_element_type3A_1400 = arith.truncf %concatenate3A_1399 : vector<512x256xf32> to vector<512x256xbf16>
    %get3A_1401 = arith.constant 0 : index
    %get3A_1402 = arith.constant 0 : index
    %get3A_1403 = vector.load %arg17[%get3A_1401, %get3A_1402] : memref<256x64xbf16, #tpu.memory_space<vmem>>, vector<256x64xbf16>
    %dot_general3A_1404 = arith.constant dense<0.000000e+00> : vector<512x64xf32>
    %dot_general3A_1405 = tpu.matmul %convert_element_type3A_1400, %get3A_1403, %dot_general3A_1404 {dimension_numbers = #tpu.dot_dimension_numbers<[1], [0], [0], [1], [0, 0, 1, 1], [], []>, transpose_lhs_hint = false} : vector<512x256xbf16>, vector<256x64xbf16>, vector<512x64xf32> -> vector<512x64xf32>
    %get3A_1406 = arith.constant 0 : index
    %get3A_1407 = arith.constant 0 : index
    %get3A_1408 = vector.load %arg18[%get3A_1406, %get3A_1407] : memref<1x64xf32, #tpu.memory_space<vmem>>, vector<1x64xf32>
    %add3A_1409 = vector.broadcast %get3A_1408 : vector<1x64xf32> to vector<512x64xf32>
    %add3A_1410 = arith.addf %dot_general3A_1405, %add3A_1409 : vector<512x64xf32>
    %exp3A_1411 = math.exp %add3A_1410 : vector<512x64xf32>
    %reduce_sum3A_1412 = arith.constant dense<0.000000e+00> : vector<512xf32>
    %reduce_sum3A_1413 = vector.multi_reduction <add>, %exp3A_1411, %reduce_sum3A_1412 [1] : vector<512x64xf32> to vector<512xf32>
    %broadcast_in_dim3A_1414 = vector.shape_cast %reduce_sum3A_1413 : vector<512xf32> to vector<512x1xf32>
    %log3A_1415 = math.log %broadcast_in_dim3A_1414 : vector<512x1xf32>
    %get3A_1416 = arith.constant 0 : index
    %get3A_1417 = arith.constant 0 : index
    %get3A_1418 = vector.load %arg5[%get3A_1416, %get3A_1417] : memref<512x1xi32, #tpu.memory_space<vmem>>, vector<512x1xi32>
    %eq3A_1419 = vector.broadcast %get3A_1418 : vector<512x1xi32> to vector<512x64xi32>
    %eq3A_1420 = arith.cmpi eq, %iota3A, %eq3A_1419 : vector<512x64xi32>
    %jit3A_1421 = arith.constant 0.000000e+00 : f32
    %broadcast_in_dim3A_1422 = vector.broadcast %jit3A_1421 : f32 to vector<512x64xf32>
    %select_n3A_1423 = arith.select %eq3A_1420, %add3A_1410, %broadcast_in_dim3A_1422 : vector<512x64xi1>, vector<512x64xf32>
    %reduce_sum3A_1424 = arith.constant dense<0.000000e+00> : vector<512xf32>
    %reduce_sum3A_1425 = vector.multi_reduction <add>, %select_n3A_1423, %reduce_sum3A_1424 [1] : vector<512x64xf32> to vector<512xf32>
    %broadcast_in_dim3A_1426 = vector.shape_cast %reduce_sum3A_1425 : vector<512xf32> to vector<512x1xf32>
    %sub3A_1427 = arith.subf %log3A_1415, %broadcast_in_dim3A_1426 : vector<512x1xf32>
    %reduce_sum3A_1428 = vector.shape_cast %sub3A_1427 : vector<512x1xf32> to vector<1x512x1xf32>
    %reduce_sum3A_1429 = arith.constant dense<0.000000e+00> : vector<1xf32>
    %reduce_sum3A_1430 = vector.multi_reduction <add>, %reduce_sum3A_1428, %reduce_sum3A_1429 [1, 2] : vector<1x512x1xf32> to vector<1xf32>
    %reduce_sum3A_1431 = vector.shape_cast %reduce_sum3A_1430 : vector<1xf32> to vector<1x1x1xf32>
    %reduce_sum3A_1432 = vector.extract %reduce_sum3A_1431[0, 0, 0] : f32 from vector<1x1x1xf32>
    %eq3A_1433 = arith.constant 0 : i32
    %eq3A_1434 = arith.cmpi eq, %arg0, %eq3A_1433 : i32
    %get3A_1435 = arith.constant 0 : index
    %get3A_1436 = arith.constant 0 : index
    %get3A_1437 = memref.load %arg19[%get3A_1435, %get3A_1436] : memref<1x1xf32, #tpu.memory_space<smem>>
    %jit3A_1438 = arith.constant 0.000000e+00 : f32
    %select_n3A_1439 = arith.select %eq3A_1434, %jit3A_1438, %get3A_1437 : f32
    %add3A_1440 = arith.addf %select_n3A_1439, %reduce_sum3A_1398 : f32
    %mul3A_1441 = arith.constant 1.000000e-01 : f32
    %mul3A_1442 = arith.mulf %mul3A_1441, %reduce_sum3A_1432 : f32
    %add3A_1443 = arith.addf %add3A_1440, %mul3A_1442 : f32
    %swap3A = arith.constant 0 : index
    %swap3A_1444 = arith.constant 0 : index
    %swap3A_1445 = memref.load %arg19[%swap3A, %swap3A_1444] : memref<1x1xf32, #tpu.memory_space<smem>>
    memref.store %add3A_1443, %arg19[%swap3A, %swap3A_1444] : memref<1x1xf32, #tpu.memory_space<smem>>
    return
  }
  func.func @transform_0(%arg0: i32) -> (i32, i32) {
    %c0_i32 = arith.constant 0 : i32
    %c0_i32_0 = arith.constant 0 : i32
    return %arg0, %c0_i32 : i32, i32
  }
  func.func @transform_1(%arg0: i32) -> (i32, i32) {
    %c0_i32 = arith.constant 0 : i32
    %c0_i32_0 = arith.constant 0 : i32
    return %arg0, %c0_i32 : i32, i32
  }
  func.func @transform_2(%arg0: i32) -> (i32, i32) {
    %c0_i32 = arith.constant 0 : i32
    %c0_i32_0 = arith.constant 0 : i32
    return %arg0, %c0_i32 : i32, i32
  }
  func.func @transform_3(%arg0: i32) -> (i32, i32) {
    %c0_i32 = arith.constant 0 : i32
    %c0_i32_0 = arith.constant 0 : i32
    return %arg0, %c0_i32 : i32, i32
  }
  func.func @transform_4(%arg0: i32) -> (i32, i32) {
    %c0_i32 = arith.constant 0 : i32
    %c0_i32_0 = arith.constant 0 : i32
    return %arg0, %c0_i32 : i32, i32
  }
  func.func @transform_5(%arg0: i32) -> (i32, i32) {
    %c0_i32 = arith.constant 0 : i32
    %c0_i32_0 = arith.constant 0 : i32
    %c0_i32_1 = arith.constant 0 : i32
    return %c0_i32, %c0_i32_0 : i32, i32
  }
  func.func @transform_6(%arg0: i32) -> (i32, i32) {
    %c0_i32 = arith.constant 0 : i32
    %c0_i32_0 = arith.constant 0 : i32
    %c0_i32_1 = arith.constant 0 : i32
    return %c0_i32, %c0_i32_0 : i32, i32
  }
  func.func @transform_7(%arg0: i32) -> (i32, i32) {
    %c0_i32 = arith.constant 0 : i32
    %c0_i32_0 = arith.constant 0 : i32
    %c0_i32_1 = arith.constant 0 : i32
    return %c0_i32, %c0_i32_0 : i32, i32
  }
  func.func @transform_8(%arg0: i32) -> (i32, i32) {
    %c0_i32 = arith.constant 0 : i32
    %c0_i32_0 = arith.constant 0 : i32
    %c0_i32_1 = arith.constant 0 : i32
    return %c0_i32, %c0_i32_0 : i32, i32
  }
  func.func @transform_9(%arg0: i32) -> (i32, i32) {
    %c0_i32 = arith.constant 0 : i32
    %c0_i32_0 = arith.constant 0 : i32
    %c0_i32_1 = arith.constant 0 : i32
    return %c0_i32, %c0_i32_0 : i32, i32
  }
  func.func @transform_10(%arg0: i32) -> (i32, i32) {
    %c0_i32 = arith.constant 0 : i32
    %c0_i32_0 = arith.constant 0 : i32
    %c0_i32_1 = arith.constant 0 : i32
    return %c0_i32, %c0_i32_0 : i32, i32
  }
  func.func @transform_11(%arg0: i32) -> (i32, i32) {
    %c0_i32 = arith.constant 0 : i32
    %c0_i32_0 = arith.constant 0 : i32
    %c0_i32_1 = arith.constant 0 : i32
    return %c0_i32, %c0_i32_0 : i32, i32
  }
  func.func @transform_12(%arg0: i32) -> (i32, i32) {
    %c0_i32 = arith.constant 0 : i32
    %c0_i32_0 = arith.constant 0 : i32
    %c0_i32_1 = arith.constant 0 : i32
    return %c0_i32, %c0_i32_0 : i32, i32
  }
  func.func @transform_13(%arg0: i32) -> (i32, i32) {
    %c0_i32 = arith.constant 0 : i32
    %c0_i32_0 = arith.constant 0 : i32
    %c0_i32_1 = arith.constant 0 : i32
    return %c0_i32, %c0_i32_0 : i32, i32
  }
  func.func @transform_14(%arg0: i32) -> (i32, i32) {
    %c0_i32 = arith.constant 0 : i32
    %c0_i32_0 = arith.constant 0 : i32
    %c0_i32_1 = arith.constant 0 : i32
    return %c0_i32, %c0_i32_0 : i32, i32
  }
  func.func @transform_15(%arg0: i32) -> (i32, i32) {
    %c0_i32 = arith.constant 0 : i32
    %c0_i32_0 = arith.constant 0 : i32
    %c0_i32_1 = arith.constant 0 : i32
    return %c0_i32, %c0_i32_0 : i32, i32
  }
  func.func @transform_16(%arg0: i32) -> (i32, i32) {
    %c0_i32 = arith.constant 0 : i32
    %c0_i32_0 = arith.constant 0 : i32
    %c0_i32_1 = arith.constant 0 : i32
    return %c0_i32, %c0_i32_0 : i32, i32
  }
  func.func @transform_17(%arg0: i32) -> (i32, i32) {
    %c0_i32 = arith.constant 0 : i32
    %c0_i32_0 = arith.constant 0 : i32
    %c0_i32_1 = arith.constant 0 : i32
    return %c0_i32, %c0_i32_0 : i32, i32
  }
  func.func @transform_18(%arg0: i32) -> (i32, i32) {
    %c0_i32 = arith.constant 0 : i32
    %c0_i32_0 = arith.constant 0 : i32
    %c0_i32_1 = arith.constant 0 : i32
    return %c0_i32, %c0_i32_0 : i32, i32
  }
}

</mosaic_0001>

<sc_bundles>
// kernel: kernel.6.cloned.1.call-start
scs
__scs_entry_jumppad:
0x0: {  	(pc) =	sbr.rel $0x88, $3  }
0x1: {  	(tag) =	ssettag $0x0;
	lr =	simm.s32 $0x1  }
0x2: {  	[smem:$0x3F90] =	sst lr;
	_ =	strace $0xD0000000  }
0x3: {  	_ = 	snop  }
0x4: {  	_ = 	snop  }
0x5: {  	_ = 	snop  }
0x6: {  	_ = 	snop  }
0x7: {  	_ = 	snop  }
__scs_overlays_trampoline_lowered:
0x8: {  	[smem:$0x3F9F] =	sst s0  }
0x9: {  	[smem:$0x3FA0] =	sst s1  }
0xa: {  	[smem:$0x3FA1] =	sst s2  }
0xb: {  	[smem:$0x3FA2] =	sst s3  }
0xc: {  	[smem:$0x3FA3] =	sst s4  }
0xd: {  	[smem:$0x3FA4] =	sst s5  }
0xe: {  	[smem:$0x3FA5] =	sst s6  }
0xf: {  	[smem:$0x3FA6] =	sst s7  }
0x10: {  	[smem:$0x3FA7] =	sst s8  }
0x11: {  	[smem:$0x3FA8] =	sst s9;
	s0 =	simm.s32 @!p0 $0x0  }
0x12: {  	s1 =	sld [smem:$0x3F8E];
	s0 =	simm.s32 @p0 $0x1  }
0x13: {  	[smem:$0x3FA9] =	sst s0;
	s0 =	simm.s32 @!p1 $0x0  }
0x14: {  	s2 =	sld [smem:$0x3F8D];
	s0 =	simm.s32 @p1 $0x1  }
0x15: {  	[smem:$0x3FAA] =	sst s0;
	s0 =	simm.s32 @!p2 $0x0  }
0x16: {  	s3 =	sld [smem:$0x3FDB];
	s0 =	simm.s32 @p2 $0x1  }
0x17: {  	s4 =	simm.s32 $0x1BF5;
	[smem:$0x3FAC] =	sst s0  }
0x18: {  	s0 =	sld [smem:$0x3F8F];
	_ =	swait.ge [sflag:s4], $0x0  }
0x19: {  	s7 =	sld [smem:$0x3F90]  }
0x1a: {  	s8 =	sadd.s32 $0xFFFFE003, lr  }
0x1b: {  	s9 =	sadd.s32 $0xFFFFFEF7, lr;
	s5 =	simm.s32 $0xFFFFFFFF;
	p2 =	slt.u32 s8, $0xFFFFF086  }
0x1c: {  	p1 =	slt.u32 s9, $0xF7A;
	s5 =	simm.s32 @!p2 $0x0  }
0x1d: {  	s5 =	simm.s32 @p1 $0x1;
	p0 =	seq.s32 s7, s2  }
0x1e: {  	s7 =	smul.u32 @!p0 $0xF7A, s2;
	p2 =	seq.s32 @!p0 s5, $0x0  }
0x1f: {  	s9 =	smul.u32 $0xF7A, s1;
	s8 =	simm.s32 @!p0 $0x1BF5;
	p2 =	por !p2, p0  }
0x20: {  	[sflag:s8] =	ssyncset.s32 @!p0 $0xFFFFF086;
	s6 =	sadd.s32 @!p0 s3, s7;
	s7 =	simm.s32 @!p0 $0x108  }
0x21: {  	s3 =	sadd.s32 s3, s9;
	s6 =	sadd.s32 @!p0 $0x88, s6;
	s7 =	simm.s32 @p2 $0x1082  }
0x22: {  	[simem:s7], [sflag:s8] =	dma.local @!p0 [hbm:s6], $0xF7A  }
0x23: {  	s9 =	sor.u32 $0xD0000000, s2;
	s6 =	simm.s32 $0x108;
	_ =	swait.ge @!p0 [sflag:s8], $0x0  }
0x24: {  	s3 =	sadd.s32 $0x88, s3;
	s6 =	simm.s32 @!p1 $0x1082;
	[sflag:s4] =	ssyncset.s32 $0xFFFFF086  }
0x25: {  	[simem:s6], [sflag:s4] =	dma.local [hbm:s3], $0xF7A  }
0x26: {  	[smem:$0x3F90] =	sst s1;
	(tag) =	ssettag s2;
	_ =	strace s9  }
0x27: {  	s1 =	sld [smem:$0x3FA0]  }
0x28: {  	s2 =	sld [smem:$0x3FA1]  }
0x29: {  	s4 =	sld [smem:$0x3FA3]  }
0x2a: {  	p0 =	seq.s32 s5, $0x0;
	s5 =	sld [smem:$0x3FA4]  }
0x2b: {  	s6 =	sld [smem:$0x3FA5]  }
0x2c: {  	s7 =	sld [smem:$0x3FA6]  }
0x2d: {  	s3 =	simm.s32 $0x108;
	s8 =	sld [smem:$0x3FA7]  }
0x2e: {  	s3 =	simm.s32 @!p0 $0x1082;
	s9 =	sld [smem:$0x3FA8]  }
0x2f: {  	lr =	sadd.s32 s0, s3;
	s0 =	sld [smem:$0x3F9F]  }
0x30: {  	s3 =	sld [smem:$0x3FA2]  }
0x31: {  	[smem:$0x3FAB] =	sst s10  }
0x32: {  	s10 =	sld [smem:$0x3FA9];
	_ =	sdelay $0x3  }
0x33: {  	p0 =	seq.s32 s10, $0x1;
	s10 =	sld [smem:$0x3FAB];
	_ =	sdelay $0x3  }
0x34: {  	[smem:$0x3FAB] =	sst s10  }
0x35: {  	s10 =	sld [smem:$0x3FAA];
	_ =	sdelay $0x3  }
0x36: {  	p1 =	seq.s32 s10, $0x1;
	s10 =	sld [smem:$0x3FAB];
	_ =	sdelay $0x3  }
0x37: {  	[smem:$0x3FAB] =	sst s10  }
0x38: {  	s10 =	sld [smem:$0x3FAC]  }
0x39: {  	_ = 	snop;
	(pc) =	sbr.ind lr, $3  }
0x3a: {  	_ = 	snop  }
0x3b: {  	_ = 	snop  }
0x3c: {  	p2 =	seq.s32 s10, $0x1;
	s10 =	sld [smem:$0x3FAB]  }
0x3d: {  	_ =	shalt  }
0x3e: {  	_ =	shalt  }
0x3f: {  	_ =	shalt  }
0x40: {  	_ =	shalt  }
0x41: {  	_ =	shalt  }
0x42: {  	_ =	shalt  }
0x43: {  	_ =	shalt  }
0x44: {  	_ =	shalt  }
0x45: {  	_ =	shalt  }
0x46: {  	_ =	shalt  }
0x47: {  	_ =	shalt  }
0x48: {  	_ =	shalt  }
0x49: {  	_ =	shalt  }
0x4a: {  	_ =	shalt  }
0x4b: {  	_ =	shalt  }
0x4c: {  	_ =	shalt  }
0x4d: {  	_ =	shalt  }
0x4e: {  	_ =	shalt  }
0x4f: {  	_ =	shalt  }
0x50: {  	_ =	shalt  }
0x51: {  	_ =	shalt  }
0x52: {  	_ =	shalt  }
0x53: {  	_ =	shalt  }
0x54: {  	_ =	shalt  }
0x55: {  	_ =	shalt  }
0x56: {  	_ =	shalt  }
0x57: {  	_ =	shalt  }
0x58: {  	_ =	shalt  }
0x59: {  	_ =	shalt  }
0x5a: {  	_ =	shalt  }
0x5b: {  	_ =	shalt  }
0x5c: {  	_ =	shalt  }
0x5d: {  	_ =	shalt  }
0x5e: {  	_ =	shalt  }
0x5f: {  	_ =	shalt  }
0x60: {  	_ =	shalt  }
0x61: {  	_ =	shalt  }
0x62: {  	_ =	shalt  }
0x63: {  	_ =	shalt  }
0x64: {  	_ =	shalt  }
0x65: {  	_ =	shalt  }
0x66: {  	_ =	shalt  }
0x67: {  	_ =	shalt  }
0x68: {  	_ =	shalt  }
0x69: {  	_ =	shalt  }
0x6a: {  	_ =	shalt  }
0x6b: {  	_ =	shalt  }
0x6c: {  	_ =	shalt  }
0x6d: {  	_ =	shalt  }
0x6e: {  	_ =	shalt  }
0x6f: {  	_ =	shalt  }
0x70: {  	_ =	shalt  }
0x71: {  	_ =	shalt  }
0x72: {  	_ =	shalt  }
0x73: {  	_ =	shalt  }
0x74: {  	_ =	shalt  }
0x75: {  	_ =	shalt  }
0x76: {  	_ =	shalt  }
0x77: {  	_ =	shalt  }
0x78: {  	_ =	shalt  }
0x79: {  	_ =	shalt  }
0x7a: {  	_ =	shalt  }
0x7b: {  	_ =	shalt  }
0x7c: {  	_ =	shalt  }
0x7d: {  	_ =	shalt  }
0x7e: {  	_ =	shalt  }
0x7f: {  	_ =	shalt  }
0x80: {  	_ =	shalt  }
0x81: {  	_ =	shalt  }
0x82: {  	_ =	shalt  }
0x83: {  	_ =	shalt  }
0x84: {  	_ =	shalt  }
0x85: {  	_ =	shalt  }
0x86: {  	_ =	shalt  }
0x87: {  	_ =	shalt  }
.Lfunc_end0:
.L_simem_size_0:
called_computation_lowered:
.L_overlay_start_0:
0x88: {  	s2 =	sld [smem:$0x3FD9]  }
0x89: {  	s3 =	sld [smem:$0x3FFE];
	_ =	sdelay $0x1  }
0x8a: {  	s1 =	srdreg.scid  }
0x8b: {  	s0 =	sand.u32 $0x1, s1  }
0x8c: {  	s17 =	sshll.u32 s0, $0xA;
	s2 =	sadd.s32 s3, s2  }
0x8d: {  	s2 =	sadd.s32 s2, s17  }
0x8e: {  	[smem:$0x3FB7] =	sst s2  }
0x8f: {  	_ = 	snop  }
0x90: {  	s18 =	sld [smem:$0x3FC6];
	(tm) =	ssettm $0x1  }
0x91: {  	s19 =	sld [smem:$0x3FFB];
	_ =	sdelay $0x3  }
0x92: {  	_ =	strace s19  }
0x93: {  	s2 =	sld [smem:$0x3FFC];
	_ =	sdelay $0x3  }
0x94: {  	_ =	strace s2  }
0x95: {  	s2 =	sld [smem:$0x3FFD];
	_ =	sdelay $0x3  }
0x96: {  	_ =	strace s2  }
0x97: {  	_ =	strace $0x8FFFFFFF  }
0x98: {  	s20 =	sld [smem:$0x3FDB];
	_ =	sdelay $0x1  }
0x99: {  	s4 =	simm.s32 $_scs_section_size  }
0x9a: {  	s5 =	simm.s32 $_size__tile_overlayer_lowered;
	s6 =	simm.s32 $_tile_overlayer_lowered  }
0x9b: {  	s7 =	simm.s32 $0x1BFF;
	s21 =	sshll.u32 s6, $0x1;
	s4 =	sadd.s32 s4, s20  }
0x9c: {  	s22 =	simm.s32 $0x0;
	s5 =	sshll.u32 s5, $0x1;
	s6 =	sadd.s32 s21, s4  }
0x9d: {  	[timem:s22], [sflag:s7] =	dma.local [hbm:s6], s5  }
0x9e: {  	_ =	swait.ge [sflag:s7], s5  }
0x9f: {  	s5 =	ssub.s32 $0x0, s5;
	[sflag:s7] =	ssyncset.done $0x0  }
0xa0: {  	[sflag:s7] =	ssyncadd.s32 s5;
	_ =	sdelay $0x1  }
0xa1: {  	s23 =	simm.s32 $0x1B8B  }
0xa2: {  	_ =	swait.ge [sflag:s23], $0x1  }
0xa3: {  	[sflag:s23] =	ssyncset.done $0x0  }
0xa4: {  	[sflag:s23] =	ssyncadd.s32 $0xFFFFFFFF  }
0xa5: {  	s5 =	sld [smem:$0x0]  }
0xa6: {  	s6 =	sand.u32 $0xFFFFFFFE, s1  }
0xa7: {  	p0 =	sne.s32 s1, s6  }
0xa8: {  	s6 =	sshll.u32 @p0 s6, $0xE  }
0xa9: {  	s6 =	sadd.s32 @p0 $0x11B8D, s6;
	s7 =	sshll.u32 @p0 s5, $0x11  }
0xaa: {  	s6 =	sor.u32 @p0 s7, s6  }
0xab: {  	[sflag:s6] =	ssyncadd.remote.s32 @p0 $0x1;
	_ =	sdelay $0x1  }
0xac: {  	s6 =	simm.s32 @p0 $0x1B8D  }
0xad: {  	_ =	swait.eq @p0 [sflag:s6], $0x1  }
0xae: {  	[sflag:s6] =	ssyncadd.s32 @p0 $0xFFFFFFFF  }
0xaf: {  	s7 =	sshll.u32 @!p0 s1, $0xE  }
0xb0: {  	s7 =	sor.u32 @!p0 $0x4000, s7;
	s6 =	simm.s32 @!p0 $0x1B8D  }
0xb1: {  	s5 =	sshll.u32 @!p0 s5, $0x11;
	s7 =	sadd.s32 @!p0 $0x11B8D, s7;
	_ =	swait.eq @!p0 [sflag:s6], $0x1  }
0xb2: {  	s5 =	sor.u32 @!p0 s5, s7;
	[sflag:s6] =	ssyncadd.s32 @!p0 $0xFFFFFFFF  }
0xb3: {  	s25 =	simm.s32 $0x1B8E;
	s24 =	sld [smem:$0x3FFE];
	[sflag:s5] =	ssyncadd.remote.s32 @!p0 $0x1  }
0xb4: {  	s26 =	simm.s32 $execute0_lowered;
	[smem:$0x3FD2] =	sst s25  }
0xb5: {  	s6 =	sshll.u32 s26, $0x1;
	_ =	strace $0x80000049;
	[dreg:$0x1] =	wrdreg $0xFFFFFFFF  }
0xb6: {  	s28 =	simm.s32 $_size_execute0_lowered;
	s4 =	sadd.s32 s4, s6;
	[dreg:$0x0] =	wrdreg $0x0  }
0xb7: {  	s6 =	sshll.u32 s28, $0x1;
	[dreg:$0x2] =	wrdreg s4  }
0xb8: {  	[dreg:$0x3] =	wrdreg s6  }
0xb9: {  	[dreg:$0x4] =	wrdreg $0xC0  }
0xba: {  	_ =	task [dreg:s22], $0x5FFFF  }
0xbb: {  	[dreg:$0x1] =	wrdreg $0xFFFFFFFF  }
0xbc: {  	[dreg:$0x0] =	wrdreg $0x60  }
0xbd: {  	[dreg:$0x2] =	wrdreg s18  }
0xbe: {  	[dreg:$0x3] =	wrdreg s24  }
0xbf: {  	[dreg:$0x4] =	wrdreg $0x9  }
0xc0: {  	_ =	task.clear_ibuf [dreg:s22], $0x5FFFF;
	_ =	strace $0x90000049  }
0xc1: {  	s29 =	simm.s32 $0x9;
	_ =	strace $0x8000004B  }
0xc2: {  	_ =	swait.ge [sflag:s29], $0x1  }
0xc3: {  	[sflag:s29] =	ssyncadd.s32 $0xFFFFFFFF  }
0xc4: {  	_ =	strace $0x9000004B  }
0xc5: {  	_ =	sfence  }
0xc6: {  	s30 =	sld [smem:$0x0];
	_ =	sdelay $0x2  }
0xc7: {  	s31 =	sshll.u32 s1, $0xD;
	s1 =	sshrl.u32 s1, $0x2  }
0xc8: {  	s4 =	sand.u32 $0x4000, s31;
	s1 =	sadd.s32 s1, s30  }
0xc9: {  	s0 =	sor.u32 s4, s0;
	s1 =	sshll.u32 s1, $0x11  }
0xca: {  	s0 =	sor.u32 s1, s0  }
0xcb: {  	s0 =	sadd.s32 $0x8F2B, s0  }
0xcc: {  	[sflag:s0] =	ssyncadd.remote.s32 $0x1  }
0xcd: {  	_ =	sfence.sel $0xFFFF  }
0xce: {  	[dreg:$0x0] =	wrdreg $0xFFFFFFFF;
	(pc) =	sbr.abs _section_cstart, $3  }
0xcf: {  	[dreg:$0x1] =	wrdreg $0xFFFFFFFF  }
0xd0: {  	_ =	task.clear_ibuf [dreg:s22], $0x2FFFF;
	_ =	strace $0x9FFFFFFF  }
0xd1: {  	(tm) =	ssettm $0x7FFFFFFF  }
tec
execute0_lowered:
.L_overlay_start_1:
0x0: {  	(tag) =	ssettag $0x1  }
0x1: {  	s1 =	srdreg.scid;
	s2 =	rddreg [dreg:$0x0]  }
0x2: {  	s0 =	stileid.u32;
	s5 =	rddreg [dreg:$0x1]  }
0x3: {  	s10 =	simm.s32 $0x4;
	s11 =	simm.s32 $0x9C00;
	s12 =	simm.s32 $0x40  }
0x4: {  	s13 =	simm.s32 $0x9C80;
	s14 =	simm.s32 $0x3;
	s15 =	simm.s32 $0x80  }
0x5: {  	s16 =	simm.s32 $0xC00;
	s17 =	simm.s32 $0x4C00;
	s18 =	simm.s32 $0x1  }
0x6: {  	s19 =	simm.s32 $0x8C00;
	s1 =	sand.u32 $0x1, s1;
	s3 =	sshll.u32 s0, $0x1  }
0x7: {  	s20 =	simm.s32 $0x2;
	s21 =	simm.s32 $0x0;
	s8 =	sor.u32 s1, s3  }
0x8: {  	s3 =	simm.s32 $0x0;
	s1 =	ssub.s32 $0x2, s1;
	s4 =	smul.u32 $0x180, s8  }
0x9: {  	[smem:$0x7FF] =	sst s3;
	s30 =	sshll.u32 s8, $0x3;
	s9 =	sshll.u32 s8, $0xA  }
0xa: {  	s31 =	sshrl.u32 s1, $0x1;
	s8 =	smul.u32 $0x14000, s8;
	_ =	strace $0x8000004A  }
0xb: {  	s7 =	sadd.s32 s30, s5;
	s9 =	sadd.s32 s9, s5;
	s6 =	sadd.s32 s4, s5  }
0xc: {  	s1 =	ssub.s32 s1, s31;
	s4 =	sadd.s32 $0x61A00, s5;
	s5 =	sadd.s32 $0x5E800, s6  }
0xd: {  	s6 =	sadd.s32 $0x61800, s7;
	s7 =	sadd.s32 $0xB1A00, s9;
	s9 =	smax.u32 s1, $0x1  }
.LBB2_1:
0xe: {  	[tilespmem:s3], [sflag:$0x4] =	stream.linear.gather [hbm4b:s5+s3], $0xA00, $0x38;
	[tilespmem:$0xBC80] =	vst v63  }
0xf: {  	_ =	swait.ge [sflag:s10], $0xA00  }
0x10: {  	[sflag:s10] =	ssyncset.done $0x0  }
0x11: {  	[sflag:s10] =	ssyncadd.s32 $0xFFFFF600  }
0x12: {  	[tilespmem:s11], [sflag:$0x4] =	stream.linear.gather [hbm4b:s6+s3], $0x40, $0x38;
	[tilespmem:$0xBC80] =	vst v63  }
0x13: {  	_ =	swait.ge [sflag:s10], $0x40  }
0x14: {  	[sflag:s10] =	ssyncset.done $0x0  }
0x15: {  	[sflag:s10] =	ssyncadd.s32 $0xFFFFFFC0  }
0x16: {  	[tilespmem:s13], [sflag:$0x3] =	stream.indirect.gather [hbm4b:s2+s12], $0x80, s11, s12, $0xb8;
	[tilespmem:$0xBC80] =	vst v63  }
0x17: {  	_ =	swait.ge [sflag:s14], $0x2000  }
0x18: {  	[sflag:s14] =	ssyncset.done $0x0  }
0x19: {  	[sflag:s14] =	ssyncadd.s32 $0xFFFFE000  }
0x1a: {  	[hbm4b:s7+s3] =	stream.linear.scatter [tilespmem:s13], [sflag:$0x4], $0x2000, $0x38;
	[tilespmem:$0xBC80] =	vst v63  }
0x1b: {  	_ =	swait.ge [sflag:s10], $0x2000  }
0x1c: {  	[sflag:s10] =	ssyncset.done $0x0  }
0x1d: {  	s22 =	simm.s32 $0x0;
	[sflag:s10] =	ssyncadd.s32 $0xFFFFE000  }
0x1e: {  	[tilespmem:s16], [sflag:$0x1] =	stream.indirect.gather [hbm4b:s2+s15], $0x80, s3, s15, $0xb8;
	[tilespmem:$0xBC80] =	vst v63  }
.LBB2_2:
0x1f: {  	s23 =	sshllo.u32 s22, $0x1  }
0x20: {  	s1 =	sshll.u32 s23, $0x7  }
0x21: {  	s1 =	sand.u32 $0x3FFFFF80, s1  }
0x22: {  	[tilespmem:s17], [sflag:$0x2] =	stream.indirect.gather [hbm4b:s2+s15], $0x80, s1, s15, $0xb8;
	[tilespmem:$0xBC80] =	vst v63  }
0x23: {  	_ =	swait.ge [sflag:s18], $0x4000  }
0x24: {  	[sflag:s18] =	ssyncset.done $0x0  }
0x25: {  	s25 =	simm.s32 $0xE00;
	[sflag:s18] =	ssyncadd.s32 $0xFFFFC000  }
0x26: {  	v0 =	vld [tilespmem:s25+$0x0]  }
0x27: {  	v1 =	vld [tilespmem:s25+$0x80];
	_ =	sdelay $0x1  }
0x28: {  	v2 =	vld [tilespmem:s25+$0x100];
	_ =	sdelay $0x1  }
0x29: {  	v3 =	vld [tilespmem:s25+$0x180]  }
0x2a: {  	v0 =	vadd.f32 v1, v0;
	_ =	sdelay $0x1  }
0x2b: {  	v0 =	vadd.f32 v2, v0  }
0x2c: {  	v1 =	vld [tilespmem:s25+$0xFFFFFE80]  }
0x2d: {  	v2 =	vld [tilespmem:s25+$0xFFFFFE00];
	v0 =	vadd.f32 v3, v0;
	_ =	sdelay $0x1  }
0x2e: {  	v3 =	vld [tilespmem:s25+$0xFFFFFF00];
	v0 =	vmul.f32 $2.500000000e-01, v0  }
0x2f: {  	s24 =	simm.s32 $0x8C80  }
0x30: {  	v4 =	vld [tilespmem:s25+$0xFFFFFF80];
	[tilespmem:s24+$0x0] =	vst v0  }
0x31: {  	v1 =	vadd.f32 v1, v2;
	v0 =	vld [tilespmem:s25+$0x10]  }
0x32: {  	v2 =	vld [tilespmem:s25+$0x90]  }
0x33: {  	v1 =	vadd.f32 v3, v1  }
0x34: {  	v3 =	vld [tilespmem:s25+$0x110]  }
0x35: {  	v1 =	vadd.f32 v4, v1  }
0x36: {  	v4 =	vld [tilespmem:s25+$0x190]  }
0x37: {  	v1 =	vmul.f32 $2.500000000e-01, v1;
	v0 =	vadd.f32 v2, v0;
	_ =	sdelay $0x1  }
0x38: {  	[tilespmem:s24+$0xFFFFFF80] =	vst v1;
	v0 =	vadd.f32 v3, v0  }
0x39: {  	v1 =	vld [tilespmem:s25+$0xFFFFFE10]  }
0x3a: {  	v2 =	vld [tilespmem:s25+$0xFFFFFE90];
	v0 =	vadd.f32 v4, v0;
	_ =	sdelay $0x1  }
0x3b: {  	v3 =	vld [tilespmem:s25+$0xFFFFFF10];
	v0 =	vmul.f32 $2.500000000e-01, v0;
	_ =	sdelay $0x1  }
0x3c: {  	v4 =	vld [tilespmem:s25+$0xFFFFFF90];
	[tilespmem:s24+$0x10] =	vst v0  }
0x3d: {  	v1 =	vadd.f32 v2, v1;
	v0 =	vld [tilespmem:s25+$0x20]  }
0x3e: {  	v2 =	vld [tilespmem:s25+$0xA0]  }
0x3f: {  	v1 =	vadd.f32 v3, v1  }
0x40: {  	v3 =	vld [tilespmem:s25+$0x120]  }
0x41: {  	v1 =	vadd.f32 v4, v1  }
0x42: {  	v4 =	vld [tilespmem:s25+$0x1A0]  }
0x43: {  	v1 =	vmul.f32 $2.500000000e-01, v1;
	v0 =	vadd.f32 v2, v0;
	_ =	sdelay $0x1  }
0x44: {  	[tilespmem:s24+$0xFFFFFF90] =	vst v1;
	v0 =	vadd.f32 v3, v0  }
0x45: {  	v1 =	vld [tilespmem:s25+$0xFFFFFE20]  }
0x46: {  	v2 =	vld [tilespmem:s25+$0xFFFFFEA0];
	v0 =	vadd.f32 v4, v0;
	_ =	sdelay $0x1  }
0x47: {  	v3 =	vld [tilespmem:s25+$0xFFFFFF20];
	v0 =	vmul.f32 $2.500000000e-01, v0;
	_ =	sdelay $0x1  }
0x48: {  	v4 =	vld [tilespmem:s25+$0xFFFFFFA0];
	[tilespmem:s24+$0x20] =	vst v0  }
0x49: {  	v1 =	vadd.f32 v2, v1;
	v0 =	vld [tilespmem:s25+$0x30]  }
0x4a: {  	v2 =	vld [tilespmem:s25+$0xB0]  }
0x4b: {  	v1 =	vadd.f32 v3, v1  }
0x4c: {  	v3 =	vld [tilespmem:s25+$0x130]  }
0x4d: {  	v1 =	vadd.f32 v4, v1  }
0x4e: {  	v4 =	vld [tilespmem:s25+$0x1B0]  }
0x4f: {  	v1 =	vmul.f32 $2.500000000e-01, v1;
	v0 =	vadd.f32 v2, v0  }
0x50: {  	s26 =	simm.s32 $0x1200  }
0x51: {  	v5 =	vld [tilespmem:s26+$0x100];
	[tilespmem:s24+$0xFFFFFFA0] =	vst v1;
	v0 =	vadd.f32 v3, v0  }
0x52: {  	v1 =	vld [tilespmem:s25+$0xFFFFFE30]  }
0x53: {  	v2 =	vld [tilespmem:s25+$0xFFFFFEB0];
	v0 =	vadd.f32 v4, v0  }
0x54: {  	v6 =	vld [tilespmem:s26+$0x0]  }
0x55: {  	v3 =	vld [tilespmem:s25+$0xFFFFFF30];
	v0 =	vmul.f32 $2.500000000e-01, v0  }
0x56: {  	v7 =	vld [tilespmem:s26+$0x80]  }
0x57: {  	v4 =	vld [tilespmem:s25+$0xFFFFFFB0];
	[tilespmem:s24+$0x30] =	vst v0  }
0x58: {  	v0 =	vadd.f32 v2, v1;
	v1 =	vld [tilespmem:s25+$0x40]  }
0x59: {  	v2 =	vld [tilespmem:s25+$0xC0]  }
0x5a: {  	v8 =	vld [tilespmem:s25+$0x140];
	v0 =	vadd.f32 v3, v0  }
0x5b: {  	v3 =	vld [tilespmem:s26+$0x180]  }
0x5c: {  	v9 =	vld [tilespmem:s26+$0xFFFFFE00];
	v6 =	vadd.f32 v7, v6;
	v0 =	vadd.f32 v4, v0  }
0x5d: {  	v7 =	vld [tilespmem:s25+$0x1C0]  }
0x5e: {  	v5 =	vadd.f32 v5, v6;
	v4 =	vld [tilespmem:s26+$0xFFFFFE80];
	v0 =	vmul.f32 $2.500000000e-01, v0;
	v1 =	vadd.f32 v2, v1  }
0x5f: {  	v2 =	vld [tilespmem:s26+$0xFFFFFF00]  }
0x60: {  	v3 =	vadd.f32 v3, v5;
	[tilespmem:s24+$0xFFFFFFB0] =	vst v0;
	v0 =	vld [tilespmem:s26+$0xFFFFFF80];
	v1 =	vadd.f32 v8, v1  }
0x61: {  	v5 =	vld [tilespmem:s25+$0xFFFFFE40]  }
0x62: {  	v3 =	vmul.f32 $2.500000000e-01, v3;
	v6 =	vld [tilespmem:s25+$0xFFFFFEC0];
	v1 =	vadd.f32 v7, v1  }
0x63: {  	s28 =	simm.s32 $0x8D80;
	v7 =	vld [tilespmem:s25+$0xFFFFFF40]  }
0x64: {  	v4 =	vadd.f32 v4, v9;
	[tilespmem:s28+$0x0] =	vst v3;
	v3 =	vld [tilespmem:s25+$0xFFFFFFC0];
	v1 =	vmul.f32 $2.500000000e-01, v1  }
0x65: {  	v8 =	vld [tilespmem:s26+$0x10]  }
0x66: {  	v2 =	vadd.f32 v2, v4;
	v4 =	vld [tilespmem:s26+$0x90];
	[tilespmem:s24+$0x40] =	vst v1  }
0x67: {  	v1 =	vld [tilespmem:s25+$0x50]  }
0x68: {  	v0 =	vadd.f32 v0, v2;
	v2 =	vadd.f32 v6, v5;
	v5 =	vld [tilespmem:s25+$0xD0]  }
0x69: {  	v6 =	vld [tilespmem:s26+$0x110]  }
0x6a: {  	v0 =	vmul.f32 $2.500000000e-01, v0;
	v2 =	vadd.f32 v7, v2;
	v7 =	vld [tilespmem:s25+$0x150]  }
0x6b: {  	v61 =	vld [tilespmem:s26+$0x190]  }
0x6c: {  	[tilespmem:s28+$0xFFFFFF80] =	vst v0;
	v0 =	vadd.f32 v3, v2;
	v2 =	vadd.f32 v4, v8;
	v3 =	vld [tilespmem:s25+$0x1D0]  }
0x6d: {  	v4 =	vld [tilespmem:s26+$0xFFFFFE10];
	v1 =	vadd.f32 v5, v1  }
0x6e: {  	v0 =	vmul.f32 $2.500000000e-01, v0;
	v5 =	vld [tilespmem:s26+$0xFFFFFE90];
	v2 =	vadd.f32 v6, v2  }
0x6f: {  	v6 =	vld [tilespmem:s26+$0xFFFFFF10];
	v1 =	vadd.f32 v7, v1  }
0x70: {  	[tilespmem:s24+$0xFFFFFFC0] =	vst v0;
	v0 =	vld [tilespmem:s26+$0xFFFFFF90];
	v2 =	vadd.f32 v61, v2  }
0x71: {  	v7 =	vld [tilespmem:s25+$0xFFFFFE50];
	v1 =	vadd.f32 v3, v1  }
0x72: {  	v2 =	vmul.f32 $2.500000000e-01, v2;
	v3 =	vld [tilespmem:s25+$0xFFFFFED0]  }
0x73: {  	v4 =	vadd.f32 v5, v4;
	v5 =	vld [tilespmem:s25+$0xFFFFFF50];
	v1 =	vmul.f32 $2.500000000e-01, v1  }
0x74: {  	[tilespmem:s28+$0x10] =	vst v2;
	v2 =	vld [tilespmem:s25+$0xFFFFFFD0]  }
0x75: {  	v4 =	vadd.f32 v6, v4;
	v6 =	vld [tilespmem:s26+$0x20];
	[tilespmem:s24+$0x50] =	vst v1  }
0x76: {  	v1 =	vld [tilespmem:s25+$0x60]  }
0x77: {  	v0 =	vadd.f32 v0, v4;
	v4 =	vld [tilespmem:s25+$0xE0]  }
0x78: {  	v3 =	vadd.f32 v3, v7;
	v7 =	vld [tilespmem:s26+$0xA0]  }
0x79: {  	v8 =	vld [tilespmem:s25+$0x160];
	v0 =	vmul.f32 $2.500000000e-01, v0  }
0x7a: {  	v3 =	vadd.f32 v5, v3;
	v5 =	vld [tilespmem:s26+$0x120]  }
0x7b: {  	[tilespmem:s28+$0xFFFFFF90] =	vst v0;
	v0 =	vld [tilespmem:s25+$0x1E0]  }
0x7c: {  	v2 =	vadd.f32 v2, v3;
	v3 =	vld [tilespmem:s26+$0xFFFFFE20];
	v1 =	vadd.f32 v4, v1  }
0x7d: {  	v4 =	vld [tilespmem:s26+$0x1A0]  }
0x7e: {  	v62 =	vld [tilespmem:s26+$0xFFFFFEA0];
	v6 =	vadd.f32 v7, v6;
	v2 =	vmul.f32 $2.500000000e-01, v2;
	v1 =	vadd.f32 v8, v1  }
0x7f: {  	v7 =	vld [tilespmem:s26+$0xFFFFFF20]  }
0x80: {  	v5 =	vadd.f32 v5, v6;
	[tilespmem:s24+$0xFFFFFFD0] =	vst v2;
	v2 =	vld [tilespmem:s26+$0xFFFFFFA0];
	v0 =	vadd.f32 v0, v1  }
0x81: {  	v1 =	vld [tilespmem:s25+$0xFFFFFE60]  }
0x82: {  	v6 =	vld [tilespmem:s25+$0xFFFFFF60];
	v4 =	vadd.f32 v4, v5;
	v0 =	vmul.f32 $2.500000000e-01, v0  }
0x83: {  	v5 =	vld [tilespmem:s25+$0xFFFFFEE0];
	v3 =	vadd.f32 v62, v3  }
0x84: {  	v8 =	vld [tilespmem:s25+$0xFFFFFFE0];
	v4 =	vmul.f32 $2.500000000e-01, v4;
	[tilespmem:s24+$0x60] =	vst v0  }
0x85: {  	v0 =	vadd.f32 v7, v3;
	v3 =	vld [tilespmem:s25+$0x70]  }
0x86: {  	[tilespmem:s28+$0x20] =	vst v4;
	v4 =	vld [tilespmem:s25+$0xF0]  }
0x87: {  	v0 =	vadd.f32 v2, v0;
	v2 =	vld [tilespmem:s26+$0x30]  }
0x88: {  	v1 =	vadd.f32 v5, v1;
	v5 =	vld [tilespmem:s25+$0x170]  }
0x89: {  	v7 =	vld [tilespmem:s26+$0xB0];
	v0 =	vmul.f32 $2.500000000e-01, v0  }
0x8a: {  	v1 =	vadd.f32 v6, v1;
	v6 =	vld [tilespmem:s25+$0x1F0]  }
0x8b: {  	v63 =	vld [tilespmem:s26+$0x130];
	[tilespmem:s28+$0xFFFFFFA0] =	vst v0;
	v0 =	vadd.f32 v4, v3  }
0x8c: {  	v1 =	vadd.f32 v8, v1;
	v8 =	vld [tilespmem:s26+$0xFFFFFE30]  }
0x8d: {  	v0 =	vadd.f32 v5, v0;
	v5 =	vld [tilespmem:s26+$0x1B0]  }
0x8e: {  	v10 =	vld [tilespmem:s26+$0xFFFFFEB0];
	v2 =	vadd.f32 v7, v2;
	v1 =	vmul.f32 $2.500000000e-01, v1  }
0x8f: {  	v4 =	vld [tilespmem:s26+$0xFFFFFF30];
	v0 =	vadd.f32 v6, v0  }
0x90: {  	v3 =	vld [tilespmem:s26+$0xFFFFFFB0];
	v2 =	vadd.f32 v63, v2;
	[tilespmem:s24+$0xFFFFFFE0] =	vst v1  }
0x91: {  	v1 =	vld [tilespmem:s25+$0xFFFFFEF0];
	v6 =	vmul.f32 $2.500000000e-01, v0  }
0x92: {  	s29 =	sshll.u32 s22, $0x1;
	v0 =	vld [tilespmem:s25+$0xFFFFFE70];
	v5 =	vadd.f32 v5, v2  }
0x93: {  	s31 =	simm.s32 $0x2;
	s30 =	simm.s32 $0x8D80;
	s1 =	simm.s32 $0x1600;
	v2 =	vld [tilespmem:s25+$0xFFFFFF70];
	[tilespmem:s24+$0x70] =	vst v6;
	v6 =	vadd.f32 v10, v8  }
.LBB2_3:
0x94: {  	v7 =	vld [tilespmem:s1+$0x100];
	v5 =	vmul.f32 $2.500000000e-01, v5  }
0x95: {  	v8 =	vld [tilespmem:s1+$0x0];
	v4 =	vadd.f32 v4, v6  }
0x96: {  	v6 =	vld [tilespmem:s1+$0x80];
	[tilespmem:s28+$0x30] =	vst v5  }
0x97: {  	v3 =	vadd.f32 v3, v4;
	v4 =	vld [tilespmem:s26+$0x40];
	v0 =	vadd.f32 v1, v0  }
0x98: {  	v1 =	vld [tilespmem:s26+$0xC0]  }
0x99: {  	v5 =	vld [tilespmem:s1+$0x180];
	v3 =	vmul.f32 $2.500000000e-01, v3;
	v0 =	vadd.f32 v2, v0  }
0x9a: {  	v2 =	vld [tilespmem:s26+$0x140]  }
0x9b: {  	v9 =	vld [tilespmem:s1+$0xFFFFFE80];
	v6 =	vadd.f32 v6, v8;
	[tilespmem:s28+$0xFFFFFFB0] =	vst v3  }
0x9c: {  	v3 =	vld [tilespmem:s26+$0x1C0]  }
0x9d: {  	v8 =	vld [tilespmem:s1+$0xFFFFFE00];
	v6 =	vadd.f32 v7, v6;
	v1 =	vadd.f32 v1, v4  }
0x9e: {  	v4 =	vld [tilespmem:s1+$0xFFFFFF00]  }
0x9f: {  	v7 =	vld [tilespmem:s1+$0xFFFFFF80];
	v5 =	vadd.f32 v5, v6;
	v1 =	vadd.f32 v2, v1  }
0xa0: {  	v2 =	vld [tilespmem:s26+$0xFFFFFE40]  }
0xa1: {  	v5 =	vmul.f32 $2.500000000e-01, v5;
	v6 =	vld [tilespmem:s26+$0xFFFFFEC0];
	v1 =	vadd.f32 v3, v1  }
0xa2: {  	s28 =	sadd.s32 $0x100, s28;
	v3 =	vadd.f32 v9, v8;
	v8 =	vld [tilespmem:s26+$0xFFFFFF40]  }
0xa3: {  	s31 =	sadd.s32 $0x2, s31;
	[tilespmem:s28+$0x0] =	vst v5;
	v5 =	vld [tilespmem:s26+$0xFFFFFFC0];
	v1 =	vmul.f32 $2.500000000e-01, v1  }
0xa4: {  	p0 =	slt.u32 s31, $0x1E;
	v3 =	vadd.f32 v4, v3;
	v4 =	vld [tilespmem:s1+$0x10]  }
0xa5: {  	v9 =	vld [tilespmem:s1+$0x90];
	[tilespmem:s30+$0x40] =	vst v1  }
0xa6: {  	v1 =	vadd.f32 v7, v3;
	v2 =	vadd.f32 v6, v2;
	v3 =	vld [tilespmem:s26+$0x50]  }
0xa7: {  	v6 =	vld [tilespmem:s26+$0xD0]  }
0xa8: {  	v1 =	vmul.f32 $2.500000000e-01, v1;
	v7 =	vld [tilespmem:s1+$0x110];
	v2 =	vadd.f32 v8, v2  }
0xa9: {  	v8 =	vld [tilespmem:s26+$0x150]  }
0xaa: {  	[tilespmem:s28+$0xFFFFFF80] =	vst v1;
	v1 =	vld [tilespmem:s1+$0x190];
	v2 =	vadd.f32 v5, v2  }
0xab: {  	v4 =	vadd.f32 v9, v4;
	v5 =	vld [tilespmem:s26+$0x1D0]  }
0xac: {  	v9 =	vld [tilespmem:s1+$0xFFFFFE10];
	v2 =	vmul.f32 $2.500000000e-01, v2;
	v3 =	vadd.f32 v6, v3  }
0xad: {  	v6 =	vld [tilespmem:s1+$0xFFFFFE90];
	v4 =	vadd.f32 v7, v4  }
0xae: {  	v7 =	vld [tilespmem:s1+$0xFFFFFF10];
	[tilespmem:s30+$0xFFFFFFC0] =	vst v2;
	v2 =	vadd.f32 v8, v3  }
0xaf: {  	v3 =	vld [tilespmem:s1+$0xFFFFFF90];
	v1 =	vadd.f32 v1, v4  }
0xb0: {  	v4 =	vld [tilespmem:s26+$0xFFFFFE50];
	v2 =	vadd.f32 v5, v2  }
0xb1: {  	v1 =	vmul.f32 $2.500000000e-01, v1;
	v5 =	vld [tilespmem:s26+$0xFFFFFED0]  }
0xb2: {  	v6 =	vadd.f32 v6, v9;
	v8 =	vld [tilespmem:s26+$0xFFFFFF50];
	v2 =	vmul.f32 $2.500000000e-01, v2  }
0xb3: {  	[tilespmem:s28+$0x10] =	vst v1;
	v1 =	vld [tilespmem:s26+$0xFFFFFFD0]  }
0xb4: {  	v6 =	vadd.f32 v7, v6;
	v7 =	vld [tilespmem:s1+$0x20];
	[tilespmem:s30+$0x50] =	vst v2  }
0xb5: {  	v2 =	vld [tilespmem:s26+$0x60]  }
0xb6: {  	v3 =	vadd.f32 v3, v6;
	v4 =	vadd.f32 v5, v4;
	v5 =	vld [tilespmem:s26+$0xE0]  }
0xb7: {  	v6 =	vld [tilespmem:s1+$0xA0]  }
0xb8: {  	v3 =	vmul.f32 $2.500000000e-01, v3;
	v4 =	vadd.f32 v8, v4;
	v8 =	vld [tilespmem:s26+$0x160]  }
0xb9: {  	v9 =	vld [tilespmem:s1+$0x120]  }
0xba: {  	[tilespmem:s28+$0xFFFFFF90] =	vst v3;
	v1 =	vadd.f32 v1, v4;
	v3 =	vld [tilespmem:s26+$0x1E0]  }
0xbb: {  	v4 =	vld [tilespmem:s1+$0xFFFFFE20];
	v2 =	vadd.f32 v5, v2  }
0xbc: {  	v5 =	vld [tilespmem:s1+$0x1A0];
	v1 =	vmul.f32 $2.500000000e-01, v1  }
0xbd: {  	v6 =	vadd.f32 v6, v7;
	v10 =	vld [tilespmem:s1+$0xFFFFFEA0];
	v2 =	vadd.f32 v8, v2  }
0xbe: {  	v7 =	vld [tilespmem:s1+$0xFFFFFF20];
	[tilespmem:s30+$0xFFFFFFD0] =	vst v1  }
0xbf: {  	v6 =	vadd.f32 v9, v6;
	v1 =	vld [tilespmem:s1+$0xFFFFFFA0];
	v2 =	vadd.f32 v3, v2  }
0xc0: {  	v3 =	vld [tilespmem:s26+$0xFFFFFE60]  }
0xc1: {  	v5 =	vadd.f32 v5, v6;
	v6 =	vld [tilespmem:s26+$0xFFFFFEE0];
	v2 =	vmul.f32 $2.500000000e-01, v2  }
0xc2: {  	v4 =	vadd.f32 v10, v4;
	v8 =	vld [tilespmem:s26+$0xFFFFFF60]  }
0xc3: {  	v5 =	vmul.f32 $2.500000000e-01, v5;
	v9 =	vld [tilespmem:s26+$0xFFFFFFE0];
	[tilespmem:s30+$0x60] =	vst v2  }
0xc4: {  	v2 =	vadd.f32 v7, v4;
	v4 =	vld [tilespmem:s26+$0x70]  }
0xc5: {  	[tilespmem:s28+$0x20] =	vst v5;
	v5 =	vld [tilespmem:s26+$0xF0]  }
0xc6: {  	v1 =	vadd.f32 v1, v2;
	v2 =	vld [tilespmem:s1+$0x30];
	v3 =	vadd.f32 v6, v3  }
0xc7: {  	v6 =	vld [tilespmem:s26+$0x170]  }
0xc8: {  	v1 =	vmul.f32 $2.500000000e-01, v1;
	v7 =	vld [tilespmem:s1+$0xB0];
	v3 =	vadd.f32 v8, v3  }
0xc9: {  	v8 =	vld [tilespmem:s26+$0x1F0]  }
0xca: {  	[tilespmem:s28+$0xFFFFFFA0] =	vst v1;
	v1 =	vadd.f32 v9, v3;
	v3 =	vadd.f32 v5, v4;
	v5 =	vld [tilespmem:s25+$0xFFFFFFF0];
	s25 =	smov.u32 s26;
	s26 =	smov.u32 s1  }
0xcb: {  	v9 =	vld [tilespmem:s1+$0x130]  }
0xcc: {  	v10 =	vld [tilespmem:s1+$0xFFFFFE30];
	v1 =	vmul.f32 $2.500000000e-01, v1;
	v3 =	vadd.f32 v6, v3  }
0xcd: {  	v6 =	vld [tilespmem:s1+$0x1B0]  }
0xce: {  	v2 =	vadd.f32 v7, v2;
	v11 =	vld [tilespmem:s1+$0xFFFFFEB0];
	[tilespmem:s30+$0xFFFFFFE0] =	vst v1;
	v1 =	vadd.f32 v8, v3  }
.Ltmp0:
0xcf: {  	v4 =	vld [tilespmem:s1+$0xFFFFFF30];
	v5 =	vadd.f32 v5, v0;
	(pc) =	sbr.rel @p0 .LBB2_3-.Ltmp0, $4  }
0xd0: {  	v3 =	vld [tilespmem:s1+$0xFFFFFFB0];
	v2 =	vadd.f32 v9, v2;
	v7 =	vmul.f32 $2.500000000e-01, v1  }
0xd1: {  	v0 =	vld [tilespmem:s25+$0xFFFFFE70];
	v8 =	vmul.f32 $2.500000000e-01, v5  }
0xd2: {  	v5 =	vadd.f32 v6, v2;
	v1 =	vld [tilespmem:s25+$0xFFFFFEF0];
	[tilespmem:s30+$0x70] =	vst v7  }
0xd3: {  	s1 =	sadd.s32 $0x400, s1;
	v6 =	vadd.f32 v11, v10;
	v2 =	vld [tilespmem:s25+$0xFFFFFF70];
	[tilespmem:s24+$0xFFFFFFF0] =	vst v8;
	s24 =	smov.u32 s30;
	s30 =	smov.u32 s28  }
0xd4: {  	_ = 	snop  }
0xd5: {  	v4 =	vadd.f32 v4, v6  }
0xd6: {  	v5 =	vmul.f32 $2.500000000e-01, v5  }
0xd7: {  	v3 =	vadd.f32 v3, v4  }
0xd8: {  	[tilespmem:s28+$0x30] =	vst v5  }
0xd9: {  	v4 =	vld [tilespmem:s26+$0x40];
	v3 =	vmul.f32 $2.500000000e-01, v3  }
0xda: {  	v5 =	vld [tilespmem:s26+$0xC0]  }
0xdb: {  	v6 =	vld [tilespmem:s26+$0x140];
	[tilespmem:s28+$0xFFFFFFB0] =	vst v3  }
0xdc: {  	v3 =	vld [tilespmem:s26+$0xFFFFFE40]  }
0xdd: {  	v7 =	vld [tilespmem:s26+$0xFFFFFEC0]  }
0xde: {  	v8 =	vld [tilespmem:s26+$0x1C0]  }
0xdf: {  	v4 =	vadd.f32 v5, v4;
	v5 =	vld [tilespmem:s26+$0xFFFFFF40];
	_ =	sdelay $0x1  }
0xe0: {  	v4 =	vadd.f32 v6, v4;
	v6 =	vld [tilespmem:s26+$0xFFFFFFC0]  }
0xe1: {  	v3 =	vadd.f32 v7, v3  }
0xe2: {  	v4 =	vadd.f32 v8, v4  }
0xe3: {  	v3 =	vadd.f32 v5, v3  }
0xe4: {  	v4 =	vmul.f32 $2.500000000e-01, v4  }
0xe5: {  	v3 =	vadd.f32 v6, v3  }
0xe6: {  	[tilespmem:s30+$0x40] =	vst v4  }
0xe7: {  	v4 =	vld [tilespmem:s26+$0x50];
	v3 =	vmul.f32 $2.500000000e-01, v3  }
0xe8: {  	v5 =	vld [tilespmem:s26+$0xD0]  }
0xe9: {  	v6 =	vld [tilespmem:s26+$0x150];
	[tilespmem:s30+$0xFFFFFFC0] =	vst v3  }
0xea: {  	v3 =	vld [tilespmem:s26+$0xFFFFFE50]  }
0xeb: {  	v7 =	vld [tilespmem:s26+$0xFFFFFED0]  }
0xec: {  	v8 =	vld [tilespmem:s26+$0x1D0]  }
0xed: {  	v4 =	vadd.f32 v5, v4;
	v5 =	vld [tilespmem:s26+$0xFFFFFF50];
	_ =	sdelay $0x1  }
0xee: {  	v4 =	vadd.f32 v6, v4;
	v6 =	vld [tilespmem:s26+$0xFFFFFFD0]  }
0xef: {  	v3 =	vadd.f32 v7, v3  }
0xf0: {  	v4 =	vadd.f32 v8, v4  }
0xf1: {  	v3 =	vadd.f32 v5, v3  }
0xf2: {  	v4 =	vmul.f32 $2.500000000e-01, v4  }
0xf3: {  	v3 =	vadd.f32 v6, v3  }
0xf4: {  	[tilespmem:s30+$0x50] =	vst v4  }
0xf5: {  	v4 =	vld [tilespmem:s26+$0x60];
	v3 =	vmul.f32 $2.500000000e-01, v3  }
0xf6: {  	v5 =	vld [tilespmem:s26+$0xE0]  }
0xf7: {  	v6 =	vld [tilespmem:s26+$0x160];
	[tilespmem:s30+$0xFFFFFFD0] =	vst v3  }
0xf8: {  	v3 =	vld [tilespmem:s26+$0xFFFFFE60]  }
0xf9: {  	v7 =	vld [tilespmem:s26+$0xFFFFFEE0]  }
0xfa: {  	v8 =	vld [tilespmem:s26+$0x1E0]  }
0xfb: {  	v4 =	vadd.f32 v5, v4;
	v5 =	vld [tilespmem:s26+$0xFFFFFF60];
	_ =	sdelay $0x1  }
0xfc: {  	v4 =	vadd.f32 v6, v4;
	v6 =	vld [tilespmem:s26+$0xFFFFFFE0]  }
0xfd: {  	v3 =	vadd.f32 v7, v3  }
0xfe: {  	v4 =	vadd.f32 v8, v4  }
0xff: {  	v3 =	vadd.f32 v5, v3  }
0x100: {  	v4 =	vmul.f32 $2.500000000e-01, v4  }
0x101: {  	v3 =	vadd.f32 v6, v3  }
0x102: {  	[tilespmem:s30+$0x60] =	vst v4  }
0x103: {  	v4 =	vld [tilespmem:s26+$0x70];
	v3 =	vmul.f32 $2.500000000e-01, v3  }
0x104: {  	v5 =	vld [tilespmem:s26+$0xF0]  }
0x105: {  	v6 =	vld [tilespmem:s26+$0x170];
	[tilespmem:s30+$0xFFFFFFE0] =	vst v3  }
0x106: {  	v3 =	vld [tilespmem:s26+$0xFFFFFE70]  }
0x107: {  	v7 =	vld [tilespmem:s26+$0xFFFFFEF0]  }
0x108: {  	v8 =	vld [tilespmem:s26+$0x1F0]  }
0x109: {  	v9 =	vld [tilespmem:s26+$0xFFFFFF70]  }
0x10a: {  	v4 =	vadd.f32 v5, v4;
	v5 =	vld [tilespmem:s25+$0xFFFFFFF0]  }
0x10b: {  	v0 =	vadd.f32 v1, v0;
	v1 =	vld [tilespmem:s26+$0xFFFFFFF0]  }
0x10c: {  	v4 =	vadd.f32 v6, v4;
	v3 =	vadd.f32 v7, v3  }
0x10d: {  	v0 =	vadd.f32 v2, v0  }
0x10e: {  	v2 =	vadd.f32 v8, v4;
	v3 =	vadd.f32 v9, v3  }
0x10f: {  	v0 =	vadd.f32 v5, v0  }
0x110: {  	v2 =	vmul.f32 $2.500000000e-01, v2;
	v1 =	vadd.f32 v1, v3  }
0x111: {  	s1 =	sshll.u32 s22, $0xD;
	v0 =	vmul.f32 $2.500000000e-01, v0  }
0x112: {  	s1 =	sadd.s32 s8, s1;
	[tilespmem:s30+$0x70] =	vst v2;
	v1 =	vmul.f32 $2.500000000e-01, v1  }
0x113: {  	s1 =	sshrl.u32 s1, $0x3;
	[tilespmem:s24+$0xFFFFFFF0] =	vst v0  }
0x114: {  	s1 =	sadd.s32 s4, s1;
	[tilespmem:s30+$0xFFFFFFF0] =	vst v1  }
0x115: {  	[hbm4b:s1+s3] =	stream.linear.scatter [tilespmem:s19], [sflag:$0x4], $0x1000, $0x38;
	[tilespmem:$0xBC80] =	vst v63  }
0x116: {  	s31 =	smin.u32 s29, $0x11;
	_ =	swait.ge [sflag:s10], $0x1000  }
0x117: {  	s1 =	sshll.u32 s31, $0x7;
	[sflag:s10] =	ssyncset.done $0x0  }
0x118: {  	s1 =	sadd.s32 $0x100, s1;
	[sflag:s10] =	ssyncadd.s32 $0xFFFFF000  }
0x119: {  	[tilespmem:s16], [sflag:$0x1] =	stream.indirect.gather [hbm4b:s2+s15], $0x80, s1, s15, $0xb8;
	[tilespmem:$0xBC80] =	vst v63  }
0x11a: {  	_ =	swait.ge [sflag:s20], $0x4000  }
0x11b: {  	[sflag:s20] =	ssyncset.done $0x0  }
0x11c: {  	s25 =	simm.s32 $0x4E00;
	[sflag:s20] =	ssyncadd.s32 $0xFFFFC000  }
0x11d: {  	v0 =	vld [tilespmem:s25+$0x0]  }
0x11e: {  	v1 =	vld [tilespmem:s25+$0x80];
	_ =	sdelay $0x1  }
0x11f: {  	v2 =	vld [tilespmem:s25+$0x100];
	_ =	sdelay $0x1  }
0x120: {  	v3 =	vld [tilespmem:s25+$0x180]  }
0x121: {  	v0 =	vadd.f32 v1, v0;
	_ =	sdelay $0x1  }
0x122: {  	v0 =	vadd.f32 v2, v0  }
0x123: {  	v1 =	vld [tilespmem:s25+$0xFFFFFE80]  }
0x124: {  	v2 =	vld [tilespmem:s25+$0xFFFFFE00];
	v0 =	vadd.f32 v3, v0;
	_ =	sdelay $0x1  }
0x125: {  	v3 =	vld [tilespmem:s25+$0xFFFFFF00];
	v0 =	vmul.f32 $2.500000000e-01, v0  }
0x126: {  	s24 =	simm.s32 $0x8C80  }
0x127: {  	v4 =	vld [tilespmem:s25+$0xFFFFFF80];
	[tilespmem:s24+$0x0] =	vst v0  }
0x128: {  	v1 =	vadd.f32 v1, v2;
	v0 =	vld [tilespmem:s25+$0x10]  }
0x129: {  	v2 =	vld [tilespmem:s25+$0x90]  }
0x12a: {  	v1 =	vadd.f32 v3, v1  }
0x12b: {  	v3 =	vld [tilespmem:s25+$0x110]  }
0x12c: {  	v1 =	vadd.f32 v4, v1  }
0x12d: {  	v4 =	vld [tilespmem:s25+$0x190]  }
0x12e: {  	v1 =	vmul.f32 $2.500000000e-01, v1;
	v0 =	vadd.f32 v2, v0;
	_ =	sdelay $0x1  }
0x12f: {  	[tilespmem:s24+$0xFFFFFF80] =	vst v1;
	v0 =	vadd.f32 v3, v0  }
0x130: {  	v1 =	vld [tilespmem:s25+$0xFFFFFE10]  }
0x131: {  	v2 =	vld [tilespmem:s25+$0xFFFFFE90];
	v0 =	vadd.f32 v4, v0;
	_ =	sdelay $0x1  }
0x132: {  	v3 =	vld [tilespmem:s25+$0xFFFFFF10];
	v0 =	vmul.f32 $2.500000000e-01, v0;
	_ =	sdelay $0x1  }
0x133: {  	v4 =	vld [tilespmem:s25+$0xFFFFFF90];
	[tilespmem:s24+$0x10] =	vst v0  }
0x134: {  	v1 =	vadd.f32 v2, v1;
	v0 =	vld [tilespmem:s25+$0x20]  }
0x135: {  	v2 =	vld [tilespmem:s25+$0xA0]  }
0x136: {  	v1 =	vadd.f32 v3, v1  }
0x137: {  	v3 =	vld [tilespmem:s25+$0x120]  }
0x138: {  	v1 =	vadd.f32 v4, v1  }
0x139: {  	v4 =	vld [tilespmem:s25+$0x1A0]  }
0x13a: {  	v1 =	vmul.f32 $2.500000000e-01, v1;
	v0 =	vadd.f32 v2, v0;
	_ =	sdelay $0x1  }
0x13b: {  	[tilespmem:s24+$0xFFFFFF90] =	vst v1;
	v0 =	vadd.f32 v3, v0  }
0x13c: {  	v1 =	vld [tilespmem:s25+$0xFFFFFE20]  }
0x13d: {  	v2 =	vld [tilespmem:s25+$0xFFFFFEA0];
	v0 =	vadd.f32 v4, v0;
	_ =	sdelay $0x1  }
0x13e: {  	v3 =	vld [tilespmem:s25+$0xFFFFFF20];
	v0 =	vmul.f32 $2.500000000e-01, v0;
	_ =	sdelay $0x1  }
0x13f: {  	v4 =	vld [tilespmem:s25+$0xFFFFFFA0];
	[tilespmem:s24+$0x20] =	vst v0  }
0x140: {  	v1 =	vadd.f32 v2, v1;
	v0 =	vld [tilespmem:s25+$0x30]  }
0x141: {  	v2 =	vld [tilespmem:s25+$0xB0]  }
0x142: {  	v1 =	vadd.f32 v3, v1  }
0x143: {  	v3 =	vld [tilespmem:s25+$0x130]  }
0x144: {  	v1 =	vadd.f32 v4, v1  }
0x145: {  	v4 =	vld [tilespmem:s25+$0x1B0]  }
0x146: {  	v1 =	vmul.f32 $2.500000000e-01, v1;
	v0 =	vadd.f32 v2, v0  }
0x147: {  	s26 =	simm.s32 $0x5200  }
0x148: {  	v5 =	vld [tilespmem:s26+$0x100];
	[tilespmem:s24+$0xFFFFFFA0] =	vst v1;
	v0 =	vadd.f32 v3, v0  }
0x149: {  	v1 =	vld [tilespmem:s25+$0xFFFFFE30]  }
0x14a: {  	v2 =	vld [tilespmem:s25+$0xFFFFFEB0];
	v0 =	vadd.f32 v4, v0  }
0x14b: {  	v6 =	vld [tilespmem:s26+$0x0]  }
0x14c: {  	v3 =	vld [tilespmem:s25+$0xFFFFFF30];
	v0 =	vmul.f32 $2.500000000e-01, v0  }
0x14d: {  	v7 =	vld [tilespmem:s26+$0x80]  }
0x14e: {  	v4 =	vld [tilespmem:s25+$0xFFFFFFB0];
	[tilespmem:s24+$0x30] =	vst v0  }
0x14f: {  	v0 =	vadd.f32 v2, v1;
	v1 =	vld [tilespmem:s25+$0x40]  }
0x150: {  	v2 =	vld [tilespmem:s25+$0xC0]  }
0x151: {  	v8 =	vld [tilespmem:s25+$0x140];
	v0 =	vadd.f32 v3, v0  }
0x152: {  	v3 =	vld [tilespmem:s26+$0x180]  }
0x153: {  	v60 =	vld [tilespmem:s26+$0xFFFFFE00];
	v6 =	vadd.f32 v7, v6;
	v0 =	vadd.f32 v4, v0  }
0x154: {  	v7 =	vld [tilespmem:s25+$0x1C0]  }
0x155: {  	v5 =	vadd.f32 v5, v6;
	v4 =	vld [tilespmem:s26+$0xFFFFFE80];
	v0 =	vmul.f32 $2.500000000e-01, v0;
	v1 =	vadd.f32 v2, v1  }
0x156: {  	v2 =	vld [tilespmem:s26+$0xFFFFFF00]  }
0x157: {  	v3 =	vadd.f32 v3, v5;
	[tilespmem:s24+$0xFFFFFFB0] =	vst v0;
	v0 =	vld [tilespmem:s26+$0xFFFFFF80];
	v1 =	vadd.f32 v8, v1  }
0x158: {  	v5 =	vld [tilespmem:s25+$0xFFFFFE40]  }
0x159: {  	v3 =	vmul.f32 $2.500000000e-01, v3;
	v6 =	vld [tilespmem:s25+$0xFFFFFEC0];
	v1 =	vadd.f32 v7, v1  }
0x15a: {  	s28 =	simm.s32 $0x8D80;
	v7 =	vld [tilespmem:s25+$0xFFFFFF40]  }
0x15b: {  	v4 =	vadd.f32 v4, v60;
	[tilespmem:s28+$0x0] =	vst v3;
	v3 =	vld [tilespmem:s25+$0xFFFFFFC0];
	v1 =	vmul.f32 $2.500000000e-01, v1  }
0x15c: {  	v8 =	vld [tilespmem:s26+$0x10]  }
0x15d: {  	v2 =	vadd.f32 v2, v4;
	v4 =	vld [tilespmem:s26+$0x90];
	[tilespmem:s24+$0x40] =	vst v1  }
0x15e: {  	v1 =	vld [tilespmem:s25+$0x50]  }
0x15f: {  	v0 =	vadd.f32 v0, v2;
	v2 =	vadd.f32 v6, v5;
	v5 =	vld [tilespmem:s25+$0xD0]  }
0x160: {  	v6 =	vld [tilespmem:s26+$0x110]  }
0x161: {  	v0 =	vmul.f32 $2.500000000e-01, v0;
	v2 =	vadd.f32 v7, v2;
	v7 =	vld [tilespmem:s25+$0x150]  }
0x162: {  	v61 =	vld [tilespmem:s26+$0x190]  }
0x163: {  	[tilespmem:s28+$0xFFFFFF80] =	vst v0;
	v0 =	vadd.f32 v3, v2;
	v2 =	vadd.f32 v4, v8;
	v3 =	vld [tilespmem:s25+$0x1D0]  }
0x164: {  	v4 =	vld [tilespmem:s26+$0xFFFFFE10];
	v1 =	vadd.f32 v5, v1  }
0x165: {  	v0 =	vmul.f32 $2.500000000e-01, v0;
	v5 =	vld [tilespmem:s26+$0xFFFFFE90];
	v2 =	vadd.f32 v6, v2  }
0x166: {  	v6 =	vld [tilespmem:s26+$0xFFFFFF10];
	v1 =	vadd.f32 v7, v1  }
0x167: {  	[tilespmem:s24+$0xFFFFFFC0] =	vst v0;
	v0 =	vld [tilespmem:s26+$0xFFFFFF90];
	v2 =	vadd.f32 v61, v2  }
0x168: {  	v7 =	vld [tilespmem:s25+$0xFFFFFE50];
	v1 =	vadd.f32 v3, v1  }
0x169: {  	v2 =	vmul.f32 $2.500000000e-01, v2;
	v3 =	vld [tilespmem:s25+$0xFFFFFED0]  }
0x16a: {  	v4 =	vadd.f32 v5, v4;
	v5 =	vld [tilespmem:s25+$0xFFFFFF50];
	v1 =	vmul.f32 $2.500000000e-01, v1  }
0x16b: {  	[tilespmem:s28+$0x10] =	vst v2;
	v2 =	vld [tilespmem:s25+$0xFFFFFFD0]  }
0x16c: {  	v4 =	vadd.f32 v6, v4;
	v6 =	vld [tilespmem:s26+$0x20];
	[tilespmem:s24+$0x50] =	vst v1  }
0x16d: {  	v1 =	vld [tilespmem:s25+$0x60]  }
0x16e: {  	v0 =	vadd.f32 v0, v4;
	v4 =	vld [tilespmem:s25+$0xE0]  }
0x16f: {  	v3 =	vadd.f32 v3, v7;
	v7 =	vld [tilespmem:s26+$0xA0]  }
0x170: {  	v8 =	vld [tilespmem:s25+$0x160];
	v0 =	vmul.f32 $2.500000000e-01, v0  }
0x171: {  	v3 =	vadd.f32 v5, v3;
	v5 =	vld [tilespmem:s26+$0x120]  }
0x172: {  	[tilespmem:s28+$0xFFFFFF90] =	vst v0;
	v0 =	vld [tilespmem:s25+$0x1E0]  }
0x173: {  	v2 =	vadd.f32 v2, v3;
	v3 =	vld [tilespmem:s26+$0xFFFFFE20];
	v1 =	vadd.f32 v4, v1  }
0x174: {  	v4 =	vld [tilespmem:s26+$0x1A0]  }
0x175: {  	v62 =	vld [tilespmem:s26+$0xFFFFFEA0];
	v6 =	vadd.f32 v7, v6;
	v2 =	vmul.f32 $2.500000000e-01, v2;
	v1 =	vadd.f32 v8, v1  }
0x176: {  	v7 =	vld [tilespmem:s26+$0xFFFFFF20]  }
0x177: {  	v5 =	vadd.f32 v5, v6;
	[tilespmem:s24+$0xFFFFFFD0] =	vst v2;
	v2 =	vld [tilespmem:s26+$0xFFFFFFA0];
	v0 =	vadd.f32 v0, v1  }
0x178: {  	v1 =	vld [tilespmem:s25+$0xFFFFFE60]  }
0x179: {  	v6 =	vld [tilespmem:s25+$0xFFFFFF60];
	v4 =	vadd.f32 v4, v5;
	v0 =	vmul.f32 $2.500000000e-01, v0  }
0x17a: {  	v5 =	vld [tilespmem:s25+$0xFFFFFEE0];
	v3 =	vadd.f32 v62, v3  }
0x17b: {  	v8 =	vld [tilespmem:s25+$0xFFFFFFE0];
	v4 =	vmul.f32 $2.500000000e-01, v4;
	[tilespmem:s24+$0x60] =	vst v0  }
0x17c: {  	v0 =	vadd.f32 v7, v3;
	v3 =	vld [tilespmem:s25+$0x70]  }
0x17d: {  	[tilespmem:s28+$0x20] =	vst v4;
	v4 =	vld [tilespmem:s25+$0xF0]  }
0x17e: {  	v0 =	vadd.f32 v2, v0;
	v2 =	vld [tilespmem:s26+$0x30]  }
0x17f: {  	v1 =	vadd.f32 v5, v1;
	v5 =	vld [tilespmem:s25+$0x170]  }
0x180: {  	v7 =	vld [tilespmem:s26+$0xB0];
	v0 =	vmul.f32 $2.500000000e-01, v0  }
0x181: {  	v1 =	vadd.f32 v6, v1;
	v6 =	vld [tilespmem:s25+$0x1F0]  }
0x182: {  	v63 =	vld [tilespmem:s26+$0x130];
	[tilespmem:s28+$0xFFFFFFA0] =	vst v0;
	v0 =	vadd.f32 v4, v3  }
0x183: {  	v1 =	vadd.f32 v8, v1;
	v8 =	vld [tilespmem:s26+$0xFFFFFE30]  }
0x184: {  	v0 =	vadd.f32 v5, v0;
	v5 =	vld [tilespmem:s26+$0x1B0]  }
0x185: {  	v10 =	vld [tilespmem:s26+$0xFFFFFEB0];
	v2 =	vadd.f32 v7, v2;
	v1 =	vmul.f32 $2.500000000e-01, v1  }
0x186: {  	v4 =	vld [tilespmem:s26+$0xFFFFFF30];
	v0 =	vadd.f32 v6, v0  }
0x187: {  	v3 =	vld [tilespmem:s26+$0xFFFFFFB0];
	v2 =	vadd.f32 v63, v2;
	[tilespmem:s24+$0xFFFFFFE0] =	vst v1  }
0x188: {  	v1 =	vld [tilespmem:s25+$0xFFFFFEF0];
	v6 =	vmul.f32 $2.500000000e-01, v0  }
0x189: {  	v0 =	vld [tilespmem:s25+$0xFFFFFE70];
	v5 =	vadd.f32 v5, v2  }
0x18a: {  	s29 =	simm.s32 $0x8D80;
	s30 =	simm.s32 $0x2;
	s1 =	simm.s32 $0x5600;
	v2 =	vld [tilespmem:s25+$0xFFFFFF70];
	[tilespmem:s24+$0x70] =	vst v6;
	v6 =	vadd.f32 v10, v8  }
.LBB2_5:
0x18b: {  	v7 =	vld [tilespmem:s1+$0x100];
	v5 =	vmul.f32 $2.500000000e-01, v5  }
0x18c: {  	v8 =	vld [tilespmem:s1+$0x0];
	v4 =	vadd.f32 v4, v6  }
0x18d: {  	v6 =	vld [tilespmem:s1+$0x80];
	[tilespmem:s28+$0x30] =	vst v5  }
0x18e: {  	v3 =	vadd.f32 v3, v4;
	v4 =	vld [tilespmem:s26+$0x40];
	v0 =	vadd.f32 v1, v0  }
0x18f: {  	v1 =	vld [tilespmem:s26+$0xC0]  }
0x190: {  	v5 =	vld [tilespmem:s1+$0x180];
	v3 =	vmul.f32 $2.500000000e-01, v3;
	v0 =	vadd.f32 v2, v0  }
0x191: {  	v2 =	vld [tilespmem:s26+$0x140]  }
0x192: {  	v9 =	vld [tilespmem:s1+$0xFFFFFE80];
	v6 =	vadd.f32 v6, v8;
	[tilespmem:s28+$0xFFFFFFB0] =	vst v3  }
0x193: {  	v3 =	vld [tilespmem:s26+$0x1C0]  }
0x194: {  	v8 =	vld [tilespmem:s1+$0xFFFFFE00];
	v6 =	vadd.f32 v7, v6;
	v1 =	vadd.f32 v1, v4  }
0x195: {  	v4 =	vld [tilespmem:s1+$0xFFFFFF00]  }
0x196: {  	v7 =	vld [tilespmem:s1+$0xFFFFFF80];
	v5 =	vadd.f32 v5, v6;
	v1 =	vadd.f32 v2, v1  }
0x197: {  	v2 =	vld [tilespmem:s26+$0xFFFFFE40]  }
0x198: {  	v5 =	vmul.f32 $2.500000000e-01, v5;
	v6 =	vld [tilespmem:s26+$0xFFFFFEC0];
	v1 =	vadd.f32 v3, v1  }
0x199: {  	s28 =	sadd.s32 $0x100, s28;
	v3 =	vadd.f32 v9, v8;
	v8 =	vld [tilespmem:s26+$0xFFFFFF40]  }
0x19a: {  	s30 =	sadd.s32 $0x2, s30;
	[tilespmem:s28+$0x0] =	vst v5;
	v5 =	vld [tilespmem:s26+$0xFFFFFFC0];
	v1 =	vmul.f32 $2.500000000e-01, v1  }
0x19b: {  	p0 =	slt.u32 s30, $0x1E;
	v3 =	vadd.f32 v4, v3;
	v4 =	vld [tilespmem:s1+$0x10]  }
0x19c: {  	v9 =	vld [tilespmem:s1+$0x90];
	[tilespmem:s29+$0x40] =	vst v1  }
0x19d: {  	v1 =	vadd.f32 v7, v3;
	v2 =	vadd.f32 v6, v2;
	v3 =	vld [tilespmem:s26+$0x50]  }
0x19e: {  	v6 =	vld [tilespmem:s26+$0xD0]  }
0x19f: {  	v1 =	vmul.f32 $2.500000000e-01, v1;
	v7 =	vld [tilespmem:s1+$0x110];
	v2 =	vadd.f32 v8, v2  }
0x1a0: {  	v8 =	vld [tilespmem:s26+$0x150]  }
0x1a1: {  	[tilespmem:s28+$0xFFFFFF80] =	vst v1;
	v1 =	vld [tilespmem:s1+$0x190];
	v2 =	vadd.f32 v5, v2  }
0x1a2: {  	v4 =	vadd.f32 v9, v4;
	v5 =	vld [tilespmem:s26+$0x1D0]  }
0x1a3: {  	v9 =	vld [tilespmem:s1+$0xFFFFFE10];
	v2 =	vmul.f32 $2.500000000e-01, v2;
	v3 =	vadd.f32 v6, v3  }
0x1a4: {  	v6 =	vld [tilespmem:s1+$0xFFFFFE90];
	v4 =	vadd.f32 v7, v4  }
0x1a5: {  	v7 =	vld [tilespmem:s1+$0xFFFFFF10];
	[tilespmem:s29+$0xFFFFFFC0] =	vst v2;
	v2 =	vadd.f32 v8, v3  }
0x1a6: {  	v3 =	vld [tilespmem:s1+$0xFFFFFF90];
	v1 =	vadd.f32 v1, v4  }
0x1a7: {  	v4 =	vld [tilespmem:s26+$0xFFFFFE50];
	v2 =	vadd.f32 v5, v2  }
0x1a8: {  	v1 =	vmul.f32 $2.500000000e-01, v1;
	v5 =	vld [tilespmem:s26+$0xFFFFFED0]  }
0x1a9: {  	v6 =	vadd.f32 v6, v9;
	v8 =	vld [tilespmem:s26+$0xFFFFFF50];
	v2 =	vmul.f32 $2.500000000e-01, v2  }
0x1aa: {  	[tilespmem:s28+$0x10] =	vst v1;
	v1 =	vld [tilespmem:s26+$0xFFFFFFD0]  }
0x1ab: {  	v6 =	vadd.f32 v7, v6;
	v7 =	vld [tilespmem:s1+$0x20];
	[tilespmem:s29+$0x50] =	vst v2  }
0x1ac: {  	v2 =	vld [tilespmem:s26+$0x60]  }
0x1ad: {  	v3 =	vadd.f32 v3, v6;
	v4 =	vadd.f32 v5, v4;
	v5 =	vld [tilespmem:s26+$0xE0]  }
0x1ae: {  	v6 =	vld [tilespmem:s1+$0xA0]  }
0x1af: {  	v3 =	vmul.f32 $2.500000000e-01, v3;
	v4 =	vadd.f32 v8, v4;
	v8 =	vld [tilespmem:s26+$0x160]  }
0x1b0: {  	v9 =	vld [tilespmem:s1+$0x120]  }
0x1b1: {  	[tilespmem:s28+$0xFFFFFF90] =	vst v3;
	v1 =	vadd.f32 v1, v4;
	v3 =	vld [tilespmem:s26+$0x1E0]  }
0x1b2: {  	v4 =	vld [tilespmem:s1+$0xFFFFFE20];
	v2 =	vadd.f32 v5, v2  }
0x1b3: {  	v5 =	vld [tilespmem:s1+$0x1A0];
	v1 =	vmul.f32 $2.500000000e-01, v1  }
0x1b4: {  	v6 =	vadd.f32 v6, v7;
	v10 =	vld [tilespmem:s1+$0xFFFFFEA0];
	v2 =	vadd.f32 v8, v2  }
0x1b5: {  	v7 =	vld [tilespmem:s1+$0xFFFFFF20];
	[tilespmem:s29+$0xFFFFFFD0] =	vst v1  }
0x1b6: {  	v6 =	vadd.f32 v9, v6;
	v1 =	vld [tilespmem:s1+$0xFFFFFFA0];
	v2 =	vadd.f32 v3, v2  }
0x1b7: {  	v3 =	vld [tilespmem:s26+$0xFFFFFE60]  }
0x1b8: {  	v5 =	vadd.f32 v5, v6;
	v6 =	vld [tilespmem:s26+$0xFFFFFEE0];
	v2 =	vmul.f32 $2.500000000e-01, v2  }
0x1b9: {  	v4 =	vadd.f32 v10, v4;
	v8 =	vld [tilespmem:s26+$0xFFFFFF60]  }
0x1ba: {  	v5 =	vmul.f32 $2.500000000e-01, v5;
	v9 =	vld [tilespmem:s26+$0xFFFFFFE0];
	[tilespmem:s29+$0x60] =	vst v2  }
0x1bb: {  	v2 =	vadd.f32 v7, v4;
	v4 =	vld [tilespmem:s26+$0x70]  }
0x1bc: {  	[tilespmem:s28+$0x20] =	vst v5;
	v5 =	vld [tilespmem:s26+$0xF0]  }
0x1bd: {  	v1 =	vadd.f32 v1, v2;
	v2 =	vld [tilespmem:s1+$0x30];
	v3 =	vadd.f32 v6, v3  }
0x1be: {  	v6 =	vld [tilespmem:s26+$0x170]  }
0x1bf: {  	v1 =	vmul.f32 $2.500000000e-01, v1;
	v7 =	vld [tilespmem:s1+$0xB0];
	v3 =	vadd.f32 v8, v3  }
0x1c0: {  	v8 =	vld [tilespmem:s26+$0x1F0]  }
0x1c1: {  	[tilespmem:s28+$0xFFFFFFA0] =	vst v1;
	v1 =	vadd.f32 v9, v3;
	v3 =	vadd.f32 v5, v4;
	v5 =	vld [tilespmem:s25+$0xFFFFFFF0];
	s25 =	smov.u32 s26;
	s26 =	smov.u32 s1  }
0x1c2: {  	v9 =	vld [tilespmem:s1+$0x130]  }
0x1c3: {  	v10 =	vld [tilespmem:s1+$0xFFFFFE30];
	v1 =	vmul.f32 $2.500000000e-01, v1;
	v3 =	vadd.f32 v6, v3  }
0x1c4: {  	v6 =	vld [tilespmem:s1+$0x1B0]  }
0x1c5: {  	v2 =	vadd.f32 v7, v2;
	v11 =	vld [tilespmem:s1+$0xFFFFFEB0];
	[tilespmem:s29+$0xFFFFFFE0] =	vst v1;
	v1 =	vadd.f32 v8, v3  }
.Ltmp1:
0x1c6: {  	v4 =	vld [tilespmem:s1+$0xFFFFFF30];
	v5 =	vadd.f32 v5, v0;
	(pc) =	sbr.rel @p0 .LBB2_5-.Ltmp1, $4  }
0x1c7: {  	v3 =	vld [tilespmem:s1+$0xFFFFFFB0];
	v2 =	vadd.f32 v9, v2;
	v7 =	vmul.f32 $2.500000000e-01, v1  }
0x1c8: {  	v0 =	vld [tilespmem:s25+$0xFFFFFE70];
	v8 =	vmul.f32 $2.500000000e-01, v5  }
0x1c9: {  	v5 =	vadd.f32 v6, v2;
	v1 =	vld [tilespmem:s25+$0xFFFFFEF0];
	[tilespmem:s29+$0x70] =	vst v7  }
0x1ca: {  	s1 =	sadd.s32 $0x400, s1;
	v6 =	vadd.f32 v11, v10;
	v2 =	vld [tilespmem:s25+$0xFFFFFF70];
	[tilespmem:s24+$0xFFFFFFF0] =	vst v8;
	s24 =	smov.u32 s29;
	s29 =	smov.u32 s28  }
0x1cb: {  	_ = 	snop  }
0x1cc: {  	v4 =	vadd.f32 v4, v6  }
0x1cd: {  	v5 =	vmul.f32 $2.500000000e-01, v5  }
0x1ce: {  	v3 =	vadd.f32 v3, v4  }
0x1cf: {  	[tilespmem:s28+$0x30] =	vst v5  }
0x1d0: {  	v41 =	vld [tilespmem:s26+$0x40];
	v3 =	vmul.f32 $2.500000000e-01, v3  }
0x1d1: {  	v5 =	vld [tilespmem:s26+$0xC0]  }
0x1d2: {  	v42 =	vld [tilespmem:s26+$0x140];
	[tilespmem:s28+$0xFFFFFFB0] =	vst v3  }
0x1d3: {  	v3 =	vld [tilespmem:s26+$0xFFFFFE40]  }
0x1d4: {  	v7 =	vld [tilespmem:s26+$0xFFFFFEC0]  }
0x1d5: {  	v8 =	vld [tilespmem:s26+$0x1C0]  }
0x1d6: {  	v4 =	vadd.f32 v5, v41;
	v43 =	vld [tilespmem:s26+$0xFFFFFF40];
	_ =	sdelay $0x1  }
0x1d7: {  	v44 =	vld [tilespmem:s26+$0xFFFFFFC0];
	v4 =	vadd.f32 v42, v4  }
0x1d8: {  	v3 =	vadd.f32 v7, v3  }
0x1d9: {  	v4 =	vadd.f32 v8, v4  }
0x1da: {  	v3 =	vadd.f32 v43, v3  }
0x1db: {  	v4 =	vmul.f32 $2.500000000e-01, v4  }
0x1dc: {  	v3 =	vadd.f32 v44, v3  }
0x1dd: {  	[tilespmem:s29+$0x40] =	vst v4  }
0x1de: {  	v4 =	vld [tilespmem:s26+$0x50];
	v3 =	vmul.f32 $2.500000000e-01, v3  }
0x1df: {  	v45 =	vld [tilespmem:s26+$0xD0]  }
0x1e0: {  	v46 =	vld [tilespmem:s26+$0x150];
	[tilespmem:s29+$0xFFFFFFC0] =	vst v3  }
0x1e1: {  	v3 =	vld [tilespmem:s26+$0xFFFFFE50]  }
0x1e2: {  	v47 =	vld [tilespmem:s26+$0xFFFFFED0]  }
0x1e3: {  	v48 =	vld [tilespmem:s26+$0x1D0]  }
0x1e4: {  	v4 =	vadd.f32 v45, v4;
	v49 =	vld [tilespmem:s26+$0xFFFFFF50];
	_ =	sdelay $0x1  }
0x1e5: {  	v50 =	vld [tilespmem:s26+$0xFFFFFFD0];
	v4 =	vadd.f32 v46, v4  }
0x1e6: {  	v3 =	vadd.f32 v47, v3  }
0x1e7: {  	v4 =	vadd.f32 v48, v4  }
0x1e8: {  	v3 =	vadd.f32 v49, v3  }
0x1e9: {  	v4 =	vmul.f32 $2.500000000e-01, v4  }
0x1ea: {  	v3 =	vadd.f32 v50, v3  }
0x1eb: {  	[tilespmem:s29+$0x50] =	vst v4  }
0x1ec: {  	v4 =	vld [tilespmem:s26+$0x60];
	v3 =	vmul.f32 $2.500000000e-01, v3  }
0x1ed: {  	v51 =	vld [tilespmem:s26+$0xE0]  }
0x1ee: {  	v52 =	vld [tilespmem:s26+$0x160];
	[tilespmem:s29+$0xFFFFFFD0] =	vst v3  }
0x1ef: {  	v3 =	vld [tilespmem:s26+$0xFFFFFE60]  }
0x1f0: {  	v53 =	vld [tilespmem:s26+$0xFFFFFEE0]  }
0x1f1: {  	v54 =	vld [tilespmem:s26+$0x1E0]  }
0x1f2: {  	v55 =	vld [tilespmem:s26+$0xFFFFFF60]  }
0x1f3: {  	v4 =	vadd.f32 v51, v4  }
0x1f4: {  	v56 =	vld [tilespmem:s26+$0xFFFFFFE0]  }
0x1f5: {  	v4 =	vadd.f32 v52, v4;
	v3 =	vadd.f32 v53, v3;
	_ =	sdelay $0x1  }
0x1f6: {  	v4 =	vadd.f32 v54, v4;
	v3 =	vadd.f32 v55, v3;
	_ =	sdelay $0x1  }
0x1f7: {  	v4 =	vmul.f32 $2.500000000e-01, v4;
	v3 =	vadd.f32 v56, v3;
	_ =	sdelay $0x1  }
0x1f8: {  	v61 =	vld [tilespmem:s25+$0xFFFFFFF0];
	[tilespmem:s29+$0x60] =	vst v4;
	v3 =	vmul.f32 $2.500000000e-01, v3  }
0x1f9: {  	v4 =	vld [tilespmem:s26+$0x70]  }
0x1fa: {  	v57 =	vld [tilespmem:s26+$0xF0];
	[tilespmem:s29+$0xFFFFFFE0] =	vst v3  }
0x1fb: {  	v3 =	vld [tilespmem:s26+$0xFFFFFE70]  }
0x1fc: {  	v59 =	vld [tilespmem:s26+$0xFFFFFEF0]  }
0x1fd: {  	v58 =	vld [tilespmem:s26+$0x170]  }
0x1fe: {  	v9 =	vld [tilespmem:s26+$0xFFFFFF70]  }
0x1ff: {  	v0 =	vadd.f32 v1, v0;
	v60 =	vld [tilespmem:s26+$0x1F0]  }
0x200: {  	v4 =	vadd.f32 v57, v4;
	v62 =	vld [tilespmem:s26+$0xFFFFFFF0]  }
0x201: {  	v0 =	vadd.f32 v2, v0;
	v3 =	vadd.f32 v59, v3  }
0x202: {  	v4 =	vadd.f32 v58, v4  }
0x203: {  	v0 =	vadd.f32 v61, v0;
	v3 =	vadd.f32 v9, v3  }
0x204: {  	v63 =	vadd.f32 v60, v4  }
0x205: {  	v0 =	vmul.f32 $2.500000000e-01, v0;
	v1 =	vadd.f32 v62, v3  }
0x206: {  	s1 =	sshll.u32 s23, $0xC;
	v2 =	vmul.f32 $2.500000000e-01, v63  }
0x207: {  	s22 =	sadd.s32 $0x1, s22;
	s1 =	sadd.s32 s8, s1;
	[tilespmem:s24+$0xFFFFFFF0] =	vst v0;
	v1 =	vmul.f32 $2.500000000e-01, v1  }
0x208: {  	p0 =	sne.s32 s22, $0xA;
	s1 =	sshrl.u32 s1, $0x3;
	[tilespmem:s29+$0x70] =	vst v2  }
.Ltmp2:
0x209: {  	s1 =	sadd.s32 s4, s1;
	[tilespmem:s29+$0xFFFFFFF0] =	vst v1;
	(pc) =	sbr.rel @p0 .LBB2_2-.Ltmp2, $4  }
0x20a: {  	[hbm4b:s1+s3] =	stream.linear.scatter [tilespmem:s19], [sflag:$0x4], $0x1000, $0x38;
	[tilespmem:$0xBC80] =	vst v63  }
0x20b: {  	_ =	swait.ge [sflag:s10], $0x1000  }
0x20c: {  	[sflag:s10] =	ssyncset.done $0x0  }
0x20d: {  	[sflag:s10] =	ssyncadd.s32 $0xFFFFF000  }
0x20e: {  	s21 =	sadd.s32 $0x1, s21  }
0x20f: {  	p0 =	sne.s32 s21, s9  }
.Ltmp3:
0x210: {  	_ = 	snop;
	(pc) =	sbr.rel @p0 .LBB2_1-.Ltmp3, $4  }
0x211: {  	_ = 	snop  }
0x212: {  	_ =	swait.ge [sflag:s18], $0x4000  }
0x213: {  	[sflag:s18] =	ssyncset.done $0x0  }
0x214: {  	[sflag:s18] =	ssyncadd.s32 $0xFFFFC000  }
0x215: {  	_ =	sfence.sel $0x180000  }
0x216: {  	[bflag:$0x0] =	sbarrier.arrive $0xFFFF  }
0x217: {  	_ =	strace $0x9000004A  }
0x218: {  	[bflag:$0x2] =	sbarrier.arrive $0xFFFF  }
0x219: {  	p0 =	sne.s32 s0, $0x0;
	s0 =	rddreg [dreg:$0x2]  }
0x21a: {  	s0 =	sadd.s32 @!p0 $0x100000, s0  }
0x21b: {  	[sflag:s0] =	ssyncadd.tile.s32 @!p0 $0x1;
	_ =	shalt  }
.Lfunc_end2:
_tile_overlayer_lowered:
.L_overlay_start_2:
0x21c: {  	(tag) =	ssettag $0x2  }
0x21d: {  	s0 =	rddreg [dreg:$0x0];
	s2 =	stileid.u32  }
0x21e: {  	s1 =	rddreg [dreg:$0x1];
	p0 =	sne.s32 s2, $0x0  }
0x21f: {  	s3 =	rddreg [dreg:$0x2];
	[bflag:$0x3] =	sbarrier.arrive $0xFFFF;
	s2 =	simm.s32 @!p0 $0x1C04  }
0x220: {  	[timem:s3], [sflag:s2] =	dma.local @!p0 [hbm:s0], s1  }
0x221: {  	s0 =	simm.s32 @!p0 $0x4  }
0x222: {  	_ =	swait.ge @!p0 [sflag:s0], s1  }
0x223: {  	s1 =	ssub.s32 @!p0 $0x0, s1;
	[sflag:s0] =	ssyncset.done @!p0 $0x0  }
0x224: {  	[sflag:s0] =	ssyncadd.s32 @!p0 s1  }
0x225: {  	[bflag:$0x3] =	sbarrier.arrive $0xFFFF  }
0x226: {  	_ =	shalt  }

// kernel: kernel.9.cloned.1.call-start
scs
__scs_entry_jumppad:
0x0: {  	(pc) =	sbr.rel $0x88, $3  }
0x1: {  	(tag) =	ssettag $0x0;
	lr =	simm.s32 $0x1  }
0x2: {  	[smem:$0x3F90] =	sst lr;
	_ =	strace $0xD0000000  }
0x3: {  	_ = 	snop  }
0x4: {  	_ = 	snop  }
0x5: {  	_ = 	snop  }
0x6: {  	_ = 	snop  }
0x7: {  	_ = 	snop  }
__scs_overlays_trampoline_lowered:
0x8: {  	[smem:$0x3F9F] =	sst s0  }
0x9: {  	[smem:$0x3FA0] =	sst s1  }
0xa: {  	[smem:$0x3FA1] =	sst s2  }
0xb: {  	[smem:$0x3FA2] =	sst s3  }
0xc: {  	[smem:$0x3FA3] =	sst s4  }
0xd: {  	[smem:$0x3FA4] =	sst s5  }
0xe: {  	[smem:$0x3FA5] =	sst s6  }
0xf: {  	[smem:$0x3FA6] =	sst s7  }
0x10: {  	[smem:$0x3FA7] =	sst s8  }
0x11: {  	[smem:$0x3FA8] =	sst s9;
	s0 =	simm.s32 @!p0 $0x0  }
0x12: {  	s1 =	sld [smem:$0x3F8E];
	s0 =	simm.s32 @p0 $0x1  }
0x13: {  	[smem:$0x3FA9] =	sst s0;
	s0 =	simm.s32 @!p1 $0x0  }
0x14: {  	s2 =	sld [smem:$0x3F8D];
	s0 =	simm.s32 @p1 $0x1  }
0x15: {  	[smem:$0x3FAA] =	sst s0;
	s0 =	simm.s32 @!p2 $0x0  }
0x16: {  	s3 =	sld [smem:$0x3FDB];
	s0 =	simm.s32 @p2 $0x1  }
0x17: {  	s4 =	simm.s32 $0x1BF5;
	[smem:$0x3FAC] =	sst s0  }
0x18: {  	s0 =	sld [smem:$0x3F8F];
	_ =	swait.ge [sflag:s4], $0x0  }
0x19: {  	s7 =	sld [smem:$0x3F90]  }
0x1a: {  	s8 =	sadd.s32 $0xFFFFE003, lr  }
0x1b: {  	s9 =	sadd.s32 $0xFFFFFEF7, lr;
	s5 =	simm.s32 $0xFFFFFFFF;
	p2 =	slt.u32 s8, $0xFFFFF086  }
0x1c: {  	p1 =	slt.u32 s9, $0xF7A;
	s5 =	simm.s32 @!p2 $0x0  }
0x1d: {  	s5 =	simm.s32 @p1 $0x1;
	p0 =	seq.s32 s7, s2  }
0x1e: {  	s7 =	smul.u32 @!p0 $0xF7A, s2;
	p2 =	seq.s32 @!p0 s5, $0x0  }
0x1f: {  	s9 =	smul.u32 $0xF7A, s1;
	s8 =	simm.s32 @!p0 $0x1BF5;
	p2 =	por !p2, p0  }
0x20: {  	[sflag:s8] =	ssyncset.s32 @!p0 $0xFFFFF086;
	s6 =	sadd.s32 @!p0 s3, s7;
	s7 =	simm.s32 @!p0 $0x108  }
0x21: {  	s3 =	sadd.s32 s3, s9;
	s6 =	sadd.s32 @!p0 $0x88, s6;
	s7 =	simm.s32 @p2 $0x1082  }
0x22: {  	[simem:s7], [sflag:s8] =	dma.local @!p0 [hbm:s6], $0xF7A  }
0x23: {  	s9 =	sor.u32 $0xD0000000, s2;
	s6 =	simm.s32 $0x108;
	_ =	swait.ge @!p0 [sflag:s8], $0x0  }
0x24: {  	s3 =	sadd.s32 $0x88, s3;
	s6 =	simm.s32 @!p1 $0x1082;
	[sflag:s4] =	ssyncset.s32 $0xFFFFF086  }
0x25: {  	[simem:s6], [sflag:s4] =	dma.local [hbm:s3], $0xF7A  }
0x26: {  	[smem:$0x3F90] =	sst s1;
	(tag) =	ssettag s2;
	_ =	strace s9  }
0x27: {  	s1 =	sld [smem:$0x3FA0]  }
0x28: {  	s2 =	sld [smem:$0x3FA1]  }
0x29: {  	s4 =	sld [smem:$0x3FA3]  }
0x2a: {  	p0 =	seq.s32 s5, $0x0;
	s5 =	sld [smem:$0x3FA4]  }
0x2b: {  	s6 =	sld [smem:$0x3FA5]  }
0x2c: {  	s7 =	sld [smem:$0x3FA6]  }
0x2d: {  	s3 =	simm.s32 $0x108;
	s8 =	sld [smem:$0x3FA7]  }
0x2e: {  	s3 =	simm.s32 @!p0 $0x1082;
	s9 =	sld [smem:$0x3FA8]  }
0x2f: {  	lr =	sadd.s32 s0, s3;
	s0 =	sld [smem:$0x3F9F]  }
0x30: {  	s3 =	sld [smem:$0x3FA2]  }
0x31: {  	[smem:$0x3FAB] =	sst s10  }
0x32: {  	s10 =	sld [smem:$0x3FA9];
	_ =	sdelay $0x3  }
0x33: {  	p0 =	seq.s32 s10, $0x1;
	s10 =	sld [smem:$0x3FAB];
	_ =	sdelay $0x3  }
0x34: {  	[smem:$0x3FAB] =	sst s10  }
0x35: {  	s10 =	sld [smem:$0x3FAA];
	_ =	sdelay $0x3  }
0x36: {  	p1 =	seq.s32 s10, $0x1;
	s10 =	sld [smem:$0x3FAB];
	_ =	sdelay $0x3  }
0x37: {  	[smem:$0x3FAB] =	sst s10  }
0x38: {  	s10 =	sld [smem:$0x3FAC]  }
0x39: {  	_ = 	snop;
	(pc) =	sbr.ind lr, $3  }
0x3a: {  	_ = 	snop  }
0x3b: {  	_ = 	snop  }
0x3c: {  	p2 =	seq.s32 s10, $0x1;
	s10 =	sld [smem:$0x3FAB]  }
0x3d: {  	_ =	shalt  }
0x3e: {  	_ =	shalt  }
0x3f: {  	_ =	shalt  }
0x40: {  	_ =	shalt  }
0x41: {  	_ =	shalt  }
0x42: {  	_ =	shalt  }
0x43: {  	_ =	shalt  }
0x44: {  	_ =	shalt  }
0x45: {  	_ =	shalt  }
0x46: {  	_ =	shalt  }
0x47: {  	_ =	shalt  }
0x48: {  	_ =	shalt  }
0x49: {  	_ =	shalt  }
0x4a: {  	_ =	shalt  }
0x4b: {  	_ =	shalt  }
0x4c: {  	_ =	shalt  }
0x4d: {  	_ =	shalt  }
0x4e: {  	_ =	shalt  }
0x4f: {  	_ =	shalt  }
0x50: {  	_ =	shalt  }
0x51: {  	_ =	shalt  }
0x52: {  	_ =	shalt  }
0x53: {  	_ =	shalt  }
0x54: {  	_ =	shalt  }
0x55: {  	_ =	shalt  }
0x56: {  	_ =	shalt  }
0x57: {  	_ =	shalt  }
0x58: {  	_ =	shalt  }
0x59: {  	_ =	shalt  }
0x5a: {  	_ =	shalt  }
0x5b: {  	_ =	shalt  }
0x5c: {  	_ =	shalt  }
0x5d: {  	_ =	shalt  }
0x5e: {  	_ =	shalt  }
0x5f: {  	_ =	shalt  }
0x60: {  	_ =	shalt  }
0x61: {  	_ =	shalt  }
0x62: {  	_ =	shalt  }
0x63: {  	_ =	shalt  }
0x64: {  	_ =	shalt  }
0x65: {  	_ =	shalt  }
0x66: {  	_ =	shalt  }
0x67: {  	_ =	shalt  }
0x68: {  	_ =	shalt  }
0x69: {  	_ =	shalt  }
0x6a: {  	_ =	shalt  }
0x6b: {  	_ =	shalt  }
0x6c: {  	_ =	shalt  }
0x6d: {  	_ =	shalt  }
0x6e: {  	_ =	shalt  }
0x6f: {  	_ =	shalt  }
0x70: {  	_ =	shalt  }
0x71: {  	_ =	shalt  }
0x72: {  	_ =	shalt  }
0x73: {  	_ =	shalt  }
0x74: {  	_ =	shalt  }
0x75: {  	_ =	shalt  }
0x76: {  	_ =	shalt  }
0x77: {  	_ =	shalt  }
0x78: {  	_ =	shalt  }
0x79: {  	_ =	shalt  }
0x7a: {  	_ =	shalt  }
0x7b: {  	_ =	shalt  }
0x7c: {  	_ =	shalt  }
0x7d: {  	_ =	shalt  }
0x7e: {  	_ =	shalt  }
0x7f: {  	_ =	shalt  }
0x80: {  	_ =	shalt  }
0x81: {  	_ =	shalt  }
0x82: {  	_ =	shalt  }
0x83: {  	_ =	shalt  }
0x84: {  	_ =	shalt  }
0x85: {  	_ =	shalt  }
0x86: {  	_ =	shalt  }
0x87: {  	_ =	shalt  }
.Lfunc_end0:
.L_simem_size_0:
called_computation.1_lowered:
.L_overlay_start_0:
0x88: {  	s2 =	sld [smem:$0x3FD9]  }
0x89: {  	s3 =	sld [smem:$0x3FFE];
	_ =	sdelay $0x1  }
0x8a: {  	s1 =	srdreg.scid  }
0x8b: {  	s0 =	sand.u32 $0x1, s1  }
0x8c: {  	s17 =	sshll.u32 s0, $0xA;
	s2 =	sadd.s32 s3, s2  }
0x8d: {  	s2 =	sadd.s32 s2, s17  }
0x8e: {  	[smem:$0x3FB7] =	sst s2  }
0x8f: {  	_ = 	snop  }
0x90: {  	s2 =	sld [smem:$0x3FC6];
	(tm) =	ssettm $0x1  }
0x91: {  	s18 =	sld [smem:$0x3FFB];
	_ =	sdelay $0x3  }
0x92: {  	_ =	strace s18  }
0x93: {  	s3 =	sld [smem:$0x3FFC];
	_ =	sdelay $0x3  }
0x94: {  	_ =	strace s3  }
0x95: {  	s3 =	sld [smem:$0x3FFD];
	_ =	sdelay $0x3  }
0x96: {  	_ =	strace s3  }
0x97: {  	_ =	strace $0x8FFFFFFF  }
0x98: {  	s19 =	sld [smem:$0x3FDB];
	_ =	sdelay $0x1  }
0x99: {  	s4 =	simm.s32 $_scs_section_size  }
0x9a: {  	s5 =	simm.s32 $_size__tile_overlayer_lowered;
	s6 =	simm.s32 $_tile_overlayer_lowered  }
0x9b: {  	s22 =	simm.s32 $0x1BFF;
	s21 =	sshll.u32 s6, $0x1;
	s3 =	sadd.s32 s4, s19  }
0x9c: {  	s7 =	simm.s32 $0x0;
	s20 =	sshll.u32 s5, $0x1;
	s5 =	sadd.s32 s21, s3  }
0x9d: {  	[timem:s7], [sflag:s22] =	dma.local [hbm:s5], s20  }
0x9e: {  	_ =	swait.ge [sflag:s22], s20  }
0x9f: {  	s4 =	ssub.s32 $0x0, s20;
	[sflag:s22] =	ssyncset.done $0x0  }
0xa0: {  	[sflag:s22] =	ssyncadd.s32 s4;
	_ =	sdelay $0x1  }
0xa1: {  	s23 =	simm.s32 $0x1B8B  }
0xa2: {  	_ =	swait.ge [sflag:s23], $0x1  }
0xa3: {  	[sflag:s23] =	ssyncset.done $0x0  }
0xa4: {  	s25 =	simm.s32 $0x1B8E;
	s24 =	sld [smem:$0x3FFE];
	[sflag:s23] =	ssyncadd.s32 $0xFFFFFFFF  }
0xa5: {  	s26 =	simm.s32 $execute0_lowered;
	[smem:$0x3FD2] =	sst s25  }
0xa6: {  	s5 =	sshll.u32 s26, $0x1;
	_ =	strace $0x80000046;
	[dreg:$0x1] =	wrdreg $0xFFFFFFFF  }
0xa7: {  	s28 =	simm.s32 $_size_execute0_lowered;
	s3 =	sadd.s32 s3, s5;
	[dreg:$0x0] =	wrdreg $0x0  }
0xa8: {  	s5 =	sshll.u32 s28, $0x1;
	[dreg:$0x2] =	wrdreg s3  }
0xa9: {  	[dreg:$0x3] =	wrdreg s5  }
0xaa: {  	[dreg:$0x4] =	wrdreg $0xC0  }
0xab: {  	_ =	task [dreg:s7], $0x5FFFF  }
0xac: {  	[dreg:$0x1] =	wrdreg $0xFFFFFFFF  }
0xad: {  	[dreg:$0x0] =	wrdreg $0x60  }
0xae: {  	[dreg:$0x2] =	wrdreg s2  }
0xaf: {  	[dreg:$0x3] =	wrdreg s24  }
0xb0: {  	[dreg:$0x4] =	wrdreg $0xA  }
0xb1: {  	_ =	task.clear_ibuf [dreg:s7], $0x5FFFF;
	_ =	strace $0x90000046  }
0xb2: {  	s29 =	simm.s32 $0xA;
	_ =	strace $0x80000048  }
0xb3: {  	_ =	swait.ge [sflag:s29], $0x1  }
0xb4: {  	[sflag:s29] =	ssyncadd.s32 $0xFFFFFFFF  }
0xb5: {  	_ =	strace $0x90000048  }
0xb6: {  	_ =	sfence  }
0xb7: {  	s30 =	sld [smem:$0x0];
	_ =	sdelay $0x2  }
0xb8: {  	s31 =	sshll.u32 s1, $0xD;
	s1 =	sshrl.u32 s1, $0x2  }
0xb9: {  	s3 =	sand.u32 $0x4000, s31;
	s1 =	sadd.s32 s1, s30  }
0xba: {  	s0 =	sor.u32 s3, s0;
	s1 =	sshll.u32 s1, $0x11  }
0xbb: {  	s0 =	sor.u32 s1, s0  }
0xbc: {  	s0 =	sadd.s32 $0x8F2B, s0  }
0xbd: {  	[sflag:s0] =	ssyncadd.remote.s32 $0x1  }
0xbe: {  	_ =	sfence.sel $0xFFFF  }
0xbf: {  	[dreg:$0x0] =	wrdreg $0xFFFFFFFF;
	(pc) =	sbr.abs _section_cstart, $3  }
0xc0: {  	[dreg:$0x1] =	wrdreg $0xFFFFFFFF  }
0xc1: {  	_ =	task.clear_ibuf [dreg:s7], $0x2FFFF;
	_ =	strace $0x9FFFFFFF  }
0xc2: {  	(tm) =	ssettm $0x7FFFFFFF  }
0xc3: {  	_ =	shalt  }
tec
execute0_lowered:
.L_overlay_start_1:
0x0: {  	(tag) =	ssettag $0x1  }
0x1: {  	s1 =	srdreg.scid;
	s2 =	rddreg [dreg:$0x0]  }
0x2: {  	s0 =	stileid.u32;
	s5 =	rddreg [dreg:$0x1]  }
0x3: {  	s10 =	simm.s32 $0x4;
	s11 =	simm.s32 $0x9C00;
	s12 =	simm.s32 $0x40  }
0x4: {  	s13 =	simm.s32 $0x9C80;
	s14 =	simm.s32 $0x3;
	s15 =	simm.s32 $0x80  }
0x5: {  	s16 =	simm.s32 $0xC00;
	s17 =	simm.s32 $0x4C00;
	s18 =	simm.s32 $0x1  }
0x6: {  	s19 =	simm.s32 $0x8C00;
	s1 =	sand.u32 $0x1, s1;
	s3 =	sshll.u32 s0, $0x1  }
0x7: {  	s20 =	simm.s32 $0x2;
	s21 =	simm.s32 $0x0;
	s8 =	sor.u32 s1, s3  }
0x8: {  	s3 =	simm.s32 $0x0;
	s1 =	ssub.s32 $0x2, s1;
	s4 =	smul.u32 $0x180, s8  }
0x9: {  	[smem:$0x7FF] =	sst s3;
	s30 =	sshll.u32 s8, $0x3;
	s9 =	sshll.u32 s8, $0xA  }
0xa: {  	s31 =	sshrl.u32 s1, $0x1;
	s8 =	smul.u32 $0x14000, s8;
	_ =	strace $0x80000047  }
0xb: {  	s7 =	sadd.s32 s30, s5;
	s9 =	sadd.s32 s9, s5;
	s6 =	sadd.s32 s4, s5  }
0xc: {  	s1 =	ssub.s32 s1, s31;
	s4 =	sadd.s32 $0x6800, s5;
	s5 =	sadd.s32 $0x3800, s6  }
0xd: {  	s6 =	sadd.s32 $0x3600, s7;
	s7 =	sadd.s32 $0x56800, s9;
	s9 =	smax.u32 s1, $0x1  }
.LBB2_1:
0xe: {  	[tilespmem:s3], [sflag:$0x4] =	stream.linear.gather [hbm4b:s5+s3], $0xA00, $0x38;
	[tilespmem:$0xBC80] =	vst v63  }
0xf: {  	_ =	swait.ge [sflag:s10], $0xA00  }
0x10: {  	[sflag:s10] =	ssyncset.done $0x0  }
0x11: {  	[sflag:s10] =	ssyncadd.s32 $0xFFFFF600  }
0x12: {  	[tilespmem:s11], [sflag:$0x4] =	stream.linear.gather [hbm4b:s6+s3], $0x40, $0x38;
	[tilespmem:$0xBC80] =	vst v63  }
0x13: {  	_ =	swait.ge [sflag:s10], $0x40  }
0x14: {  	[sflag:s10] =	ssyncset.done $0x0  }
0x15: {  	[sflag:s10] =	ssyncadd.s32 $0xFFFFFFC0  }
0x16: {  	[tilespmem:s13], [sflag:$0x3] =	stream.indirect.gather [hbm4b:s2+s12], $0x80, s11, s12, $0xb8;
	[tilespmem:$0xBC80] =	vst v63  }
0x17: {  	_ =	swait.ge [sflag:s14], $0x2000  }
0x18: {  	[sflag:s14] =	ssyncset.done $0x0  }
0x19: {  	[sflag:s14] =	ssyncadd.s32 $0xFFFFE000  }
0x1a: {  	[hbm4b:s7+s3] =	stream.linear.scatter [tilespmem:s13], [sflag:$0x4], $0x2000, $0x38;
	[tilespmem:$0xBC80] =	vst v63  }
0x1b: {  	_ =	swait.ge [sflag:s10], $0x2000  }
0x1c: {  	[sflag:s10] =	ssyncset.done $0x0  }
0x1d: {  	s22 =	simm.s32 $0x0;
	[sflag:s10] =	ssyncadd.s32 $0xFFFFE000  }
0x1e: {  	[tilespmem:s16], [sflag:$0x1] =	stream.indirect.gather [hbm4b:s2+s15], $0x80, s3, s15, $0xb8;
	[tilespmem:$0xBC80] =	vst v63  }
.LBB2_2:
0x1f: {  	s23 =	sshllo.u32 s22, $0x1  }
0x20: {  	s1 =	sshll.u32 s23, $0x7  }
0x21: {  	s1 =	sand.u32 $0x3FFFFF80, s1  }
0x22: {  	[tilespmem:s17], [sflag:$0x2] =	stream.indirect.gather [hbm4b:s2+s15], $0x80, s1, s15, $0xb8;
	[tilespmem:$0xBC80] =	vst v63  }
0x23: {  	_ =	swait.ge [sflag:s18], $0x4000  }
0x24: {  	[sflag:s18] =	ssyncset.done $0x0  }
0x25: {  	s25 =	simm.s32 $0xE00;
	[sflag:s18] =	ssyncadd.s32 $0xFFFFC000  }
0x26: {  	v0 =	vld [tilespmem:s25+$0x0]  }
0x27: {  	v1 =	vld [tilespmem:s25+$0x80];
	_ =	sdelay $0x1  }
0x28: {  	v2 =	vld [tilespmem:s25+$0x100];
	_ =	sdelay $0x1  }
0x29: {  	v3 =	vld [tilespmem:s25+$0x180]  }
0x2a: {  	v0 =	vadd.f32 v1, v0;
	_ =	sdelay $0x1  }
0x2b: {  	v0 =	vadd.f32 v2, v0  }
0x2c: {  	v1 =	vld [tilespmem:s25+$0xFFFFFE80]  }
0x2d: {  	v2 =	vld [tilespmem:s25+$0xFFFFFE00];
	v0 =	vadd.f32 v3, v0;
	_ =	sdelay $0x1  }
0x2e: {  	v3 =	vld [tilespmem:s25+$0xFFFFFF00];
	v0 =	vmul.f32 $2.500000000e-01, v0  }
0x2f: {  	s24 =	simm.s32 $0x8C80  }
0x30: {  	v4 =	vld [tilespmem:s25+$0xFFFFFF80];
	[tilespmem:s24+$0x0] =	vst v0  }
0x31: {  	v1 =	vadd.f32 v1, v2;
	v0 =	vld [tilespmem:s25+$0x10]  }
0x32: {  	v2 =	vld [tilespmem:s25+$0x90]  }
0x33: {  	v1 =	vadd.f32 v3, v1  }
0x34: {  	v3 =	vld [tilespmem:s25+$0x110]  }
0x35: {  	v1 =	vadd.f32 v4, v1  }
0x36: {  	v4 =	vld [tilespmem:s25+$0x190]  }
0x37: {  	v1 =	vmul.f32 $2.500000000e-01, v1;
	v0 =	vadd.f32 v2, v0;
	_ =	sdelay $0x1  }
0x38: {  	[tilespmem:s24+$0xFFFFFF80] =	vst v1;
	v0 =	vadd.f32 v3, v0  }
0x39: {  	v1 =	vld [tilespmem:s25+$0xFFFFFE10]  }
0x3a: {  	v2 =	vld [tilespmem:s25+$0xFFFFFE90];
	v0 =	vadd.f32 v4, v0;
	_ =	sdelay $0x1  }
0x3b: {  	v3 =	vld [tilespmem:s25+$0xFFFFFF10];
	v0 =	vmul.f32 $2.500000000e-01, v0;
	_ =	sdelay $0x1  }
0x3c: {  	v4 =	vld [tilespmem:s25+$0xFFFFFF90];
	[tilespmem:s24+$0x10] =	vst v0  }
0x3d: {  	v1 =	vadd.f32 v2, v1;
	v0 =	vld [tilespmem:s25+$0x20]  }
0x3e: {  	v2 =	vld [tilespmem:s25+$0xA0]  }
0x3f: {  	v1 =	vadd.f32 v3, v1  }
0x40: {  	v3 =	vld [tilespmem:s25+$0x120]  }
0x41: {  	v1 =	vadd.f32 v4, v1  }
0x42: {  	v4 =	vld [tilespmem:s25+$0x1A0]  }
0x43: {  	v1 =	vmul.f32 $2.500000000e-01, v1;
	v0 =	vadd.f32 v2, v0;
	_ =	sdelay $0x1  }
0x44: {  	[tilespmem:s24+$0xFFFFFF90] =	vst v1;
	v0 =	vadd.f32 v3, v0  }
0x45: {  	v1 =	vld [tilespmem:s25+$0xFFFFFE20]  }
0x46: {  	v2 =	vld [tilespmem:s25+$0xFFFFFEA0];
	v0 =	vadd.f32 v4, v0;
	_ =	sdelay $0x1  }
0x47: {  	v3 =	vld [tilespmem:s25+$0xFFFFFF20];
	v0 =	vmul.f32 $2.500000000e-01, v0;
	_ =	sdelay $0x1  }
0x48: {  	v4 =	vld [tilespmem:s25+$0xFFFFFFA0];
	[tilespmem:s24+$0x20] =	vst v0  }
0x49: {  	v1 =	vadd.f32 v2, v1;
	v0 =	vld [tilespmem:s25+$0x30]  }
0x4a: {  	v2 =	vld [tilespmem:s25+$0xB0]  }
0x4b: {  	v1 =	vadd.f32 v3, v1  }
0x4c: {  	v3 =	vld [tilespmem:s25+$0x130]  }
0x4d: {  	v1 =	vadd.f32 v4, v1  }
0x4e: {  	v4 =	vld [tilespmem:s25+$0x1B0]  }
0x4f: {  	v1 =	vmul.f32 $2.500000000e-01, v1;
	v0 =	vadd.f32 v2, v0  }
0x50: {  	s26 =	simm.s32 $0x1200  }
0x51: {  	v5 =	vld [tilespmem:s26+$0x100];
	[tilespmem:s24+$0xFFFFFFA0] =	vst v1;
	v0 =	vadd.f32 v3, v0  }
0x52: {  	v1 =	vld [tilespmem:s25+$0xFFFFFE30]  }
0x53: {  	v2 =	vld [tilespmem:s25+$0xFFFFFEB0];
	v0 =	vadd.f32 v4, v0  }
0x54: {  	v6 =	vld [tilespmem:s26+$0x0]  }
0x55: {  	v3 =	vld [tilespmem:s25+$0xFFFFFF30];
	v0 =	vmul.f32 $2.500000000e-01, v0  }
0x56: {  	v7 =	vld [tilespmem:s26+$0x80]  }
0x57: {  	v4 =	vld [tilespmem:s25+$0xFFFFFFB0];
	[tilespmem:s24+$0x30] =	vst v0  }
0x58: {  	v0 =	vadd.f32 v2, v1;
	v1 =	vld [tilespmem:s25+$0x40]  }
0x59: {  	v2 =	vld [tilespmem:s25+$0xC0]  }
0x5a: {  	v8 =	vld [tilespmem:s25+$0x140];
	v0 =	vadd.f32 v3, v0  }
0x5b: {  	v3 =	vld [tilespmem:s26+$0x180]  }
0x5c: {  	v9 =	vld [tilespmem:s26+$0xFFFFFE00];
	v6 =	vadd.f32 v7, v6;
	v0 =	vadd.f32 v4, v0  }
0x5d: {  	v7 =	vld [tilespmem:s25+$0x1C0]  }
0x5e: {  	v5 =	vadd.f32 v5, v6;
	v4 =	vld [tilespmem:s26+$0xFFFFFE80];
	v0 =	vmul.f32 $2.500000000e-01, v0;
	v1 =	vadd.f32 v2, v1  }
0x5f: {  	v2 =	vld [tilespmem:s26+$0xFFFFFF00]  }
0x60: {  	v3 =	vadd.f32 v3, v5;
	[tilespmem:s24+$0xFFFFFFB0] =	vst v0;
	v0 =	vld [tilespmem:s26+$0xFFFFFF80];
	v1 =	vadd.f32 v8, v1  }
0x61: {  	v5 =	vld [tilespmem:s25+$0xFFFFFE40]  }
0x62: {  	v3 =	vmul.f32 $2.500000000e-01, v3;
	v6 =	vld [tilespmem:s25+$0xFFFFFEC0];
	v1 =	vadd.f32 v7, v1  }
0x63: {  	s28 =	simm.s32 $0x8D80;
	v7 =	vld [tilespmem:s25+$0xFFFFFF40]  }
0x64: {  	v4 =	vadd.f32 v4, v9;
	[tilespmem:s28+$0x0] =	vst v3;
	v3 =	vld [tilespmem:s25+$0xFFFFFFC0];
	v1 =	vmul.f32 $2.500000000e-01, v1  }
0x65: {  	v8 =	vld [tilespmem:s26+$0x10]  }
0x66: {  	v2 =	vadd.f32 v2, v4;
	v4 =	vld [tilespmem:s26+$0x90];
	[tilespmem:s24+$0x40] =	vst v1  }
0x67: {  	v1 =	vld [tilespmem:s25+$0x50]  }
0x68: {  	v0 =	vadd.f32 v0, v2;
	v2 =	vadd.f32 v6, v5;
	v5 =	vld [tilespmem:s25+$0xD0]  }
0x69: {  	v6 =	vld [tilespmem:s26+$0x110]  }
0x6a: {  	v0 =	vmul.f32 $2.500000000e-01, v0;
	v2 =	vadd.f32 v7, v2;
	v7 =	vld [tilespmem:s25+$0x150]  }
0x6b: {  	v61 =	vld [tilespmem:s26+$0x190]  }
0x6c: {  	[tilespmem:s28+$0xFFFFFF80] =	vst v0;
	v0 =	vadd.f32 v3, v2;
	v2 =	vadd.f32 v4, v8;
	v3 =	vld [tilespmem:s25+$0x1D0]  }
0x6d: {  	v4 =	vld [tilespmem:s26+$0xFFFFFE10];
	v1 =	vadd.f32 v5, v1  }
0x6e: {  	v0 =	vmul.f32 $2.500000000e-01, v0;
	v5 =	vld [tilespmem:s26+$0xFFFFFE90];
	v2 =	vadd.f32 v6, v2  }
0x6f: {  	v6 =	vld [tilespmem:s26+$0xFFFFFF10];
	v1 =	vadd.f32 v7, v1  }
0x70: {  	[tilespmem:s24+$0xFFFFFFC0] =	vst v0;
	v0 =	vld [tilespmem:s26+$0xFFFFFF90];
	v2 =	vadd.f32 v61, v2  }
0x71: {  	v7 =	vld [tilespmem:s25+$0xFFFFFE50];
	v1 =	vadd.f32 v3, v1  }
0x72: {  	v2 =	vmul.f32 $2.500000000e-01, v2;
	v3 =	vld [tilespmem:s25+$0xFFFFFED0]  }
0x73: {  	v4 =	vadd.f32 v5, v4;
	v5 =	vld [tilespmem:s25+$0xFFFFFF50];
	v1 =	vmul.f32 $2.500000000e-01, v1  }
0x74: {  	[tilespmem:s28+$0x10] =	vst v2;
	v2 =	vld [tilespmem:s25+$0xFFFFFFD0]  }
0x75: {  	v4 =	vadd.f32 v6, v4;
	v6 =	vld [tilespmem:s26+$0x20];
	[tilespmem:s24+$0x50] =	vst v1  }
0x76: {  	v1 =	vld [tilespmem:s25+$0x60]  }
0x77: {  	v0 =	vadd.f32 v0, v4;
	v4 =	vld [tilespmem:s25+$0xE0]  }
0x78: {  	v3 =	vadd.f32 v3, v7;
	v7 =	vld [tilespmem:s26+$0xA0]  }
0x79: {  	v8 =	vld [tilespmem:s25+$0x160];
	v0 =	vmul.f32 $2.500000000e-01, v0  }
0x7a: {  	v3 =	vadd.f32 v5, v3;
	v5 =	vld [tilespmem:s26+$0x120]  }
0x7b: {  	[tilespmem:s28+$0xFFFFFF90] =	vst v0;
	v0 =	vld [tilespmem:s25+$0x1E0]  }
0x7c: {  	v2 =	vadd.f32 v2, v3;
	v3 =	vld [tilespmem:s26+$0xFFFFFE20];
	v1 =	vadd.f32 v4, v1  }
0x7d: {  	v4 =	vld [tilespmem:s26+$0x1A0]  }
0x7e: {  	v62 =	vld [tilespmem:s26+$0xFFFFFEA0];
	v6 =	vadd.f32 v7, v6;
	v2 =	vmul.f32 $2.500000000e-01, v2;
	v1 =	vadd.f32 v8, v1  }
0x7f: {  	v7 =	vld [tilespmem:s26+$0xFFFFFF20]  }
0x80: {  	v5 =	vadd.f32 v5, v6;
	[tilespmem:s24+$0xFFFFFFD0] =	vst v2;
	v2 =	vld [tilespmem:s26+$0xFFFFFFA0];
	v0 =	vadd.f32 v0, v1  }
0x81: {  	v1 =	vld [tilespmem:s25+$0xFFFFFE60]  }
0x82: {  	v6 =	vld [tilespmem:s25+$0xFFFFFF60];
	v4 =	vadd.f32 v4, v5;
	v0 =	vmul.f32 $2.500000000e-01, v0  }
0x83: {  	v5 =	vld [tilespmem:s25+$0xFFFFFEE0];
	v3 =	vadd.f32 v62, v3  }
0x84: {  	v8 =	vld [tilespmem:s25+$0xFFFFFFE0];
	v4 =	vmul.f32 $2.500000000e-01, v4;
	[tilespmem:s24+$0x60] =	vst v0  }
0x85: {  	v0 =	vadd.f32 v7, v3;
	v3 =	vld [tilespmem:s25+$0x70]  }
0x86: {  	[tilespmem:s28+$0x20] =	vst v4;
	v4 =	vld [tilespmem:s25+$0xF0]  }
0x87: {  	v0 =	vadd.f32 v2, v0;
	v2 =	vld [tilespmem:s26+$0x30]  }
0x88: {  	v1 =	vadd.f32 v5, v1;
	v5 =	vld [tilespmem:s25+$0x170]  }
0x89: {  	v7 =	vld [tilespmem:s26+$0xB0];
	v0 =	vmul.f32 $2.500000000e-01, v0  }
0x8a: {  	v1 =	vadd.f32 v6, v1;
	v6 =	vld [tilespmem:s25+$0x1F0]  }
0x8b: {  	v63 =	vld [tilespmem:s26+$0x130];
	[tilespmem:s28+$0xFFFFFFA0] =	vst v0;
	v0 =	vadd.f32 v4, v3  }
0x8c: {  	v1 =	vadd.f32 v8, v1;
	v8 =	vld [tilespmem:s26+$0xFFFFFE30]  }
0x8d: {  	v0 =	vadd.f32 v5, v0;
	v5 =	vld [tilespmem:s26+$0x1B0]  }
0x8e: {  	v10 =	vld [tilespmem:s26+$0xFFFFFEB0];
	v2 =	vadd.f32 v7, v2;
	v1 =	vmul.f32 $2.500000000e-01, v1  }
0x8f: {  	v4 =	vld [tilespmem:s26+$0xFFFFFF30];
	v0 =	vadd.f32 v6, v0  }
0x90: {  	v3 =	vld [tilespmem:s26+$0xFFFFFFB0];
	v2 =	vadd.f32 v63, v2;
	[tilespmem:s24+$0xFFFFFFE0] =	vst v1  }
0x91: {  	v1 =	vld [tilespmem:s25+$0xFFFFFEF0];
	v6 =	vmul.f32 $2.500000000e-01, v0  }
0x92: {  	s29 =	sshll.u32 s22, $0x1;
	v0 =	vld [tilespmem:s25+$0xFFFFFE70];
	v5 =	vadd.f32 v5, v2  }
0x93: {  	s31 =	simm.s32 $0x2;
	s30 =	simm.s32 $0x8D80;
	s1 =	simm.s32 $0x1600;
	v2 =	vld [tilespmem:s25+$0xFFFFFF70];
	[tilespmem:s24+$0x70] =	vst v6;
	v6 =	vadd.f32 v10, v8  }
.LBB2_3:
0x94: {  	v7 =	vld [tilespmem:s1+$0x100];
	v5 =	vmul.f32 $2.500000000e-01, v5  }
0x95: {  	v8 =	vld [tilespmem:s1+$0x0];
	v4 =	vadd.f32 v4, v6  }
0x96: {  	v6 =	vld [tilespmem:s1+$0x80];
	[tilespmem:s28+$0x30] =	vst v5  }
0x97: {  	v3 =	vadd.f32 v3, v4;
	v4 =	vld [tilespmem:s26+$0x40];
	v0 =	vadd.f32 v1, v0  }
0x98: {  	v1 =	vld [tilespmem:s26+$0xC0]  }
0x99: {  	v5 =	vld [tilespmem:s1+$0x180];
	v3 =	vmul.f32 $2.500000000e-01, v3;
	v0 =	vadd.f32 v2, v0  }
0x9a: {  	v2 =	vld [tilespmem:s26+$0x140]  }
0x9b: {  	v9 =	vld [tilespmem:s1+$0xFFFFFE80];
	v6 =	vadd.f32 v6, v8;
	[tilespmem:s28+$0xFFFFFFB0] =	vst v3  }
0x9c: {  	v3 =	vld [tilespmem:s26+$0x1C0]  }
0x9d: {  	v8 =	vld [tilespmem:s1+$0xFFFFFE00];
	v6 =	vadd.f32 v7, v6;
	v1 =	vadd.f32 v1, v4  }
0x9e: {  	v4 =	vld [tilespmem:s1+$0xFFFFFF00]  }
0x9f: {  	v7 =	vld [tilespmem:s1+$0xFFFFFF80];
	v5 =	vadd.f32 v5, v6;
	v1 =	vadd.f32 v2, v1  }
0xa0: {  	v2 =	vld [tilespmem:s26+$0xFFFFFE40]  }
0xa1: {  	v5 =	vmul.f32 $2.500000000e-01, v5;
	v6 =	vld [tilespmem:s26+$0xFFFFFEC0];
	v1 =	vadd.f32 v3, v1  }
0xa2: {  	s28 =	sadd.s32 $0x100, s28;
	v3 =	vadd.f32 v9, v8;
	v8 =	vld [tilespmem:s26+$0xFFFFFF40]  }
0xa3: {  	s31 =	sadd.s32 $0x2, s31;
	[tilespmem:s28+$0x0] =	vst v5;
	v5 =	vld [tilespmem:s26+$0xFFFFFFC0];
	v1 =	vmul.f32 $2.500000000e-01, v1  }
0xa4: {  	p0 =	slt.u32 s31, $0x1E;
	v3 =	vadd.f32 v4, v3;
	v4 =	vld [tilespmem:s1+$0x10]  }
0xa5: {  	v9 =	vld [tilespmem:s1+$0x90];
	[tilespmem:s30+$0x40] =	vst v1  }
0xa6: {  	v1 =	vadd.f32 v7, v3;
	v2 =	vadd.f32 v6, v2;
	v3 =	vld [tilespmem:s26+$0x50]  }
0xa7: {  	v6 =	vld [tilespmem:s26+$0xD0]  }
0xa8: {  	v1 =	vmul.f32 $2.500000000e-01, v1;
	v7 =	vld [tilespmem:s1+$0x110];
	v2 =	vadd.f32 v8, v2  }
0xa9: {  	v8 =	vld [tilespmem:s26+$0x150]  }
0xaa: {  	[tilespmem:s28+$0xFFFFFF80] =	vst v1;
	v1 =	vld [tilespmem:s1+$0x190];
	v2 =	vadd.f32 v5, v2  }
0xab: {  	v4 =	vadd.f32 v9, v4;
	v5 =	vld [tilespmem:s26+$0x1D0]  }
0xac: {  	v9 =	vld [tilespmem:s1+$0xFFFFFE10];
	v2 =	vmul.f32 $2.500000000e-01, v2;
	v3 =	vadd.f32 v6, v3  }
0xad: {  	v6 =	vld [tilespmem:s1+$0xFFFFFE90];
	v4 =	vadd.f32 v7, v4  }
0xae: {  	v7 =	vld [tilespmem:s1+$0xFFFFFF10];
	[tilespmem:s30+$0xFFFFFFC0] =	vst v2;
	v2 =	vadd.f32 v8, v3  }
0xaf: {  	v3 =	vld [tilespmem:s1+$0xFFFFFF90];
	v1 =	vadd.f32 v1, v4  }
0xb0: {  	v4 =	vld [tilespmem:s26+$0xFFFFFE50];
	v2 =	vadd.f32 v5, v2  }
0xb1: {  	v1 =	vmul.f32 $2.500000000e-01, v1;
	v5 =	vld [tilespmem:s26+$0xFFFFFED0]  }
0xb2: {  	v6 =	vadd.f32 v6, v9;
	v8 =	vld [tilespmem:s26+$0xFFFFFF50];
	v2 =	vmul.f32 $2.500000000e-01, v2  }
0xb3: {  	[tilespmem:s28+$0x10] =	vst v1;
	v1 =	vld [tilespmem:s26+$0xFFFFFFD0]  }
0xb4: {  	v6 =	vadd.f32 v7, v6;
	v7 =	vld [tilespmem:s1+$0x20];
	[tilespmem:s30+$0x50] =	vst v2  }
0xb5: {  	v2 =	vld [tilespmem:s26+$0x60]  }
0xb6: {  	v3 =	vadd.f32 v3, v6;
	v4 =	vadd.f32 v5, v4;
	v5 =	vld [tilespmem:s26+$0xE0]  }
0xb7: {  	v6 =	vld [tilespmem:s1+$0xA0]  }
0xb8: {  	v3 =	vmul.f32 $2.500000000e-01, v3;
	v4 =	vadd.f32 v8, v4;
	v8 =	vld [tilespmem:s26+$0x160]  }
0xb9: {  	v9 =	vld [tilespmem:s1+$0x120]  }
0xba: {  	[tilespmem:s28+$0xFFFFFF90] =	vst v3;
	v1 =	vadd.f32 v1, v4;
	v3 =	vld [tilespmem:s26+$0x1E0]  }
0xbb: {  	v4 =	vld [tilespmem:s1+$0xFFFFFE20];
	v2 =	vadd.f32 v5, v2  }
0xbc: {  	v5 =	vld [tilespmem:s1+$0x1A0];
	v1 =	vmul.f32 $2.500000000e-01, v1  }
0xbd: {  	v6 =	vadd.f32 v6, v7;
	v10 =	vld [tilespmem:s1+$0xFFFFFEA0];
	v2 =	vadd.f32 v8, v2  }
0xbe: {  	v7 =	vld [tilespmem:s1+$0xFFFFFF20];
	[tilespmem:s30+$0xFFFFFFD0] =	vst v1  }
0xbf: {  	v6 =	vadd.f32 v9, v6;
	v1 =	vld [tilespmem:s1+$0xFFFFFFA0];
	v2 =	vadd.f32 v3, v2  }
0xc0: {  	v3 =	vld [tilespmem:s26+$0xFFFFFE60]  }
0xc1: {  	v5 =	vadd.f32 v5, v6;
	v6 =	vld [tilespmem:s26+$0xFFFFFEE0];
	v2 =	vmul.f32 $2.500000000e-01, v2  }
0xc2: {  	v4 =	vadd.f32 v10, v4;
	v8 =	vld [tilespmem:s26+$0xFFFFFF60]  }
0xc3: {  	v5 =	vmul.f32 $2.500000000e-01, v5;
	v9 =	vld [tilespmem:s26+$0xFFFFFFE0];
	[tilespmem:s30+$0x60] =	vst v2  }
0xc4: {  	v2 =	vadd.f32 v7, v4;
	v4 =	vld [tilespmem:s26+$0x70]  }
0xc5: {  	[tilespmem:s28+$0x20] =	vst v5;
	v5 =	vld [tilespmem:s26+$0xF0]  }
0xc6: {  	v1 =	vadd.f32 v1, v2;
	v2 =	vld [tilespmem:s1+$0x30];
	v3 =	vadd.f32 v6, v3  }
0xc7: {  	v6 =	vld [tilespmem:s26+$0x170]  }
0xc8: {  	v1 =	vmul.f32 $2.500000000e-01, v1;
	v7 =	vld [tilespmem:s1+$0xB0];
	v3 =	vadd.f32 v8, v3  }
0xc9: {  	v8 =	vld [tilespmem:s26+$0x1F0]  }
0xca: {  	[tilespmem:s28+$0xFFFFFFA0] =	vst v1;
	v1 =	vadd.f32 v9, v3;
	v3 =	vadd.f32 v5, v4;
	v5 =	vld [tilespmem:s25+$0xFFFFFFF0];
	s25 =	smov.u32 s26;
	s26 =	smov.u32 s1  }
0xcb: {  	v9 =	vld [tilespmem:s1+$0x130]  }
0xcc: {  	v10 =	vld [tilespmem:s1+$0xFFFFFE30];
	v1 =	vmul.f32 $2.500000000e-01, v1;
	v3 =	vadd.f32 v6, v3  }
0xcd: {  	v6 =	vld [tilespmem:s1+$0x1B0]  }
0xce: {  	v2 =	vadd.f32 v7, v2;
	v11 =	vld [tilespmem:s1+$0xFFFFFEB0];
	[tilespmem:s30+$0xFFFFFFE0] =	vst v1;
	v1 =	vadd.f32 v8, v3  }
.Ltmp0:
0xcf: {  	v4 =	vld [tilespmem:s1+$0xFFFFFF30];
	v5 =	vadd.f32 v5, v0;
	(pc) =	sbr.rel @p0 .LBB2_3-.Ltmp0, $4  }
0xd0: {  	v3 =	vld [tilespmem:s1+$0xFFFFFFB0];
	v2 =	vadd.f32 v9, v2;
	v7 =	vmul.f32 $2.500000000e-01, v1  }
0xd1: {  	v0 =	vld [tilespmem:s25+$0xFFFFFE70];
	v8 =	vmul.f32 $2.500000000e-01, v5  }
0xd2: {  	v5 =	vadd.f32 v6, v2;
	v1 =	vld [tilespmem:s25+$0xFFFFFEF0];
	[tilespmem:s30+$0x70] =	vst v7  }
0xd3: {  	s1 =	sadd.s32 $0x400, s1;
	v6 =	vadd.f32 v11, v10;
	v2 =	vld [tilespmem:s25+$0xFFFFFF70];
	[tilespmem:s24+$0xFFFFFFF0] =	vst v8;
	s24 =	smov.u32 s30;
	s30 =	smov.u32 s28  }
0xd4: {  	_ = 	snop  }
0xd5: {  	v4 =	vadd.f32 v4, v6  }
0xd6: {  	v5 =	vmul.f32 $2.500000000e-01, v5  }
0xd7: {  	v3 =	vadd.f32 v3, v4  }
0xd8: {  	[tilespmem:s28+$0x30] =	vst v5  }
0xd9: {  	v4 =	vld [tilespmem:s26+$0x40];
	v3 =	vmul.f32 $2.500000000e-01, v3  }
0xda: {  	v5 =	vld [tilespmem:s26+$0xC0]  }
0xdb: {  	v6 =	vld [tilespmem:s26+$0x140];
	[tilespmem:s28+$0xFFFFFFB0] =	vst v3  }
0xdc: {  	v3 =	vld [tilespmem:s26+$0xFFFFFE40]  }
0xdd: {  	v7 =	vld [tilespmem:s26+$0xFFFFFEC0]  }
0xde: {  	v8 =	vld [tilespmem:s26+$0x1C0]  }
0xdf: {  	v4 =	vadd.f32 v5, v4;
	v5 =	vld [tilespmem:s26+$0xFFFFFF40];
	_ =	sdelay $0x1  }
0xe0: {  	v4 =	vadd.f32 v6, v4;
	v6 =	vld [tilespmem:s26+$0xFFFFFFC0]  }
0xe1: {  	v3 =	vadd.f32 v7, v3  }
0xe2: {  	v4 =	vadd.f32 v8, v4  }
0xe3: {  	v3 =	vadd.f32 v5, v3  }
0xe4: {  	v4 =	vmul.f32 $2.500000000e-01, v4  }
0xe5: {  	v3 =	vadd.f32 v6, v3  }
0xe6: {  	[tilespmem:s30+$0x40] =	vst v4  }
0xe7: {  	v4 =	vld [tilespmem:s26+$0x50];
	v3 =	vmul.f32 $2.500000000e-01, v3  }
0xe8: {  	v5 =	vld [tilespmem:s26+$0xD0]  }
0xe9: {  	v6 =	vld [tilespmem:s26+$0x150];
	[tilespmem:s30+$0xFFFFFFC0] =	vst v3  }
0xea: {  	v3 =	vld [tilespmem:s26+$0xFFFFFE50]  }
0xeb: {  	v7 =	vld [tilespmem:s26+$0xFFFFFED0]  }
0xec: {  	v8 =	vld [tilespmem:s26+$0x1D0]  }
0xed: {  	v4 =	vadd.f32 v5, v4;
	v5 =	vld [tilespmem:s26+$0xFFFFFF50];
	_ =	sdelay $0x1  }
0xee: {  	v4 =	vadd.f32 v6, v4;
	v6 =	vld [tilespmem:s26+$0xFFFFFFD0]  }
0xef: {  	v3 =	vadd.f32 v7, v3  }
0xf0: {  	v4 =	vadd.f32 v8, v4  }
0xf1: {  	v3 =	vadd.f32 v5, v3  }
0xf2: {  	v4 =	vmul.f32 $2.500000000e-01, v4  }
0xf3: {  	v3 =	vadd.f32 v6, v3  }
0xf4: {  	[tilespmem:s30+$0x50] =	vst v4  }
0xf5: {  	v4 =	vld [tilespmem:s26+$0x60];
	v3 =	vmul.f32 $2.500000000e-01, v3  }
0xf6: {  	v5 =	vld [tilespmem:s26+$0xE0]  }
0xf7: {  	v6 =	vld [tilespmem:s26+$0x160];
	[tilespmem:s30+$0xFFFFFFD0] =	vst v3  }
0xf8: {  	v3 =	vld [tilespmem:s26+$0xFFFFFE60]  }
0xf9: {  	v7 =	vld [tilespmem:s26+$0xFFFFFEE0]  }
0xfa: {  	v8 =	vld [tilespmem:s26+$0x1E0]  }
0xfb: {  	v4 =	vadd.f32 v5, v4;
	v5 =	vld [tilespmem:s26+$0xFFFFFF60];
	_ =	sdelay $0x1  }
0xfc: {  	v4 =	vadd.f32 v6, v4;
	v6 =	vld [tilespmem:s26+$0xFFFFFFE0]  }
0xfd: {  	v3 =	vadd.f32 v7, v3  }
0xfe: {  	v4 =	vadd.f32 v8, v4  }
0xff: {  	v3 =	vadd.f32 v5, v3  }
0x100: {  	v4 =	vmul.f32 $2.500000000e-01, v4  }
0x101: {  	v3 =	vadd.f32 v6, v3  }
0x102: {  	[tilespmem:s30+$0x60] =	vst v4  }
0x103: {  	v4 =	vld [tilespmem:s26+$0x70];
	v3 =	vmul.f32 $2.500000000e-01, v3  }
0x104: {  	v5 =	vld [tilespmem:s26+$0xF0]  }
0x105: {  	v6 =	vld [tilespmem:s26+$0x170];
	[tilespmem:s30+$0xFFFFFFE0] =	vst v3  }
0x106: {  	v3 =	vld [tilespmem:s26+$0xFFFFFE70]  }
0x107: {  	v7 =	vld [tilespmem:s26+$0xFFFFFEF0]  }
0x108: {  	v8 =	vld [tilespmem:s26+$0x1F0]  }
0x109: {  	v9 =	vld [tilespmem:s26+$0xFFFFFF70]  }
0x10a: {  	v4 =	vadd.f32 v5, v4;
	v5 =	vld [tilespmem:s25+$0xFFFFFFF0]  }
0x10b: {  	v0 =	vadd.f32 v1, v0;
	v1 =	vld [tilespmem:s26+$0xFFFFFFF0]  }
0x10c: {  	v4 =	vadd.f32 v6, v4;
	v3 =	vadd.f32 v7, v3  }
0x10d: {  	v0 =	vadd.f32 v2, v0  }
0x10e: {  	v2 =	vadd.f32 v8, v4;
	v3 =	vadd.f32 v9, v3  }
0x10f: {  	v0 =	vadd.f32 v5, v0  }
0x110: {  	v2 =	vmul.f32 $2.500000000e-01, v2;
	v1 =	vadd.f32 v1, v3  }
0x111: {  	s1 =	sshll.u32 s22, $0xD;
	v0 =	vmul.f32 $2.500000000e-01, v0  }
0x112: {  	s1 =	sadd.s32 s8, s1;
	[tilespmem:s30+$0x70] =	vst v2;
	v1 =	vmul.f32 $2.500000000e-01, v1  }
0x113: {  	s1 =	sshrl.u32 s1, $0x3;
	[tilespmem:s24+$0xFFFFFFF0] =	vst v0  }
0x114: {  	s1 =	sadd.s32 s4, s1;
	[tilespmem:s30+$0xFFFFFFF0] =	vst v1  }
0x115: {  	[hbm4b:s1+s3] =	stream.linear.scatter [tilespmem:s19], [sflag:$0x4], $0x1000, $0x38;
	[tilespmem:$0xBC80] =	vst v63  }
0x116: {  	s31 =	smin.u32 s29, $0x11;
	_ =	swait.ge [sflag:s10], $0x1000  }
0x117: {  	s1 =	sshll.u32 s31, $0x7;
	[sflag:s10] =	ssyncset.done $0x0  }
0x118: {  	s1 =	sadd.s32 $0x100, s1;
	[sflag:s10] =	ssyncadd.s32 $0xFFFFF000  }
0x119: {  	[tilespmem:s16], [sflag:$0x1] =	stream.indirect.gather [hbm4b:s2+s15], $0x80, s1, s15, $0xb8;
	[tilespmem:$0xBC80] =	vst v63  }
0x11a: {  	_ =	swait.ge [sflag:s20], $0x4000  }
0x11b: {  	[sflag:s20] =	ssyncset.done $0x0  }
0x11c: {  	s25 =	simm.s32 $0x4E00;
	[sflag:s20] =	ssyncadd.s32 $0xFFFFC000  }
0x11d: {  	v0 =	vld [tilespmem:s25+$0x0]  }
0x11e: {  	v1 =	vld [tilespmem:s25+$0x80];
	_ =	sdelay $0x1  }
0x11f: {  	v2 =	vld [tilespmem:s25+$0x100];
	_ =	sdelay $0x1  }
0x120: {  	v3 =	vld [tilespmem:s25+$0x180]  }
0x121: {  	v0 =	vadd.f32 v1, v0;
	_ =	sdelay $0x1  }
0x122: {  	v0 =	vadd.f32 v2, v0  }
0x123: {  	v1 =	vld [tilespmem:s25+$0xFFFFFE80]  }
0x124: {  	v2 =	vld [tilespmem:s25+$0xFFFFFE00];
	v0 =	vadd.f32 v3, v0;
	_ =	sdelay $0x1  }
0x125: {  	v3 =	vld [tilespmem:s25+$0xFFFFFF00];
	v0 =	vmul.f32 $2.500000000e-01, v0  }
0x126: {  	s24 =	simm.s32 $0x8C80  }
0x127: {  	v4 =	vld [tilespmem:s25+$0xFFFFFF80];
	[tilespmem:s24+$0x0] =	vst v0  }
0x128: {  	v1 =	vadd.f32 v1, v2;
	v0 =	vld [tilespmem:s25+$0x10]  }
0x129: {  	v2 =	vld [tilespmem:s25+$0x90]  }
0x12a: {  	v1 =	vadd.f32 v3, v1  }
0x12b: {  	v3 =	vld [tilespmem:s25+$0x110]  }
0x12c: {  	v1 =	vadd.f32 v4, v1  }
0x12d: {  	v4 =	vld [tilespmem:s25+$0x190]  }
0x12e: {  	v1 =	vmul.f32 $2.500000000e-01, v1;
	v0 =	vadd.f32 v2, v0;
	_ =	sdelay $0x1  }
0x12f: {  	[tilespmem:s24+$0xFFFFFF80] =	vst v1;
	v0 =	vadd.f32 v3, v0  }
0x130: {  	v1 =	vld [tilespmem:s25+$0xFFFFFE10]  }
0x131: {  	v2 =	vld [tilespmem:s25+$0xFFFFFE90];
	v0 =	vadd.f32 v4, v0;
	_ =	sdelay $0x1  }
0x132: {  	v3 =	vld [tilespmem:s25+$0xFFFFFF10];
	v0 =	vmul.f32 $2.500000000e-01, v0;
	_ =	sdelay $0x1  }
0x133: {  	v4 =	vld [tilespmem:s25+$0xFFFFFF90];
	[tilespmem:s24+$0x10] =	vst v0  }
0x134: {  	v1 =	vadd.f32 v2, v1;
	v0 =	vld [tilespmem:s25+$0x20]  }
0x135: {  	v2 =	vld [tilespmem:s25+$0xA0]  }
0x136: {  	v1 =	vadd.f32 v3, v1  }
0x137: {  	v3 =	vld [tilespmem:s25+$0x120]  }
0x138: {  	v1 =	vadd.f32 v4, v1  }
0x139: {  	v4 =	vld [tilespmem:s25+$0x1A0]  }
0x13a: {  	v1 =	vmul.f32 $2.500000000e-01, v1;
	v0 =	vadd.f32 v2, v0;
	_ =	sdelay $0x1  }
0x13b: {  	[tilespmem:s24+$0xFFFFFF90] =	vst v1;
	v0 =	vadd.f32 v3, v0  }
0x13c: {  	v1 =	vld [tilespmem:s25+$0xFFFFFE20]  }
0x13d: {  	v2 =	vld [tilespmem:s25+$0xFFFFFEA0];
	v0 =	vadd.f32 v4, v0;
	_ =	sdelay $0x1  }
0x13e: {  	v3 =	vld [tilespmem:s25+$0xFFFFFF20];
	v0 =	vmul.f32 $2.500000000e-01, v0;
	_ =	sdelay $0x1  }
0x13f: {  	v4 =	vld [tilespmem:s25+$0xFFFFFFA0];
	[tilespmem:s24+$0x20] =	vst v0  }
0x140: {  	v1 =	vadd.f32 v2, v1;
	v0 =	vld [tilespmem:s25+$0x30]  }
0x141: {  	v2 =	vld [tilespmem:s25+$0xB0]  }
0x142: {  	v1 =	vadd.f32 v3, v1  }
0x143: {  	v3 =	vld [tilespmem:s25+$0x130]  }
0x144: {  	v1 =	vadd.f32 v4, v1  }
0x145: {  	v4 =	vld [tilespmem:s25+$0x1B0]  }
0x146: {  	v1 =	vmul.f32 $2.500000000e-01, v1;
	v0 =	vadd.f32 v2, v0  }
0x147: {  	s26 =	simm.s32 $0x5200  }
0x148: {  	v5 =	vld [tilespmem:s26+$0x100];
	[tilespmem:s24+$0xFFFFFFA0] =	vst v1;
	v0 =	vadd.f32 v3, v0  }
0x149: {  	v1 =	vld [tilespmem:s25+$0xFFFFFE30]  }
0x14a: {  	v2 =	vld [tilespmem:s25+$0xFFFFFEB0];
	v0 =	vadd.f32 v4, v0  }
0x14b: {  	v6 =	vld [tilespmem:s26+$0x0]  }
0x14c: {  	v3 =	vld [tilespmem:s25+$0xFFFFFF30];
	v0 =	vmul.f32 $2.500000000e-01, v0  }
0x14d: {  	v7 =	vld [tilespmem:s26+$0x80]  }
0x14e: {  	v4 =	vld [tilespmem:s25+$0xFFFFFFB0];
	[tilespmem:s24+$0x30] =	vst v0  }
0x14f: {  	v0 =	vadd.f32 v2, v1;
	v1 =	vld [tilespmem:s25+$0x40]  }
0x150: {  	v2 =	vld [tilespmem:s25+$0xC0]  }
0x151: {  	v8 =	vld [tilespmem:s25+$0x140];
	v0 =	vadd.f32 v3, v0  }
0x152: {  	v3 =	vld [tilespmem:s26+$0x180]  }
0x153: {  	v60 =	vld [tilespmem:s26+$0xFFFFFE00];
	v6 =	vadd.f32 v7, v6;
	v0 =	vadd.f32 v4, v0  }
0x154: {  	v7 =	vld [tilespmem:s25+$0x1C0]  }
0x155: {  	v5 =	vadd.f32 v5, v6;
	v4 =	vld [tilespmem:s26+$0xFFFFFE80];
	v0 =	vmul.f32 $2.500000000e-01, v0;
	v1 =	vadd.f32 v2, v1  }
0x156: {  	v2 =	vld [tilespmem:s26+$0xFFFFFF00]  }
0x157: {  	v3 =	vadd.f32 v3, v5;
	[tilespmem:s24+$0xFFFFFFB0] =	vst v0;
	v0 =	vld [tilespmem:s26+$0xFFFFFF80];
	v1 =	vadd.f32 v8, v1  }
0x158: {  	v5 =	vld [tilespmem:s25+$0xFFFFFE40]  }
0x159: {  	v3 =	vmul.f32 $2.500000000e-01, v3;
	v6 =	vld [tilespmem:s25+$0xFFFFFEC0];
	v1 =	vadd.f32 v7, v1  }
0x15a: {  	s28 =	simm.s32 $0x8D80;
	v7 =	vld [tilespmem:s25+$0xFFFFFF40]  }
0x15b: {  	v4 =	vadd.f32 v4, v60;
	[tilespmem:s28+$0x0] =	vst v3;
	v3 =	vld [tilespmem:s25+$0xFFFFFFC0];
	v1 =	vmul.f32 $2.500000000e-01, v1  }
0x15c: {  	v8 =	vld [tilespmem:s26+$0x10]  }
0x15d: {  	v2 =	vadd.f32 v2, v4;
	v4 =	vld [tilespmem:s26+$0x90];
	[tilespmem:s24+$0x40] =	vst v1  }
0x15e: {  	v1 =	vld [tilespmem:s25+$0x50]  }
0x15f: {  	v0 =	vadd.f32 v0, v2;
	v2 =	vadd.f32 v6, v5;
	v5 =	vld [tilespmem:s25+$0xD0]  }
0x160: {  	v6 =	vld [tilespmem:s26+$0x110]  }
0x161: {  	v0 =	vmul.f32 $2.500000000e-01, v0;
	v2 =	vadd.f32 v7, v2;
	v7 =	vld [tilespmem:s25+$0x150]  }
0x162: {  	v61 =	vld [tilespmem:s26+$0x190]  }
0x163: {  	[tilespmem:s28+$0xFFFFFF80] =	vst v0;
	v0 =	vadd.f32 v3, v2;
	v2 =	vadd.f32 v4, v8;
	v3 =	vld [tilespmem:s25+$0x1D0]  }
0x164: {  	v4 =	vld [tilespmem:s26+$0xFFFFFE10];
	v1 =	vadd.f32 v5, v1  }
0x165: {  	v0 =	vmul.f32 $2.500000000e-01, v0;
	v5 =	vld [tilespmem:s26+$0xFFFFFE90];
	v2 =	vadd.f32 v6, v2  }
0x166: {  	v6 =	vld [tilespmem:s26+$0xFFFFFF10];
	v1 =	vadd.f32 v7, v1  }
0x167: {  	[tilespmem:s24+$0xFFFFFFC0] =	vst v0;
	v0 =	vld [tilespmem:s26+$0xFFFFFF90];
	v2 =	vadd.f32 v61, v2  }
0x168: {  	v7 =	vld [tilespmem:s25+$0xFFFFFE50];
	v1 =	vadd.f32 v3, v1  }
0x169: {  	v2 =	vmul.f32 $2.500000000e-01, v2;
	v3 =	vld [tilespmem:s25+$0xFFFFFED0]  }
0x16a: {  	v4 =	vadd.f32 v5, v4;
	v5 =	vld [tilespmem:s25+$0xFFFFFF50];
	v1 =	vmul.f32 $2.500000000e-01, v1  }
0x16b: {  	[tilespmem:s28+$0x10] =	vst v2;
	v2 =	vld [tilespmem:s25+$0xFFFFFFD0]  }
0x16c: {  	v4 =	vadd.f32 v6, v4;
	v6 =	vld [tilespmem:s26+$0x20];
	[tilespmem:s24+$0x50] =	vst v1  }
0x16d: {  	v1 =	vld [tilespmem:s25+$0x60]  }
0x16e: {  	v0 =	vadd.f32 v0, v4;
	v4 =	vld [tilespmem:s25+$0xE0]  }
0x16f: {  	v3 =	vadd.f32 v3, v7;
	v7 =	vld [tilespmem:s26+$0xA0]  }
0x170: {  	v8 =	vld [tilespmem:s25+$0x160];
	v0 =	vmul.f32 $2.500000000e-01, v0  }
0x171: {  	v3 =	vadd.f32 v5, v3;
	v5 =	vld [tilespmem:s26+$0x120]  }
0x172: {  	[tilespmem:s28+$0xFFFFFF90] =	vst v0;
	v0 =	vld [tilespmem:s25+$0x1E0]  }
0x173: {  	v2 =	vadd.f32 v2, v3;
	v3 =	vld [tilespmem:s26+$0xFFFFFE20];
	v1 =	vadd.f32 v4, v1  }
0x174: {  	v4 =	vld [tilespmem:s26+$0x1A0]  }
0x175: {  	v62 =	vld [tilespmem:s26+$0xFFFFFEA0];
	v6 =	vadd.f32 v7, v6;
	v2 =	vmul.f32 $2.500000000e-01, v2;
	v1 =	vadd.f32 v8, v1  }
0x176: {  	v7 =	vld [tilespmem:s26+$0xFFFFFF20]  }
0x177: {  	v5 =	vadd.f32 v5, v6;
	[tilespmem:s24+$0xFFFFFFD0] =	vst v2;
	v2 =	vld [tilespmem:s26+$0xFFFFFFA0];
	v0 =	vadd.f32 v0, v1  }
0x178: {  	v1 =	vld [tilespmem:s25+$0xFFFFFE60]  }
0x179: {  	v6 =	vld [tilespmem:s25+$0xFFFFFF60];
	v4 =	vadd.f32 v4, v5;
	v0 =	vmul.f32 $2.500000000e-01, v0  }
0x17a: {  	v5 =	vld [tilespmem:s25+$0xFFFFFEE0];
	v3 =	vadd.f32 v62, v3  }
0x17b: {  	v8 =	vld [tilespmem:s25+$0xFFFFFFE0];
	v4 =	vmul.f32 $2.500000000e-01, v4;
	[tilespmem:s24+$0x60] =	vst v0  }
0x17c: {  	v0 =	vadd.f32 v7, v3;
	v3 =	vld [tilespmem:s25+$0x70]  }
0x17d: {  	[tilespmem:s28+$0x20] =	vst v4;
	v4 =	vld [tilespmem:s25+$0xF0]  }
0x17e: {  	v0 =	vadd.f32 v2, v0;
	v2 =	vld [tilespmem:s26+$0x30]  }
0x17f: {  	v1 =	vadd.f32 v5, v1;
	v5 =	vld [tilespmem:s25+$0x170]  }
0x180: {  	v7 =	vld [tilespmem:s26+$0xB0];
	v0 =	vmul.f32 $2.500000000e-01, v0  }
0x181: {  	v1 =	vadd.f32 v6, v1;
	v6 =	vld [tilespmem:s25+$0x1F0]  }
0x182: {  	v63 =	vld [tilespmem:s26+$0x130];
	[tilespmem:s28+$0xFFFFFFA0] =	vst v0;
	v0 =	vadd.f32 v4, v3  }
0x183: {  	v1 =	vadd.f32 v8, v1;
	v8 =	vld [tilespmem:s26+$0xFFFFFE30]  }
0x184: {  	v0 =	vadd.f32 v5, v0;
	v5 =	vld [tilespmem:s26+$0x1B0]  }
0x185: {  	v10 =	vld [tilespmem:s26+$0xFFFFFEB0];
	v2 =	vadd.f32 v7, v2;
	v1 =	vmul.f32 $2.500000000e-01, v1  }
0x186: {  	v4 =	vld [tilespmem:s26+$0xFFFFFF30];
	v0 =	vadd.f32 v6, v0  }
0x187: {  	v3 =	vld [tilespmem:s26+$0xFFFFFFB0];
	v2 =	vadd.f32 v63, v2;
	[tilespmem:s24+$0xFFFFFFE0] =	vst v1  }
0x188: {  	v1 =	vld [tilespmem:s25+$0xFFFFFEF0];
	v6 =	vmul.f32 $2.500000000e-01, v0  }
0x189: {  	v0 =	vld [tilespmem:s25+$0xFFFFFE70];
	v5 =	vadd.f32 v5, v2  }
0x18a: {  	s29 =	simm.s32 $0x8D80;
	s30 =	simm.s32 $0x2;
	s1 =	simm.s32 $0x5600;
	v2 =	vld [tilespmem:s25+$0xFFFFFF70];
	[tilespmem:s24+$0x70] =	vst v6;
	v6 =	vadd.f32 v10, v8  }
.LBB2_5:
0x18b: {  	v7 =	vld [tilespmem:s1+$0x100];
	v5 =	vmul.f32 $2.500000000e-01, v5  }
0x18c: {  	v8 =	vld [tilespmem:s1+$0x0];
	v4 =	vadd.f32 v4, v6  }
0x18d: {  	v6 =	vld [tilespmem:s1+$0x80];
	[tilespmem:s28+$0x30] =	vst v5  }
0x18e: {  	v3 =	vadd.f32 v3, v4;
	v4 =	vld [tilespmem:s26+$0x40];
	v0 =	vadd.f32 v1, v0  }
0x18f: {  	v1 =	vld [tilespmem:s26+$0xC0]  }
0x190: {  	v5 =	vld [tilespmem:s1+$0x180];
	v3 =	vmul.f32 $2.500000000e-01, v3;
	v0 =	vadd.f32 v2, v0  }
0x191: {  	v2 =	vld [tilespmem:s26+$0x140]  }
0x192: {  	v9 =	vld [tilespmem:s1+$0xFFFFFE80];
	v6 =	vadd.f32 v6, v8;
	[tilespmem:s28+$0xFFFFFFB0] =	vst v3  }
0x193: {  	v3 =	vld [tilespmem:s26+$0x1C0]  }
0x194: {  	v8 =	vld [tilespmem:s1+$0xFFFFFE00];
	v6 =	vadd.f32 v7, v6;
	v1 =	vadd.f32 v1, v4  }
0x195: {  	v4 =	vld [tilespmem:s1+$0xFFFFFF00]  }
0x196: {  	v7 =	vld [tilespmem:s1+$0xFFFFFF80];
	v5 =	vadd.f32 v5, v6;
	v1 =	vadd.f32 v2, v1  }
0x197: {  	v2 =	vld [tilespmem:s26+$0xFFFFFE40]  }
0x198: {  	v5 =	vmul.f32 $2.500000000e-01, v5;
	v6 =	vld [tilespmem:s26+$0xFFFFFEC0];
	v1 =	vadd.f32 v3, v1  }
0x199: {  	s28 =	sadd.s32 $0x100, s28;
	v3 =	vadd.f32 v9, v8;
	v8 =	vld [tilespmem:s26+$0xFFFFFF40]  }
0x19a: {  	s30 =	sadd.s32 $0x2, s30;
	[tilespmem:s28+$0x0] =	vst v5;
	v5 =	vld [tilespmem:s26+$0xFFFFFFC0];
	v1 =	vmul.f32 $2.500000000e-01, v1  }
0x19b: {  	p0 =	slt.u32 s30, $0x1E;
	v3 =	vadd.f32 v4, v3;
	v4 =	vld [tilespmem:s1+$0x10]  }
0x19c: {  	v9 =	vld [tilespmem:s1+$0x90];
	[tilespmem:s29+$0x40] =	vst v1  }
0x19d: {  	v1 =	vadd.f32 v7, v3;
	v2 =	vadd.f32 v6, v2;
	v3 =	vld [tilespmem:s26+$0x50]  }
0x19e: {  	v6 =	vld [tilespmem:s26+$0xD0]  }
0x19f: {  	v1 =	vmul.f32 $2.500000000e-01, v1;
	v7 =	vld [tilespmem:s1+$0x110];
	v2 =	vadd.f32 v8, v2  }
0x1a0: {  	v8 =	vld [tilespmem:s26+$0x150]  }
0x1a1: {  	[tilespmem:s28+$0xFFFFFF80] =	vst v1;
	v1 =	vld [tilespmem:s1+$0x190];
	v2 =	vadd.f32 v5, v2  }
0x1a2: {  	v4 =	vadd.f32 v9, v4;
	v5 =	vld [tilespmem:s26+$0x1D0]  }
0x1a3: {  	v9 =	vld [tilespmem:s1+$0xFFFFFE10];
	v2 =	vmul.f32 $2.500000000e-01, v2;
	v3 =	vadd.f32 v6, v3  }
0x1a4: {  	v6 =	vld [tilespmem:s1+$0xFFFFFE90];
	v4 =	vadd.f32 v7, v4  }
0x1a5: {  	v7 =	vld [tilespmem:s1+$0xFFFFFF10];
	[tilespmem:s29+$0xFFFFFFC0] =	vst v2;
	v2 =	vadd.f32 v8, v3  }
0x1a6: {  	v3 =	vld [tilespmem:s1+$0xFFFFFF90];
	v1 =	vadd.f32 v1, v4  }
0x1a7: {  	v4 =	vld [tilespmem:s26+$0xFFFFFE50];
	v2 =	vadd.f32 v5, v2  }
0x1a8: {  	v1 =	vmul.f32 $2.500000000e-01, v1;
	v5 =	vld [tilespmem:s26+$0xFFFFFED0]  }
0x1a9: {  	v6 =	vadd.f32 v6, v9;
	v8 =	vld [tilespmem:s26+$0xFFFFFF50];
	v2 =	vmul.f32 $2.500000000e-01, v2  }
0x1aa: {  	[tilespmem:s28+$0x10] =	vst v1;
	v1 =	vld [tilespmem:s26+$0xFFFFFFD0]  }
0x1ab: {  	v6 =	vadd.f32 v7, v6;
	v7 =	vld [tilespmem:s1+$0x20];
	[tilespmem:s29+$0x50] =	vst v2  }
0x1ac: {  	v2 =	vld [tilespmem:s26+$0x60]  }
0x1ad: {  	v3 =	vadd.f32 v3, v6;
	v4 =	vadd.f32 v5, v4;
	v5 =	vld [tilespmem:s26+$0xE0]  }
0x1ae: {  	v6 =	vld [tilespmem:s1+$0xA0]  }
0x1af: {  	v3 =	vmul.f32 $2.500000000e-01, v3;
	v4 =	vadd.f32 v8, v4;
	v8 =	vld [tilespmem:s26+$0x160]  }
0x1b0: {  	v9 =	vld [tilespmem:s1+$0x120]  }
0x1b1: {  	[tilespmem:s28+$0xFFFFFF90] =	vst v3;
	v1 =	vadd.f32 v1, v4;
	v3 =	vld [tilespmem:s26+$0x1E0]  }
0x1b2: {  	v4 =	vld [tilespmem:s1+$0xFFFFFE20];
	v2 =	vadd.f32 v5, v2  }
0x1b3: {  	v5 =	vld [tilespmem:s1+$0x1A0];
	v1 =	vmul.f32 $2.500000000e-01, v1  }
0x1b4: {  	v6 =	vadd.f32 v6, v7;
	v10 =	vld [tilespmem:s1+$0xFFFFFEA0];
	v2 =	vadd.f32 v8, v2  }
0x1b5: {  	v7 =	vld [tilespmem:s1+$0xFFFFFF20];
	[tilespmem:s29+$0xFFFFFFD0] =	vst v1  }
0x1b6: {  	v6 =	vadd.f32 v9, v6;
	v1 =	vld [tilespmem:s1+$0xFFFFFFA0];
	v2 =	vadd.f32 v3, v2  }
0x1b7: {  	v3 =	vld [tilespmem:s26+$0xFFFFFE60]  }
0x1b8: {  	v5 =	vadd.f32 v5, v6;
	v6 =	vld [tilespmem:s26+$0xFFFFFEE0];
	v2 =	vmul.f32 $2.500000000e-01, v2  }
0x1b9: {  	v4 =	vadd.f32 v10, v4;
	v8 =	vld [tilespmem:s26+$0xFFFFFF60]  }
0x1ba: {  	v5 =	vmul.f32 $2.500000000e-01, v5;
	v9 =	vld [tilespmem:s26+$0xFFFFFFE0];
	[tilespmem:s29+$0x60] =	vst v2  }
0x1bb: {  	v2 =	vadd.f32 v7, v4;
	v4 =	vld [tilespmem:s26+$0x70]  }
0x1bc: {  	[tilespmem:s28+$0x20] =	vst v5;
	v5 =	vld [tilespmem:s26+$0xF0]  }
0x1bd: {  	v1 =	vadd.f32 v1, v2;
	v2 =	vld [tilespmem:s1+$0x30];
	v3 =	vadd.f32 v6, v3  }
0x1be: {  	v6 =	vld [tilespmem:s26+$0x170]  }
0x1bf: {  	v1 =	vmul.f32 $2.500000000e-01, v1;
	v7 =	vld [tilespmem:s1+$0xB0];
	v3 =	vadd.f32 v8, v3  }
0x1c0: {  	v8 =	vld [tilespmem:s26+$0x1F0]  }
0x1c1: {  	[tilespmem:s28+$0xFFFFFFA0] =	vst v1;
	v1 =	vadd.f32 v9, v3;
	v3 =	vadd.f32 v5, v4;
	v5 =	vld [tilespmem:s25+$0xFFFFFFF0];
	s25 =	smov.u32 s26;
	s26 =	smov.u32 s1  }
0x1c2: {  	v9 =	vld [tilespmem:s1+$0x130]  }
0x1c3: {  	v10 =	vld [tilespmem:s1+$0xFFFFFE30];
	v1 =	vmul.f32 $2.500000000e-01, v1;
	v3 =	vadd.f32 v6, v3  }
0x1c4: {  	v6 =	vld [tilespmem:s1+$0x1B0]  }
0x1c5: {  	v2 =	vadd.f32 v7, v2;
	v11 =	vld [tilespmem:s1+$0xFFFFFEB0];
	[tilespmem:s29+$0xFFFFFFE0] =	vst v1;
	v1 =	vadd.f32 v8, v3  }
.Ltmp1:
0x1c6: {  	v4 =	vld [tilespmem:s1+$0xFFFFFF30];
	v5 =	vadd.f32 v5, v0;
	(pc) =	sbr.rel @p0 .LBB2_5-.Ltmp1, $4  }
0x1c7: {  	v3 =	vld [tilespmem:s1+$0xFFFFFFB0];
	v2 =	vadd.f32 v9, v2;
	v7 =	vmul.f32 $2.500000000e-01, v1  }
0x1c8: {  	v0 =	vld [tilespmem:s25+$0xFFFFFE70];
	v8 =	vmul.f32 $2.500000000e-01, v5  }
0x1c9: {  	v5 =	vadd.f32 v6, v2;
	v1 =	vld [tilespmem:s25+$0xFFFFFEF0];
	[tilespmem:s29+$0x70] =	vst v7  }
0x1ca: {  	s1 =	sadd.s32 $0x400, s1;
	v6 =	vadd.f32 v11, v10;
	v2 =	vld [tilespmem:s25+$0xFFFFFF70];
	[tilespmem:s24+$0xFFFFFFF0] =	vst v8;
	s24 =	smov.u32 s29;
	s29 =	smov.u32 s28  }
0x1cb: {  	_ = 	snop  }
0x1cc: {  	v4 =	vadd.f32 v4, v6  }
0x1cd: {  	v5 =	vmul.f32 $2.500000000e-01, v5  }
0x1ce: {  	v3 =	vadd.f32 v3, v4  }
0x1cf: {  	[tilespmem:s28+$0x30] =	vst v5  }
0x1d0: {  	v41 =	vld [tilespmem:s26+$0x40];
	v3 =	vmul.f32 $2.500000000e-01, v3  }
0x1d1: {  	v5 =	vld [tilespmem:s26+$0xC0]  }
0x1d2: {  	v42 =	vld [tilespmem:s26+$0x140];
	[tilespmem:s28+$0xFFFFFFB0] =	vst v3  }
0x1d3: {  	v3 =	vld [tilespmem:s26+$0xFFFFFE40]  }
0x1d4: {  	v7 =	vld [tilespmem:s26+$0xFFFFFEC0]  }
0x1d5: {  	v8 =	vld [tilespmem:s26+$0x1C0]  }
0x1d6: {  	v4 =	vadd.f32 v5, v41;
	v43 =	vld [tilespmem:s26+$0xFFFFFF40];
	_ =	sdelay $0x1  }
0x1d7: {  	v44 =	vld [tilespmem:s26+$0xFFFFFFC0];
	v4 =	vadd.f32 v42, v4  }
0x1d8: {  	v3 =	vadd.f32 v7, v3  }
0x1d9: {  	v4 =	vadd.f32 v8, v4  }
0x1da: {  	v3 =	vadd.f32 v43, v3  }
0x1db: {  	v4 =	vmul.f32 $2.500000000e-01, v4  }
0x1dc: {  	v3 =	vadd.f32 v44, v3  }
0x1dd: {  	[tilespmem:s29+$0x40] =	vst v4  }
0x1de: {  	v4 =	vld [tilespmem:s26+$0x50];
	v3 =	vmul.f32 $2.500000000e-01, v3  }
0x1df: {  	v45 =	vld [tilespmem:s26+$0xD0]  }
0x1e0: {  	v46 =	vld [tilespmem:s26+$0x150];
	[tilespmem:s29+$0xFFFFFFC0] =	vst v3  }
0x1e1: {  	v3 =	vld [tilespmem:s26+$0xFFFFFE50]  }
0x1e2: {  	v47 =	vld [tilespmem:s26+$0xFFFFFED0]  }
0x1e3: {  	v48 =	vld [tilespmem:s26+$0x1D0]  }
0x1e4: {  	v4 =	vadd.f32 v45, v4;
	v49 =	vld [tilespmem:s26+$0xFFFFFF50];
	_ =	sdelay $0x1  }
0x1e5: {  	v50 =	vld [tilespmem:s26+$0xFFFFFFD0];
	v4 =	vadd.f32 v46, v4  }
0x1e6: {  	v3 =	vadd.f32 v47, v3  }
0x1e7: {  	v4 =	vadd.f32 v48, v4  }
0x1e8: {  	v3 =	vadd.f32 v49, v3  }
0x1e9: {  	v4 =	vmul.f32 $2.500000000e-01, v4  }
0x1ea: {  	v3 =	vadd.f32 v50, v3  }
0x1eb: {  	[tilespmem:s29+$0x50] =	vst v4  }
0x1ec: {  	v4 =	vld [tilespmem:s26+$0x60];
	v3 =	vmul.f32 $2.500000000e-01, v3  }
0x1ed: {  	v51 =	vld [tilespmem:s26+$0xE0]  }
0x1ee: {  	v52 =	vld [tilespmem:s26+$0x160];
	[tilespmem:s29+$0xFFFFFFD0] =	vst v3  }
0x1ef: {  	v3 =	vld [tilespmem:s26+$0xFFFFFE60]  }
0x1f0: {  	v53 =	vld [tilespmem:s26+$0xFFFFFEE0]  }
0x1f1: {  	v54 =	vld [tilespmem:s26+$0x1E0]  }
0x1f2: {  	v55 =	vld [tilespmem:s26+$0xFFFFFF60]  }
0x1f3: {  	v4 =	vadd.f32 v51, v4  }
0x1f4: {  	v56 =	vld [tilespmem:s26+$0xFFFFFFE0]  }
0x1f5: {  	v4 =	vadd.f32 v52, v4;
	v3 =	vadd.f32 v53, v3;
	_ =	sdelay $0x1  }
0x1f6: {  	v4 =	vadd.f32 v54, v4;
	v3 =	vadd.f32 v55, v3;
	_ =	sdelay $0x1  }
0x1f7: {  	v4 =	vmul.f32 $2.500000000e-01, v4;
	v3 =	vadd.f32 v56, v3;
	_ =	sdelay $0x1  }
0x1f8: {  	v61 =	vld [tilespmem:s25+$0xFFFFFFF0];
	[tilespmem:s29+$0x60] =	vst v4;
	v3 =	vmul.f32 $2.500000000e-01, v3  }
0x1f9: {  	v4 =	vld [tilespmem:s26+$0x70]  }
0x1fa: {  	v57 =	vld [tilespmem:s26+$0xF0];
	[tilespmem:s29+$0xFFFFFFE0] =	vst v3  }
0x1fb: {  	v3 =	vld [tilespmem:s26+$0xFFFFFE70]  }
0x1fc: {  	v59 =	vld [tilespmem:s26+$0xFFFFFEF0]  }
0x1fd: {  	v58 =	vld [tilespmem:s26+$0x170]  }
0x1fe: {  	v9 =	vld [tilespmem:s26+$0xFFFFFF70]  }
0x1ff: {  	v0 =	vadd.f32 v1, v0;
	v60 =	vld [tilespmem:s26+$0x1F0]  }
0x200: {  	v4 =	vadd.f32 v57, v4;
	v62 =	vld [tilespmem:s26+$0xFFFFFFF0]  }
0x201: {  	v0 =	vadd.f32 v2, v0;
	v3 =	vadd.f32 v59, v3  }
0x202: {  	v4 =	vadd.f32 v58, v4  }
0x203: {  	v0 =	vadd.f32 v61, v0;
	v3 =	vadd.f32 v9, v3  }
0x204: {  	v63 =	vadd.f32 v60, v4  }
0x205: {  	v0 =	vmul.f32 $2.500000000e-01, v0;
	v1 =	vadd.f32 v62, v3  }
0x206: {  	s1 =	sshll.u32 s23, $0xC;
	v2 =	vmul.f32 $2.500000000e-01, v63  }
0x207: {  	s22 =	sadd.s32 $0x1, s22;
	s1 =	sadd.s32 s8, s1;
	[tilespmem:s24+$0xFFFFFFF0] =	vst v0;
	v1 =	vmul.f32 $2.500000000e-01, v1  }
0x208: {  	p0 =	sne.s32 s22, $0xA;
	s1 =	sshrl.u32 s1, $0x3;
	[tilespmem:s29+$0x70] =	vst v2  }
.Ltmp2:
0x209: {  	s1 =	sadd.s32 s4, s1;
	[tilespmem:s29+$0xFFFFFFF0] =	vst v1;
	(pc) =	sbr.rel @p0 .LBB2_2-.Ltmp2, $4  }
0x20a: {  	[hbm4b:s1+s3] =	stream.linear.scatter [tilespmem:s19], [sflag:$0x4], $0x1000, $0x38;
	[tilespmem:$0xBC80] =	vst v63  }
0x20b: {  	_ =	swait.ge [sflag:s10], $0x1000  }
0x20c: {  	[sflag:s10] =	ssyncset.done $0x0  }
0x20d: {  	[sflag:s10] =	ssyncadd.s32 $0xFFFFF000  }
0x20e: {  	s21 =	sadd.s32 $0x1, s21  }
0x20f: {  	p0 =	sne.s32 s21, s9  }
.Ltmp3:
0x210: {  	_ = 	snop;
	(pc) =	sbr.rel @p0 .LBB2_1-.Ltmp3, $4  }
0x211: {  	_ = 	snop  }
0x212: {  	_ =	swait.ge [sflag:s18], $0x4000  }
0x213: {  	[sflag:s18] =	ssyncset.done $0x0  }
0x214: {  	[sflag:s18] =	ssyncadd.s32 $0xFFFFC000  }
0x215: {  	_ =	sfence.sel $0x180000  }
0x216: {  	[bflag:$0x0] =	sbarrier.arrive $0xFFFF  }
0x217: {  	_ =	strace $0x90000047  }
0x218: {  	[bflag:$0x2] =	sbarrier.arrive $0xFFFF  }
0x219: {  	p0 =	sne.s32 s0, $0x0;
	s0 =	rddreg [dreg:$0x2]  }
0x21a: {  	s0 =	sadd.s32 @!p0 $0x100000, s0  }
0x21b: {  	[sflag:s0] =	ssyncadd.tile.s32 @!p0 $0x1;
	_ =	shalt  }
.Lfunc_end2:
_tile_overlayer_lowered:
.L_overlay_start_2:
0x21c: {  	(tag) =	ssettag $0x2  }
0x21d: {  	s0 =	rddreg [dreg:$0x0];
	s2 =	stileid.u32  }
0x21e: {  	s1 =	rddreg [dreg:$0x1];
	p0 =	sne.s32 s2, $0x0  }
0x21f: {  	s3 =	rddreg [dreg:$0x2];
	[bflag:$0x3] =	sbarrier.arrive $0xFFFF;
	s2 =	simm.s32 @!p0 $0x1C04  }
0x220: {  	[timem:s3], [sflag:s2] =	dma.local @!p0 [hbm:s0], s1  }
0x221: {  	s0 =	simm.s32 @!p0 $0x4  }
0x222: {  	_ =	swait.ge @!p0 [sflag:s0], s1  }
0x223: {  	s1 =	ssub.s32 @!p0 $0x0, s1;
	[sflag:s0] =	ssyncset.done @!p0 $0x0  }
0x224: {  	[sflag:s0] =	ssyncadd.s32 @!p0 s1  }
0x225: {  	[bflag:$0x3] =	sbarrier.arrive $0xFFFF  }
0x226: {  	_ =	shalt  }

</sc_bundles>
